<compile_context>
chip_gen: v7x
topology: tpu7x:2x2x1
jax: 0.10.2.dev20260603
libtpu: 0.0.44.dev20260713+nightly
codegen_flags: <defaults>
</compile_context>

<pallas_src>
import functools

import jax
import jax.numpy as jnp
from jax import lax
from jax.experimental import pallas as pl
from jax.experimental.pallas import tpu as pltpu
from jax.experimental.pallas import tpu_sc as plsc

_CH = 8
_NW = 32
_B = 4096
_LD = 12800
_RPW = _LD // _NW
_NCH = _RPW // _CH


def _sc_kernel(x_hbm, pe_hbm, o_hbm, buf0, buf1, pe_v,
               si0, si1, so0, so1):
    wid = lax.axis_index("s") * 2 + lax.axis_index("c")
    base = wid * _RPW
    pltpu.sync_copy(pe_hbm.at[pl.ds(base, _RPW)], pe_v)

    bufs = (buf0, buf1)
    sin = (si0, si1)
    sout = (so0, so1)

    def in_copy(c):
        s = c % 2
        return pltpu.make_async_copy(
            x_hbm.at[pl.ds(base + c * _CH, _CH)], bufs[s], sin[s])

    def out_copy(c):
        s = c % 2
        return pltpu.make_async_copy(
            bufs[s], o_hbm.at[pl.ds(base + c * _CH, _CH)], sout[s])

    in_copy(0).start()
    in_copy(1).start()
    for c in range(_NCH):
        s = c % 2
        in_copy(c).wait()
        buf = bufs[s]

        def row_body(r, _):
            idx = jnp.full((16,), c * _CH + r, jnp.int32)
            pe_splat = plsc.load_gather(pe_v, [idx])

            def k_body(k, _):
                sl = pl.ds(k * 16, 16)
                buf[r, sl] = buf[r, sl] + pe_splat
                return 0

            lax.fori_loop(0, _B // 16, k_body, 0)
            return 0

        lax.fori_loop(0, _CH, row_body, 0)
        out_copy(c).start()
        if c + 2 < _NCH:
            out_copy(c).wait()
            in_copy(c + 2).start()
    out_copy(_NCH - 2).wait()
    out_copy(_NCH - 1).wait()


def kernel(x, encoding):
    B, L, D = x.shape
    LD = L * D
    x2 = x.transpose(1, 2, 0).reshape(LD, B)
    pe = encoding[:L].reshape(LD)
    mesh = plsc.VectorSubcoreMesh(core_axis_name="c", subcore_axis_name="s")
    f = functools.partial(
        pl.kernel,
        mesh=mesh,
        out_type=jax.ShapeDtypeStruct((LD, B), x.dtype),
        scratch_types=[
            pltpu.VMEM((_CH, _B), jnp.float32),
            pltpu.VMEM((_CH, _B), jnp.float32),
            pltpu.VMEM((_RPW,), jnp.float32),
            pltpu.SemaphoreType.DMA,
            pltpu.SemaphoreType.DMA,
            pltpu.SemaphoreType.DMA,
            pltpu.SemaphoreType.DMA,
        ],
        compiler_params=pltpu.CompilerParams(needs_layout_passes=False),
    )(_sc_kernel)
    out = f(x2, pe)
    return out.reshape(L, D, B).transpose(2, 0, 1)

# --- scband reference (transcript-rebuilt; emitter-appended) ---
"""Pipeline reference for scband-positional-encoding-63986422775832 (READ-ONLY COPY).

The authoritative reference and input builder live on the scoring server;
editing this copy changes nothing except your own understanding.
"""

import jax, jax.numpy as jnp
import numpy as np

B, L, D = 4096, 200, 64
MAX_LEN = 1000

def setup_inputs(seed: int = 0) -> dict:
    key = jax.random.key(seed)
    k1, k2 = jax.random.split(key)
    x = jax.random.normal(k1, (B, L, D), dtype=jnp.float32)
    encoding = jax.random.normal(k2, (MAX_LEN, D), dtype=jnp.float32) * 0.02
    return {"x": x, "encoding": encoding}

def reference(x, encoding):
    # positions = arange(0, L) expanded to (B, L); embedding lookup then add
    positions = jnp.arange(x.shape[1], dtype=jnp.int32)  # (L,)
    pos_emb = jnp.take(encoding, positions, axis=0)      # (L, D)
    # broadcast add over batch, equivalent to expanding positions to (B, L)
    return x + pos_emb[None, :, :]

if __name__ == "__main__":
    import jax
    _d = setup_inputs()
    print(jax.jit(kernel)(*tuple(_d.values())))

</pallas_src>

<mosaic_0001>
#map = affine_map<(d0, d1) -> (0, 0)>
#map1 = affine_map<(d0, d1) -> (0)>
module attributes {stable_mosaic.version = 14 : i64} {
  func.func @_sc_kernel(%arg0: i32, %arg1: i32, %arg2: memref<12800x4096xf32, #tpu.memory_space<hbm>>, %arg3: memref<12800xf32, #tpu.memory_space<hbm>>, %arg4: memref<12800x4096xf32, #tpu.memory_space<hbm>>, %arg5: memref<8x4096xf32, #tpu.memory_space<vmem>>, %arg6: memref<8x4096xf32, #tpu.memory_space<vmem>>, %arg7: memref<400xf32, #tpu.memory_space<vmem>>, %arg8: memref<!tpu.dma_semaphore, #tpu.memory_space<semaphore_mem>>, %arg9: memref<!tpu.dma_semaphore, #tpu.memory_space<semaphore_mem>>, %arg10: memref<!tpu.dma_semaphore, #tpu.memory_space<semaphore_mem>>, %arg11: memref<!tpu.dma_semaphore, #tpu.memory_space<semaphore_mem>>) attributes {dimension_semantics = [#tpu.dimension_semantics<core_parallel>, #tpu.dimension_semantics<subcore_parallel>], iteration_bounds = array<i64: 2, 16>, scalar_prefetch = 0 : i64, scratch_operands = 7 : i64, tpu.core_type = #tpu.core_type<sc_vector_subcore>, window_params = [{transform_indices = #map}, {transform_indices = #map1}, {transform_indices = #map}]} {
    %mul3A = arith.constant 2 : i32
    %mul3A_0 = arith.muli %arg1, %mul3A : i32
    %add3A = arith.addi %mul3A_0, %arg0 : i32
    %mul3A_1 = arith.constant 400 : i32
    %mul3A_2 = arith.muli %add3A, %mul3A_1 : i32
    "tpu.region"() ({
      %run_scoped3A = tpu.sem_alloc : memref<!tpu.dma_semaphore, #tpu.memory_space<semaphore_mem>>
      %dma_start3A_1550 = tpu.memref_slice %arg3[%mul3A_2] : memref<12800xf32, #tpu.memory_space<hbm>> -> memref<400xf32, #tpu.memory_space<hbm>>
      %dma_start3A_1551 = tpu.memref_slice %arg3[%mul3A_2] : memref<12800xf32, #tpu.memory_space<hbm>> -> memref<400xf32, #tpu.memory_space<hbm>>
      tpu.enqueue_dma source(%dma_start3A_1551 : memref<400xf32, #tpu.memory_space<hbm>>) target(%arg7 : memref<400xf32, #tpu.memory_space<vmem>>) target_semaphore(%run_scoped3A : memref<!tpu.dma_semaphore, #tpu.memory_space<semaphore_mem>>)
      %dma_wait3A_1552 = tpu.memref_slice %arg3[%mul3A_2] : memref<12800xf32, #tpu.memory_space<hbm>> -> memref<400xf32, #tpu.memory_space<hbm>>
      %dma_wait3A_1553 = tpu.memref_slice %arg3[%mul3A_2] : memref<12800xf32, #tpu.memory_space<hbm>> -> memref<400xf32, #tpu.memory_space<hbm>>
      tpu.wait_dma2 semaphore(%run_scoped3A : memref<!tpu.dma_semaphore, #tpu.memory_space<semaphore_mem>>) src(%dma_wait3A_1553 : memref<400xf32, #tpu.memory_space<hbm>>) dst(%arg7 : memref<400xf32, #tpu.memory_space<vmem>>)
      tpu.yield
    }) : () -> ()
    %add3A_3 = arith.constant 0 : i32
    %add3A_4 = arith.addi %mul3A_2, %add3A_3 : i32
    %dma_start3A = arith.constant 0 : i32
    %dma_start3A_5 = tpu.memref_slice %arg2[%add3A_4, %dma_start3A] : memref<12800x4096xf32, #tpu.memory_space<hbm>> -> memref<8x4096xf32, #tpu.memory_space<hbm>>
    %dma_start3A_6 = arith.constant 0 : i32
    %dma_start3A_7 = tpu.memref_slice %arg2[%add3A_4, %dma_start3A_6] : memref<12800x4096xf32, #tpu.memory_space<hbm>> -> memref<8x4096xf32, #tpu.memory_space<hbm>>
    tpu.enqueue_dma source(%dma_start3A_7 : memref<8x4096xf32, #tpu.memory_space<hbm>>) target(%arg5 : memref<8x4096xf32, #tpu.memory_space<vmem>>) target_semaphore(%arg8 : memref<!tpu.dma_semaphore, #tpu.memory_space<semaphore_mem>>)
    %add3A_8 = arith.constant 8 : i32
    %add3A_9 = arith.addi %mul3A_2, %add3A_8 : i32
    %dma_start3A_10 = arith.constant 0 : i32
    %dma_start3A_11 = tpu.memref_slice %arg2[%add3A_9, %dma_start3A_10] : memref<12800x4096xf32, #tpu.memory_space<hbm>> -> memref<8x4096xf32, #tpu.memory_space<hbm>>
    %dma_start3A_12 = arith.constant 0 : i32
    %dma_start3A_13 = tpu.memref_slice %arg2[%add3A_9, %dma_start3A_12] : memref<12800x4096xf32, #tpu.memory_space<hbm>> -> memref<8x4096xf32, #tpu.memory_space<hbm>>
    tpu.enqueue_dma source(%dma_start3A_13 : memref<8x4096xf32, #tpu.memory_space<hbm>>) target(%arg6 : memref<8x4096xf32, #tpu.memory_space<vmem>>) target_semaphore(%arg9 : memref<!tpu.dma_semaphore, #tpu.memory_space<semaphore_mem>>)
    %add3A_14 = arith.constant 0 : i32
    %add3A_15 = arith.addi %mul3A_2, %add3A_14 : i32
    %dma_wait3A = arith.constant 0 : i32
    %dma_wait3A_16 = tpu.memref_slice %arg2[%add3A_15, %dma_wait3A] : memref<12800x4096xf32, #tpu.memory_space<hbm>> -> memref<8x4096xf32, #tpu.memory_space<hbm>>
    %dma_wait3A_17 = arith.constant 0 : i32
    %dma_wait3A_18 = tpu.memref_slice %arg2[%add3A_15, %dma_wait3A_17] : memref<12800x4096xf32, #tpu.memory_space<hbm>> -> memref<8x4096xf32, #tpu.memory_space<hbm>>
    tpu.wait_dma2 semaphore(%arg8 : memref<!tpu.dma_semaphore, #tpu.memory_space<semaphore_mem>>) src(%dma_wait3A_18 : memref<8x4096xf32, #tpu.memory_space<hbm>>) dst(%arg5 : memref<8x4096xf32, #tpu.memory_space<vmem>>)
    %scan3A = arith.constant 0 : i32
    %scan3A_19 = arith.constant 0 : i32
    %scan3A_20 = arith.constant 8 : i32
    %scan3A_21 = arith.addi %scan3A_19, %scan3A_20 : i32
    %scan3A_22 = arith.constant 1 : i32
    %scan3A_23 = scf.for %scan3A_1550 = %scan3A_19 to %scan3A_21 step %scan3A_22 iter_args(%scan3A_1551 = %scan3A) -> (i32)  : i32 {
      %add3A_1552 = arith.constant 0 : i32
      %add3A_1553 = arith.addi %add3A_1552, %scan3A_1550 : i32
      %broadcast_in_dim3A = vector.broadcast %add3A_1553 : i32 to vector<16xi32>
      %gather3A = tpu.vector_load_idx %arg7[%broadcast_in_dim3A] : memref<400xf32, #tpu.memory_space<vmem>>[vector<16xi32>], vector<16xf32>,
      %scan3A_1554 = arith.constant 0 : i32
      %scan3A_1555 = arith.constant 0 : i32
      %scan3A_1556 = arith.constant 256 : i32
      %scan3A_1557 = arith.addi %scan3A_1555, %scan3A_1556 : i32
      %scan3A_1558 = arith.constant 1 : i32
      %scan3A_1559 = scf.for %scan3A_1562 = %scan3A_1555 to %scan3A_1557 step %scan3A_1558 iter_args(%scan3A_1563 = %scan3A_1554) -> (i32)  : i32 {
        %mul3A_1564 = arith.constant 16 : i32
        %mul3A_1565 = arith.muli %scan3A_1562, %mul3A_1564 : i32
        %get3A = arith.index_cast %scan3A_1550 : i32 to index
        %get3A_1566 = arith.index_cast %mul3A_1565 : i32 to index
        %get3A_1567 = tpu.vector_load %arg5[%get3A, %get3A_1566] {strides = array<i32>} : memref<8x4096xf32, #tpu.memory_space<vmem>>, vector<16xf32>,
        %add3A_1568 = arith.addf %get3A_1567, %gather3A : vector<16xf32>
        %swap3A = arith.index_cast %scan3A_1550 : i32 to index
        %swap3A_1569 = arith.index_cast %mul3A_1565 : i32 to index
        %swap3A_1570 = tpu.vector_load %arg5[%swap3A, %swap3A_1569] {strides = array<i32>} : memref<8x4096xf32, #tpu.memory_space<vmem>>, vector<16xf32>,
        tpu.vector_store %arg5[%swap3A, %swap3A_1569], %add3A_1568 {strides = array<i32>} : memref<8x4096xf32, #tpu.memory_space<vmem>>, vector<16xf32>,
        %scan3A_1571 = arith.constant 0 : i32
        scf.yield %scan3A_1571 : i32
      }
      %scan3A_1560 = arith.constant 256 : i32
      %scan3A_1561 = arith.constant 0 : i32
      scf.yield %scan3A_1561 : i32
    }
    %scan3A_24 = arith.constant 8 : i32
    %add3A_25 = arith.constant 0 : i32
    %add3A_26 = arith.addi %mul3A_2, %add3A_25 : i32
    %dma_start3A_27 = arith.constant 0 : i32
    %dma_start3A_28 = tpu.memref_slice %arg4[%add3A_26, %dma_start3A_27] : memref<12800x4096xf32, #tpu.memory_space<hbm>> -> memref<8x4096xf32, #tpu.memory_space<hbm>>
    %dma_start3A_29 = arith.constant 0 : i32
    %dma_start3A_30 = tpu.memref_slice %arg4[%add3A_26, %dma_start3A_29] : memref<12800x4096xf32, #tpu.memory_space<hbm>> -> memref<8x4096xf32, #tpu.memory_space<hbm>>
    tpu.enqueue_dma source(%arg5 : memref<8x4096xf32, #tpu.memory_space<vmem>>) target(%dma_start3A_30 : memref<8x4096xf32, #tpu.memory_space<hbm>>) target_semaphore(%arg10 : memref<!tpu.dma_semaphore, #tpu.memory_space<semaphore_mem>>)
    %add3A_31 = arith.constant 0 : i32
    %add3A_32 = arith.addi %mul3A_2, %add3A_31 : i32
    %dma_wait3A_33 = arith.constant 0 : i32
    %dma_wait3A_34 = tpu.memref_slice %arg4[%add3A_32, %dma_wait3A_33] : memref<12800x4096xf32, #tpu.memory_space<hbm>> -> memref<8x4096xf32, #tpu.memory_space<hbm>>
    %dma_wait3A_35 = arith.constant 0 : i32
    %dma_wait3A_36 = tpu.memref_slice %arg4[%add3A_32, %dma_wait3A_35] : memref<12800x4096xf32, #tpu.memory_space<hbm>> -> memref<8x4096xf32, #tpu.memory_space<hbm>>
    tpu.wait_dma2 semaphore(%arg10 : memref<!tpu.dma_semaphore, #tpu.memory_space<semaphore_mem>>) src(%arg5 : memref<8x4096xf32, #tpu.memory_space<vmem>>) dst(%dma_wait3A_36 : memref<8x4096xf32, #tpu.memory_space<hbm>>)
    %add3A_37 = arith.constant 16 : i32
    %add3A_38 = arith.addi %mul3A_2, %add3A_37 : i32
    %dma_start3A_39 = arith.constant 0 : i32
    %dma_start3A_40 = tpu.memref_slice %arg2[%add3A_38, %dma_start3A_39] : memref<12800x4096xf32, #tpu.memory_space<hbm>> -> memref<8x4096xf32, #tpu.memory_space<hbm>>
    %dma_start3A_41 = arith.constant 0 : i32
    %dma_start3A_42 = tpu.memref_slice %arg2[%add3A_38, %dma_start3A_41] : memref<12800x4096xf32, #tpu.memory_space<hbm>> -> memref<8x4096xf32, #tpu.memory_space<hbm>>
    tpu.enqueue_dma source(%dma_start3A_42 : memref<8x4096xf32, #tpu.memory_space<hbm>>) target(%arg5 : memref<8x4096xf32, #tpu.memory_space<vmem>>) target_semaphore(%arg8 : memref<!tpu.dma_semaphore, #tpu.memory_space<semaphore_mem>>)
    %add3A_43 = arith.constant 8 : i32
    %add3A_44 = arith.addi %mul3A_2, %add3A_43 : i32
    %dma_wait3A_45 = arith.constant 0 : i32
    %dma_wait3A_46 = tpu.memref_slice %arg2[%add3A_44, %dma_wait3A_45] : memref<12800x4096xf32, #tpu.memory_space<hbm>> -> memref<8x4096xf32, #tpu.memory_space<hbm>>
    %dma_wait3A_47 = arith.constant 0 : i32
    %dma_wait3A_48 = tpu.memref_slice %arg2[%add3A_44, %dma_wait3A_47] : memref<12800x4096xf32, #tpu.memory_space<hbm>> -> memref<8x4096xf32, #tpu.memory_space<hbm>>
    tpu.wait_dma2 semaphore(%arg9 : memref<!tpu.dma_semaphore, #tpu.memory_space<semaphore_mem>>) src(%dma_wait3A_48 : memref<8x4096xf32, #tpu.memory_space<hbm>>) dst(%arg6 : memref<8x4096xf32, #tpu.memory_space<vmem>>)
    %scan3A_49 = arith.constant 0 : i32
    %scan3A_50 = arith.constant 0 : i32
    %scan3A_51 = arith.constant 8 : i32
    %scan3A_52 = arith.addi %scan3A_50, %scan3A_51 : i32
    %scan3A_53 = arith.constant 1 : i32
    %scan3A_54 = scf.for %scan3A_1550 = %scan3A_50 to %scan3A_52 step %scan3A_53 iter_args(%scan3A_1551 = %scan3A_49) -> (i32)  : i32 {
      %add3A_1552 = arith.constant 8 : i32
      %add3A_1553 = arith.addi %add3A_1552, %scan3A_1550 : i32
      %broadcast_in_dim3A = vector.broadcast %add3A_1553 : i32 to vector<16xi32>
      %gather3A = tpu.vector_load_idx %arg7[%broadcast_in_dim3A] : memref<400xf32, #tpu.memory_space<vmem>>[vector<16xi32>], vector<16xf32>,
      %scan3A_1554 = arith.constant 0 : i32
      %scan3A_1555 = arith.constant 0 : i32
      %scan3A_1556 = arith.constant 256 : i32
      %scan3A_1557 = arith.addi %scan3A_1555, %scan3A_1556 : i32
      %scan3A_1558 = arith.constant 1 : i32
      %scan3A_1559 = scf.for %scan3A_1562 = %scan3A_1555 to %scan3A_1557 step %scan3A_1558 iter_args(%scan3A_1563 = %scan3A_1554) -> (i32)  : i32 {
        %mul3A_1564 = arith.constant 16 : i32
        %mul3A_1565 = arith.muli %scan3A_1562, %mul3A_1564 : i32
        %get3A = arith.index_cast %scan3A_1550 : i32 to index
        %get3A_1566 = arith.index_cast %mul3A_1565 : i32 to index
        %get3A_1567 = tpu.vector_load %arg6[%get3A, %get3A_1566] {strides = array<i32>} : memref<8x4096xf32, #tpu.memory_space<vmem>>, vector<16xf32>,
        %add3A_1568 = arith.addf %get3A_1567, %gather3A : vector<16xf32>
        %swap3A = arith.index_cast %scan3A_1550 : i32 to index
        %swap3A_1569 = arith.index_cast %mul3A_1565 : i32 to index
        %swap3A_1570 = tpu.vector_load %arg6[%swap3A, %swap3A_1569] {strides = array<i32>} : memref<8x4096xf32, #tpu.memory_space<vmem>>, vector<16xf32>,
        tpu.vector_store %arg6[%swap3A, %swap3A_1569], %add3A_1568 {strides = array<i32>} : memref<8x4096xf32, #tpu.memory_space<vmem>>, vector<16xf32>,
        %scan3A_1571 = arith.constant 0 : i32
        scf.yield %scan3A_1571 : i32
      }
      %scan3A_1560 = arith.constant 256 : i32
      %scan3A_1561 = arith.constant 0 : i32
      scf.yield %scan3A_1561 : i32
    }
    %scan3A_55 = arith.constant 8 : i32
    %add3A_56 = arith.constant 8 : i32
    %add3A_57 = arith.addi %mul3A_2, %add3A_56 : i32
    %dma_start3A_58 = arith.constant 0 : i32
    %dma_start3A_59 = tpu.memref_slice %arg4[%add3A_57, %dma_start3A_58] : memref<12800x4096xf32, #tpu.memory_space<hbm>> -> memref<8x4096xf32, #tpu.memory_space<hbm>>
    %dma_start3A_60 = arith.constant 0 : i32
    %dma_start3A_61 = tpu.memref_slice %arg4[%add3A_57, %dma_start3A_60] : memref<12800x4096xf32, #tpu.memory_space<hbm>> -> memref<8x4096xf32, #tpu.memory_space<hbm>>
    tpu.enqueue_dma source(%arg6 : memref<8x4096xf32, #tpu.memory_space<vmem>>) target(%dma_start3A_61 : memref<8x4096xf32, #tpu.memory_space<hbm>>) target_semaphore(%arg11 : memref<!tpu.dma_semaphore, #tpu.memory_space<semaphore_mem>>)
    %add3A_62 = arith.constant 8 : i32
    %add3A_63 = arith.addi %mul3A_2, %add3A_62 : i32
    %dma_wait3A_64 = arith.constant 0 : i32
    %dma_wait3A_65 = tpu.memref_slice %arg4[%add3A_63, %dma_wait3A_64] : memref<12800x4096xf32, #tpu.memory_space<hbm>> -> memref<8x4096xf32, #tpu.memory_space<hbm>>
    %dma_wait3A_66 = arith.constant 0 : i32
    %dma_wait3A_67 = tpu.memref_slice %arg4[%add3A_63, %dma_wait3A_66] : memref<12800x4096xf32, #tpu.memory_space<hbm>> -> memref<8x4096xf32, #tpu.memory_space<hbm>>
    tpu.wait_dma2 semaphore(%arg11 : memref<!tpu.dma_semaphore, #tpu.memory_space<semaphore_mem>>) src(%arg6 : memref<8x4096xf32, #tpu.memory_space<vmem>>) dst(%dma_wait3A_67 : memref<8x4096xf32, #tpu.memory_space<hbm>>)
    %add3A_68 = arith.constant 24 : i32
    %add3A_69 = arith.addi %mul3A_2, %add3A_68 : i32
    %dma_start3A_70 = arith.constant 0 : i32
    %dma_start3A_71 = tpu.memref_slice %arg2[%add3A_69, %dma_start3A_70] : memref<12800x4096xf32, #tpu.memory_space<hbm>> -> memref<8x4096xf32, #tpu.memory_space<hbm>>
    %dma_start3A_72 = arith.constant 0 : i32
    %dma_start3A_73 = tpu.memref_slice %arg2[%add3A_69, %dma_start3A_72] : memref<12800x4096xf32, #tpu.memory_space<hbm>> -> memref<8x4096xf32, #tpu.memory_space<hbm>>
    tpu.enqueue_dma source(%dma_start3A_73 : memref<8x4096xf32, #tpu.memory_space<hbm>>) target(%arg6 : memref<8x4096xf32, #tpu.memory_space<vmem>>) target_semaphore(%arg9 : memref<!tpu.dma_semaphore, #tpu.memory_space<semaphore_mem>>)
    %add3A_74 = arith.constant 16 : i32
    %add3A_75 = arith.addi %mul3A_2, %add3A_74 : i32
    %dma_wait3A_76 = arith.constant 0 : i32
    %dma_wait3A_77 = tpu.memref_slice %arg2[%add3A_75, %dma_wait3A_76] : memref<12800x4096xf32, #tpu.memory_space<hbm>> -> memref<8x4096xf32, #tpu.memory_space<hbm>>
    %dma_wait3A_78 = arith.constant 0 : i32
    %dma_wait3A_79 = tpu.memref_slice %arg2[%add3A_75, %dma_wait3A_78] : memref<12800x4096xf32, #tpu.memory_space<hbm>> -> memref<8x4096xf32, #tpu.memory_space<hbm>>
    tpu.wait_dma2 semaphore(%arg8 : memref<!tpu.dma_semaphore, #tpu.memory_space<semaphore_mem>>) src(%dma_wait3A_79 : memref<8x4096xf32, #tpu.memory_space<hbm>>) dst(%arg5 : memref<8x4096xf32, #tpu.memory_space<vmem>>)
    %scan3A_80 = arith.constant 0 : i32
    %scan3A_81 = arith.constant 0 : i32
    %scan3A_82 = arith.constant 8 : i32
    %scan3A_83 = arith.addi %scan3A_81, %scan3A_82 : i32
    %scan3A_84 = arith.constant 1 : i32
    %scan3A_85 = scf.for %scan3A_1550 = %scan3A_81 to %scan3A_83 step %scan3A_84 iter_args(%scan3A_1551 = %scan3A_80) -> (i32)  : i32 {
      %add3A_1552 = arith.constant 16 : i32
      %add3A_1553 = arith.addi %add3A_1552, %scan3A_1550 : i32
      %broadcast_in_dim3A = vector.broadcast %add3A_1553 : i32 to vector<16xi32>
      %gather3A = tpu.vector_load_idx %arg7[%broadcast_in_dim3A] : memref<400xf32, #tpu.memory_space<vmem>>[vector<16xi32>], vector<16xf32>,
      %scan3A_1554 = arith.constant 0 : i32
      %scan3A_1555 = arith.constant 0 : i32
      %scan3A_1556 = arith.constant 256 : i32
      %scan3A_1557 = arith.addi %scan3A_1555, %scan3A_1556 : i32
      %scan3A_1558 = arith.constant 1 : i32
      %scan3A_1559 = scf.for %scan3A_1562 = %scan3A_1555 to %scan3A_1557 step %scan3A_1558 iter_args(%scan3A_1563 = %scan3A_1554) -> (i32)  : i32 {
        %mul3A_1564 = arith.constant 16 : i32
        %mul3A_1565 = arith.muli %scan3A_1562, %mul3A_1564 : i32
        %get3A = arith.index_cast %scan3A_1550 : i32 to index
        %get3A_1566 = arith.index_cast %mul3A_1565 : i32 to index
        %get3A_1567 = tpu.vector_load %arg5[%get3A, %get3A_1566] {strides = array<i32>} : memref<8x4096xf32, #tpu.memory_space<vmem>>, vector<16xf32>,
        %add3A_1568 = arith.addf %get3A_1567, %gather3A : vector<16xf32>
        %swap3A = arith.index_cast %scan3A_1550 : i32 to index
        %swap3A_1569 = arith.index_cast %mul3A_1565 : i32 to index
        %swap3A_1570 = tpu.vector_load %arg5[%swap3A, %swap3A_1569] {strides = array<i32>} : memref<8x4096xf32, #tpu.memory_space<vmem>>, vector<16xf32>,
        tpu.vector_store %arg5[%swap3A, %swap3A_1569], %add3A_1568 {strides = array<i32>} : memref<8x4096xf32, #tpu.memory_space<vmem>>, vector<16xf32>,
        %scan3A_1571 = arith.constant 0 : i32
        scf.yield %scan3A_1571 : i32
      }
      %scan3A_1560 = arith.constant 256 : i32
      %scan3A_1561 = arith.constant 0 : i32
      scf.yield %scan3A_1561 : i32
    }
    %scan3A_86 = arith.constant 8 : i32
    %add3A_87 = arith.constant 16 : i32
    %add3A_88 = arith.addi %mul3A_2, %add3A_87 : i32
    %dma_start3A_89 = arith.constant 0 : i32
    %dma_start3A_90 = tpu.memref_slice %arg4[%add3A_88, %dma_start3A_89] : memref<12800x4096xf32, #tpu.memory_space<hbm>> -> memref<8x4096xf32, #tpu.memory_space<hbm>>
    %dma_start3A_91 = arith.constant 0 : i32
    %dma_start3A_92 = tpu.memref_slice %arg4[%add3A_88, %dma_start3A_91] : memref<12800x4096xf32, #tpu.memory_space<hbm>> -> memref<8x4096xf32, #tpu.memory_space<hbm>>
    tpu.enqueue_dma source(%arg5 : memref<8x4096xf32, #tpu.memory_space<vmem>>) target(%dma_start3A_92 : memref<8x4096xf32, #tpu.memory_space<hbm>>) target_semaphore(%arg10 : memref<!tpu.dma_semaphore, #tpu.memory_space<semaphore_mem>>)
    %add3A_93 = arith.constant 16 : i32
    %add3A_94 = arith.addi %mul3A_2, %add3A_93 : i32
    %dma_wait3A_95 = arith.constant 0 : i32
    %dma_wait3A_96 = tpu.memref_slice %arg4[%add3A_94, %dma_wait3A_95] : memref<12800x4096xf32, #tpu.memory_space<hbm>> -> memref<8x4096xf32, #tpu.memory_space<hbm>>
    %dma_wait3A_97 = arith.constant 0 : i32
    %dma_wait3A_98 = tpu.memref_slice %arg4[%add3A_94, %dma_wait3A_97] : memref<12800x4096xf32, #tpu.memory_space<hbm>> -> memref<8x4096xf32, #tpu.memory_space<hbm>>
    tpu.wait_dma2 semaphore(%arg10 : memref<!tpu.dma_semaphore, #tpu.memory_space<semaphore_mem>>) src(%arg5 : memref<8x4096xf32, #tpu.memory_space<vmem>>) dst(%dma_wait3A_98 : memref<8x4096xf32, #tpu.memory_space<hbm>>)
    %add3A_99 = arith.constant 32 : i32
    %add3A_100 = arith.addi %mul3A_2, %add3A_99 : i32
    %dma_start3A_101 = arith.constant 0 : i32
    %dma_start3A_102 = tpu.memref_slice %arg2[%add3A_100, %dma_start3A_101] : memref<12800x4096xf32, #tpu.memory_space<hbm>> -> memref<8x4096xf32, #tpu.memory_space<hbm>>
    %dma_start3A_103 = arith.constant 0 : i32
    %dma_start3A_104 = tpu.memref_slice %arg2[%add3A_100, %dma_start3A_103] : memref<12800x4096xf32, #tpu.memory_space<hbm>> -> memref<8x4096xf32, #tpu.memory_space<hbm>>
    tpu.enqueue_dma source(%dma_start3A_104 : memref<8x4096xf32, #tpu.memory_space<hbm>>) target(%arg5 : memref<8x4096xf32, #tpu.memory_space<vmem>>) target_semaphore(%arg8 : memref<!tpu.dma_semaphore, #tpu.memory_space<semaphore_mem>>)
    %add3A_105 = arith.constant 24 : i32
    %add3A_106 = arith.addi %mul3A_2, %add3A_105 : i32
    %dma_wait3A_107 = arith.constant 0 : i32
    %dma_wait3A_108 = tpu.memref_slice %arg2[%add3A_106, %dma_wait3A_107] : memref<12800x4096xf32, #tpu.memory_space<hbm>> -> memref<8x4096xf32, #tpu.memory_space<hbm>>
    %dma_wait3A_109 = arith.constant 0 : i32
    %dma_wait3A_110 = tpu.memref_slice %arg2[%add3A_106, %dma_wait3A_109] : memref<12800x4096xf32, #tpu.memory_space<hbm>> -> memref<8x4096xf32, #tpu.memory_space<hbm>>
    tpu.wait_dma2 semaphore(%arg9 : memref<!tpu.dma_semaphore, #tpu.memory_space<semaphore_mem>>) src(%dma_wait3A_110 : memref<8x4096xf32, #tpu.memory_space<hbm>>) dst(%arg6 : memref<8x4096xf32, #tpu.memory_space<vmem>>)
    %scan3A_111 = arith.constant 0 : i32
    %scan3A_112 = arith.constant 0 : i32
    %scan3A_113 = arith.constant 8 : i32
    %scan3A_114 = arith.addi %scan3A_112, %scan3A_113 : i32
    %scan3A_115 = arith.constant 1 : i32
    %scan3A_116 = scf.for %scan3A_1550 = %scan3A_112 to %scan3A_114 step %scan3A_115 iter_args(%scan3A_1551 = %scan3A_111) -> (i32)  : i32 {
      %add3A_1552 = arith.constant 24 : i32
      %add3A_1553 = arith.addi %add3A_1552, %scan3A_1550 : i32
      %broadcast_in_dim3A = vector.broadcast %add3A_1553 : i32 to vector<16xi32>
      %gather3A = tpu.vector_load_idx %arg7[%broadcast_in_dim3A] : memref<400xf32, #tpu.memory_space<vmem>>[vector<16xi32>], vector<16xf32>,
      %scan3A_1554 = arith.constant 0 : i32
      %scan3A_1555 = arith.constant 0 : i32
      %scan3A_1556 = arith.constant 256 : i32
      %scan3A_1557 = arith.addi %scan3A_1555, %scan3A_1556 : i32
      %scan3A_1558 = arith.constant 1 : i32
      %scan3A_1559 = scf.for %scan3A_1562 = %scan3A_1555 to %scan3A_1557 step %scan3A_1558 iter_args(%scan3A_1563 = %scan3A_1554) -> (i32)  : i32 {
        %mul3A_1564 = arith.constant 16 : i32
        %mul3A_1565 = arith.muli %scan3A_1562, %mul3A_1564 : i32
        %get3A = arith.index_cast %scan3A_1550 : i32 to index
        %get3A_1566 = arith.index_cast %mul3A_1565 : i32 to index
        %get3A_1567 = tpu.vector_load %arg6[%get3A, %get3A_1566] {strides = array<i32>} : memref<8x4096xf32, #tpu.memory_space<vmem>>, vector<16xf32>,
        %add3A_1568 = arith.addf %get3A_1567, %gather3A : vector<16xf32>
        %swap3A = arith.index_cast %scan3A_1550 : i32 to index
        %swap3A_1569 = arith.index_cast %mul3A_1565 : i32 to index
        %swap3A_1570 = tpu.vector_load %arg6[%swap3A, %swap3A_1569] {strides = array<i32>} : memref<8x4096xf32, #tpu.memory_space<vmem>>, vector<16xf32>,
        tpu.vector_store %arg6[%swap3A, %swap3A_1569], %add3A_1568 {strides = array<i32>} : memref<8x4096xf32, #tpu.memory_space<vmem>>, vector<16xf32>,
        %scan3A_1571 = arith.constant 0 : i32
        scf.yield %scan3A_1571 : i32
      }
      %scan3A_1560 = arith.constant 256 : i32
      %scan3A_1561 = arith.constant 0 : i32
      scf.yield %scan3A_1561 : i32
    }
    %scan3A_117 = arith.constant 8 : i32
    %add3A_118 = arith.constant 24 : i32
    %add3A_119 = arith.addi %mul3A_2, %add3A_118 : i32
    %dma_start3A_120 = arith.constant 0 : i32
    %dma_start3A_121 = tpu.memref_slice %arg4[%add3A_119, %dma_start3A_120] : memref<12800x4096xf32, #tpu.memory_space<hbm>> -> memref<8x4096xf32, #tpu.memory_space<hbm>>
    %dma_start3A_122 = arith.constant 0 : i32
    %dma_start3A_123 = tpu.memref_slice %arg4[%add3A_119, %dma_start3A_122] : memref<12800x4096xf32, #tpu.memory_space<hbm>> -> memref<8x4096xf32, #tpu.memory_space<hbm>>
    tpu.enqueue_dma source(%arg6 : memref<8x4096xf32, #tpu.memory_space<vmem>>) target(%dma_start3A_123 : memref<8x4096xf32, #tpu.memory_space<hbm>>) target_semaphore(%arg11 : memref<!tpu.dma_semaphore, #tpu.memory_space<semaphore_mem>>)
    %add3A_124 = arith.constant 24 : i32
    %add3A_125 = arith.addi %mul3A_2, %add3A_124 : i32
    %dma_wait3A_126 = arith.constant 0 : i32
    %dma_wait3A_127 = tpu.memref_slice %arg4[%add3A_125, %dma_wait3A_126] : memref<12800x4096xf32, #tpu.memory_space<hbm>> -> memref<8x4096xf32, #tpu.memory_space<hbm>>
    %dma_wait3A_128 = arith.constant 0 : i32
    %dma_wait3A_129 = tpu.memref_slice %arg4[%add3A_125, %dma_wait3A_128] : memref<12800x4096xf32, #tpu.memory_space<hbm>> -> memref<8x4096xf32, #tpu.memory_space<hbm>>
    tpu.wait_dma2 semaphore(%arg11 : memref<!tpu.dma_semaphore, #tpu.memory_space<semaphore_mem>>) src(%arg6 : memref<8x4096xf32, #tpu.memory_space<vmem>>) dst(%dma_wait3A_129 : memref<8x4096xf32, #tpu.memory_space<hbm>>)
    %add3A_130 = arith.constant 40 : i32
    %add3A_131 = arith.addi %mul3A_2, %add3A_130 : i32
    %dma_start3A_132 = arith.constant 0 : i32
    %dma_start3A_133 = tpu.memref_slice %arg2[%add3A_131, %dma_start3A_132] : memref<12800x4096xf32, #tpu.memory_space<hbm>> -> memref<8x4096xf32, #tpu.memory_space<hbm>>
    %dma_start3A_134 = arith.constant 0 : i32
    %dma_start3A_135 = tpu.memref_slice %arg2[%add3A_131, %dma_start3A_134] : memref<12800x4096xf32, #tpu.memory_space<hbm>> -> memref<8x4096xf32, #tpu.memory_space<hbm>>
    tpu.enqueue_dma source(%dma_start3A_135 : memref<8x4096xf32, #tpu.memory_space<hbm>>) target(%arg6 : memref<8x4096xf32, #tpu.memory_space<vmem>>) target_semaphore(%arg9 : memref<!tpu.dma_semaphore, #tpu.memory_space<semaphore_mem>>)
    %add3A_136 = arith.constant 32 : i32
    %add3A_137 = arith.addi %mul3A_2, %add3A_136 : i32
    %dma_wait3A_138 = arith.constant 0 : i32
    %dma_wait3A_139 = tpu.memref_slice %arg2[%add3A_137, %dma_wait3A_138] : memref<12800x4096xf32, #tpu.memory_space<hbm>> -> memref<8x4096xf32, #tpu.memory_space<hbm>>
    %dma_wait3A_140 = arith.constant 0 : i32
    %dma_wait3A_141 = tpu.memref_slice %arg2[%add3A_137, %dma_wait3A_140] : memref<12800x4096xf32, #tpu.memory_space<hbm>> -> memref<8x4096xf32, #tpu.memory_space<hbm>>
    tpu.wait_dma2 semaphore(%arg8 : memref<!tpu.dma_semaphore, #tpu.memory_space<semaphore_mem>>) src(%dma_wait3A_141 : memref<8x4096xf32, #tpu.memory_space<hbm>>) dst(%arg5 : memref<8x4096xf32, #tpu.memory_space<vmem>>)
    %scan3A_142 = arith.constant 0 : i32
    %scan3A_143 = arith.constant 0 : i32
    %scan3A_144 = arith.constant 8 : i32
    %scan3A_145 = arith.addi %scan3A_143, %scan3A_144 : i32
    %scan3A_146 = arith.constant 1 : i32
    %scan3A_147 = scf.for %scan3A_1550 = %scan3A_143 to %scan3A_145 step %scan3A_146 iter_args(%scan3A_1551 = %scan3A_142) -> (i32)  : i32 {
      %add3A_1552 = arith.constant 32 : i32
      %add3A_1553 = arith.addi %add3A_1552, %scan3A_1550 : i32
      %broadcast_in_dim3A = vector.broadcast %add3A_1553 : i32 to vector<16xi32>
      %gather3A = tpu.vector_load_idx %arg7[%broadcast_in_dim3A] : memref<400xf32, #tpu.memory_space<vmem>>[vector<16xi32>], vector<16xf32>,
      %scan3A_1554 = arith.constant 0 : i32
      %scan3A_1555 = arith.constant 0 : i32
      %scan3A_1556 = arith.constant 256 : i32
      %scan3A_1557 = arith.addi %scan3A_1555, %scan3A_1556 : i32
      %scan3A_1558 = arith.constant 1 : i32
      %scan3A_1559 = scf.for %scan3A_1562 = %scan3A_1555 to %scan3A_1557 step %scan3A_1558 iter_args(%scan3A_1563 = %scan3A_1554) -> (i32)  : i32 {
        %mul3A_1564 = arith.constant 16 : i32
        %mul3A_1565 = arith.muli %scan3A_1562, %mul3A_1564 : i32
        %get3A = arith.index_cast %scan3A_1550 : i32 to index
        %get3A_1566 = arith.index_cast %mul3A_1565 : i32 to index
        %get3A_1567 = tpu.vector_load %arg5[%get3A, %get3A_1566] {strides = array<i32>} : memref<8x4096xf32, #tpu.memory_space<vmem>>, vector<16xf32>,
        %add3A_1568 = arith.addf %get3A_1567, %gather3A : vector<16xf32>
        %swap3A = arith.index_cast %scan3A_1550 : i32 to index
        %swap3A_1569 = arith.index_cast %mul3A_1565 : i32 to index
        %swap3A_1570 = tpu.vector_load %arg5[%swap3A, %swap3A_1569] {strides = array<i32>} : memref<8x4096xf32, #tpu.memory_space<vmem>>, vector<16xf32>,
        tpu.vector_store %arg5[%swap3A, %swap3A_1569], %add3A_1568 {strides = array<i32>} : memref<8x4096xf32, #tpu.memory_space<vmem>>, vector<16xf32>,
        %scan3A_1571 = arith.constant 0 : i32
        scf.yield %scan3A_1571 : i32
      }
      %scan3A_1560 = arith.constant 256 : i32
      %scan3A_1561 = arith.constant 0 : i32
      scf.yield %scan3A_1561 : i32
    }
    %scan3A_148 = arith.constant 8 : i32
    %add3A_149 = arith.constant 32 : i32
    %add3A_150 = arith.addi %mul3A_2, %add3A_149 : i32
    %dma_start3A_151 = arith.constant 0 : i32
    %dma_start3A_152 = tpu.memref_slice %arg4[%add3A_150, %dma_start3A_151] : memref<12800x4096xf32, #tpu.memory_space<hbm>> -> memref<8x4096xf32, #tpu.memory_space<hbm>>
    %dma_start3A_153 = arith.constant 0 : i32
    %dma_start3A_154 = tpu.memref_slice %arg4[%add3A_150, %dma_start3A_153] : memref<12800x4096xf32, #tpu.memory_space<hbm>> -> memref<8x4096xf32, #tpu.memory_space<hbm>>
    tpu.enqueue_dma source(%arg5 : memref<8x4096xf32, #tpu.memory_space<vmem>>) target(%dma_start3A_154 : memref<8x4096xf32, #tpu.memory_space<hbm>>) target_semaphore(%arg10 : memref<!tpu.dma_semaphore, #tpu.memory_space<semaphore_mem>>)
    %add3A_155 = arith.constant 32 : i32
    %add3A_156 = arith.addi %mul3A_2, %add3A_155 : i32
    %dma_wait3A_157 = arith.constant 0 : i32
    %dma_wait3A_158 = tpu.memref_slice %arg4[%add3A_156, %dma_wait3A_157] : memref<12800x4096xf32, #tpu.memory_space<hbm>> -> memref<8x4096xf32, #tpu.memory_space<hbm>>
    %dma_wait3A_159 = arith.constant 0 : i32
    %dma_wait3A_160 = tpu.memref_slice %arg4[%add3A_156, %dma_wait3A_159] : memref<12800x4096xf32, #tpu.memory_space<hbm>> -> memref<8x4096xf32, #tpu.memory_space<hbm>>
    tpu.wait_dma2 semaphore(%arg10 : memref<!tpu.dma_semaphore, #tpu.memory_space<semaphore_mem>>) src(%arg5 : memref<8x4096xf32, #tpu.memory_space<vmem>>) dst(%dma_wait3A_160 : memref<8x4096xf32, #tpu.memory_space<hbm>>)
    %add3A_161 = arith.constant 48 : i32
    %add3A_162 = arith.addi %mul3A_2, %add3A_161 : i32
    %dma_start3A_163 = arith.constant 0 : i32
    %dma_start3A_164 = tpu.memref_slice %arg2[%add3A_162, %dma_start3A_163] : memref<12800x4096xf32, #tpu.memory_space<hbm>> -> memref<8x4096xf32, #tpu.memory_space<hbm>>
    %dma_start3A_165 = arith.constant 0 : i32
    %dma_start3A_166 = tpu.memref_slice %arg2[%add3A_162, %dma_start3A_165] : memref<12800x4096xf32, #tpu.memory_space<hbm>> -> memref<8x4096xf32, #tpu.memory_space<hbm>>
    tpu.enqueue_dma source(%dma_start3A_166 : memref<8x4096xf32, #tpu.memory_space<hbm>>) target(%arg5 : memref<8x4096xf32, #tpu.memory_space<vmem>>) target_semaphore(%arg8 : memref<!tpu.dma_semaphore, #tpu.memory_space<semaphore_mem>>)
    %add3A_167 = arith.constant 40 : i32
    %add3A_168 = arith.addi %mul3A_2, %add3A_167 : i32
    %dma_wait3A_169 = arith.constant 0 : i32
    %dma_wait3A_170 = tpu.memref_slice %arg2[%add3A_168, %dma_wait3A_169] : memref<12800x4096xf32, #tpu.memory_space<hbm>> -> memref<8x4096xf32, #tpu.memory_space<hbm>>
    %dma_wait3A_171 = arith.constant 0 : i32
    %dma_wait3A_172 = tpu.memref_slice %arg2[%add3A_168, %dma_wait3A_171] : memref<12800x4096xf32, #tpu.memory_space<hbm>> -> memref<8x4096xf32, #tpu.memory_space<hbm>>
    tpu.wait_dma2 semaphore(%arg9 : memref<!tpu.dma_semaphore, #tpu.memory_space<semaphore_mem>>) src(%dma_wait3A_172 : memref<8x4096xf32, #tpu.memory_space<hbm>>) dst(%arg6 : memref<8x4096xf32, #tpu.memory_space<vmem>>)
    %scan3A_173 = arith.constant 0 : i32
    %scan3A_174 = arith.constant 0 : i32
    %scan3A_175 = arith.constant 8 : i32
    %scan3A_176 = arith.addi %scan3A_174, %scan3A_175 : i32
    %scan3A_177 = arith.constant 1 : i32
    %scan3A_178 = scf.for %scan3A_1550 = %scan3A_174 to %scan3A_176 step %scan3A_177 iter_args(%scan3A_1551 = %scan3A_173) -> (i32)  : i32 {
      %add3A_1552 = arith.constant 40 : i32
      %add3A_1553 = arith.addi %add3A_1552, %scan3A_1550 : i32
      %broadcast_in_dim3A = vector.broadcast %add3A_1553 : i32 to vector<16xi32>
      %gather3A = tpu.vector_load_idx %arg7[%broadcast_in_dim3A] : memref<400xf32, #tpu.memory_space<vmem>>[vector<16xi32>], vector<16xf32>,
      %scan3A_1554 = arith.constant 0 : i32
      %scan3A_1555 = arith.constant 0 : i32
      %scan3A_1556 = arith.constant 256 : i32
      %scan3A_1557 = arith.addi %scan3A_1555, %scan3A_1556 : i32
      %scan3A_1558 = arith.constant 1 : i32
      %scan3A_1559 = scf.for %scan3A_1562 = %scan3A_1555 to %scan3A_1557 step %scan3A_1558 iter_args(%scan3A_1563 = %scan3A_1554) -> (i32)  : i32 {
        %mul3A_1564 = arith.constant 16 : i32
        %mul3A_1565 = arith.muli %scan3A_1562, %mul3A_1564 : i32
        %get3A = arith.index_cast %scan3A_1550 : i32 to index
        %get3A_1566 = arith.index_cast %mul3A_1565 : i32 to index
        %get3A_1567 = tpu.vector_load %arg6[%get3A, %get3A_1566] {strides = array<i32>} : memref<8x4096xf32, #tpu.memory_space<vmem>>, vector<16xf32>,
        %add3A_1568 = arith.addf %get3A_1567, %gather3A : vector<16xf32>
        %swap3A = arith.index_cast %scan3A_1550 : i32 to index
        %swap3A_1569 = arith.index_cast %mul3A_1565 : i32 to index
        %swap3A_1570 = tpu.vector_load %arg6[%swap3A, %swap3A_1569] {strides = array<i32>} : memref<8x4096xf32, #tpu.memory_space<vmem>>, vector<16xf32>,
        tpu.vector_store %arg6[%swap3A, %swap3A_1569], %add3A_1568 {strides = array<i32>} : memref<8x4096xf32, #tpu.memory_space<vmem>>, vector<16xf32>,
        %scan3A_1571 = arith.constant 0 : i32
        scf.yield %scan3A_1571 : i32
      }
      %scan3A_1560 = arith.constant 256 : i32
      %scan3A_1561 = arith.constant 0 : i32
      scf.yield %scan3A_1561 : i32
    }
    %scan3A_179 = arith.constant 8 : i32
    %add3A_180 = arith.constant 40 : i32
    %add3A_181 = arith.addi %mul3A_2, %add3A_180 : i32
    %dma_start3A_182 = arith.constant 0 : i32
    %dma_start3A_183 = tpu.memref_slice %arg4[%add3A_181, %dma_start3A_182] : memref<12800x4096xf32, #tpu.memory_space<hbm>> -> memref<8x4096xf32, #tpu.memory_space<hbm>>
    %dma_start3A_184 = arith.constant 0 : i32
    %dma_start3A_185 = tpu.memref_slice %arg4[%add3A_181, %dma_start3A_184] : memref<12800x4096xf32, #tpu.memory_space<hbm>> -> memref<8x4096xf32, #tpu.memory_space<hbm>>
    tpu.enqueue_dma source(%arg6 : memref<8x4096xf32, #tpu.memory_space<vmem>>) target(%dma_start3A_185 : memref<8x4096xf32, #tpu.memory_space<hbm>>) target_semaphore(%arg11 : memref<!tpu.dma_semaphore, #tpu.memory_space<semaphore_mem>>)
    %add3A_186 = arith.constant 40 : i32
    %add3A_187 = arith.addi %mul3A_2, %add3A_186 : i32
    %dma_wait3A_188 = arith.constant 0 : i32
    %dma_wait3A_189 = tpu.memref_slice %arg4[%add3A_187, %dma_wait3A_188] : memref<12800x4096xf32, #tpu.memory_space<hbm>> -> memref<8x4096xf32, #tpu.memory_space<hbm>>
    %dma_wait3A_190 = arith.constant 0 : i32
    %dma_wait3A_191 = tpu.memref_slice %arg4[%add3A_187, %dma_wait3A_190] : memref<12800x4096xf32, #tpu.memory_space<hbm>> -> memref<8x4096xf32, #tpu.memory_space<hbm>>
    tpu.wait_dma2 semaphore(%arg11 : memref<!tpu.dma_semaphore, #tpu.memory_space<semaphore_mem>>) src(%arg6 : memref<8x4096xf32, #tpu.memory_space<vmem>>) dst(%dma_wait3A_191 : memref<8x4096xf32, #tpu.memory_space<hbm>>)
    %add3A_192 = arith.constant 56 : i32
    %add3A_193 = arith.addi %mul3A_2, %add3A_192 : i32
    %dma_start3A_194 = arith.constant 0 : i32
    %dma_start3A_195 = tpu.memref_slice %arg2[%add3A_193, %dma_start3A_194] : memref<12800x4096xf32, #tpu.memory_space<hbm>> -> memref<8x4096xf32, #tpu.memory_space<hbm>>
    %dma_start3A_196 = arith.constant 0 : i32
    %dma_start3A_197 = tpu.memref_slice %arg2[%add3A_193, %dma_start3A_196] : memref<12800x4096xf32, #tpu.memory_space<hbm>> -> memref<8x4096xf32, #tpu.memory_space<hbm>>
    tpu.enqueue_dma source(%dma_start3A_197 : memref<8x4096xf32, #tpu.memory_space<hbm>>) target(%arg6 : memref<8x4096xf32, #tpu.memory_space<vmem>>) target_semaphore(%arg9 : memref<!tpu.dma_semaphore, #tpu.memory_space<semaphore_mem>>)
    %add3A_198 = arith.constant 48 : i32
    %add3A_199 = arith.addi %mul3A_2, %add3A_198 : i32
    %dma_wait3A_200 = arith.constant 0 : i32
    %dma_wait3A_201 = tpu.memref_slice %arg2[%add3A_199, %dma_wait3A_200] : memref<12800x4096xf32, #tpu.memory_space<hbm>> -> memref<8x4096xf32, #tpu.memory_space<hbm>>
    %dma_wait3A_202 = arith.constant 0 : i32
    %dma_wait3A_203 = tpu.memref_slice %arg2[%add3A_199, %dma_wait3A_202] : memref<12800x4096xf32, #tpu.memory_space<hbm>> -> memref<8x4096xf32, #tpu.memory_space<hbm>>
    tpu.wait_dma2 semaphore(%arg8 : memref<!tpu.dma_semaphore, #tpu.memory_space<semaphore_mem>>) src(%dma_wait3A_203 : memref<8x4096xf32, #tpu.memory_space<hbm>>) dst(%arg5 : memref<8x4096xf32, #tpu.memory_space<vmem>>)
    %scan3A_204 = arith.constant 0 : i32
    %scan3A_205 = arith.constant 0 : i32
    %scan3A_206 = arith.constant 8 : i32
    %scan3A_207 = arith.addi %scan3A_205, %scan3A_206 : i32
    %scan3A_208 = arith.constant 1 : i32
    %scan3A_209 = scf.for %scan3A_1550 = %scan3A_205 to %scan3A_207 step %scan3A_208 iter_args(%scan3A_1551 = %scan3A_204) -> (i32)  : i32 {
      %add3A_1552 = arith.constant 48 : i32
      %add3A_1553 = arith.addi %add3A_1552, %scan3A_1550 : i32
      %broadcast_in_dim3A = vector.broadcast %add3A_1553 : i32 to vector<16xi32>
      %gather3A = tpu.vector_load_idx %arg7[%broadcast_in_dim3A] : memref<400xf32, #tpu.memory_space<vmem>>[vector<16xi32>], vector<16xf32>,
      %scan3A_1554 = arith.constant 0 : i32
      %scan3A_1555 = arith.constant 0 : i32
      %scan3A_1556 = arith.constant 256 : i32
      %scan3A_1557 = arith.addi %scan3A_1555, %scan3A_1556 : i32
      %scan3A_1558 = arith.constant 1 : i32
      %scan3A_1559 = scf.for %scan3A_1562 = %scan3A_1555 to %scan3A_1557 step %scan3A_1558 iter_args(%scan3A_1563 = %scan3A_1554) -> (i32)  : i32 {
        %mul3A_1564 = arith.constant 16 : i32
        %mul3A_1565 = arith.muli %scan3A_1562, %mul3A_1564 : i32
        %get3A = arith.index_cast %scan3A_1550 : i32 to index
        %get3A_1566 = arith.index_cast %mul3A_1565 : i32 to index
        %get3A_1567 = tpu.vector_load %arg5[%get3A, %get3A_1566] {strides = array<i32>} : memref<8x4096xf32, #tpu.memory_space<vmem>>, vector<16xf32>,
        %add3A_1568 = arith.addf %get3A_1567, %gather3A : vector<16xf32>
        %swap3A = arith.index_cast %scan3A_1550 : i32 to index
        %swap3A_1569 = arith.index_cast %mul3A_1565 : i32 to index
        %swap3A_1570 = tpu.vector_load %arg5[%swap3A, %swap3A_1569] {strides = array<i32>} : memref<8x4096xf32, #tpu.memory_space<vmem>>, vector<16xf32>,
        tpu.vector_store %arg5[%swap3A, %swap3A_1569], %add3A_1568 {strides = array<i32>} : memref<8x4096xf32, #tpu.memory_space<vmem>>, vector<16xf32>,
        %scan3A_1571 = arith.constant 0 : i32
        scf.yield %scan3A_1571 : i32
      }
      %scan3A_1560 = arith.constant 256 : i32
      %scan3A_1561 = arith.constant 0 : i32
      scf.yield %scan3A_1561 : i32
    }
    %scan3A_210 = arith.constant 8 : i32
    %add3A_211 = arith.constant 48 : i32
    %add3A_212 = arith.addi %mul3A_2, %add3A_211 : i32
    %dma_start3A_213 = arith.constant 0 : i32
    %dma_start3A_214 = tpu.memref_slice %arg4[%add3A_212, %dma_start3A_213] : memref<12800x4096xf32, #tpu.memory_space<hbm>> -> memref<8x4096xf32, #tpu.memory_space<hbm>>
    %dma_start3A_215 = arith.constant 0 : i32
    %dma_start3A_216 = tpu.memref_slice %arg4[%add3A_212, %dma_start3A_215] : memref<12800x4096xf32, #tpu.memory_space<hbm>> -> memref<8x4096xf32, #tpu.memory_space<hbm>>
    tpu.enqueue_dma source(%arg5 : memref<8x4096xf32, #tpu.memory_space<vmem>>) target(%dma_start3A_216 : memref<8x4096xf32, #tpu.memory_space<hbm>>) target_semaphore(%arg10 : memref<!tpu.dma_semaphore, #tpu.memory_space<semaphore_mem>>)
    %add3A_217 = arith.constant 48 : i32
    %add3A_218 = arith.addi %mul3A_2, %add3A_217 : i32
    %dma_wait3A_219 = arith.constant 0 : i32
    %dma_wait3A_220 = tpu.memref_slice %arg4[%add3A_218, %dma_wait3A_219] : memref<12800x4096xf32, #tpu.memory_space<hbm>> -> memref<8x4096xf32, #tpu.memory_space<hbm>>
    %dma_wait3A_221 = arith.constant 0 : i32
    %dma_wait3A_222 = tpu.memref_slice %arg4[%add3A_218, %dma_wait3A_221] : memref<12800x4096xf32, #tpu.memory_space<hbm>> -> memref<8x4096xf32, #tpu.memory_space<hbm>>
    tpu.wait_dma2 semaphore(%arg10 : memref<!tpu.dma_semaphore, #tpu.memory_space<semaphore_mem>>) src(%arg5 : memref<8x4096xf32, #tpu.memory_space<vmem>>) dst(%dma_wait3A_222 : memref<8x4096xf32, #tpu.memory_space<hbm>>)
    %add3A_223 = arith.constant 64 : i32
    %add3A_224 = arith.addi %mul3A_2, %add3A_223 : i32
    %dma_start3A_225 = arith.constant 0 : i32
    %dma_start3A_226 = tpu.memref_slice %arg2[%add3A_224, %dma_start3A_225] : memref<12800x4096xf32, #tpu.memory_space<hbm>> -> memref<8x4096xf32, #tpu.memory_space<hbm>>
    %dma_start3A_227 = arith.constant 0 : i32
    %dma_start3A_228 = tpu.memref_slice %arg2[%add3A_224, %dma_start3A_227] : memref<12800x4096xf32, #tpu.memory_space<hbm>> -> memref<8x4096xf32, #tpu.memory_space<hbm>>
    tpu.enqueue_dma source(%dma_start3A_228 : memref<8x4096xf32, #tpu.memory_space<hbm>>) target(%arg5 : memref<8x4096xf32, #tpu.memory_space<vmem>>) target_semaphore(%arg8 : memref<!tpu.dma_semaphore, #tpu.memory_space<semaphore_mem>>)
    %add3A_229 = arith.constant 56 : i32
    %add3A_230 = arith.addi %mul3A_2, %add3A_229 : i32
    %dma_wait3A_231 = arith.constant 0 : i32
    %dma_wait3A_232 = tpu.memref_slice %arg2[%add3A_230, %dma_wait3A_231] : memref<12800x4096xf32, #tpu.memory_space<hbm>> -> memref<8x4096xf32, #tpu.memory_space<hbm>>
    %dma_wait3A_233 = arith.constant 0 : i32
    %dma_wait3A_234 = tpu.memref_slice %arg2[%add3A_230, %dma_wait3A_233] : memref<12800x4096xf32, #tpu.memory_space<hbm>> -> memref<8x4096xf32, #tpu.memory_space<hbm>>
    tpu.wait_dma2 semaphore(%arg9 : memref<!tpu.dma_semaphore, #tpu.memory_space<semaphore_mem>>) src(%dma_wait3A_234 : memref<8x4096xf32, #tpu.memory_space<hbm>>) dst(%arg6 : memref<8x4096xf32, #tpu.memory_space<vmem>>)
    %scan3A_235 = arith.constant 0 : i32
    %scan3A_236 = arith.constant 0 : i32
    %scan3A_237 = arith.constant 8 : i32
    %scan3A_238 = arith.addi %scan3A_236, %scan3A_237 : i32
    %scan3A_239 = arith.constant 1 : i32
    %scan3A_240 = scf.for %scan3A_1550 = %scan3A_236 to %scan3A_238 step %scan3A_239 iter_args(%scan3A_1551 = %scan3A_235) -> (i32)  : i32 {
      %add3A_1552 = arith.constant 56 : i32
      %add3A_1553 = arith.addi %add3A_1552, %scan3A_1550 : i32
      %broadcast_in_dim3A = vector.broadcast %add3A_1553 : i32 to vector<16xi32>
      %gather3A = tpu.vector_load_idx %arg7[%broadcast_in_dim3A] : memref<400xf32, #tpu.memory_space<vmem>>[vector<16xi32>], vector<16xf32>,
      %scan3A_1554 = arith.constant 0 : i32
      %scan3A_1555 = arith.constant 0 : i32
      %scan3A_1556 = arith.constant 256 : i32
      %scan3A_1557 = arith.addi %scan3A_1555, %scan3A_1556 : i32
      %scan3A_1558 = arith.constant 1 : i32
      %scan3A_1559 = scf.for %scan3A_1562 = %scan3A_1555 to %scan3A_1557 step %scan3A_1558 iter_args(%scan3A_1563 = %scan3A_1554) -> (i32)  : i32 {
        %mul3A_1564 = arith.constant 16 : i32
        %mul3A_1565 = arith.muli %scan3A_1562, %mul3A_1564 : i32
        %get3A = arith.index_cast %scan3A_1550 : i32 to index
        %get3A_1566 = arith.index_cast %mul3A_1565 : i32 to index
        %get3A_1567 = tpu.vector_load %arg6[%get3A, %get3A_1566] {strides = array<i32>} : memref<8x4096xf32, #tpu.memory_space<vmem>>, vector<16xf32>,
        %add3A_1568 = arith.addf %get3A_1567, %gather3A : vector<16xf32>
        %swap3A = arith.index_cast %scan3A_1550 : i32 to index
        %swap3A_1569 = arith.index_cast %mul3A_1565 : i32 to index
        %swap3A_1570 = tpu.vector_load %arg6[%swap3A, %swap3A_1569] {strides = array<i32>} : memref<8x4096xf32, #tpu.memory_space<vmem>>, vector<16xf32>,
        tpu.vector_store %arg6[%swap3A, %swap3A_1569], %add3A_1568 {strides = array<i32>} : memref<8x4096xf32, #tpu.memory_space<vmem>>, vector<16xf32>,
        %scan3A_1571 = arith.constant 0 : i32
        scf.yield %scan3A_1571 : i32
      }
      %scan3A_1560 = arith.constant 256 : i32
      %scan3A_1561 = arith.constant 0 : i32
      scf.yield %scan3A_1561 : i32
    }
    %scan3A_241 = arith.constant 8 : i32
    %add3A_242 = arith.constant 56 : i32
    %add3A_243 = arith.addi %mul3A_2, %add3A_242 : i32
    %dma_start3A_244 = arith.constant 0 : i32
    %dma_start3A_245 = tpu.memref_slice %arg4[%add3A_243, %dma_start3A_244] : memref<12800x4096xf32, #tpu.memory_space<hbm>> -> memref<8x4096xf32, #tpu.memory_space<hbm>>
    %dma_start3A_246 = arith.constant 0 : i32
    %dma_start3A_247 = tpu.memref_slice %arg4[%add3A_243, %dma_start3A_246] : memref<12800x4096xf32, #tpu.memory_space<hbm>> -> memref<8x4096xf32, #tpu.memory_space<hbm>>
    tpu.enqueue_dma source(%arg6 : memref<8x4096xf32, #tpu.memory_space<vmem>>) target(%dma_start3A_247 : memref<8x4096xf32, #tpu.memory_space<hbm>>) target_semaphore(%arg11 : memref<!tpu.dma_semaphore, #tpu.memory_space<semaphore_mem>>)
    %add3A_248 = arith.constant 56 : i32
    %add3A_249 = arith.addi %mul3A_2, %add3A_248 : i32
    %dma_wait3A_250 = arith.constant 0 : i32
    %dma_wait3A_251 = tpu.memref_slice %arg4[%add3A_249, %dma_wait3A_250] : memref<12800x4096xf32, #tpu.memory_space<hbm>> -> memref<8x4096xf32, #tpu.memory_space<hbm>>
    %dma_wait3A_252 = arith.constant 0 : i32
    %dma_wait3A_253 = tpu.memref_slice %arg4[%add3A_249, %dma_wait3A_252] : memref<12800x4096xf32, #tpu.memory_space<hbm>> -> memref<8x4096xf32, #tpu.memory_space<hbm>>
    tpu.wait_dma2 semaphore(%arg11 : memref<!tpu.dma_semaphore, #tpu.memory_space<semaphore_mem>>) src(%arg6 : memref<8x4096xf32, #tpu.memory_space<vmem>>) dst(%dma_wait3A_253 : memref<8x4096xf32, #tpu.memory_space<hbm>>)
    %add3A_254 = arith.constant 72 : i32
    %add3A_255 = arith.addi %mul3A_2, %add3A_254 : i32
    %dma_start3A_256 = arith.constant 0 : i32
    %dma_start3A_257 = tpu.memref_slice %arg2[%add3A_255, %dma_start3A_256] : memref<12800x4096xf32, #tpu.memory_space<hbm>> -> memref<8x4096xf32, #tpu.memory_space<hbm>>
    %dma_start3A_258 = arith.constant 0 : i32
    %dma_start3A_259 = tpu.memref_slice %arg2[%add3A_255, %dma_start3A_258] : memref<12800x4096xf32, #tpu.memory_space<hbm>> -> memref<8x4096xf32, #tpu.memory_space<hbm>>
    tpu.enqueue_dma source(%dma_start3A_259 : memref<8x4096xf32, #tpu.memory_space<hbm>>) target(%arg6 : memref<8x4096xf32, #tpu.memory_space<vmem>>) target_semaphore(%arg9 : memref<!tpu.dma_semaphore, #tpu.memory_space<semaphore_mem>>)
    %add3A_260 = arith.constant 64 : i32
    %add3A_261 = arith.addi %mul3A_2, %add3A_260 : i32
    %dma_wait3A_262 = arith.constant 0 : i32
    %dma_wait3A_263 = tpu.memref_slice %arg2[%add3A_261, %dma_wait3A_262] : memref<12800x4096xf32, #tpu.memory_space<hbm>> -> memref<8x4096xf32, #tpu.memory_space<hbm>>
    %dma_wait3A_264 = arith.constant 0 : i32
    %dma_wait3A_265 = tpu.memref_slice %arg2[%add3A_261, %dma_wait3A_264] : memref<12800x4096xf32, #tpu.memory_space<hbm>> -> memref<8x4096xf32, #tpu.memory_space<hbm>>
    tpu.wait_dma2 semaphore(%arg8 : memref<!tpu.dma_semaphore, #tpu.memory_space<semaphore_mem>>) src(%dma_wait3A_265 : memref<8x4096xf32, #tpu.memory_space<hbm>>) dst(%arg5 : memref<8x4096xf32, #tpu.memory_space<vmem>>)
    %scan3A_266 = arith.constant 0 : i32
    %scan3A_267 = arith.constant 0 : i32
    %scan3A_268 = arith.constant 8 : i32
    %scan3A_269 = arith.addi %scan3A_267, %scan3A_268 : i32
    %scan3A_270 = arith.constant 1 : i32
    %scan3A_271 = scf.for %scan3A_1550 = %scan3A_267 to %scan3A_269 step %scan3A_270 iter_args(%scan3A_1551 = %scan3A_266) -> (i32)  : i32 {
      %add3A_1552 = arith.constant 64 : i32
      %add3A_1553 = arith.addi %add3A_1552, %scan3A_1550 : i32
      %broadcast_in_dim3A = vector.broadcast %add3A_1553 : i32 to vector<16xi32>
      %gather3A = tpu.vector_load_idx %arg7[%broadcast_in_dim3A] : memref<400xf32, #tpu.memory_space<vmem>>[vector<16xi32>], vector<16xf32>,
      %scan3A_1554 = arith.constant 0 : i32
      %scan3A_1555 = arith.constant 0 : i32
      %scan3A_1556 = arith.constant 256 : i32
      %scan3A_1557 = arith.addi %scan3A_1555, %scan3A_1556 : i32
      %scan3A_1558 = arith.constant 1 : i32
      %scan3A_1559 = scf.for %scan3A_1562 = %scan3A_1555 to %scan3A_1557 step %scan3A_1558 iter_args(%scan3A_1563 = %scan3A_1554) -> (i32)  : i32 {
        %mul3A_1564 = arith.constant 16 : i32
        %mul3A_1565 = arith.muli %scan3A_1562, %mul3A_1564 : i32
        %get3A = arith.index_cast %scan3A_1550 : i32 to index
        %get3A_1566 = arith.index_cast %mul3A_1565 : i32 to index
        %get3A_1567 = tpu.vector_load %arg5[%get3A, %get3A_1566] {strides = array<i32>} : memref<8x4096xf32, #tpu.memory_space<vmem>>, vector<16xf32>,
        %add3A_1568 = arith.addf %get3A_1567, %gather3A : vector<16xf32>
        %swap3A = arith.index_cast %scan3A_1550 : i32 to index
        %swap3A_1569 = arith.index_cast %mul3A_1565 : i32 to index
        %swap3A_1570 = tpu.vector_load %arg5[%swap3A, %swap3A_1569] {strides = array<i32>} : memref<8x4096xf32, #tpu.memory_space<vmem>>, vector<16xf32>,
        tpu.vector_store %arg5[%swap3A, %swap3A_1569], %add3A_1568 {strides = array<i32>} : memref<8x4096xf32, #tpu.memory_space<vmem>>, vector<16xf32>,
        %scan3A_1571 = arith.constant 0 : i32
        scf.yield %scan3A_1571 : i32
      }
      %scan3A_1560 = arith.constant 256 : i32
      %scan3A_1561 = arith.constant 0 : i32
      scf.yield %scan3A_1561 : i32
    }
    %scan3A_272 = arith.constant 8 : i32
    %add3A_273 = arith.constant 64 : i32
    %add3A_274 = arith.addi %mul3A_2, %add3A_273 : i32
    %dma_start3A_275 = arith.constant 0 : i32
    %dma_start3A_276 = tpu.memref_slice %arg4[%add3A_274, %dma_start3A_275] : memref<12800x4096xf32, #tpu.memory_space<hbm>> -> memref<8x4096xf32, #tpu.memory_space<hbm>>
    %dma_start3A_277 = arith.constant 0 : i32
    %dma_start3A_278 = tpu.memref_slice %arg4[%add3A_274, %dma_start3A_277] : memref<12800x4096xf32, #tpu.memory_space<hbm>> -> memref<8x4096xf32, #tpu.memory_space<hbm>>
    tpu.enqueue_dma source(%arg5 : memref<8x4096xf32, #tpu.memory_space<vmem>>) target(%dma_start3A_278 : memref<8x4096xf32, #tpu.memory_space<hbm>>) target_semaphore(%arg10 : memref<!tpu.dma_semaphore, #tpu.memory_space<semaphore_mem>>)
    %add3A_279 = arith.constant 64 : i32
    %add3A_280 = arith.addi %mul3A_2, %add3A_279 : i32
    %dma_wait3A_281 = arith.constant 0 : i32
    %dma_wait3A_282 = tpu.memref_slice %arg4[%add3A_280, %dma_wait3A_281] : memref<12800x4096xf32, #tpu.memory_space<hbm>> -> memref<8x4096xf32, #tpu.memory_space<hbm>>
    %dma_wait3A_283 = arith.constant 0 : i32
    %dma_wait3A_284 = tpu.memref_slice %arg4[%add3A_280, %dma_wait3A_283] : memref<12800x4096xf32, #tpu.memory_space<hbm>> -> memref<8x4096xf32, #tpu.memory_space<hbm>>
    tpu.wait_dma2 semaphore(%arg10 : memref<!tpu.dma_semaphore, #tpu.memory_space<semaphore_mem>>) src(%arg5 : memref<8x4096xf32, #tpu.memory_space<vmem>>) dst(%dma_wait3A_284 : memref<8x4096xf32, #tpu.memory_space<hbm>>)
    %add3A_285 = arith.constant 80 : i32
    %add3A_286 = arith.addi %mul3A_2, %add3A_285 : i32
    %dma_start3A_287 = arith.constant 0 : i32
    %dma_start3A_288 = tpu.memref_slice %arg2[%add3A_286, %dma_start3A_287] : memref<12800x4096xf32, #tpu.memory_space<hbm>> -> memref<8x4096xf32, #tpu.memory_space<hbm>>
    %dma_start3A_289 = arith.constant 0 : i32
    %dma_start3A_290 = tpu.memref_slice %arg2[%add3A_286, %dma_start3A_289] : memref<12800x4096xf32, #tpu.memory_space<hbm>> -> memref<8x4096xf32, #tpu.memory_space<hbm>>
    tpu.enqueue_dma source(%dma_start3A_290 : memref<8x4096xf32, #tpu.memory_space<hbm>>) target(%arg5 : memref<8x4096xf32, #tpu.memory_space<vmem>>) target_semaphore(%arg8 : memref<!tpu.dma_semaphore, #tpu.memory_space<semaphore_mem>>)
    %add3A_291 = arith.constant 72 : i32
    %add3A_292 = arith.addi %mul3A_2, %add3A_291 : i32
    %dma_wait3A_293 = arith.constant 0 : i32
    %dma_wait3A_294 = tpu.memref_slice %arg2[%add3A_292, %dma_wait3A_293] : memref<12800x4096xf32, #tpu.memory_space<hbm>> -> memref<8x4096xf32, #tpu.memory_space<hbm>>
    %dma_wait3A_295 = arith.constant 0 : i32
    %dma_wait3A_296 = tpu.memref_slice %arg2[%add3A_292, %dma_wait3A_295] : memref<12800x4096xf32, #tpu.memory_space<hbm>> -> memref<8x4096xf32, #tpu.memory_space<hbm>>
    tpu.wait_dma2 semaphore(%arg9 : memref<!tpu.dma_semaphore, #tpu.memory_space<semaphore_mem>>) src(%dma_wait3A_296 : memref<8x4096xf32, #tpu.memory_space<hbm>>) dst(%arg6 : memref<8x4096xf32, #tpu.memory_space<vmem>>)
    %scan3A_297 = arith.constant 0 : i32
    %scan3A_298 = arith.constant 0 : i32
    %scan3A_299 = arith.constant 8 : i32
    %scan3A_300 = arith.addi %scan3A_298, %scan3A_299 : i32
    %scan3A_301 = arith.constant 1 : i32
    %scan3A_302 = scf.for %scan3A_1550 = %scan3A_298 to %scan3A_300 step %scan3A_301 iter_args(%scan3A_1551 = %scan3A_297) -> (i32)  : i32 {
      %add3A_1552 = arith.constant 72 : i32
      %add3A_1553 = arith.addi %add3A_1552, %scan3A_1550 : i32
      %broadcast_in_dim3A = vector.broadcast %add3A_1553 : i32 to vector<16xi32>
      %gather3A = tpu.vector_load_idx %arg7[%broadcast_in_dim3A] : memref<400xf32, #tpu.memory_space<vmem>>[vector<16xi32>], vector<16xf32>,
      %scan3A_1554 = arith.constant 0 : i32
      %scan3A_1555 = arith.constant 0 : i32
      %scan3A_1556 = arith.constant 256 : i32
      %scan3A_1557 = arith.addi %scan3A_1555, %scan3A_1556 : i32
      %scan3A_1558 = arith.constant 1 : i32
      %scan3A_1559 = scf.for %scan3A_1562 = %scan3A_1555 to %scan3A_1557 step %scan3A_1558 iter_args(%scan3A_1563 = %scan3A_1554) -> (i32)  : i32 {
        %mul3A_1564 = arith.constant 16 : i32
        %mul3A_1565 = arith.muli %scan3A_1562, %mul3A_1564 : i32
        %get3A = arith.index_cast %scan3A_1550 : i32 to index
        %get3A_1566 = arith.index_cast %mul3A_1565 : i32 to index
        %get3A_1567 = tpu.vector_load %arg6[%get3A, %get3A_1566] {strides = array<i32>} : memref<8x4096xf32, #tpu.memory_space<vmem>>, vector<16xf32>,
        %add3A_1568 = arith.addf %get3A_1567, %gather3A : vector<16xf32>
        %swap3A = arith.index_cast %scan3A_1550 : i32 to index
        %swap3A_1569 = arith.index_cast %mul3A_1565 : i32 to index
        %swap3A_1570 = tpu.vector_load %arg6[%swap3A, %swap3A_1569] {strides = array<i32>} : memref<8x4096xf32, #tpu.memory_space<vmem>>, vector<16xf32>,
        tpu.vector_store %arg6[%swap3A, %swap3A_1569], %add3A_1568 {strides = array<i32>} : memref<8x4096xf32, #tpu.memory_space<vmem>>, vector<16xf32>,
        %scan3A_1571 = arith.constant 0 : i32
        scf.yield %scan3A_1571 : i32
      }
      %scan3A_1560 = arith.constant 256 : i32
      %scan3A_1561 = arith.constant 0 : i32
      scf.yield %scan3A_1561 : i32
    }
    %scan3A_303 = arith.constant 8 : i32
    %add3A_304 = arith.constant 72 : i32
    %add3A_305 = arith.addi %mul3A_2, %add3A_304 : i32
    %dma_start3A_306 = arith.constant 0 : i32
    %dma_start3A_307 = tpu.memref_slice %arg4[%add3A_305, %dma_start3A_306] : memref<12800x4096xf32, #tpu.memory_space<hbm>> -> memref<8x4096xf32, #tpu.memory_space<hbm>>
    %dma_start3A_308 = arith.constant 0 : i32
    %dma_start3A_309 = tpu.memref_slice %arg4[%add3A_305, %dma_start3A_308] : memref<12800x4096xf32, #tpu.memory_space<hbm>> -> memref<8x4096xf32, #tpu.memory_space<hbm>>
    tpu.enqueue_dma source(%arg6 : memref<8x4096xf32, #tpu.memory_space<vmem>>) target(%dma_start3A_309 : memref<8x4096xf32, #tpu.memory_space<hbm>>) target_semaphore(%arg11 : memref<!tpu.dma_semaphore, #tpu.memory_space<semaphore_mem>>)
    %add3A_310 = arith.constant 72 : i32
    %add3A_311 = arith.addi %mul3A_2, %add3A_310 : i32
    %dma_wait3A_312 = arith.constant 0 : i32
    %dma_wait3A_313 = tpu.memref_slice %arg4[%add3A_311, %dma_wait3A_312] : memref<12800x4096xf32, #tpu.memory_space<hbm>> -> memref<8x4096xf32, #tpu.memory_space<hbm>>
    %dma_wait3A_314 = arith.constant 0 : i32
    %dma_wait3A_315 = tpu.memref_slice %arg4[%add3A_311, %dma_wait3A_314] : memref<12800x4096xf32, #tpu.memory_space<hbm>> -> memref<8x4096xf32, #tpu.memory_space<hbm>>
    tpu.wait_dma2 semaphore(%arg11 : memref<!tpu.dma_semaphore, #tpu.memory_space<semaphore_mem>>) src(%arg6 : memref<8x4096xf32, #tpu.memory_space<vmem>>) dst(%dma_wait3A_315 : memref<8x4096xf32, #tpu.memory_space<hbm>>)
    %add3A_316 = arith.constant 88 : i32
    %add3A_317 = arith.addi %mul3A_2, %add3A_316 : i32
    %dma_start3A_318 = arith.constant 0 : i32
    %dma_start3A_319 = tpu.memref_slice %arg2[%add3A_317, %dma_start3A_318] : memref<12800x4096xf32, #tpu.memory_space<hbm>> -> memref<8x4096xf32, #tpu.memory_space<hbm>>
    %dma_start3A_320 = arith.constant 0 : i32
    %dma_start3A_321 = tpu.memref_slice %arg2[%add3A_317, %dma_start3A_320] : memref<12800x4096xf32, #tpu.memory_space<hbm>> -> memref<8x4096xf32, #tpu.memory_space<hbm>>
    tpu.enqueue_dma source(%dma_start3A_321 : memref<8x4096xf32, #tpu.memory_space<hbm>>) target(%arg6 : memref<8x4096xf32, #tpu.memory_space<vmem>>) target_semaphore(%arg9 : memref<!tpu.dma_semaphore, #tpu.memory_space<semaphore_mem>>)
    %add3A_322 = arith.constant 80 : i32
    %add3A_323 = arith.addi %mul3A_2, %add3A_322 : i32
    %dma_wait3A_324 = arith.constant 0 : i32
    %dma_wait3A_325 = tpu.memref_slice %arg2[%add3A_323, %dma_wait3A_324] : memref<12800x4096xf32, #tpu.memory_space<hbm>> -> memref<8x4096xf32, #tpu.memory_space<hbm>>
    %dma_wait3A_326 = arith.constant 0 : i32
    %dma_wait3A_327 = tpu.memref_slice %arg2[%add3A_323, %dma_wait3A_326] : memref<12800x4096xf32, #tpu.memory_space<hbm>> -> memref<8x4096xf32, #tpu.memory_space<hbm>>
    tpu.wait_dma2 semaphore(%arg8 : memref<!tpu.dma_semaphore, #tpu.memory_space<semaphore_mem>>) src(%dma_wait3A_327 : memref<8x4096xf32, #tpu.memory_space<hbm>>) dst(%arg5 : memref<8x4096xf32, #tpu.memory_space<vmem>>)
    %scan3A_328 = arith.constant 0 : i32
    %scan3A_329 = arith.constant 0 : i32
    %scan3A_330 = arith.constant 8 : i32
    %scan3A_331 = arith.addi %scan3A_329, %scan3A_330 : i32
    %scan3A_332 = arith.constant 1 : i32
    %scan3A_333 = scf.for %scan3A_1550 = %scan3A_329 to %scan3A_331 step %scan3A_332 iter_args(%scan3A_1551 = %scan3A_328) -> (i32)  : i32 {
      %add3A_1552 = arith.constant 80 : i32
      %add3A_1553 = arith.addi %add3A_1552, %scan3A_1550 : i32
      %broadcast_in_dim3A = vector.broadcast %add3A_1553 : i32 to vector<16xi32>
      %gather3A = tpu.vector_load_idx %arg7[%broadcast_in_dim3A] : memref<400xf32, #tpu.memory_space<vmem>>[vector<16xi32>], vector<16xf32>,
      %scan3A_1554 = arith.constant 0 : i32
      %scan3A_1555 = arith.constant 0 : i32
      %scan3A_1556 = arith.constant 256 : i32
      %scan3A_1557 = arith.addi %scan3A_1555, %scan3A_1556 : i32
      %scan3A_1558 = arith.constant 1 : i32
      %scan3A_1559 = scf.for %scan3A_1562 = %scan3A_1555 to %scan3A_1557 step %scan3A_1558 iter_args(%scan3A_1563 = %scan3A_1554) -> (i32)  : i32 {
        %mul3A_1564 = arith.constant 16 : i32
        %mul3A_1565 = arith.muli %scan3A_1562, %mul3A_1564 : i32
        %get3A = arith.index_cast %scan3A_1550 : i32 to index
        %get3A_1566 = arith.index_cast %mul3A_1565 : i32 to index
        %get3A_1567 = tpu.vector_load %arg5[%get3A, %get3A_1566] {strides = array<i32>} : memref<8x4096xf32, #tpu.memory_space<vmem>>, vector<16xf32>,
        %add3A_1568 = arith.addf %get3A_1567, %gather3A : vector<16xf32>
        %swap3A = arith.index_cast %scan3A_1550 : i32 to index
        %swap3A_1569 = arith.index_cast %mul3A_1565 : i32 to index
        %swap3A_1570 = tpu.vector_load %arg5[%swap3A, %swap3A_1569] {strides = array<i32>} : memref<8x4096xf32, #tpu.memory_space<vmem>>, vector<16xf32>,
        tpu.vector_store %arg5[%swap3A, %swap3A_1569], %add3A_1568 {strides = array<i32>} : memref<8x4096xf32, #tpu.memory_space<vmem>>, vector<16xf32>,
        %scan3A_1571 = arith.constant 0 : i32
        scf.yield %scan3A_1571 : i32
      }
      %scan3A_1560 = arith.constant 256 : i32
      %scan3A_1561 = arith.constant 0 : i32
      scf.yield %scan3A_1561 : i32
    }
    %scan3A_334 = arith.constant 8 : i32
    %add3A_335 = arith.constant 80 : i32
    %add3A_336 = arith.addi %mul3A_2, %add3A_335 : i32
    %dma_start3A_337 = arith.constant 0 : i32
    %dma_start3A_338 = tpu.memref_slice %arg4[%add3A_336, %dma_start3A_337] : memref<12800x4096xf32, #tpu.memory_space<hbm>> -> memref<8x4096xf32, #tpu.memory_space<hbm>>
    %dma_start3A_339 = arith.constant 0 : i32
    %dma_start3A_340 = tpu.memref_slice %arg4[%add3A_336, %dma_start3A_339] : memref<12800x4096xf32, #tpu.memory_space<hbm>> -> memref<8x4096xf32, #tpu.memory_space<hbm>>
    tpu.enqueue_dma source(%arg5 : memref<8x4096xf32, #tpu.memory_space<vmem>>) target(%dma_start3A_340 : memref<8x4096xf32, #tpu.memory_space<hbm>>) target_semaphore(%arg10 : memref<!tpu.dma_semaphore, #tpu.memory_space<semaphore_mem>>)
    %add3A_341 = arith.constant 80 : i32
    %add3A_342 = arith.addi %mul3A_2, %add3A_341 : i32
    %dma_wait3A_343 = arith.constant 0 : i32
    %dma_wait3A_344 = tpu.memref_slice %arg4[%add3A_342, %dma_wait3A_343] : memref<12800x4096xf32, #tpu.memory_space<hbm>> -> memref<8x4096xf32, #tpu.memory_space<hbm>>
    %dma_wait3A_345 = arith.constant 0 : i32
    %dma_wait3A_346 = tpu.memref_slice %arg4[%add3A_342, %dma_wait3A_345] : memref<12800x4096xf32, #tpu.memory_space<hbm>> -> memref<8x4096xf32, #tpu.memory_space<hbm>>
    tpu.wait_dma2 semaphore(%arg10 : memref<!tpu.dma_semaphore, #tpu.memory_space<semaphore_mem>>) src(%arg5 : memref<8x4096xf32, #tpu.memory_space<vmem>>) dst(%dma_wait3A_346 : memref<8x4096xf32, #tpu.memory_space<hbm>>)
    %add3A_347 = arith.constant 96 : i32
    %add3A_348 = arith.addi %mul3A_2, %add3A_347 : i32
    %dma_start3A_349 = arith.constant 0 : i32
    %dma_start3A_350 = tpu.memref_slice %arg2[%add3A_348, %dma_start3A_349] : memref<12800x4096xf32, #tpu.memory_space<hbm>> -> memref<8x4096xf32, #tpu.memory_space<hbm>>
    %dma_start3A_351 = arith.constant 0 : i32
    %dma_start3A_352 = tpu.memref_slice %arg2[%add3A_348, %dma_start3A_351] : memref<12800x4096xf32, #tpu.memory_space<hbm>> -> memref<8x4096xf32, #tpu.memory_space<hbm>>
    tpu.enqueue_dma source(%dma_start3A_352 : memref<8x4096xf32, #tpu.memory_space<hbm>>) target(%arg5 : memref<8x4096xf32, #tpu.memory_space<vmem>>) target_semaphore(%arg8 : memref<!tpu.dma_semaphore, #tpu.memory_space<semaphore_mem>>)
    %add3A_353 = arith.constant 88 : i32
    %add3A_354 = arith.addi %mul3A_2, %add3A_353 : i32
    %dma_wait3A_355 = arith.constant 0 : i32
    %dma_wait3A_356 = tpu.memref_slice %arg2[%add3A_354, %dma_wait3A_355] : memref<12800x4096xf32, #tpu.memory_space<hbm>> -> memref<8x4096xf32, #tpu.memory_space<hbm>>
    %dma_wait3A_357 = arith.constant 0 : i32
    %dma_wait3A_358 = tpu.memref_slice %arg2[%add3A_354, %dma_wait3A_357] : memref<12800x4096xf32, #tpu.memory_space<hbm>> -> memref<8x4096xf32, #tpu.memory_space<hbm>>
    tpu.wait_dma2 semaphore(%arg9 : memref<!tpu.dma_semaphore, #tpu.memory_space<semaphore_mem>>) src(%dma_wait3A_358 : memref<8x4096xf32, #tpu.memory_space<hbm>>) dst(%arg6 : memref<8x4096xf32, #tpu.memory_space<vmem>>)
    %scan3A_359 = arith.constant 0 : i32
    %scan3A_360 = arith.constant 0 : i32
    %scan3A_361 = arith.constant 8 : i32
    %scan3A_362 = arith.addi %scan3A_360, %scan3A_361 : i32
    %scan3A_363 = arith.constant 1 : i32
    %scan3A_364 = scf.for %scan3A_1550 = %scan3A_360 to %scan3A_362 step %scan3A_363 iter_args(%scan3A_1551 = %scan3A_359) -> (i32)  : i32 {
      %add3A_1552 = arith.constant 88 : i32
      %add3A_1553 = arith.addi %add3A_1552, %scan3A_1550 : i32
      %broadcast_in_dim3A = vector.broadcast %add3A_1553 : i32 to vector<16xi32>
      %gather3A = tpu.vector_load_idx %arg7[%broadcast_in_dim3A] : memref<400xf32, #tpu.memory_space<vmem>>[vector<16xi32>], vector<16xf32>,
      %scan3A_1554 = arith.constant 0 : i32
      %scan3A_1555 = arith.constant 0 : i32
      %scan3A_1556 = arith.constant 256 : i32
      %scan3A_1557 = arith.addi %scan3A_1555, %scan3A_1556 : i32
      %scan3A_1558 = arith.constant 1 : i32
      %scan3A_1559 = scf.for %scan3A_1562 = %scan3A_1555 to %scan3A_1557 step %scan3A_1558 iter_args(%scan3A_1563 = %scan3A_1554) -> (i32)  : i32 {
        %mul3A_1564 = arith.constant 16 : i32
        %mul3A_1565 = arith.muli %scan3A_1562, %mul3A_1564 : i32
        %get3A = arith.index_cast %scan3A_1550 : i32 to index
        %get3A_1566 = arith.index_cast %mul3A_1565 : i32 to index
        %get3A_1567 = tpu.vector_load %arg6[%get3A, %get3A_1566] {strides = array<i32>} : memref<8x4096xf32, #tpu.memory_space<vmem>>, vector<16xf32>,
        %add3A_1568 = arith.addf %get3A_1567, %gather3A : vector<16xf32>
        %swap3A = arith.index_cast %scan3A_1550 : i32 to index
        %swap3A_1569 = arith.index_cast %mul3A_1565 : i32 to index
        %swap3A_1570 = tpu.vector_load %arg6[%swap3A, %swap3A_1569] {strides = array<i32>} : memref<8x4096xf32, #tpu.memory_space<vmem>>, vector<16xf32>,
        tpu.vector_store %arg6[%swap3A, %swap3A_1569], %add3A_1568 {strides = array<i32>} : memref<8x4096xf32, #tpu.memory_space<vmem>>, vector<16xf32>,
        %scan3A_1571 = arith.constant 0 : i32
        scf.yield %scan3A_1571 : i32
      }
      %scan3A_1560 = arith.constant 256 : i32
      %scan3A_1561 = arith.constant 0 : i32
      scf.yield %scan3A_1561 : i32
    }
    %scan3A_365 = arith.constant 8 : i32
    %add3A_366 = arith.constant 88 : i32
    %add3A_367 = arith.addi %mul3A_2, %add3A_366 : i32
    %dma_start3A_368 = arith.constant 0 : i32
    %dma_start3A_369 = tpu.memref_slice %arg4[%add3A_367, %dma_start3A_368] : memref<12800x4096xf32, #tpu.memory_space<hbm>> -> memref<8x4096xf32, #tpu.memory_space<hbm>>
    %dma_start3A_370 = arith.constant 0 : i32
    %dma_start3A_371 = tpu.memref_slice %arg4[%add3A_367, %dma_start3A_370] : memref<12800x4096xf32, #tpu.memory_space<hbm>> -> memref<8x4096xf32, #tpu.memory_space<hbm>>
    tpu.enqueue_dma source(%arg6 : memref<8x4096xf32, #tpu.memory_space<vmem>>) target(%dma_start3A_371 : memref<8x4096xf32, #tpu.memory_space<hbm>>) target_semaphore(%arg11 : memref<!tpu.dma_semaphore, #tpu.memory_space<semaphore_mem>>)
    %add3A_372 = arith.constant 88 : i32
    %add3A_373 = arith.addi %mul3A_2, %add3A_372 : i32
    %dma_wait3A_374 = arith.constant 0 : i32
    %dma_wait3A_375 = tpu.memref_slice %arg4[%add3A_373, %dma_wait3A_374] : memref<12800x4096xf32, #tpu.memory_space<hbm>> -> memref<8x4096xf32, #tpu.memory_space<hbm>>
    %dma_wait3A_376 = arith.constant 0 : i32
    %dma_wait3A_377 = tpu.memref_slice %arg4[%add3A_373, %dma_wait3A_376] : memref<12800x4096xf32, #tpu.memory_space<hbm>> -> memref<8x4096xf32, #tpu.memory_space<hbm>>
    tpu.wait_dma2 semaphore(%arg11 : memref<!tpu.dma_semaphore, #tpu.memory_space<semaphore_mem>>) src(%arg6 : memref<8x4096xf32, #tpu.memory_space<vmem>>) dst(%dma_wait3A_377 : memref<8x4096xf32, #tpu.memory_space<hbm>>)
    %add3A_378 = arith.constant 104 : i32
    %add3A_379 = arith.addi %mul3A_2, %add3A_378 : i32
    %dma_start3A_380 = arith.constant 0 : i32
    %dma_start3A_381 = tpu.memref_slice %arg2[%add3A_379, %dma_start3A_380] : memref<12800x4096xf32, #tpu.memory_space<hbm>> -> memref<8x4096xf32, #tpu.memory_space<hbm>>
    %dma_start3A_382 = arith.constant 0 : i32
    %dma_start3A_383 = tpu.memref_slice %arg2[%add3A_379, %dma_start3A_382] : memref<12800x4096xf32, #tpu.memory_space<hbm>> -> memref<8x4096xf32, #tpu.memory_space<hbm>>
    tpu.enqueue_dma source(%dma_start3A_383 : memref<8x4096xf32, #tpu.memory_space<hbm>>) target(%arg6 : memref<8x4096xf32, #tpu.memory_space<vmem>>) target_semaphore(%arg9 : memref<!tpu.dma_semaphore, #tpu.memory_space<semaphore_mem>>)
    %add3A_384 = arith.constant 96 : i32
    %add3A_385 = arith.addi %mul3A_2, %add3A_384 : i32
    %dma_wait3A_386 = arith.constant 0 : i32
    %dma_wait3A_387 = tpu.memref_slice %arg2[%add3A_385, %dma_wait3A_386] : memref<12800x4096xf32, #tpu.memory_space<hbm>> -> memref<8x4096xf32, #tpu.memory_space<hbm>>
    %dma_wait3A_388 = arith.constant 0 : i32
    %dma_wait3A_389 = tpu.memref_slice %arg2[%add3A_385, %dma_wait3A_388] : memref<12800x4096xf32, #tpu.memory_space<hbm>> -> memref<8x4096xf32, #tpu.memory_space<hbm>>
    tpu.wait_dma2 semaphore(%arg8 : memref<!tpu.dma_semaphore, #tpu.memory_space<semaphore_mem>>) src(%dma_wait3A_389 : memref<8x4096xf32, #tpu.memory_space<hbm>>) dst(%arg5 : memref<8x4096xf32, #tpu.memory_space<vmem>>)
    %scan3A_390 = arith.constant 0 : i32
    %scan3A_391 = arith.constant 0 : i32
    %scan3A_392 = arith.constant 8 : i32
    %scan3A_393 = arith.addi %scan3A_391, %scan3A_392 : i32
    %scan3A_394 = arith.constant 1 : i32
    %scan3A_395 = scf.for %scan3A_1550 = %scan3A_391 to %scan3A_393 step %scan3A_394 iter_args(%scan3A_1551 = %scan3A_390) -> (i32)  : i32 {
      %add3A_1552 = arith.constant 96 : i32
      %add3A_1553 = arith.addi %add3A_1552, %scan3A_1550 : i32
      %broadcast_in_dim3A = vector.broadcast %add3A_1553 : i32 to vector<16xi32>
      %gather3A = tpu.vector_load_idx %arg7[%broadcast_in_dim3A] : memref<400xf32, #tpu.memory_space<vmem>>[vector<16xi32>], vector<16xf32>,
      %scan3A_1554 = arith.constant 0 : i32
      %scan3A_1555 = arith.constant 0 : i32
      %scan3A_1556 = arith.constant 256 : i32
      %scan3A_1557 = arith.addi %scan3A_1555, %scan3A_1556 : i32
      %scan3A_1558 = arith.constant 1 : i32
      %scan3A_1559 = scf.for %scan3A_1562 = %scan3A_1555 to %scan3A_1557 step %scan3A_1558 iter_args(%scan3A_1563 = %scan3A_1554) -> (i32)  : i32 {
        %mul3A_1564 = arith.constant 16 : i32
        %mul3A_1565 = arith.muli %scan3A_1562, %mul3A_1564 : i32
        %get3A = arith.index_cast %scan3A_1550 : i32 to index
        %get3A_1566 = arith.index_cast %mul3A_1565 : i32 to index
        %get3A_1567 = tpu.vector_load %arg5[%get3A, %get3A_1566] {strides = array<i32>} : memref<8x4096xf32, #tpu.memory_space<vmem>>, vector<16xf32>,
        %add3A_1568 = arith.addf %get3A_1567, %gather3A : vector<16xf32>
        %swap3A = arith.index_cast %scan3A_1550 : i32 to index
        %swap3A_1569 = arith.index_cast %mul3A_1565 : i32 to index
        %swap3A_1570 = tpu.vector_load %arg5[%swap3A, %swap3A_1569] {strides = array<i32>} : memref<8x4096xf32, #tpu.memory_space<vmem>>, vector<16xf32>,
        tpu.vector_store %arg5[%swap3A, %swap3A_1569], %add3A_1568 {strides = array<i32>} : memref<8x4096xf32, #tpu.memory_space<vmem>>, vector<16xf32>,
        %scan3A_1571 = arith.constant 0 : i32
        scf.yield %scan3A_1571 : i32
      }
      %scan3A_1560 = arith.constant 256 : i32
      %scan3A_1561 = arith.constant 0 : i32
      scf.yield %scan3A_1561 : i32
    }
    %scan3A_396 = arith.constant 8 : i32
    %add3A_397 = arith.constant 96 : i32
    %add3A_398 = arith.addi %mul3A_2, %add3A_397 : i32
    %dma_start3A_399 = arith.constant 0 : i32
    %dma_start3A_400 = tpu.memref_slice %arg4[%add3A_398, %dma_start3A_399] : memref<12800x4096xf32, #tpu.memory_space<hbm>> -> memref<8x4096xf32, #tpu.memory_space<hbm>>
    %dma_start3A_401 = arith.constant 0 : i32
    %dma_start3A_402 = tpu.memref_slice %arg4[%add3A_398, %dma_start3A_401] : memref<12800x4096xf32, #tpu.memory_space<hbm>> -> memref<8x4096xf32, #tpu.memory_space<hbm>>
    tpu.enqueue_dma source(%arg5 : memref<8x4096xf32, #tpu.memory_space<vmem>>) target(%dma_start3A_402 : memref<8x4096xf32, #tpu.memory_space<hbm>>) target_semaphore(%arg10 : memref<!tpu.dma_semaphore, #tpu.memory_space<semaphore_mem>>)
    %add3A_403 = arith.constant 96 : i32
    %add3A_404 = arith.addi %mul3A_2, %add3A_403 : i32
    %dma_wait3A_405 = arith.constant 0 : i32
    %dma_wait3A_406 = tpu.memref_slice %arg4[%add3A_404, %dma_wait3A_405] : memref<12800x4096xf32, #tpu.memory_space<hbm>> -> memref<8x4096xf32, #tpu.memory_space<hbm>>
    %dma_wait3A_407 = arith.constant 0 : i32
    %dma_wait3A_408 = tpu.memref_slice %arg4[%add3A_404, %dma_wait3A_407] : memref<12800x4096xf32, #tpu.memory_space<hbm>> -> memref<8x4096xf32, #tpu.memory_space<hbm>>
    tpu.wait_dma2 semaphore(%arg10 : memref<!tpu.dma_semaphore, #tpu.memory_space<semaphore_mem>>) src(%arg5 : memref<8x4096xf32, #tpu.memory_space<vmem>>) dst(%dma_wait3A_408 : memref<8x4096xf32, #tpu.memory_space<hbm>>)
    %add3A_409 = arith.constant 112 : i32
    %add3A_410 = arith.addi %mul3A_2, %add3A_409 : i32
    %dma_start3A_411 = arith.constant 0 : i32
    %dma_start3A_412 = tpu.memref_slice %arg2[%add3A_410, %dma_start3A_411] : memref<12800x4096xf32, #tpu.memory_space<hbm>> -> memref<8x4096xf32, #tpu.memory_space<hbm>>
    %dma_start3A_413 = arith.constant 0 : i32
    %dma_start3A_414 = tpu.memref_slice %arg2[%add3A_410, %dma_start3A_413] : memref<12800x4096xf32, #tpu.memory_space<hbm>> -> memref<8x4096xf32, #tpu.memory_space<hbm>>
    tpu.enqueue_dma source(%dma_start3A_414 : memref<8x4096xf32, #tpu.memory_space<hbm>>) target(%arg5 : memref<8x4096xf32, #tpu.memory_space<vmem>>) target_semaphore(%arg8 : memref<!tpu.dma_semaphore, #tpu.memory_space<semaphore_mem>>)
    %add3A_415 = arith.constant 104 : i32
    %add3A_416 = arith.addi %mul3A_2, %add3A_415 : i32
    %dma_wait3A_417 = arith.constant 0 : i32
    %dma_wait3A_418 = tpu.memref_slice %arg2[%add3A_416, %dma_wait3A_417] : memref<12800x4096xf32, #tpu.memory_space<hbm>> -> memref<8x4096xf32, #tpu.memory_space<hbm>>
    %dma_wait3A_419 = arith.constant 0 : i32
    %dma_wait3A_420 = tpu.memref_slice %arg2[%add3A_416, %dma_wait3A_419] : memref<12800x4096xf32, #tpu.memory_space<hbm>> -> memref<8x4096xf32, #tpu.memory_space<hbm>>
    tpu.wait_dma2 semaphore(%arg9 : memref<!tpu.dma_semaphore, #tpu.memory_space<semaphore_mem>>) src(%dma_wait3A_420 : memref<8x4096xf32, #tpu.memory_space<hbm>>) dst(%arg6 : memref<8x4096xf32, #tpu.memory_space<vmem>>)
    %scan3A_421 = arith.constant 0 : i32
    %scan3A_422 = arith.constant 0 : i32
    %scan3A_423 = arith.constant 8 : i32
    %scan3A_424 = arith.addi %scan3A_422, %scan3A_423 : i32
    %scan3A_425 = arith.constant 1 : i32
    %scan3A_426 = scf.for %scan3A_1550 = %scan3A_422 to %scan3A_424 step %scan3A_425 iter_args(%scan3A_1551 = %scan3A_421) -> (i32)  : i32 {
      %add3A_1552 = arith.constant 104 : i32
      %add3A_1553 = arith.addi %add3A_1552, %scan3A_1550 : i32
      %broadcast_in_dim3A = vector.broadcast %add3A_1553 : i32 to vector<16xi32>
      %gather3A = tpu.vector_load_idx %arg7[%broadcast_in_dim3A] : memref<400xf32, #tpu.memory_space<vmem>>[vector<16xi32>], vector<16xf32>,
      %scan3A_1554 = arith.constant 0 : i32
      %scan3A_1555 = arith.constant 0 : i32
      %scan3A_1556 = arith.constant 256 : i32
      %scan3A_1557 = arith.addi %scan3A_1555, %scan3A_1556 : i32
      %scan3A_1558 = arith.constant 1 : i32
      %scan3A_1559 = scf.for %scan3A_1562 = %scan3A_1555 to %scan3A_1557 step %scan3A_1558 iter_args(%scan3A_1563 = %scan3A_1554) -> (i32)  : i32 {
        %mul3A_1564 = arith.constant 16 : i32
        %mul3A_1565 = arith.muli %scan3A_1562, %mul3A_1564 : i32
        %get3A = arith.index_cast %scan3A_1550 : i32 to index
        %get3A_1566 = arith.index_cast %mul3A_1565 : i32 to index
        %get3A_1567 = tpu.vector_load %arg6[%get3A, %get3A_1566] {strides = array<i32>} : memref<8x4096xf32, #tpu.memory_space<vmem>>, vector<16xf32>,
        %add3A_1568 = arith.addf %get3A_1567, %gather3A : vector<16xf32>
        %swap3A = arith.index_cast %scan3A_1550 : i32 to index
        %swap3A_1569 = arith.index_cast %mul3A_1565 : i32 to index
        %swap3A_1570 = tpu.vector_load %arg6[%swap3A, %swap3A_1569] {strides = array<i32>} : memref<8x4096xf32, #tpu.memory_space<vmem>>, vector<16xf32>,
        tpu.vector_store %arg6[%swap3A, %swap3A_1569], %add3A_1568 {strides = array<i32>} : memref<8x4096xf32, #tpu.memory_space<vmem>>, vector<16xf32>,
        %scan3A_1571 = arith.constant 0 : i32
        scf.yield %scan3A_1571 : i32
      }
      %scan3A_1560 = arith.constant 256 : i32
      %scan3A_1561 = arith.constant 0 : i32
      scf.yield %scan3A_1561 : i32
    }
    %scan3A_427 = arith.constant 8 : i32
    %add3A_428 = arith.constant 104 : i32
    %add3A_429 = arith.addi %mul3A_2, %add3A_428 : i32
    %dma_start3A_430 = arith.constant 0 : i32
    %dma_start3A_431 = tpu.memref_slice %arg4[%add3A_429, %dma_start3A_430] : memref<12800x4096xf32, #tpu.memory_space<hbm>> -> memref<8x4096xf32, #tpu.memory_space<hbm>>
    %dma_start3A_432 = arith.constant 0 : i32
    %dma_start3A_433 = tpu.memref_slice %arg4[%add3A_429, %dma_start3A_432] : memref<12800x4096xf32, #tpu.memory_space<hbm>> -> memref<8x4096xf32, #tpu.memory_space<hbm>>
    tpu.enqueue_dma source(%arg6 : memref<8x4096xf32, #tpu.memory_space<vmem>>) target(%dma_start3A_433 : memref<8x4096xf32, #tpu.memory_space<hbm>>) target_semaphore(%arg11 : memref<!tpu.dma_semaphore, #tpu.memory_space<semaphore_mem>>)
    %add3A_434 = arith.constant 104 : i32
    %add3A_435 = arith.addi %mul3A_2, %add3A_434 : i32
    %dma_wait3A_436 = arith.constant 0 : i32
    %dma_wait3A_437 = tpu.memref_slice %arg4[%add3A_435, %dma_wait3A_436] : memref<12800x4096xf32, #tpu.memory_space<hbm>> -> memref<8x4096xf32, #tpu.memory_space<hbm>>
    %dma_wait3A_438 = arith.constant 0 : i32
    %dma_wait3A_439 = tpu.memref_slice %arg4[%add3A_435, %dma_wait3A_438] : memref<12800x4096xf32, #tpu.memory_space<hbm>> -> memref<8x4096xf32, #tpu.memory_space<hbm>>
    tpu.wait_dma2 semaphore(%arg11 : memref<!tpu.dma_semaphore, #tpu.memory_space<semaphore_mem>>) src(%arg6 : memref<8x4096xf32, #tpu.memory_space<vmem>>) dst(%dma_wait3A_439 : memref<8x4096xf32, #tpu.memory_space<hbm>>)
    %add3A_440 = arith.constant 120 : i32
    %add3A_441 = arith.addi %mul3A_2, %add3A_440 : i32
    %dma_start3A_442 = arith.constant 0 : i32
    %dma_start3A_443 = tpu.memref_slice %arg2[%add3A_441, %dma_start3A_442] : memref<12800x4096xf32, #tpu.memory_space<hbm>> -> memref<8x4096xf32, #tpu.memory_space<hbm>>
    %dma_start3A_444 = arith.constant 0 : i32
    %dma_start3A_445 = tpu.memref_slice %arg2[%add3A_441, %dma_start3A_444] : memref<12800x4096xf32, #tpu.memory_space<hbm>> -> memref<8x4096xf32, #tpu.memory_space<hbm>>
    tpu.enqueue_dma source(%dma_start3A_445 : memref<8x4096xf32, #tpu.memory_space<hbm>>) target(%arg6 : memref<8x4096xf32, #tpu.memory_space<vmem>>) target_semaphore(%arg9 : memref<!tpu.dma_semaphore, #tpu.memory_space<semaphore_mem>>)
    %add3A_446 = arith.constant 112 : i32
    %add3A_447 = arith.addi %mul3A_2, %add3A_446 : i32
    %dma_wait3A_448 = arith.constant 0 : i32
    %dma_wait3A_449 = tpu.memref_slice %arg2[%add3A_447, %dma_wait3A_448] : memref<12800x4096xf32, #tpu.memory_space<hbm>> -> memref<8x4096xf32, #tpu.memory_space<hbm>>
    %dma_wait3A_450 = arith.constant 0 : i32
    %dma_wait3A_451 = tpu.memref_slice %arg2[%add3A_447, %dma_wait3A_450] : memref<12800x4096xf32, #tpu.memory_space<hbm>> -> memref<8x4096xf32, #tpu.memory_space<hbm>>
    tpu.wait_dma2 semaphore(%arg8 : memref<!tpu.dma_semaphore, #tpu.memory_space<semaphore_mem>>) src(%dma_wait3A_451 : memref<8x4096xf32, #tpu.memory_space<hbm>>) dst(%arg5 : memref<8x4096xf32, #tpu.memory_space<vmem>>)
    %scan3A_452 = arith.constant 0 : i32
    %scan3A_453 = arith.constant 0 : i32
    %scan3A_454 = arith.constant 8 : i32
    %scan3A_455 = arith.addi %scan3A_453, %scan3A_454 : i32
    %scan3A_456 = arith.constant 1 : i32
    %scan3A_457 = scf.for %scan3A_1550 = %scan3A_453 to %scan3A_455 step %scan3A_456 iter_args(%scan3A_1551 = %scan3A_452) -> (i32)  : i32 {
      %add3A_1552 = arith.constant 112 : i32
      %add3A_1553 = arith.addi %add3A_1552, %scan3A_1550 : i32
      %broadcast_in_dim3A = vector.broadcast %add3A_1553 : i32 to vector<16xi32>
      %gather3A = tpu.vector_load_idx %arg7[%broadcast_in_dim3A] : memref<400xf32, #tpu.memory_space<vmem>>[vector<16xi32>], vector<16xf32>,
      %scan3A_1554 = arith.constant 0 : i32
      %scan3A_1555 = arith.constant 0 : i32
      %scan3A_1556 = arith.constant 256 : i32
      %scan3A_1557 = arith.addi %scan3A_1555, %scan3A_1556 : i32
      %scan3A_1558 = arith.constant 1 : i32
      %scan3A_1559 = scf.for %scan3A_1562 = %scan3A_1555 to %scan3A_1557 step %scan3A_1558 iter_args(%scan3A_1563 = %scan3A_1554) -> (i32)  : i32 {
        %mul3A_1564 = arith.constant 16 : i32
        %mul3A_1565 = arith.muli %scan3A_1562, %mul3A_1564 : i32
        %get3A = arith.index_cast %scan3A_1550 : i32 to index
        %get3A_1566 = arith.index_cast %mul3A_1565 : i32 to index
        %get3A_1567 = tpu.vector_load %arg5[%get3A, %get3A_1566] {strides = array<i32>} : memref<8x4096xf32, #tpu.memory_space<vmem>>, vector<16xf32>,
        %add3A_1568 = arith.addf %get3A_1567, %gather3A : vector<16xf32>
        %swap3A = arith.index_cast %scan3A_1550 : i32 to index
        %swap3A_1569 = arith.index_cast %mul3A_1565 : i32 to index
        %swap3A_1570 = tpu.vector_load %arg5[%swap3A, %swap3A_1569] {strides = array<i32>} : memref<8x4096xf32, #tpu.memory_space<vmem>>, vector<16xf32>,
        tpu.vector_store %arg5[%swap3A, %swap3A_1569], %add3A_1568 {strides = array<i32>} : memref<8x4096xf32, #tpu.memory_space<vmem>>, vector<16xf32>,
        %scan3A_1571 = arith.constant 0 : i32
        scf.yield %scan3A_1571 : i32
      }
      %scan3A_1560 = arith.constant 256 : i32
      %scan3A_1561 = arith.constant 0 : i32
      scf.yield %scan3A_1561 : i32
    }
    %scan3A_458 = arith.constant 8 : i32
    %add3A_459 = arith.constant 112 : i32
    %add3A_460 = arith.addi %mul3A_2, %add3A_459 : i32
    %dma_start3A_461 = arith.constant 0 : i32
    %dma_start3A_462 = tpu.memref_slice %arg4[%add3A_460, %dma_start3A_461] : memref<12800x4096xf32, #tpu.memory_space<hbm>> -> memref<8x4096xf32, #tpu.memory_space<hbm>>
    %dma_start3A_463 = arith.constant 0 : i32
    %dma_start3A_464 = tpu.memref_slice %arg4[%add3A_460, %dma_start3A_463] : memref<12800x4096xf32, #tpu.memory_space<hbm>> -> memref<8x4096xf32, #tpu.memory_space<hbm>>
    tpu.enqueue_dma source(%arg5 : memref<8x4096xf32, #tpu.memory_space<vmem>>) target(%dma_start3A_464 : memref<8x4096xf32, #tpu.memory_space<hbm>>) target_semaphore(%arg10 : memref<!tpu.dma_semaphore, #tpu.memory_space<semaphore_mem>>)
    %add3A_465 = arith.constant 112 : i32
    %add3A_466 = arith.addi %mul3A_2, %add3A_465 : i32
    %dma_wait3A_467 = arith.constant 0 : i32
    %dma_wait3A_468 = tpu.memref_slice %arg4[%add3A_466, %dma_wait3A_467] : memref<12800x4096xf32, #tpu.memory_space<hbm>> -> memref<8x4096xf32, #tpu.memory_space<hbm>>
    %dma_wait3A_469 = arith.constant 0 : i32
    %dma_wait3A_470 = tpu.memref_slice %arg4[%add3A_466, %dma_wait3A_469] : memref<12800x4096xf32, #tpu.memory_space<hbm>> -> memref<8x4096xf32, #tpu.memory_space<hbm>>
    tpu.wait_dma2 semaphore(%arg10 : memref<!tpu.dma_semaphore, #tpu.memory_space<semaphore_mem>>) src(%arg5 : memref<8x4096xf32, #tpu.memory_space<vmem>>) dst(%dma_wait3A_470 : memref<8x4096xf32, #tpu.memory_space<hbm>>)
    %add3A_471 = arith.constant 128 : i32
    %add3A_472 = arith.addi %mul3A_2, %add3A_471 : i32
    %dma_start3A_473 = arith.constant 0 : i32
    %dma_start3A_474 = tpu.memref_slice %arg2[%add3A_472, %dma_start3A_473] : memref<12800x4096xf32, #tpu.memory_space<hbm>> -> memref<8x4096xf32, #tpu.memory_space<hbm>>
    %dma_start3A_475 = arith.constant 0 : i32
    %dma_start3A_476 = tpu.memref_slice %arg2[%add3A_472, %dma_start3A_475] : memref<12800x4096xf32, #tpu.memory_space<hbm>> -> memref<8x4096xf32, #tpu.memory_space<hbm>>
    tpu.enqueue_dma source(%dma_start3A_476 : memref<8x4096xf32, #tpu.memory_space<hbm>>) target(%arg5 : memref<8x4096xf32, #tpu.memory_space<vmem>>) target_semaphore(%arg8 : memref<!tpu.dma_semaphore, #tpu.memory_space<semaphore_mem>>)
    %add3A_477 = arith.constant 120 : i32
    %add3A_478 = arith.addi %mul3A_2, %add3A_477 : i32
    %dma_wait3A_479 = arith.constant 0 : i32
    %dma_wait3A_480 = tpu.memref_slice %arg2[%add3A_478, %dma_wait3A_479] : memref<12800x4096xf32, #tpu.memory_space<hbm>> -> memref<8x4096xf32, #tpu.memory_space<hbm>>
    %dma_wait3A_481 = arith.constant 0 : i32
    %dma_wait3A_482 = tpu.memref_slice %arg2[%add3A_478, %dma_wait3A_481] : memref<12800x4096xf32, #tpu.memory_space<hbm>> -> memref<8x4096xf32, #tpu.memory_space<hbm>>
    tpu.wait_dma2 semaphore(%arg9 : memref<!tpu.dma_semaphore, #tpu.memory_space<semaphore_mem>>) src(%dma_wait3A_482 : memref<8x4096xf32, #tpu.memory_space<hbm>>) dst(%arg6 : memref<8x4096xf32, #tpu.memory_space<vmem>>)
    %scan3A_483 = arith.constant 0 : i32
    %scan3A_484 = arith.constant 0 : i32
    %scan3A_485 = arith.constant 8 : i32
    %scan3A_486 = arith.addi %scan3A_484, %scan3A_485 : i32
    %scan3A_487 = arith.constant 1 : i32
    %scan3A_488 = scf.for %scan3A_1550 = %scan3A_484 to %scan3A_486 step %scan3A_487 iter_args(%scan3A_1551 = %scan3A_483) -> (i32)  : i32 {
      %add3A_1552 = arith.constant 120 : i32
      %add3A_1553 = arith.addi %add3A_1552, %scan3A_1550 : i32
      %broadcast_in_dim3A = vector.broadcast %add3A_1553 : i32 to vector<16xi32>
      %gather3A = tpu.vector_load_idx %arg7[%broadcast_in_dim3A] : memref<400xf32, #tpu.memory_space<vmem>>[vector<16xi32>], vector<16xf32>,
      %scan3A_1554 = arith.constant 0 : i32
      %scan3A_1555 = arith.constant 0 : i32
      %scan3A_1556 = arith.constant 256 : i32
      %scan3A_1557 = arith.addi %scan3A_1555, %scan3A_1556 : i32
      %scan3A_1558 = arith.constant 1 : i32
      %scan3A_1559 = scf.for %scan3A_1562 = %scan3A_1555 to %scan3A_1557 step %scan3A_1558 iter_args(%scan3A_1563 = %scan3A_1554) -> (i32)  : i32 {
        %mul3A_1564 = arith.constant 16 : i32
        %mul3A_1565 = arith.muli %scan3A_1562, %mul3A_1564 : i32
        %get3A = arith.index_cast %scan3A_1550 : i32 to index
        %get3A_1566 = arith.index_cast %mul3A_1565 : i32 to index
        %get3A_1567 = tpu.vector_load %arg6[%get3A, %get3A_1566] {strides = array<i32>} : memref<8x4096xf32, #tpu.memory_space<vmem>>, vector<16xf32>,
        %add3A_1568 = arith.addf %get3A_1567, %gather3A : vector<16xf32>
        %swap3A = arith.index_cast %scan3A_1550 : i32 to index
        %swap3A_1569 = arith.index_cast %mul3A_1565 : i32 to index
        %swap3A_1570 = tpu.vector_load %arg6[%swap3A, %swap3A_1569] {strides = array<i32>} : memref<8x4096xf32, #tpu.memory_space<vmem>>, vector<16xf32>,
        tpu.vector_store %arg6[%swap3A, %swap3A_1569], %add3A_1568 {strides = array<i32>} : memref<8x4096xf32, #tpu.memory_space<vmem>>, vector<16xf32>,
        %scan3A_1571 = arith.constant 0 : i32
        scf.yield %scan3A_1571 : i32
      }
      %scan3A_1560 = arith.constant 256 : i32
      %scan3A_1561 = arith.constant 0 : i32
      scf.yield %scan3A_1561 : i32
    }
    %scan3A_489 = arith.constant 8 : i32
    %add3A_490 = arith.constant 120 : i32
    %add3A_491 = arith.addi %mul3A_2, %add3A_490 : i32
    %dma_start3A_492 = arith.constant 0 : i32
    %dma_start3A_493 = tpu.memref_slice %arg4[%add3A_491, %dma_start3A_492] : memref<12800x4096xf32, #tpu.memory_space<hbm>> -> memref<8x4096xf32, #tpu.memory_space<hbm>>
    %dma_start3A_494 = arith.constant 0 : i32
    %dma_start3A_495 = tpu.memref_slice %arg4[%add3A_491, %dma_start3A_494] : memref<12800x4096xf32, #tpu.memory_space<hbm>> -> memref<8x4096xf32, #tpu.memory_space<hbm>>
    tpu.enqueue_dma source(%arg6 : memref<8x4096xf32, #tpu.memory_space<vmem>>) target(%dma_start3A_495 : memref<8x4096xf32, #tpu.memory_space<hbm>>) target_semaphore(%arg11 : memref<!tpu.dma_semaphore, #tpu.memory_space<semaphore_mem>>)
    %add3A_496 = arith.constant 120 : i32
    %add3A_497 = arith.addi %mul3A_2, %add3A_496 : i32
    %dma_wait3A_498 = arith.constant 0 : i32
    %dma_wait3A_499 = tpu.memref_slice %arg4[%add3A_497, %dma_wait3A_498] : memref<12800x4096xf32, #tpu.memory_space<hbm>> -> memref<8x4096xf32, #tpu.memory_space<hbm>>
    %dma_wait3A_500 = arith.constant 0 : i32
    %dma_wait3A_501 = tpu.memref_slice %arg4[%add3A_497, %dma_wait3A_500] : memref<12800x4096xf32, #tpu.memory_space<hbm>> -> memref<8x4096xf32, #tpu.memory_space<hbm>>
    tpu.wait_dma2 semaphore(%arg11 : memref<!tpu.dma_semaphore, #tpu.memory_space<semaphore_mem>>) src(%arg6 : memref<8x4096xf32, #tpu.memory_space<vmem>>) dst(%dma_wait3A_501 : memref<8x4096xf32, #tpu.memory_space<hbm>>)
    %add3A_502 = arith.constant 136 : i32
    %add3A_503 = arith.addi %mul3A_2, %add3A_502 : i32
    %dma_start3A_504 = arith.constant 0 : i32
    %dma_start3A_505 = tpu.memref_slice %arg2[%add3A_503, %dma_start3A_504] : memref<12800x4096xf32, #tpu.memory_space<hbm>> -> memref<8x4096xf32, #tpu.memory_space<hbm>>
    %dma_start3A_506 = arith.constant 0 : i32
    %dma_start3A_507 = tpu.memref_slice %arg2[%add3A_503, %dma_start3A_506] : memref<12800x4096xf32, #tpu.memory_space<hbm>> -> memref<8x4096xf32, #tpu.memory_space<hbm>>
    tpu.enqueue_dma source(%dma_start3A_507 : memref<8x4096xf32, #tpu.memory_space<hbm>>) target(%arg6 : memref<8x4096xf32, #tpu.memory_space<vmem>>) target_semaphore(%arg9 : memref<!tpu.dma_semaphore, #tpu.memory_space<semaphore_mem>>)
    %add3A_508 = arith.constant 128 : i32
    %add3A_509 = arith.addi %mul3A_2, %add3A_508 : i32
    %dma_wait3A_510 = arith.constant 0 : i32
    %dma_wait3A_511 = tpu.memref_slice %arg2[%add3A_509, %dma_wait3A_510] : memref<12800x4096xf32, #tpu.memory_space<hbm>> -> memref<8x4096xf32, #tpu.memory_space<hbm>>
    %dma_wait3A_512 = arith.constant 0 : i32
    %dma_wait3A_513 = tpu.memref_slice %arg2[%add3A_509, %dma_wait3A_512] : memref<12800x4096xf32, #tpu.memory_space<hbm>> -> memref<8x4096xf32, #tpu.memory_space<hbm>>
    tpu.wait_dma2 semaphore(%arg8 : memref<!tpu.dma_semaphore, #tpu.memory_space<semaphore_mem>>) src(%dma_wait3A_513 : memref<8x4096xf32, #tpu.memory_space<hbm>>) dst(%arg5 : memref<8x4096xf32, #tpu.memory_space<vmem>>)
    %scan3A_514 = arith.constant 0 : i32
    %scan3A_515 = arith.constant 0 : i32
    %scan3A_516 = arith.constant 8 : i32
    %scan3A_517 = arith.addi %scan3A_515, %scan3A_516 : i32
    %scan3A_518 = arith.constant 1 : i32
    %scan3A_519 = scf.for %scan3A_1550 = %scan3A_515 to %scan3A_517 step %scan3A_518 iter_args(%scan3A_1551 = %scan3A_514) -> (i32)  : i32 {
      %add3A_1552 = arith.constant 128 : i32
      %add3A_1553 = arith.addi %add3A_1552, %scan3A_1550 : i32
      %broadcast_in_dim3A = vector.broadcast %add3A_1553 : i32 to vector<16xi32>
      %gather3A = tpu.vector_load_idx %arg7[%broadcast_in_dim3A] : memref<400xf32, #tpu.memory_space<vmem>>[vector<16xi32>], vector<16xf32>,
      %scan3A_1554 = arith.constant 0 : i32
      %scan3A_1555 = arith.constant 0 : i32
      %scan3A_1556 = arith.constant 256 : i32
      %scan3A_1557 = arith.addi %scan3A_1555, %scan3A_1556 : i32
      %scan3A_1558 = arith.constant 1 : i32
      %scan3A_1559 = scf.for %scan3A_1562 = %scan3A_1555 to %scan3A_1557 step %scan3A_1558 iter_args(%scan3A_1563 = %scan3A_1554) -> (i32)  : i32 {
        %mul3A_1564 = arith.constant 16 : i32
        %mul3A_1565 = arith.muli %scan3A_1562, %mul3A_1564 : i32
        %get3A = arith.index_cast %scan3A_1550 : i32 to index
        %get3A_1566 = arith.index_cast %mul3A_1565 : i32 to index
        %get3A_1567 = tpu.vector_load %arg5[%get3A, %get3A_1566] {strides = array<i32>} : memref<8x4096xf32, #tpu.memory_space<vmem>>, vector<16xf32>,
        %add3A_1568 = arith.addf %get3A_1567, %gather3A : vector<16xf32>
        %swap3A = arith.index_cast %scan3A_1550 : i32 to index
        %swap3A_1569 = arith.index_cast %mul3A_1565 : i32 to index
        %swap3A_1570 = tpu.vector_load %arg5[%swap3A, %swap3A_1569] {strides = array<i32>} : memref<8x4096xf32, #tpu.memory_space<vmem>>, vector<16xf32>,
        tpu.vector_store %arg5[%swap3A, %swap3A_1569], %add3A_1568 {strides = array<i32>} : memref<8x4096xf32, #tpu.memory_space<vmem>>, vector<16xf32>,
        %scan3A_1571 = arith.constant 0 : i32
        scf.yield %scan3A_1571 : i32
      }
      %scan3A_1560 = arith.constant 256 : i32
      %scan3A_1561 = arith.constant 0 : i32
      scf.yield %scan3A_1561 : i32
    }
    %scan3A_520 = arith.constant 8 : i32
    %add3A_521 = arith.constant 128 : i32
    %add3A_522 = arith.addi %mul3A_2, %add3A_521 : i32
    %dma_start3A_523 = arith.constant 0 : i32
    %dma_start3A_524 = tpu.memref_slice %arg4[%add3A_522, %dma_start3A_523] : memref<12800x4096xf32, #tpu.memory_space<hbm>> -> memref<8x4096xf32, #tpu.memory_space<hbm>>
    %dma_start3A_525 = arith.constant 0 : i32
    %dma_start3A_526 = tpu.memref_slice %arg4[%add3A_522, %dma_start3A_525] : memref<12800x4096xf32, #tpu.memory_space<hbm>> -> memref<8x4096xf32, #tpu.memory_space<hbm>>
    tpu.enqueue_dma source(%arg5 : memref<8x4096xf32, #tpu.memory_space<vmem>>) target(%dma_start3A_526 : memref<8x4096xf32, #tpu.memory_space<hbm>>) target_semaphore(%arg10 : memref<!tpu.dma_semaphore, #tpu.memory_space<semaphore_mem>>)
    %add3A_527 = arith.constant 128 : i32
    %add3A_528 = arith.addi %mul3A_2, %add3A_527 : i32
    %dma_wait3A_529 = arith.constant 0 : i32
    %dma_wait3A_530 = tpu.memref_slice %arg4[%add3A_528, %dma_wait3A_529] : memref<12800x4096xf32, #tpu.memory_space<hbm>> -> memref<8x4096xf32, #tpu.memory_space<hbm>>
    %dma_wait3A_531 = arith.constant 0 : i32
    %dma_wait3A_532 = tpu.memref_slice %arg4[%add3A_528, %dma_wait3A_531] : memref<12800x4096xf32, #tpu.memory_space<hbm>> -> memref<8x4096xf32, #tpu.memory_space<hbm>>
    tpu.wait_dma2 semaphore(%arg10 : memref<!tpu.dma_semaphore, #tpu.memory_space<semaphore_mem>>) src(%arg5 : memref<8x4096xf32, #tpu.memory_space<vmem>>) dst(%dma_wait3A_532 : memref<8x4096xf32, #tpu.memory_space<hbm>>)
    %add3A_533 = arith.constant 144 : i32
    %add3A_534 = arith.addi %mul3A_2, %add3A_533 : i32
    %dma_start3A_535 = arith.constant 0 : i32
    %dma_start3A_536 = tpu.memref_slice %arg2[%add3A_534, %dma_start3A_535] : memref<12800x4096xf32, #tpu.memory_space<hbm>> -> memref<8x4096xf32, #tpu.memory_space<hbm>>
    %dma_start3A_537 = arith.constant 0 : i32
    %dma_start3A_538 = tpu.memref_slice %arg2[%add3A_534, %dma_start3A_537] : memref<12800x4096xf32, #tpu.memory_space<hbm>> -> memref<8x4096xf32, #tpu.memory_space<hbm>>
    tpu.enqueue_dma source(%dma_start3A_538 : memref<8x4096xf32, #tpu.memory_space<hbm>>) target(%arg5 : memref<8x4096xf32, #tpu.memory_space<vmem>>) target_semaphore(%arg8 : memref<!tpu.dma_semaphore, #tpu.memory_space<semaphore_mem>>)
    %add3A_539 = arith.constant 136 : i32
    %add3A_540 = arith.addi %mul3A_2, %add3A_539 : i32
    %dma_wait3A_541 = arith.constant 0 : i32
    %dma_wait3A_542 = tpu.memref_slice %arg2[%add3A_540, %dma_wait3A_541] : memref<12800x4096xf32, #tpu.memory_space<hbm>> -> memref<8x4096xf32, #tpu.memory_space<hbm>>
    %dma_wait3A_543 = arith.constant 0 : i32
    %dma_wait3A_544 = tpu.memref_slice %arg2[%add3A_540, %dma_wait3A_543] : memref<12800x4096xf32, #tpu.memory_space<hbm>> -> memref<8x4096xf32, #tpu.memory_space<hbm>>
    tpu.wait_dma2 semaphore(%arg9 : memref<!tpu.dma_semaphore, #tpu.memory_space<semaphore_mem>>) src(%dma_wait3A_544 : memref<8x4096xf32, #tpu.memory_space<hbm>>) dst(%arg6 : memref<8x4096xf32, #tpu.memory_space<vmem>>)
    %scan3A_545 = arith.constant 0 : i32
    %scan3A_546 = arith.constant 0 : i32
    %scan3A_547 = arith.constant 8 : i32
    %scan3A_548 = arith.addi %scan3A_546, %scan3A_547 : i32
    %scan3A_549 = arith.constant 1 : i32
    %scan3A_550 = scf.for %scan3A_1550 = %scan3A_546 to %scan3A_548 step %scan3A_549 iter_args(%scan3A_1551 = %scan3A_545) -> (i32)  : i32 {
      %add3A_1552 = arith.constant 136 : i32
      %add3A_1553 = arith.addi %add3A_1552, %scan3A_1550 : i32
      %broadcast_in_dim3A = vector.broadcast %add3A_1553 : i32 to vector<16xi32>
      %gather3A = tpu.vector_load_idx %arg7[%broadcast_in_dim3A] : memref<400xf32, #tpu.memory_space<vmem>>[vector<16xi32>], vector<16xf32>,
      %scan3A_1554 = arith.constant 0 : i32
      %scan3A_1555 = arith.constant 0 : i32
      %scan3A_1556 = arith.constant 256 : i32
      %scan3A_1557 = arith.addi %scan3A_1555, %scan3A_1556 : i32
      %scan3A_1558 = arith.constant 1 : i32
      %scan3A_1559 = scf.for %scan3A_1562 = %scan3A_1555 to %scan3A_1557 step %scan3A_1558 iter_args(%scan3A_1563 = %scan3A_1554) -> (i32)  : i32 {
        %mul3A_1564 = arith.constant 16 : i32
        %mul3A_1565 = arith.muli %scan3A_1562, %mul3A_1564 : i32
        %get3A = arith.index_cast %scan3A_1550 : i32 to index
        %get3A_1566 = arith.index_cast %mul3A_1565 : i32 to index
        %get3A_1567 = tpu.vector_load %arg6[%get3A, %get3A_1566] {strides = array<i32>} : memref<8x4096xf32, #tpu.memory_space<vmem>>, vector<16xf32>,
        %add3A_1568 = arith.addf %get3A_1567, %gather3A : vector<16xf32>
        %swap3A = arith.index_cast %scan3A_1550 : i32 to index
        %swap3A_1569 = arith.index_cast %mul3A_1565 : i32 to index
        %swap3A_1570 = tpu.vector_load %arg6[%swap3A, %swap3A_1569] {strides = array<i32>} : memref<8x4096xf32, #tpu.memory_space<vmem>>, vector<16xf32>,
        tpu.vector_store %arg6[%swap3A, %swap3A_1569], %add3A_1568 {strides = array<i32>} : memref<8x4096xf32, #tpu.memory_space<vmem>>, vector<16xf32>,
        %scan3A_1571 = arith.constant 0 : i32
        scf.yield %scan3A_1571 : i32
      }
      %scan3A_1560 = arith.constant 256 : i32
      %scan3A_1561 = arith.constant 0 : i32
      scf.yield %scan3A_1561 : i32
    }
    %scan3A_551 = arith.constant 8 : i32
    %add3A_552 = arith.constant 136 : i32
    %add3A_553 = arith.addi %mul3A_2, %add3A_552 : i32
    %dma_start3A_554 = arith.constant 0 : i32
    %dma_start3A_555 = tpu.memref_slice %arg4[%add3A_553, %dma_start3A_554] : memref<12800x4096xf32, #tpu.memory_space<hbm>> -> memref<8x4096xf32, #tpu.memory_space<hbm>>
    %dma_start3A_556 = arith.constant 0 : i32
    %dma_start3A_557 = tpu.memref_slice %arg4[%add3A_553, %dma_start3A_556] : memref<12800x4096xf32, #tpu.memory_space<hbm>> -> memref<8x4096xf32, #tpu.memory_space<hbm>>
    tpu.enqueue_dma source(%arg6 : memref<8x4096xf32, #tpu.memory_space<vmem>>) target(%dma_start3A_557 : memref<8x4096xf32, #tpu.memory_space<hbm>>) target_semaphore(%arg11 : memref<!tpu.dma_semaphore, #tpu.memory_space<semaphore_mem>>)
    %add3A_558 = arith.constant 136 : i32
    %add3A_559 = arith.addi %mul3A_2, %add3A_558 : i32
    %dma_wait3A_560 = arith.constant 0 : i32
    %dma_wait3A_561 = tpu.memref_slice %arg4[%add3A_559, %dma_wait3A_560] : memref<12800x4096xf32, #tpu.memory_space<hbm>> -> memref<8x4096xf32, #tpu.memory_space<hbm>>
    %dma_wait3A_562 = arith.constant 0 : i32
    %dma_wait3A_563 = tpu.memref_slice %arg4[%add3A_559, %dma_wait3A_562] : memref<12800x4096xf32, #tpu.memory_space<hbm>> -> memref<8x4096xf32, #tpu.memory_space<hbm>>
    tpu.wait_dma2 semaphore(%arg11 : memref<!tpu.dma_semaphore, #tpu.memory_space<semaphore_mem>>) src(%arg6 : memref<8x4096xf32, #tpu.memory_space<vmem>>) dst(%dma_wait3A_563 : memref<8x4096xf32, #tpu.memory_space<hbm>>)
    %add3A_564 = arith.constant 152 : i32
    %add3A_565 = arith.addi %mul3A_2, %add3A_564 : i32
    %dma_start3A_566 = arith.constant 0 : i32
    %dma_start3A_567 = tpu.memref_slice %arg2[%add3A_565, %dma_start3A_566] : memref<12800x4096xf32, #tpu.memory_space<hbm>> -> memref<8x4096xf32, #tpu.memory_space<hbm>>
    %dma_start3A_568 = arith.constant 0 : i32
    %dma_start3A_569 = tpu.memref_slice %arg2[%add3A_565, %dma_start3A_568] : memref<12800x4096xf32, #tpu.memory_space<hbm>> -> memref<8x4096xf32, #tpu.memory_space<hbm>>
    tpu.enqueue_dma source(%dma_start3A_569 : memref<8x4096xf32, #tpu.memory_space<hbm>>) target(%arg6 : memref<8x4096xf32, #tpu.memory_space<vmem>>) target_semaphore(%arg9 : memref<!tpu.dma_semaphore, #tpu.memory_space<semaphore_mem>>)
    %add3A_570 = arith.constant 144 : i32
    %add3A_571 = arith.addi %mul3A_2, %add3A_570 : i32
    %dma_wait3A_572 = arith.constant 0 : i32
    %dma_wait3A_573 = tpu.memref_slice %arg2[%add3A_571, %dma_wait3A_572] : memref<12800x4096xf32, #tpu.memory_space<hbm>> -> memref<8x4096xf32, #tpu.memory_space<hbm>>
    %dma_wait3A_574 = arith.constant 0 : i32
    %dma_wait3A_575 = tpu.memref_slice %arg2[%add3A_571, %dma_wait3A_574] : memref<12800x4096xf32, #tpu.memory_space<hbm>> -> memref<8x4096xf32, #tpu.memory_space<hbm>>
    tpu.wait_dma2 semaphore(%arg8 : memref<!tpu.dma_semaphore, #tpu.memory_space<semaphore_mem>>) src(%dma_wait3A_575 : memref<8x4096xf32, #tpu.memory_space<hbm>>) dst(%arg5 : memref<8x4096xf32, #tpu.memory_space<vmem>>)
    %scan3A_576 = arith.constant 0 : i32
    %scan3A_577 = arith.constant 0 : i32
    %scan3A_578 = arith.constant 8 : i32
    %scan3A_579 = arith.addi %scan3A_577, %scan3A_578 : i32
    %scan3A_580 = arith.constant 1 : i32
    %scan3A_581 = scf.for %scan3A_1550 = %scan3A_577 to %scan3A_579 step %scan3A_580 iter_args(%scan3A_1551 = %scan3A_576) -> (i32)  : i32 {
      %add3A_1552 = arith.constant 144 : i32
      %add3A_1553 = arith.addi %add3A_1552, %scan3A_1550 : i32
      %broadcast_in_dim3A = vector.broadcast %add3A_1553 : i32 to vector<16xi32>
      %gather3A = tpu.vector_load_idx %arg7[%broadcast_in_dim3A] : memref<400xf32, #tpu.memory_space<vmem>>[vector<16xi32>], vector<16xf32>,
      %scan3A_1554 = arith.constant 0 : i32
      %scan3A_1555 = arith.constant 0 : i32
      %scan3A_1556 = arith.constant 256 : i32
      %scan3A_1557 = arith.addi %scan3A_1555, %scan3A_1556 : i32
      %scan3A_1558 = arith.constant 1 : i32
      %scan3A_1559 = scf.for %scan3A_1562 = %scan3A_1555 to %scan3A_1557 step %scan3A_1558 iter_args(%scan3A_1563 = %scan3A_1554) -> (i32)  : i32 {
        %mul3A_1564 = arith.constant 16 : i32
        %mul3A_1565 = arith.muli %scan3A_1562, %mul3A_1564 : i32
        %get3A = arith.index_cast %scan3A_1550 : i32 to index
        %get3A_1566 = arith.index_cast %mul3A_1565 : i32 to index
        %get3A_1567 = tpu.vector_load %arg5[%get3A, %get3A_1566] {strides = array<i32>} : memref<8x4096xf32, #tpu.memory_space<vmem>>, vector<16xf32>,
        %add3A_1568 = arith.addf %get3A_1567, %gather3A : vector<16xf32>
        %swap3A = arith.index_cast %scan3A_1550 : i32 to index
        %swap3A_1569 = arith.index_cast %mul3A_1565 : i32 to index
        %swap3A_1570 = tpu.vector_load %arg5[%swap3A, %swap3A_1569] {strides = array<i32>} : memref<8x4096xf32, #tpu.memory_space<vmem>>, vector<16xf32>,
        tpu.vector_store %arg5[%swap3A, %swap3A_1569], %add3A_1568 {strides = array<i32>} : memref<8x4096xf32, #tpu.memory_space<vmem>>, vector<16xf32>,
        %scan3A_1571 = arith.constant 0 : i32
        scf.yield %scan3A_1571 : i32
      }
      %scan3A_1560 = arith.constant 256 : i32
      %scan3A_1561 = arith.constant 0 : i32
      scf.yield %scan3A_1561 : i32
    }
    %scan3A_582 = arith.constant 8 : i32
    %add3A_583 = arith.constant 144 : i32
    %add3A_584 = arith.addi %mul3A_2, %add3A_583 : i32
    %dma_start3A_585 = arith.constant 0 : i32
    %dma_start3A_586 = tpu.memref_slice %arg4[%add3A_584, %dma_start3A_585] : memref<12800x4096xf32, #tpu.memory_space<hbm>> -> memref<8x4096xf32, #tpu.memory_space<hbm>>
    %dma_start3A_587 = arith.constant 0 : i32
    %dma_start3A_588 = tpu.memref_slice %arg4[%add3A_584, %dma_start3A_587] : memref<12800x4096xf32, #tpu.memory_space<hbm>> -> memref<8x4096xf32, #tpu.memory_space<hbm>>
    tpu.enqueue_dma source(%arg5 : memref<8x4096xf32, #tpu.memory_space<vmem>>) target(%dma_start3A_588 : memref<8x4096xf32, #tpu.memory_space<hbm>>) target_semaphore(%arg10 : memref<!tpu.dma_semaphore, #tpu.memory_space<semaphore_mem>>)
    %add3A_589 = arith.constant 144 : i32
    %add3A_590 = arith.addi %mul3A_2, %add3A_589 : i32
    %dma_wait3A_591 = arith.constant 0 : i32
    %dma_wait3A_592 = tpu.memref_slice %arg4[%add3A_590, %dma_wait3A_591] : memref<12800x4096xf32, #tpu.memory_space<hbm>> -> memref<8x4096xf32, #tpu.memory_space<hbm>>
    %dma_wait3A_593 = arith.constant 0 : i32
    %dma_wait3A_594 = tpu.memref_slice %arg4[%add3A_590, %dma_wait3A_593] : memref<12800x4096xf32, #tpu.memory_space<hbm>> -> memref<8x4096xf32, #tpu.memory_space<hbm>>
    tpu.wait_dma2 semaphore(%arg10 : memref<!tpu.dma_semaphore, #tpu.memory_space<semaphore_mem>>) src(%arg5 : memref<8x4096xf32, #tpu.memory_space<vmem>>) dst(%dma_wait3A_594 : memref<8x4096xf32, #tpu.memory_space<hbm>>)
    %add3A_595 = arith.constant 160 : i32
    %add3A_596 = arith.addi %mul3A_2, %add3A_595 : i32
    %dma_start3A_597 = arith.constant 0 : i32
    %dma_start3A_598 = tpu.memref_slice %arg2[%add3A_596, %dma_start3A_597] : memref<12800x4096xf32, #tpu.memory_space<hbm>> -> memref<8x4096xf32, #tpu.memory_space<hbm>>
    %dma_start3A_599 = arith.constant 0 : i32
    %dma_start3A_600 = tpu.memref_slice %arg2[%add3A_596, %dma_start3A_599] : memref<12800x4096xf32, #tpu.memory_space<hbm>> -> memref<8x4096xf32, #tpu.memory_space<hbm>>
    tpu.enqueue_dma source(%dma_start3A_600 : memref<8x4096xf32, #tpu.memory_space<hbm>>) target(%arg5 : memref<8x4096xf32, #tpu.memory_space<vmem>>) target_semaphore(%arg8 : memref<!tpu.dma_semaphore, #tpu.memory_space<semaphore_mem>>)
    %add3A_601 = arith.constant 152 : i32
    %add3A_602 = arith.addi %mul3A_2, %add3A_601 : i32
    %dma_wait3A_603 = arith.constant 0 : i32
    %dma_wait3A_604 = tpu.memref_slice %arg2[%add3A_602, %dma_wait3A_603] : memref<12800x4096xf32, #tpu.memory_space<hbm>> -> memref<8x4096xf32, #tpu.memory_space<hbm>>
    %dma_wait3A_605 = arith.constant 0 : i32
    %dma_wait3A_606 = tpu.memref_slice %arg2[%add3A_602, %dma_wait3A_605] : memref<12800x4096xf32, #tpu.memory_space<hbm>> -> memref<8x4096xf32, #tpu.memory_space<hbm>>
    tpu.wait_dma2 semaphore(%arg9 : memref<!tpu.dma_semaphore, #tpu.memory_space<semaphore_mem>>) src(%dma_wait3A_606 : memref<8x4096xf32, #tpu.memory_space<hbm>>) dst(%arg6 : memref<8x4096xf32, #tpu.memory_space<vmem>>)
    %scan3A_607 = arith.constant 0 : i32
    %scan3A_608 = arith.constant 0 : i32
    %scan3A_609 = arith.constant 8 : i32
    %scan3A_610 = arith.addi %scan3A_608, %scan3A_609 : i32
    %scan3A_611 = arith.constant 1 : i32
    %scan3A_612 = scf.for %scan3A_1550 = %scan3A_608 to %scan3A_610 step %scan3A_611 iter_args(%scan3A_1551 = %scan3A_607) -> (i32)  : i32 {
      %add3A_1552 = arith.constant 152 : i32
      %add3A_1553 = arith.addi %add3A_1552, %scan3A_1550 : i32
      %broadcast_in_dim3A = vector.broadcast %add3A_1553 : i32 to vector<16xi32>
      %gather3A = tpu.vector_load_idx %arg7[%broadcast_in_dim3A] : memref<400xf32, #tpu.memory_space<vmem>>[vector<16xi32>], vector<16xf32>,
      %scan3A_1554 = arith.constant 0 : i32
      %scan3A_1555 = arith.constant 0 : i32
      %scan3A_1556 = arith.constant 256 : i32
      %scan3A_1557 = arith.addi %scan3A_1555, %scan3A_1556 : i32
      %scan3A_1558 = arith.constant 1 : i32
      %scan3A_1559 = scf.for %scan3A_1562 = %scan3A_1555 to %scan3A_1557 step %scan3A_1558 iter_args(%scan3A_1563 = %scan3A_1554) -> (i32)  : i32 {
        %mul3A_1564 = arith.constant 16 : i32
        %mul3A_1565 = arith.muli %scan3A_1562, %mul3A_1564 : i32
        %get3A = arith.index_cast %scan3A_1550 : i32 to index
        %get3A_1566 = arith.index_cast %mul3A_1565 : i32 to index
        %get3A_1567 = tpu.vector_load %arg6[%get3A, %get3A_1566] {strides = array<i32>} : memref<8x4096xf32, #tpu.memory_space<vmem>>, vector<16xf32>,
        %add3A_1568 = arith.addf %get3A_1567, %gather3A : vector<16xf32>
        %swap3A = arith.index_cast %scan3A_1550 : i32 to index
        %swap3A_1569 = arith.index_cast %mul3A_1565 : i32 to index
        %swap3A_1570 = tpu.vector_load %arg6[%swap3A, %swap3A_1569] {strides = array<i32>} : memref<8x4096xf32, #tpu.memory_space<vmem>>, vector<16xf32>,
        tpu.vector_store %arg6[%swap3A, %swap3A_1569], %add3A_1568 {strides = array<i32>} : memref<8x4096xf32, #tpu.memory_space<vmem>>, vector<16xf32>,
        %scan3A_1571 = arith.constant 0 : i32
        scf.yield %scan3A_1571 : i32
      }
      %scan3A_1560 = arith.constant 256 : i32
      %scan3A_1561 = arith.constant 0 : i32
      scf.yield %scan3A_1561 : i32
    }
    %scan3A_613 = arith.constant 8 : i32
    %add3A_614 = arith.constant 152 : i32
    %add3A_615 = arith.addi %mul3A_2, %add3A_614 : i32
    %dma_start3A_616 = arith.constant 0 : i32
    %dma_start3A_617 = tpu.memref_slice %arg4[%add3A_615, %dma_start3A_616] : memref<12800x4096xf32, #tpu.memory_space<hbm>> -> memref<8x4096xf32, #tpu.memory_space<hbm>>
    %dma_start3A_618 = arith.constant 0 : i32
    %dma_start3A_619 = tpu.memref_slice %arg4[%add3A_615, %dma_start3A_618] : memref<12800x4096xf32, #tpu.memory_space<hbm>> -> memref<8x4096xf32, #tpu.memory_space<hbm>>
    tpu.enqueue_dma source(%arg6 : memref<8x4096xf32, #tpu.memory_space<vmem>>) target(%dma_start3A_619 : memref<8x4096xf32, #tpu.memory_space<hbm>>) target_semaphore(%arg11 : memref<!tpu.dma_semaphore, #tpu.memory_space<semaphore_mem>>)
    %add3A_620 = arith.constant 152 : i32
    %add3A_621 = arith.addi %mul3A_2, %add3A_620 : i32
    %dma_wait3A_622 = arith.constant 0 : i32
    %dma_wait3A_623 = tpu.memref_slice %arg4[%add3A_621, %dma_wait3A_622] : memref<12800x4096xf32, #tpu.memory_space<hbm>> -> memref<8x4096xf32, #tpu.memory_space<hbm>>
    %dma_wait3A_624 = arith.constant 0 : i32
    %dma_wait3A_625 = tpu.memref_slice %arg4[%add3A_621, %dma_wait3A_624] : memref<12800x4096xf32, #tpu.memory_space<hbm>> -> memref<8x4096xf32, #tpu.memory_space<hbm>>
    tpu.wait_dma2 semaphore(%arg11 : memref<!tpu.dma_semaphore, #tpu.memory_space<semaphore_mem>>) src(%arg6 : memref<8x4096xf32, #tpu.memory_space<vmem>>) dst(%dma_wait3A_625 : memref<8x4096xf32, #tpu.memory_space<hbm>>)
    %add3A_626 = arith.constant 168 : i32
    %add3A_627 = arith.addi %mul3A_2, %add3A_626 : i32
    %dma_start3A_628 = arith.constant 0 : i32
    %dma_start3A_629 = tpu.memref_slice %arg2[%add3A_627, %dma_start3A_628] : memref<12800x4096xf32, #tpu.memory_space<hbm>> -> memref<8x4096xf32, #tpu.memory_space<hbm>>
    %dma_start3A_630 = arith.constant 0 : i32
    %dma_start3A_631 = tpu.memref_slice %arg2[%add3A_627, %dma_start3A_630] : memref<12800x4096xf32, #tpu.memory_space<hbm>> -> memref<8x4096xf32, #tpu.memory_space<hbm>>
    tpu.enqueue_dma source(%dma_start3A_631 : memref<8x4096xf32, #tpu.memory_space<hbm>>) target(%arg6 : memref<8x4096xf32, #tpu.memory_space<vmem>>) target_semaphore(%arg9 : memref<!tpu.dma_semaphore, #tpu.memory_space<semaphore_mem>>)
    %add3A_632 = arith.constant 160 : i32
    %add3A_633 = arith.addi %mul3A_2, %add3A_632 : i32
    %dma_wait3A_634 = arith.constant 0 : i32
    %dma_wait3A_635 = tpu.memref_slice %arg2[%add3A_633, %dma_wait3A_634] : memref<12800x4096xf32, #tpu.memory_space<hbm>> -> memref<8x4096xf32, #tpu.memory_space<hbm>>
    %dma_wait3A_636 = arith.constant 0 : i32
    %dma_wait3A_637 = tpu.memref_slice %arg2[%add3A_633, %dma_wait3A_636] : memref<12800x4096xf32, #tpu.memory_space<hbm>> -> memref<8x4096xf32, #tpu.memory_space<hbm>>
    tpu.wait_dma2 semaphore(%arg8 : memref<!tpu.dma_semaphore, #tpu.memory_space<semaphore_mem>>) src(%dma_wait3A_637 : memref<8x4096xf32, #tpu.memory_space<hbm>>) dst(%arg5 : memref<8x4096xf32, #tpu.memory_space<vmem>>)
    %scan3A_638 = arith.constant 0 : i32
    %scan3A_639 = arith.constant 0 : i32
    %scan3A_640 = arith.constant 8 : i32
    %scan3A_641 = arith.addi %scan3A_639, %scan3A_640 : i32
    %scan3A_642 = arith.constant 1 : i32
    %scan3A_643 = scf.for %scan3A_1550 = %scan3A_639 to %scan3A_641 step %scan3A_642 iter_args(%scan3A_1551 = %scan3A_638) -> (i32)  : i32 {
      %add3A_1552 = arith.constant 160 : i32
      %add3A_1553 = arith.addi %add3A_1552, %scan3A_1550 : i32
      %broadcast_in_dim3A = vector.broadcast %add3A_1553 : i32 to vector<16xi32>
      %gather3A = tpu.vector_load_idx %arg7[%broadcast_in_dim3A] : memref<400xf32, #tpu.memory_space<vmem>>[vector<16xi32>], vector<16xf32>,
      %scan3A_1554 = arith.constant 0 : i32
      %scan3A_1555 = arith.constant 0 : i32
      %scan3A_1556 = arith.constant 256 : i32
      %scan3A_1557 = arith.addi %scan3A_1555, %scan3A_1556 : i32
      %scan3A_1558 = arith.constant 1 : i32
      %scan3A_1559 = scf.for %scan3A_1562 = %scan3A_1555 to %scan3A_1557 step %scan3A_1558 iter_args(%scan3A_1563 = %scan3A_1554) -> (i32)  : i32 {
        %mul3A_1564 = arith.constant 16 : i32
        %mul3A_1565 = arith.muli %scan3A_1562, %mul3A_1564 : i32
        %get3A = arith.index_cast %scan3A_1550 : i32 to index
        %get3A_1566 = arith.index_cast %mul3A_1565 : i32 to index
        %get3A_1567 = tpu.vector_load %arg5[%get3A, %get3A_1566] {strides = array<i32>} : memref<8x4096xf32, #tpu.memory_space<vmem>>, vector<16xf32>,
        %add3A_1568 = arith.addf %get3A_1567, %gather3A : vector<16xf32>
        %swap3A = arith.index_cast %scan3A_1550 : i32 to index
        %swap3A_1569 = arith.index_cast %mul3A_1565 : i32 to index
        %swap3A_1570 = tpu.vector_load %arg5[%swap3A, %swap3A_1569] {strides = array<i32>} : memref<8x4096xf32, #tpu.memory_space<vmem>>, vector<16xf32>,
        tpu.vector_store %arg5[%swap3A, %swap3A_1569], %add3A_1568 {strides = array<i32>} : memref<8x4096xf32, #tpu.memory_space<vmem>>, vector<16xf32>,
        %scan3A_1571 = arith.constant 0 : i32
        scf.yield %scan3A_1571 : i32
      }
      %scan3A_1560 = arith.constant 256 : i32
      %scan3A_1561 = arith.constant 0 : i32
      scf.yield %scan3A_1561 : i32
    }
    %scan3A_644 = arith.constant 8 : i32
    %add3A_645 = arith.constant 160 : i32
    %add3A_646 = arith.addi %mul3A_2, %add3A_645 : i32
    %dma_start3A_647 = arith.constant 0 : i32
    %dma_start3A_648 = tpu.memref_slice %arg4[%add3A_646, %dma_start3A_647] : memref<12800x4096xf32, #tpu.memory_space<hbm>> -> memref<8x4096xf32, #tpu.memory_space<hbm>>
    %dma_start3A_649 = arith.constant 0 : i32
    %dma_start3A_650 = tpu.memref_slice %arg4[%add3A_646, %dma_start3A_649] : memref<12800x4096xf32, #tpu.memory_space<hbm>> -> memref<8x4096xf32, #tpu.memory_space<hbm>>
    tpu.enqueue_dma source(%arg5 : memref<8x4096xf32, #tpu.memory_space<vmem>>) target(%dma_start3A_650 : memref<8x4096xf32, #tpu.memory_space<hbm>>) target_semaphore(%arg10 : memref<!tpu.dma_semaphore, #tpu.memory_space<semaphore_mem>>)
    %add3A_651 = arith.constant 160 : i32
    %add3A_652 = arith.addi %mul3A_2, %add3A_651 : i32
    %dma_wait3A_653 = arith.constant 0 : i32
    %dma_wait3A_654 = tpu.memref_slice %arg4[%add3A_652, %dma_wait3A_653] : memref<12800x4096xf32, #tpu.memory_space<hbm>> -> memref<8x4096xf32, #tpu.memory_space<hbm>>
    %dma_wait3A_655 = arith.constant 0 : i32
    %dma_wait3A_656 = tpu.memref_slice %arg4[%add3A_652, %dma_wait3A_655] : memref<12800x4096xf32, #tpu.memory_space<hbm>> -> memref<8x4096xf32, #tpu.memory_space<hbm>>
    tpu.wait_dma2 semaphore(%arg10 : memref<!tpu.dma_semaphore, #tpu.memory_space<semaphore_mem>>) src(%arg5 : memref<8x4096xf32, #tpu.memory_space<vmem>>) dst(%dma_wait3A_656 : memref<8x4096xf32, #tpu.memory_space<hbm>>)
    %add3A_657 = arith.constant 176 : i32
    %add3A_658 = arith.addi %mul3A_2, %add3A_657 : i32
    %dma_start3A_659 = arith.constant 0 : i32
    %dma_start3A_660 = tpu.memref_slice %arg2[%add3A_658, %dma_start3A_659] : memref<12800x4096xf32, #tpu.memory_space<hbm>> -> memref<8x4096xf32, #tpu.memory_space<hbm>>
    %dma_start3A_661 = arith.constant 0 : i32
    %dma_start3A_662 = tpu.memref_slice %arg2[%add3A_658, %dma_start3A_661] : memref<12800x4096xf32, #tpu.memory_space<hbm>> -> memref<8x4096xf32, #tpu.memory_space<hbm>>
    tpu.enqueue_dma source(%dma_start3A_662 : memref<8x4096xf32, #tpu.memory_space<hbm>>) target(%arg5 : memref<8x4096xf32, #tpu.memory_space<vmem>>) target_semaphore(%arg8 : memref<!tpu.dma_semaphore, #tpu.memory_space<semaphore_mem>>)
    %add3A_663 = arith.constant 168 : i32
    %add3A_664 = arith.addi %mul3A_2, %add3A_663 : i32
    %dma_wait3A_665 = arith.constant 0 : i32
    %dma_wait3A_666 = tpu.memref_slice %arg2[%add3A_664, %dma_wait3A_665] : memref<12800x4096xf32, #tpu.memory_space<hbm>> -> memref<8x4096xf32, #tpu.memory_space<hbm>>
    %dma_wait3A_667 = arith.constant 0 : i32
    %dma_wait3A_668 = tpu.memref_slice %arg2[%add3A_664, %dma_wait3A_667] : memref<12800x4096xf32, #tpu.memory_space<hbm>> -> memref<8x4096xf32, #tpu.memory_space<hbm>>
    tpu.wait_dma2 semaphore(%arg9 : memref<!tpu.dma_semaphore, #tpu.memory_space<semaphore_mem>>) src(%dma_wait3A_668 : memref<8x4096xf32, #tpu.memory_space<hbm>>) dst(%arg6 : memref<8x4096xf32, #tpu.memory_space<vmem>>)
    %scan3A_669 = arith.constant 0 : i32
    %scan3A_670 = arith.constant 0 : i32
    %scan3A_671 = arith.constant 8 : i32
    %scan3A_672 = arith.addi %scan3A_670, %scan3A_671 : i32
    %scan3A_673 = arith.constant 1 : i32
    %scan3A_674 = scf.for %scan3A_1550 = %scan3A_670 to %scan3A_672 step %scan3A_673 iter_args(%scan3A_1551 = %scan3A_669) -> (i32)  : i32 {
      %add3A_1552 = arith.constant 168 : i32
      %add3A_1553 = arith.addi %add3A_1552, %scan3A_1550 : i32
      %broadcast_in_dim3A = vector.broadcast %add3A_1553 : i32 to vector<16xi32>
      %gather3A = tpu.vector_load_idx %arg7[%broadcast_in_dim3A] : memref<400xf32, #tpu.memory_space<vmem>>[vector<16xi32>], vector<16xf32>,
      %scan3A_1554 = arith.constant 0 : i32
      %scan3A_1555 = arith.constant 0 : i32
      %scan3A_1556 = arith.constant 256 : i32
      %scan3A_1557 = arith.addi %scan3A_1555, %scan3A_1556 : i32
      %scan3A_1558 = arith.constant 1 : i32
      %scan3A_1559 = scf.for %scan3A_1562 = %scan3A_1555 to %scan3A_1557 step %scan3A_1558 iter_args(%scan3A_1563 = %scan3A_1554) -> (i32)  : i32 {
        %mul3A_1564 = arith.constant 16 : i32
        %mul3A_1565 = arith.muli %scan3A_1562, %mul3A_1564 : i32
        %get3A = arith.index_cast %scan3A_1550 : i32 to index
        %get3A_1566 = arith.index_cast %mul3A_1565 : i32 to index
        %get3A_1567 = tpu.vector_load %arg6[%get3A, %get3A_1566] {strides = array<i32>} : memref<8x4096xf32, #tpu.memory_space<vmem>>, vector<16xf32>,
        %add3A_1568 = arith.addf %get3A_1567, %gather3A : vector<16xf32>
        %swap3A = arith.index_cast %scan3A_1550 : i32 to index
        %swap3A_1569 = arith.index_cast %mul3A_1565 : i32 to index
        %swap3A_1570 = tpu.vector_load %arg6[%swap3A, %swap3A_1569] {strides = array<i32>} : memref<8x4096xf32, #tpu.memory_space<vmem>>, vector<16xf32>,
        tpu.vector_store %arg6[%swap3A, %swap3A_1569], %add3A_1568 {strides = array<i32>} : memref<8x4096xf32, #tpu.memory_space<vmem>>, vector<16xf32>,
        %scan3A_1571 = arith.constant 0 : i32
        scf.yield %scan3A_1571 : i32
      }
      %scan3A_1560 = arith.constant 256 : i32
      %scan3A_1561 = arith.constant 0 : i32
      scf.yield %scan3A_1561 : i32
    }
    %scan3A_675 = arith.constant 8 : i32
    %add3A_676 = arith.constant 168 : i32
    %add3A_677 = arith.addi %mul3A_2, %add3A_676 : i32
    %dma_start3A_678 = arith.constant 0 : i32
    %dma_start3A_679 = tpu.memref_slice %arg4[%add3A_677, %dma_start3A_678] : memref<12800x4096xf32, #tpu.memory_space<hbm>> -> memref<8x4096xf32, #tpu.memory_space<hbm>>
    %dma_start3A_680 = arith.constant 0 : i32
    %dma_start3A_681 = tpu.memref_slice %arg4[%add3A_677, %dma_start3A_680] : memref<12800x4096xf32, #tpu.memory_space<hbm>> -> memref<8x4096xf32, #tpu.memory_space<hbm>>
    tpu.enqueue_dma source(%arg6 : memref<8x4096xf32, #tpu.memory_space<vmem>>) target(%dma_start3A_681 : memref<8x4096xf32, #tpu.memory_space<hbm>>) target_semaphore(%arg11 : memref<!tpu.dma_semaphore, #tpu.memory_space<semaphore_mem>>)
    %add3A_682 = arith.constant 168 : i32
    %add3A_683 = arith.addi %mul3A_2, %add3A_682 : i32
    %dma_wait3A_684 = arith.constant 0 : i32
    %dma_wait3A_685 = tpu.memref_slice %arg4[%add3A_683, %dma_wait3A_684] : memref<12800x4096xf32, #tpu.memory_space<hbm>> -> memref<8x4096xf32, #tpu.memory_space<hbm>>
    %dma_wait3A_686 = arith.constant 0 : i32
    %dma_wait3A_687 = tpu.memref_slice %arg4[%add3A_683, %dma_wait3A_686] : memref<12800x4096xf32, #tpu.memory_space<hbm>> -> memref<8x4096xf32, #tpu.memory_space<hbm>>
    tpu.wait_dma2 semaphore(%arg11 : memref<!tpu.dma_semaphore, #tpu.memory_space<semaphore_mem>>) src(%arg6 : memref<8x4096xf32, #tpu.memory_space<vmem>>) dst(%dma_wait3A_687 : memref<8x4096xf32, #tpu.memory_space<hbm>>)
    %add3A_688 = arith.constant 184 : i32
    %add3A_689 = arith.addi %mul3A_2, %add3A_688 : i32
    %dma_start3A_690 = arith.constant 0 : i32
    %dma_start3A_691 = tpu.memref_slice %arg2[%add3A_689, %dma_start3A_690] : memref<12800x4096xf32, #tpu.memory_space<hbm>> -> memref<8x4096xf32, #tpu.memory_space<hbm>>
    %dma_start3A_692 = arith.constant 0 : i32
    %dma_start3A_693 = tpu.memref_slice %arg2[%add3A_689, %dma_start3A_692] : memref<12800x4096xf32, #tpu.memory_space<hbm>> -> memref<8x4096xf32, #tpu.memory_space<hbm>>
    tpu.enqueue_dma source(%dma_start3A_693 : memref<8x4096xf32, #tpu.memory_space<hbm>>) target(%arg6 : memref<8x4096xf32, #tpu.memory_space<vmem>>) target_semaphore(%arg9 : memref<!tpu.dma_semaphore, #tpu.memory_space<semaphore_mem>>)
    %add3A_694 = arith.constant 176 : i32
    %add3A_695 = arith.addi %mul3A_2, %add3A_694 : i32
    %dma_wait3A_696 = arith.constant 0 : i32
    %dma_wait3A_697 = tpu.memref_slice %arg2[%add3A_695, %dma_wait3A_696] : memref<12800x4096xf32, #tpu.memory_space<hbm>> -> memref<8x4096xf32, #tpu.memory_space<hbm>>
    %dma_wait3A_698 = arith.constant 0 : i32
    %dma_wait3A_699 = tpu.memref_slice %arg2[%add3A_695, %dma_wait3A_698] : memref<12800x4096xf32, #tpu.memory_space<hbm>> -> memref<8x4096xf32, #tpu.memory_space<hbm>>
    tpu.wait_dma2 semaphore(%arg8 : memref<!tpu.dma_semaphore, #tpu.memory_space<semaphore_mem>>) src(%dma_wait3A_699 : memref<8x4096xf32, #tpu.memory_space<hbm>>) dst(%arg5 : memref<8x4096xf32, #tpu.memory_space<vmem>>)
    %scan3A_700 = arith.constant 0 : i32
    %scan3A_701 = arith.constant 0 : i32
    %scan3A_702 = arith.constant 8 : i32
    %scan3A_703 = arith.addi %scan3A_701, %scan3A_702 : i32
    %scan3A_704 = arith.constant 1 : i32
    %scan3A_705 = scf.for %scan3A_1550 = %scan3A_701 to %scan3A_703 step %scan3A_704 iter_args(%scan3A_1551 = %scan3A_700) -> (i32)  : i32 {
      %add3A_1552 = arith.constant 176 : i32
      %add3A_1553 = arith.addi %add3A_1552, %scan3A_1550 : i32
      %broadcast_in_dim3A = vector.broadcast %add3A_1553 : i32 to vector<16xi32>
      %gather3A = tpu.vector_load_idx %arg7[%broadcast_in_dim3A] : memref<400xf32, #tpu.memory_space<vmem>>[vector<16xi32>], vector<16xf32>,
      %scan3A_1554 = arith.constant 0 : i32
      %scan3A_1555 = arith.constant 0 : i32
      %scan3A_1556 = arith.constant 256 : i32
      %scan3A_1557 = arith.addi %scan3A_1555, %scan3A_1556 : i32
      %scan3A_1558 = arith.constant 1 : i32
      %scan3A_1559 = scf.for %scan3A_1562 = %scan3A_1555 to %scan3A_1557 step %scan3A_1558 iter_args(%scan3A_1563 = %scan3A_1554) -> (i32)  : i32 {
        %mul3A_1564 = arith.constant 16 : i32
        %mul3A_1565 = arith.muli %scan3A_1562, %mul3A_1564 : i32
        %get3A = arith.index_cast %scan3A_1550 : i32 to index
        %get3A_1566 = arith.index_cast %mul3A_1565 : i32 to index
        %get3A_1567 = tpu.vector_load %arg5[%get3A, %get3A_1566] {strides = array<i32>} : memref<8x4096xf32, #tpu.memory_space<vmem>>, vector<16xf32>,
        %add3A_1568 = arith.addf %get3A_1567, %gather3A : vector<16xf32>
        %swap3A = arith.index_cast %scan3A_1550 : i32 to index
        %swap3A_1569 = arith.index_cast %mul3A_1565 : i32 to index
        %swap3A_1570 = tpu.vector_load %arg5[%swap3A, %swap3A_1569] {strides = array<i32>} : memref<8x4096xf32, #tpu.memory_space<vmem>>, vector<16xf32>,
        tpu.vector_store %arg5[%swap3A, %swap3A_1569], %add3A_1568 {strides = array<i32>} : memref<8x4096xf32, #tpu.memory_space<vmem>>, vector<16xf32>,
        %scan3A_1571 = arith.constant 0 : i32
        scf.yield %scan3A_1571 : i32
      }
      %scan3A_1560 = arith.constant 256 : i32
      %scan3A_1561 = arith.constant 0 : i32
      scf.yield %scan3A_1561 : i32
    }
    %scan3A_706 = arith.constant 8 : i32
    %add3A_707 = arith.constant 176 : i32
    %add3A_708 = arith.addi %mul3A_2, %add3A_707 : i32
    %dma_start3A_709 = arith.constant 0 : i32
    %dma_start3A_710 = tpu.memref_slice %arg4[%add3A_708, %dma_start3A_709] : memref<12800x4096xf32, #tpu.memory_space<hbm>> -> memref<8x4096xf32, #tpu.memory_space<hbm>>
    %dma_start3A_711 = arith.constant 0 : i32
    %dma_start3A_712 = tpu.memref_slice %arg4[%add3A_708, %dma_start3A_711] : memref<12800x4096xf32, #tpu.memory_space<hbm>> -> memref<8x4096xf32, #tpu.memory_space<hbm>>
    tpu.enqueue_dma source(%arg5 : memref<8x4096xf32, #tpu.memory_space<vmem>>) target(%dma_start3A_712 : memref<8x4096xf32, #tpu.memory_space<hbm>>) target_semaphore(%arg10 : memref<!tpu.dma_semaphore, #tpu.memory_space<semaphore_mem>>)
    %add3A_713 = arith.constant 176 : i32
    %add3A_714 = arith.addi %mul3A_2, %add3A_713 : i32
    %dma_wait3A_715 = arith.constant 0 : i32
    %dma_wait3A_716 = tpu.memref_slice %arg4[%add3A_714, %dma_wait3A_715] : memref<12800x4096xf32, #tpu.memory_space<hbm>> -> memref<8x4096xf32, #tpu.memory_space<hbm>>
    %dma_wait3A_717 = arith.constant 0 : i32
    %dma_wait3A_718 = tpu.memref_slice %arg4[%add3A_714, %dma_wait3A_717] : memref<12800x4096xf32, #tpu.memory_space<hbm>> -> memref<8x4096xf32, #tpu.memory_space<hbm>>
    tpu.wait_dma2 semaphore(%arg10 : memref<!tpu.dma_semaphore, #tpu.memory_space<semaphore_mem>>) src(%arg5 : memref<8x4096xf32, #tpu.memory_space<vmem>>) dst(%dma_wait3A_718 : memref<8x4096xf32, #tpu.memory_space<hbm>>)
    %add3A_719 = arith.constant 192 : i32
    %add3A_720 = arith.addi %mul3A_2, %add3A_719 : i32
    %dma_start3A_721 = arith.constant 0 : i32
    %dma_start3A_722 = tpu.memref_slice %arg2[%add3A_720, %dma_start3A_721] : memref<12800x4096xf32, #tpu.memory_space<hbm>> -> memref<8x4096xf32, #tpu.memory_space<hbm>>
    %dma_start3A_723 = arith.constant 0 : i32
    %dma_start3A_724 = tpu.memref_slice %arg2[%add3A_720, %dma_start3A_723] : memref<12800x4096xf32, #tpu.memory_space<hbm>> -> memref<8x4096xf32, #tpu.memory_space<hbm>>
    tpu.enqueue_dma source(%dma_start3A_724 : memref<8x4096xf32, #tpu.memory_space<hbm>>) target(%arg5 : memref<8x4096xf32, #tpu.memory_space<vmem>>) target_semaphore(%arg8 : memref<!tpu.dma_semaphore, #tpu.memory_space<semaphore_mem>>)
    %add3A_725 = arith.constant 184 : i32
    %add3A_726 = arith.addi %mul3A_2, %add3A_725 : i32
    %dma_wait3A_727 = arith.constant 0 : i32
    %dma_wait3A_728 = tpu.memref_slice %arg2[%add3A_726, %dma_wait3A_727] : memref<12800x4096xf32, #tpu.memory_space<hbm>> -> memref<8x4096xf32, #tpu.memory_space<hbm>>
    %dma_wait3A_729 = arith.constant 0 : i32
    %dma_wait3A_730 = tpu.memref_slice %arg2[%add3A_726, %dma_wait3A_729] : memref<12800x4096xf32, #tpu.memory_space<hbm>> -> memref<8x4096xf32, #tpu.memory_space<hbm>>
    tpu.wait_dma2 semaphore(%arg9 : memref<!tpu.dma_semaphore, #tpu.memory_space<semaphore_mem>>) src(%dma_wait3A_730 : memref<8x4096xf32, #tpu.memory_space<hbm>>) dst(%arg6 : memref<8x4096xf32, #tpu.memory_space<vmem>>)
    %scan3A_731 = arith.constant 0 : i32
    %scan3A_732 = arith.constant 0 : i32
    %scan3A_733 = arith.constant 8 : i32
    %scan3A_734 = arith.addi %scan3A_732, %scan3A_733 : i32
    %scan3A_735 = arith.constant 1 : i32
    %scan3A_736 = scf.for %scan3A_1550 = %scan3A_732 to %scan3A_734 step %scan3A_735 iter_args(%scan3A_1551 = %scan3A_731) -> (i32)  : i32 {
      %add3A_1552 = arith.constant 184 : i32
      %add3A_1553 = arith.addi %add3A_1552, %scan3A_1550 : i32
      %broadcast_in_dim3A = vector.broadcast %add3A_1553 : i32 to vector<16xi32>
      %gather3A = tpu.vector_load_idx %arg7[%broadcast_in_dim3A] : memref<400xf32, #tpu.memory_space<vmem>>[vector<16xi32>], vector<16xf32>,
      %scan3A_1554 = arith.constant 0 : i32
      %scan3A_1555 = arith.constant 0 : i32
      %scan3A_1556 = arith.constant 256 : i32
      %scan3A_1557 = arith.addi %scan3A_1555, %scan3A_1556 : i32
      %scan3A_1558 = arith.constant 1 : i32
      %scan3A_1559 = scf.for %scan3A_1562 = %scan3A_1555 to %scan3A_1557 step %scan3A_1558 iter_args(%scan3A_1563 = %scan3A_1554) -> (i32)  : i32 {
        %mul3A_1564 = arith.constant 16 : i32
        %mul3A_1565 = arith.muli %scan3A_1562, %mul3A_1564 : i32
        %get3A = arith.index_cast %scan3A_1550 : i32 to index
        %get3A_1566 = arith.index_cast %mul3A_1565 : i32 to index
        %get3A_1567 = tpu.vector_load %arg6[%get3A, %get3A_1566] {strides = array<i32>} : memref<8x4096xf32, #tpu.memory_space<vmem>>, vector<16xf32>,
        %add3A_1568 = arith.addf %get3A_1567, %gather3A : vector<16xf32>
        %swap3A = arith.index_cast %scan3A_1550 : i32 to index
        %swap3A_1569 = arith.index_cast %mul3A_1565 : i32 to index
        %swap3A_1570 = tpu.vector_load %arg6[%swap3A, %swap3A_1569] {strides = array<i32>} : memref<8x4096xf32, #tpu.memory_space<vmem>>, vector<16xf32>,
        tpu.vector_store %arg6[%swap3A, %swap3A_1569], %add3A_1568 {strides = array<i32>} : memref<8x4096xf32, #tpu.memory_space<vmem>>, vector<16xf32>,
        %scan3A_1571 = arith.constant 0 : i32
        scf.yield %scan3A_1571 : i32
      }
      %scan3A_1560 = arith.constant 256 : i32
      %scan3A_1561 = arith.constant 0 : i32
      scf.yield %scan3A_1561 : i32
    }
    %scan3A_737 = arith.constant 8 : i32
    %add3A_738 = arith.constant 184 : i32
    %add3A_739 = arith.addi %mul3A_2, %add3A_738 : i32
    %dma_start3A_740 = arith.constant 0 : i32
    %dma_start3A_741 = tpu.memref_slice %arg4[%add3A_739, %dma_start3A_740] : memref<12800x4096xf32, #tpu.memory_space<hbm>> -> memref<8x4096xf32, #tpu.memory_space<hbm>>
    %dma_start3A_742 = arith.constant 0 : i32
    %dma_start3A_743 = tpu.memref_slice %arg4[%add3A_739, %dma_start3A_742] : memref<12800x4096xf32, #tpu.memory_space<hbm>> -> memref<8x4096xf32, #tpu.memory_space<hbm>>
    tpu.enqueue_dma source(%arg6 : memref<8x4096xf32, #tpu.memory_space<vmem>>) target(%dma_start3A_743 : memref<8x4096xf32, #tpu.memory_space<hbm>>) target_semaphore(%arg11 : memref<!tpu.dma_semaphore, #tpu.memory_space<semaphore_mem>>)
    %add3A_744 = arith.constant 184 : i32
    %add3A_745 = arith.addi %mul3A_2, %add3A_744 : i32
    %dma_wait3A_746 = arith.constant 0 : i32
    %dma_wait3A_747 = tpu.memref_slice %arg4[%add3A_745, %dma_wait3A_746] : memref<12800x4096xf32, #tpu.memory_space<hbm>> -> memref<8x4096xf32, #tpu.memory_space<hbm>>
    %dma_wait3A_748 = arith.constant 0 : i32
    %dma_wait3A_749 = tpu.memref_slice %arg4[%add3A_745, %dma_wait3A_748] : memref<12800x4096xf32, #tpu.memory_space<hbm>> -> memref<8x4096xf32, #tpu.memory_space<hbm>>
    tpu.wait_dma2 semaphore(%arg11 : memref<!tpu.dma_semaphore, #tpu.memory_space<semaphore_mem>>) src(%arg6 : memref<8x4096xf32, #tpu.memory_space<vmem>>) dst(%dma_wait3A_749 : memref<8x4096xf32, #tpu.memory_space<hbm>>)
    %add3A_750 = arith.constant 200 : i32
    %add3A_751 = arith.addi %mul3A_2, %add3A_750 : i32
    %dma_start3A_752 = arith.constant 0 : i32
    %dma_start3A_753 = tpu.memref_slice %arg2[%add3A_751, %dma_start3A_752] : memref<12800x4096xf32, #tpu.memory_space<hbm>> -> memref<8x4096xf32, #tpu.memory_space<hbm>>
    %dma_start3A_754 = arith.constant 0 : i32
    %dma_start3A_755 = tpu.memref_slice %arg2[%add3A_751, %dma_start3A_754] : memref<12800x4096xf32, #tpu.memory_space<hbm>> -> memref<8x4096xf32, #tpu.memory_space<hbm>>
    tpu.enqueue_dma source(%dma_start3A_755 : memref<8x4096xf32, #tpu.memory_space<hbm>>) target(%arg6 : memref<8x4096xf32, #tpu.memory_space<vmem>>) target_semaphore(%arg9 : memref<!tpu.dma_semaphore, #tpu.memory_space<semaphore_mem>>)
    %add3A_756 = arith.constant 192 : i32
    %add3A_757 = arith.addi %mul3A_2, %add3A_756 : i32
    %dma_wait3A_758 = arith.constant 0 : i32
    %dma_wait3A_759 = tpu.memref_slice %arg2[%add3A_757, %dma_wait3A_758] : memref<12800x4096xf32, #tpu.memory_space<hbm>> -> memref<8x4096xf32, #tpu.memory_space<hbm>>
    %dma_wait3A_760 = arith.constant 0 : i32
    %dma_wait3A_761 = tpu.memref_slice %arg2[%add3A_757, %dma_wait3A_760] : memref<12800x4096xf32, #tpu.memory_space<hbm>> -> memref<8x4096xf32, #tpu.memory_space<hbm>>
    tpu.wait_dma2 semaphore(%arg8 : memref<!tpu.dma_semaphore, #tpu.memory_space<semaphore_mem>>) src(%dma_wait3A_761 : memref<8x4096xf32, #tpu.memory_space<hbm>>) dst(%arg5 : memref<8x4096xf32, #tpu.memory_space<vmem>>)
    %scan3A_762 = arith.constant 0 : i32
    %scan3A_763 = arith.constant 0 : i32
    %scan3A_764 = arith.constant 8 : i32
    %scan3A_765 = arith.addi %scan3A_763, %scan3A_764 : i32
    %scan3A_766 = arith.constant 1 : i32
    %scan3A_767 = scf.for %scan3A_1550 = %scan3A_763 to %scan3A_765 step %scan3A_766 iter_args(%scan3A_1551 = %scan3A_762) -> (i32)  : i32 {
      %add3A_1552 = arith.constant 192 : i32
      %add3A_1553 = arith.addi %add3A_1552, %scan3A_1550 : i32
      %broadcast_in_dim3A = vector.broadcast %add3A_1553 : i32 to vector<16xi32>
      %gather3A = tpu.vector_load_idx %arg7[%broadcast_in_dim3A] : memref<400xf32, #tpu.memory_space<vmem>>[vector<16xi32>], vector<16xf32>,
      %scan3A_1554 = arith.constant 0 : i32
      %scan3A_1555 = arith.constant 0 : i32
      %scan3A_1556 = arith.constant 256 : i32
      %scan3A_1557 = arith.addi %scan3A_1555, %scan3A_1556 : i32
      %scan3A_1558 = arith.constant 1 : i32
      %scan3A_1559 = scf.for %scan3A_1562 = %scan3A_1555 to %scan3A_1557 step %scan3A_1558 iter_args(%scan3A_1563 = %scan3A_1554) -> (i32)  : i32 {
        %mul3A_1564 = arith.constant 16 : i32
        %mul3A_1565 = arith.muli %scan3A_1562, %mul3A_1564 : i32
        %get3A = arith.index_cast %scan3A_1550 : i32 to index
        %get3A_1566 = arith.index_cast %mul3A_1565 : i32 to index
        %get3A_1567 = tpu.vector_load %arg5[%get3A, %get3A_1566] {strides = array<i32>} : memref<8x4096xf32, #tpu.memory_space<vmem>>, vector<16xf32>,
        %add3A_1568 = arith.addf %get3A_1567, %gather3A : vector<16xf32>
        %swap3A = arith.index_cast %scan3A_1550 : i32 to index
        %swap3A_1569 = arith.index_cast %mul3A_1565 : i32 to index
        %swap3A_1570 = tpu.vector_load %arg5[%swap3A, %swap3A_1569] {strides = array<i32>} : memref<8x4096xf32, #tpu.memory_space<vmem>>, vector<16xf32>,
        tpu.vector_store %arg5[%swap3A, %swap3A_1569], %add3A_1568 {strides = array<i32>} : memref<8x4096xf32, #tpu.memory_space<vmem>>, vector<16xf32>,
        %scan3A_1571 = arith.constant 0 : i32
        scf.yield %scan3A_1571 : i32
      }
      %scan3A_1560 = arith.constant 256 : i32
      %scan3A_1561 = arith.constant 0 : i32
      scf.yield %scan3A_1561 : i32
    }
    %scan3A_768 = arith.constant 8 : i32
    %add3A_769 = arith.constant 192 : i32
    %add3A_770 = arith.addi %mul3A_2, %add3A_769 : i32
    %dma_start3A_771 = arith.constant 0 : i32
    %dma_start3A_772 = tpu.memref_slice %arg4[%add3A_770, %dma_start3A_771] : memref<12800x4096xf32, #tpu.memory_space<hbm>> -> memref<8x4096xf32, #tpu.memory_space<hbm>>
    %dma_start3A_773 = arith.constant 0 : i32
    %dma_start3A_774 = tpu.memref_slice %arg4[%add3A_770, %dma_start3A_773] : memref<12800x4096xf32, #tpu.memory_space<hbm>> -> memref<8x4096xf32, #tpu.memory_space<hbm>>
    tpu.enqueue_dma source(%arg5 : memref<8x4096xf32, #tpu.memory_space<vmem>>) target(%dma_start3A_774 : memref<8x4096xf32, #tpu.memory_space<hbm>>) target_semaphore(%arg10 : memref<!tpu.dma_semaphore, #tpu.memory_space<semaphore_mem>>)
    %add3A_775 = arith.constant 192 : i32
    %add3A_776 = arith.addi %mul3A_2, %add3A_775 : i32
    %dma_wait3A_777 = arith.constant 0 : i32
    %dma_wait3A_778 = tpu.memref_slice %arg4[%add3A_776, %dma_wait3A_777] : memref<12800x4096xf32, #tpu.memory_space<hbm>> -> memref<8x4096xf32, #tpu.memory_space<hbm>>
    %dma_wait3A_779 = arith.constant 0 : i32
    %dma_wait3A_780 = tpu.memref_slice %arg4[%add3A_776, %dma_wait3A_779] : memref<12800x4096xf32, #tpu.memory_space<hbm>> -> memref<8x4096xf32, #tpu.memory_space<hbm>>
    tpu.wait_dma2 semaphore(%arg10 : memref<!tpu.dma_semaphore, #tpu.memory_space<semaphore_mem>>) src(%arg5 : memref<8x4096xf32, #tpu.memory_space<vmem>>) dst(%dma_wait3A_780 : memref<8x4096xf32, #tpu.memory_space<hbm>>)
    %add3A_781 = arith.constant 208 : i32
    %add3A_782 = arith.addi %mul3A_2, %add3A_781 : i32
    %dma_start3A_783 = arith.constant 0 : i32
    %dma_start3A_784 = tpu.memref_slice %arg2[%add3A_782, %dma_start3A_783] : memref<12800x4096xf32, #tpu.memory_space<hbm>> -> memref<8x4096xf32, #tpu.memory_space<hbm>>
    %dma_start3A_785 = arith.constant 0 : i32
    %dma_start3A_786 = tpu.memref_slice %arg2[%add3A_782, %dma_start3A_785] : memref<12800x4096xf32, #tpu.memory_space<hbm>> -> memref<8x4096xf32, #tpu.memory_space<hbm>>
    tpu.enqueue_dma source(%dma_start3A_786 : memref<8x4096xf32, #tpu.memory_space<hbm>>) target(%arg5 : memref<8x4096xf32, #tpu.memory_space<vmem>>) target_semaphore(%arg8 : memref<!tpu.dma_semaphore, #tpu.memory_space<semaphore_mem>>)
    %add3A_787 = arith.constant 200 : i32
    %add3A_788 = arith.addi %mul3A_2, %add3A_787 : i32
    %dma_wait3A_789 = arith.constant 0 : i32
    %dma_wait3A_790 = tpu.memref_slice %arg2[%add3A_788, %dma_wait3A_789] : memref<12800x4096xf32, #tpu.memory_space<hbm>> -> memref<8x4096xf32, #tpu.memory_space<hbm>>
    %dma_wait3A_791 = arith.constant 0 : i32
    %dma_wait3A_792 = tpu.memref_slice %arg2[%add3A_788, %dma_wait3A_791] : memref<12800x4096xf32, #tpu.memory_space<hbm>> -> memref<8x4096xf32, #tpu.memory_space<hbm>>
    tpu.wait_dma2 semaphore(%arg9 : memref<!tpu.dma_semaphore, #tpu.memory_space<semaphore_mem>>) src(%dma_wait3A_792 : memref<8x4096xf32, #tpu.memory_space<hbm>>) dst(%arg6 : memref<8x4096xf32, #tpu.memory_space<vmem>>)
    %scan3A_793 = arith.constant 0 : i32
    %scan3A_794 = arith.constant 0 : i32
    %scan3A_795 = arith.constant 8 : i32
    %scan3A_796 = arith.addi %scan3A_794, %scan3A_795 : i32
    %scan3A_797 = arith.constant 1 : i32
    %scan3A_798 = scf.for %scan3A_1550 = %scan3A_794 to %scan3A_796 step %scan3A_797 iter_args(%scan3A_1551 = %scan3A_793) -> (i32)  : i32 {
      %add3A_1552 = arith.constant 200 : i32
      %add3A_1553 = arith.addi %add3A_1552, %scan3A_1550 : i32
      %broadcast_in_dim3A = vector.broadcast %add3A_1553 : i32 to vector<16xi32>
      %gather3A = tpu.vector_load_idx %arg7[%broadcast_in_dim3A] : memref<400xf32, #tpu.memory_space<vmem>>[vector<16xi32>], vector<16xf32>,
      %scan3A_1554 = arith.constant 0 : i32
      %scan3A_1555 = arith.constant 0 : i32
      %scan3A_1556 = arith.constant 256 : i32
      %scan3A_1557 = arith.addi %scan3A_1555, %scan3A_1556 : i32
      %scan3A_1558 = arith.constant 1 : i32
      %scan3A_1559 = scf.for %scan3A_1562 = %scan3A_1555 to %scan3A_1557 step %scan3A_1558 iter_args(%scan3A_1563 = %scan3A_1554) -> (i32)  : i32 {
        %mul3A_1564 = arith.constant 16 : i32
        %mul3A_1565 = arith.muli %scan3A_1562, %mul3A_1564 : i32
        %get3A = arith.index_cast %scan3A_1550 : i32 to index
        %get3A_1566 = arith.index_cast %mul3A_1565 : i32 to index
        %get3A_1567 = tpu.vector_load %arg6[%get3A, %get3A_1566] {strides = array<i32>} : memref<8x4096xf32, #tpu.memory_space<vmem>>, vector<16xf32>,
        %add3A_1568 = arith.addf %get3A_1567, %gather3A : vector<16xf32>
        %swap3A = arith.index_cast %scan3A_1550 : i32 to index
        %swap3A_1569 = arith.index_cast %mul3A_1565 : i32 to index
        %swap3A_1570 = tpu.vector_load %arg6[%swap3A, %swap3A_1569] {strides = array<i32>} : memref<8x4096xf32, #tpu.memory_space<vmem>>, vector<16xf32>,
        tpu.vector_store %arg6[%swap3A, %swap3A_1569], %add3A_1568 {strides = array<i32>} : memref<8x4096xf32, #tpu.memory_space<vmem>>, vector<16xf32>,
        %scan3A_1571 = arith.constant 0 : i32
        scf.yield %scan3A_1571 : i32
      }
      %scan3A_1560 = arith.constant 256 : i32
      %scan3A_1561 = arith.constant 0 : i32
      scf.yield %scan3A_1561 : i32
    }
    %scan3A_799 = arith.constant 8 : i32
    %add3A_800 = arith.constant 200 : i32
    %add3A_801 = arith.addi %mul3A_2, %add3A_800 : i32
    %dma_start3A_802 = arith.constant 0 : i32
    %dma_start3A_803 = tpu.memref_slice %arg4[%add3A_801, %dma_start3A_802] : memref<12800x4096xf32, #tpu.memory_space<hbm>> -> memref<8x4096xf32, #tpu.memory_space<hbm>>
    %dma_start3A_804 = arith.constant 0 : i32
    %dma_start3A_805 = tpu.memref_slice %arg4[%add3A_801, %dma_start3A_804] : memref<12800x4096xf32, #tpu.memory_space<hbm>> -> memref<8x4096xf32, #tpu.memory_space<hbm>>
    tpu.enqueue_dma source(%arg6 : memref<8x4096xf32, #tpu.memory_space<vmem>>) target(%dma_start3A_805 : memref<8x4096xf32, #tpu.memory_space<hbm>>) target_semaphore(%arg11 : memref<!tpu.dma_semaphore, #tpu.memory_space<semaphore_mem>>)
    %add3A_806 = arith.constant 200 : i32
    %add3A_807 = arith.addi %mul3A_2, %add3A_806 : i32
    %dma_wait3A_808 = arith.constant 0 : i32
    %dma_wait3A_809 = tpu.memref_slice %arg4[%add3A_807, %dma_wait3A_808] : memref<12800x4096xf32, #tpu.memory_space<hbm>> -> memref<8x4096xf32, #tpu.memory_space<hbm>>
    %dma_wait3A_810 = arith.constant 0 : i32
    %dma_wait3A_811 = tpu.memref_slice %arg4[%add3A_807, %dma_wait3A_810] : memref<12800x4096xf32, #tpu.memory_space<hbm>> -> memref<8x4096xf32, #tpu.memory_space<hbm>>
    tpu.wait_dma2 semaphore(%arg11 : memref<!tpu.dma_semaphore, #tpu.memory_space<semaphore_mem>>) src(%arg6 : memref<8x4096xf32, #tpu.memory_space<vmem>>) dst(%dma_wait3A_811 : memref<8x4096xf32, #tpu.memory_space<hbm>>)
    %add3A_812 = arith.constant 216 : i32
    %add3A_813 = arith.addi %mul3A_2, %add3A_812 : i32
    %dma_start3A_814 = arith.constant 0 : i32
    %dma_start3A_815 = tpu.memref_slice %arg2[%add3A_813, %dma_start3A_814] : memref<12800x4096xf32, #tpu.memory_space<hbm>> -> memref<8x4096xf32, #tpu.memory_space<hbm>>
    %dma_start3A_816 = arith.constant 0 : i32
    %dma_start3A_817 = tpu.memref_slice %arg2[%add3A_813, %dma_start3A_816] : memref<12800x4096xf32, #tpu.memory_space<hbm>> -> memref<8x4096xf32, #tpu.memory_space<hbm>>
    tpu.enqueue_dma source(%dma_start3A_817 : memref<8x4096xf32, #tpu.memory_space<hbm>>) target(%arg6 : memref<8x4096xf32, #tpu.memory_space<vmem>>) target_semaphore(%arg9 : memref<!tpu.dma_semaphore, #tpu.memory_space<semaphore_mem>>)
    %add3A_818 = arith.constant 208 : i32
    %add3A_819 = arith.addi %mul3A_2, %add3A_818 : i32
    %dma_wait3A_820 = arith.constant 0 : i32
    %dma_wait3A_821 = tpu.memref_slice %arg2[%add3A_819, %dma_wait3A_820] : memref<12800x4096xf32, #tpu.memory_space<hbm>> -> memref<8x4096xf32, #tpu.memory_space<hbm>>
    %dma_wait3A_822 = arith.constant 0 : i32
    %dma_wait3A_823 = tpu.memref_slice %arg2[%add3A_819, %dma_wait3A_822] : memref<12800x4096xf32, #tpu.memory_space<hbm>> -> memref<8x4096xf32, #tpu.memory_space<hbm>>
    tpu.wait_dma2 semaphore(%arg8 : memref<!tpu.dma_semaphore, #tpu.memory_space<semaphore_mem>>) src(%dma_wait3A_823 : memref<8x4096xf32, #tpu.memory_space<hbm>>) dst(%arg5 : memref<8x4096xf32, #tpu.memory_space<vmem>>)
    %scan3A_824 = arith.constant 0 : i32
    %scan3A_825 = arith.constant 0 : i32
    %scan3A_826 = arith.constant 8 : i32
    %scan3A_827 = arith.addi %scan3A_825, %scan3A_826 : i32
    %scan3A_828 = arith.constant 1 : i32
    %scan3A_829 = scf.for %scan3A_1550 = %scan3A_825 to %scan3A_827 step %scan3A_828 iter_args(%scan3A_1551 = %scan3A_824) -> (i32)  : i32 {
      %add3A_1552 = arith.constant 208 : i32
      %add3A_1553 = arith.addi %add3A_1552, %scan3A_1550 : i32
      %broadcast_in_dim3A = vector.broadcast %add3A_1553 : i32 to vector<16xi32>
      %gather3A = tpu.vector_load_idx %arg7[%broadcast_in_dim3A] : memref<400xf32, #tpu.memory_space<vmem>>[vector<16xi32>], vector<16xf32>,
      %scan3A_1554 = arith.constant 0 : i32
      %scan3A_1555 = arith.constant 0 : i32
      %scan3A_1556 = arith.constant 256 : i32
      %scan3A_1557 = arith.addi %scan3A_1555, %scan3A_1556 : i32
      %scan3A_1558 = arith.constant 1 : i32
      %scan3A_1559 = scf.for %scan3A_1562 = %scan3A_1555 to %scan3A_1557 step %scan3A_1558 iter_args(%scan3A_1563 = %scan3A_1554) -> (i32)  : i32 {
        %mul3A_1564 = arith.constant 16 : i32
        %mul3A_1565 = arith.muli %scan3A_1562, %mul3A_1564 : i32
        %get3A = arith.index_cast %scan3A_1550 : i32 to index
        %get3A_1566 = arith.index_cast %mul3A_1565 : i32 to index
        %get3A_1567 = tpu.vector_load %arg5[%get3A, %get3A_1566] {strides = array<i32>} : memref<8x4096xf32, #tpu.memory_space<vmem>>, vector<16xf32>,
        %add3A_1568 = arith.addf %get3A_1567, %gather3A : vector<16xf32>
        %swap3A = arith.index_cast %scan3A_1550 : i32 to index
        %swap3A_1569 = arith.index_cast %mul3A_1565 : i32 to index
        %swap3A_1570 = tpu.vector_load %arg5[%swap3A, %swap3A_1569] {strides = array<i32>} : memref<8x4096xf32, #tpu.memory_space<vmem>>, vector<16xf32>,
        tpu.vector_store %arg5[%swap3A, %swap3A_1569], %add3A_1568 {strides = array<i32>} : memref<8x4096xf32, #tpu.memory_space<vmem>>, vector<16xf32>,
        %scan3A_1571 = arith.constant 0 : i32
        scf.yield %scan3A_1571 : i32
      }
      %scan3A_1560 = arith.constant 256 : i32
      %scan3A_1561 = arith.constant 0 : i32
      scf.yield %scan3A_1561 : i32
    }
    %scan3A_830 = arith.constant 8 : i32
    %add3A_831 = arith.constant 208 : i32
    %add3A_832 = arith.addi %mul3A_2, %add3A_831 : i32
    %dma_start3A_833 = arith.constant 0 : i32
    %dma_start3A_834 = tpu.memref_slice %arg4[%add3A_832, %dma_start3A_833] : memref<12800x4096xf32, #tpu.memory_space<hbm>> -> memref<8x4096xf32, #tpu.memory_space<hbm>>
    %dma_start3A_835 = arith.constant 0 : i32
    %dma_start3A_836 = tpu.memref_slice %arg4[%add3A_832, %dma_start3A_835] : memref<12800x4096xf32, #tpu.memory_space<hbm>> -> memref<8x4096xf32, #tpu.memory_space<hbm>>
    tpu.enqueue_dma source(%arg5 : memref<8x4096xf32, #tpu.memory_space<vmem>>) target(%dma_start3A_836 : memref<8x4096xf32, #tpu.memory_space<hbm>>) target_semaphore(%arg10 : memref<!tpu.dma_semaphore, #tpu.memory_space<semaphore_mem>>)
    %add3A_837 = arith.constant 208 : i32
    %add3A_838 = arith.addi %mul3A_2, %add3A_837 : i32
    %dma_wait3A_839 = arith.constant 0 : i32
    %dma_wait3A_840 = tpu.memref_slice %arg4[%add3A_838, %dma_wait3A_839] : memref<12800x4096xf32, #tpu.memory_space<hbm>> -> memref<8x4096xf32, #tpu.memory_space<hbm>>
    %dma_wait3A_841 = arith.constant 0 : i32
    %dma_wait3A_842 = tpu.memref_slice %arg4[%add3A_838, %dma_wait3A_841] : memref<12800x4096xf32, #tpu.memory_space<hbm>> -> memref<8x4096xf32, #tpu.memory_space<hbm>>
    tpu.wait_dma2 semaphore(%arg10 : memref<!tpu.dma_semaphore, #tpu.memory_space<semaphore_mem>>) src(%arg5 : memref<8x4096xf32, #tpu.memory_space<vmem>>) dst(%dma_wait3A_842 : memref<8x4096xf32, #tpu.memory_space<hbm>>)
    %add3A_843 = arith.constant 224 : i32
    %add3A_844 = arith.addi %mul3A_2, %add3A_843 : i32
    %dma_start3A_845 = arith.constant 0 : i32
    %dma_start3A_846 = tpu.memref_slice %arg2[%add3A_844, %dma_start3A_845] : memref<12800x4096xf32, #tpu.memory_space<hbm>> -> memref<8x4096xf32, #tpu.memory_space<hbm>>
    %dma_start3A_847 = arith.constant 0 : i32
    %dma_start3A_848 = tpu.memref_slice %arg2[%add3A_844, %dma_start3A_847] : memref<12800x4096xf32, #tpu.memory_space<hbm>> -> memref<8x4096xf32, #tpu.memory_space<hbm>>
    tpu.enqueue_dma source(%dma_start3A_848 : memref<8x4096xf32, #tpu.memory_space<hbm>>) target(%arg5 : memref<8x4096xf32, #tpu.memory_space<vmem>>) target_semaphore(%arg8 : memref<!tpu.dma_semaphore, #tpu.memory_space<semaphore_mem>>)
    %add3A_849 = arith.constant 216 : i32
    %add3A_850 = arith.addi %mul3A_2, %add3A_849 : i32
    %dma_wait3A_851 = arith.constant 0 : i32
    %dma_wait3A_852 = tpu.memref_slice %arg2[%add3A_850, %dma_wait3A_851] : memref<12800x4096xf32, #tpu.memory_space<hbm>> -> memref<8x4096xf32, #tpu.memory_space<hbm>>
    %dma_wait3A_853 = arith.constant 0 : i32
    %dma_wait3A_854 = tpu.memref_slice %arg2[%add3A_850, %dma_wait3A_853] : memref<12800x4096xf32, #tpu.memory_space<hbm>> -> memref<8x4096xf32, #tpu.memory_space<hbm>>
    tpu.wait_dma2 semaphore(%arg9 : memref<!tpu.dma_semaphore, #tpu.memory_space<semaphore_mem>>) src(%dma_wait3A_854 : memref<8x4096xf32, #tpu.memory_space<hbm>>) dst(%arg6 : memref<8x4096xf32, #tpu.memory_space<vmem>>)
    %scan3A_855 = arith.constant 0 : i32
    %scan3A_856 = arith.constant 0 : i32
    %scan3A_857 = arith.constant 8 : i32
    %scan3A_858 = arith.addi %scan3A_856, %scan3A_857 : i32
    %scan3A_859 = arith.constant 1 : i32
    %scan3A_860 = scf.for %scan3A_1550 = %scan3A_856 to %scan3A_858 step %scan3A_859 iter_args(%scan3A_1551 = %scan3A_855) -> (i32)  : i32 {
      %add3A_1552 = arith.constant 216 : i32
      %add3A_1553 = arith.addi %add3A_1552, %scan3A_1550 : i32
      %broadcast_in_dim3A = vector.broadcast %add3A_1553 : i32 to vector<16xi32>
      %gather3A = tpu.vector_load_idx %arg7[%broadcast_in_dim3A] : memref<400xf32, #tpu.memory_space<vmem>>[vector<16xi32>], vector<16xf32>,
      %scan3A_1554 = arith.constant 0 : i32
      %scan3A_1555 = arith.constant 0 : i32
      %scan3A_1556 = arith.constant 256 : i32
      %scan3A_1557 = arith.addi %scan3A_1555, %scan3A_1556 : i32
      %scan3A_1558 = arith.constant 1 : i32
      %scan3A_1559 = scf.for %scan3A_1562 = %scan3A_1555 to %scan3A_1557 step %scan3A_1558 iter_args(%scan3A_1563 = %scan3A_1554) -> (i32)  : i32 {
        %mul3A_1564 = arith.constant 16 : i32
        %mul3A_1565 = arith.muli %scan3A_1562, %mul3A_1564 : i32
        %get3A = arith.index_cast %scan3A_1550 : i32 to index
        %get3A_1566 = arith.index_cast %mul3A_1565 : i32 to index
        %get3A_1567 = tpu.vector_load %arg6[%get3A, %get3A_1566] {strides = array<i32>} : memref<8x4096xf32, #tpu.memory_space<vmem>>, vector<16xf32>,
        %add3A_1568 = arith.addf %get3A_1567, %gather3A : vector<16xf32>
        %swap3A = arith.index_cast %scan3A_1550 : i32 to index
        %swap3A_1569 = arith.index_cast %mul3A_1565 : i32 to index
        %swap3A_1570 = tpu.vector_load %arg6[%swap3A, %swap3A_1569] {strides = array<i32>} : memref<8x4096xf32, #tpu.memory_space<vmem>>, vector<16xf32>,
        tpu.vector_store %arg6[%swap3A, %swap3A_1569], %add3A_1568 {strides = array<i32>} : memref<8x4096xf32, #tpu.memory_space<vmem>>, vector<16xf32>,
        %scan3A_1571 = arith.constant 0 : i32
        scf.yield %scan3A_1571 : i32
      }
      %scan3A_1560 = arith.constant 256 : i32
      %scan3A_1561 = arith.constant 0 : i32
      scf.yield %scan3A_1561 : i32
    }
    %scan3A_861 = arith.constant 8 : i32
    %add3A_862 = arith.constant 216 : i32
    %add3A_863 = arith.addi %mul3A_2, %add3A_862 : i32
    %dma_start3A_864 = arith.constant 0 : i32
    %dma_start3A_865 = tpu.memref_slice %arg4[%add3A_863, %dma_start3A_864] : memref<12800x4096xf32, #tpu.memory_space<hbm>> -> memref<8x4096xf32, #tpu.memory_space<hbm>>
    %dma_start3A_866 = arith.constant 0 : i32
    %dma_start3A_867 = tpu.memref_slice %arg4[%add3A_863, %dma_start3A_866] : memref<12800x4096xf32, #tpu.memory_space<hbm>> -> memref<8x4096xf32, #tpu.memory_space<hbm>>
    tpu.enqueue_dma source(%arg6 : memref<8x4096xf32, #tpu.memory_space<vmem>>) target(%dma_start3A_867 : memref<8x4096xf32, #tpu.memory_space<hbm>>) target_semaphore(%arg11 : memref<!tpu.dma_semaphore, #tpu.memory_space<semaphore_mem>>)
    %add3A_868 = arith.constant 216 : i32
    %add3A_869 = arith.addi %mul3A_2, %add3A_868 : i32
    %dma_wait3A_870 = arith.constant 0 : i32
    %dma_wait3A_871 = tpu.memref_slice %arg4[%add3A_869, %dma_wait3A_870] : memref<12800x4096xf32, #tpu.memory_space<hbm>> -> memref<8x4096xf32, #tpu.memory_space<hbm>>
    %dma_wait3A_872 = arith.constant 0 : i32
    %dma_wait3A_873 = tpu.memref_slice %arg4[%add3A_869, %dma_wait3A_872] : memref<12800x4096xf32, #tpu.memory_space<hbm>> -> memref<8x4096xf32, #tpu.memory_space<hbm>>
    tpu.wait_dma2 semaphore(%arg11 : memref<!tpu.dma_semaphore, #tpu.memory_space<semaphore_mem>>) src(%arg6 : memref<8x4096xf32, #tpu.memory_space<vmem>>) dst(%dma_wait3A_873 : memref<8x4096xf32, #tpu.memory_space<hbm>>)
    %add3A_874 = arith.constant 232 : i32
    %add3A_875 = arith.addi %mul3A_2, %add3A_874 : i32
    %dma_start3A_876 = arith.constant 0 : i32
    %dma_start3A_877 = tpu.memref_slice %arg2[%add3A_875, %dma_start3A_876] : memref<12800x4096xf32, #tpu.memory_space<hbm>> -> memref<8x4096xf32, #tpu.memory_space<hbm>>
    %dma_start3A_878 = arith.constant 0 : i32
    %dma_start3A_879 = tpu.memref_slice %arg2[%add3A_875, %dma_start3A_878] : memref<12800x4096xf32, #tpu.memory_space<hbm>> -> memref<8x4096xf32, #tpu.memory_space<hbm>>
    tpu.enqueue_dma source(%dma_start3A_879 : memref<8x4096xf32, #tpu.memory_space<hbm>>) target(%arg6 : memref<8x4096xf32, #tpu.memory_space<vmem>>) target_semaphore(%arg9 : memref<!tpu.dma_semaphore, #tpu.memory_space<semaphore_mem>>)
    %add3A_880 = arith.constant 224 : i32
    %add3A_881 = arith.addi %mul3A_2, %add3A_880 : i32
    %dma_wait3A_882 = arith.constant 0 : i32
    %dma_wait3A_883 = tpu.memref_slice %arg2[%add3A_881, %dma_wait3A_882] : memref<12800x4096xf32, #tpu.memory_space<hbm>> -> memref<8x4096xf32, #tpu.memory_space<hbm>>
    %dma_wait3A_884 = arith.constant 0 : i32
    %dma_wait3A_885 = tpu.memref_slice %arg2[%add3A_881, %dma_wait3A_884] : memref<12800x4096xf32, #tpu.memory_space<hbm>> -> memref<8x4096xf32, #tpu.memory_space<hbm>>
    tpu.wait_dma2 semaphore(%arg8 : memref<!tpu.dma_semaphore, #tpu.memory_space<semaphore_mem>>) src(%dma_wait3A_885 : memref<8x4096xf32, #tpu.memory_space<hbm>>) dst(%arg5 : memref<8x4096xf32, #tpu.memory_space<vmem>>)
    %scan3A_886 = arith.constant 0 : i32
    %scan3A_887 = arith.constant 0 : i32
    %scan3A_888 = arith.constant 8 : i32
    %scan3A_889 = arith.addi %scan3A_887, %scan3A_888 : i32
    %scan3A_890 = arith.constant 1 : i32
    %scan3A_891 = scf.for %scan3A_1550 = %scan3A_887 to %scan3A_889 step %scan3A_890 iter_args(%scan3A_1551 = %scan3A_886) -> (i32)  : i32 {
      %add3A_1552 = arith.constant 224 : i32
      %add3A_1553 = arith.addi %add3A_1552, %scan3A_1550 : i32
      %broadcast_in_dim3A = vector.broadcast %add3A_1553 : i32 to vector<16xi32>
      %gather3A = tpu.vector_load_idx %arg7[%broadcast_in_dim3A] : memref<400xf32, #tpu.memory_space<vmem>>[vector<16xi32>], vector<16xf32>,
      %scan3A_1554 = arith.constant 0 : i32
      %scan3A_1555 = arith.constant 0 : i32
      %scan3A_1556 = arith.constant 256 : i32
      %scan3A_1557 = arith.addi %scan3A_1555, %scan3A_1556 : i32
      %scan3A_1558 = arith.constant 1 : i32
      %scan3A_1559 = scf.for %scan3A_1562 = %scan3A_1555 to %scan3A_1557 step %scan3A_1558 iter_args(%scan3A_1563 = %scan3A_1554) -> (i32)  : i32 {
        %mul3A_1564 = arith.constant 16 : i32
        %mul3A_1565 = arith.muli %scan3A_1562, %mul3A_1564 : i32
        %get3A = arith.index_cast %scan3A_1550 : i32 to index
        %get3A_1566 = arith.index_cast %mul3A_1565 : i32 to index
        %get3A_1567 = tpu.vector_load %arg5[%get3A, %get3A_1566] {strides = array<i32>} : memref<8x4096xf32, #tpu.memory_space<vmem>>, vector<16xf32>,
        %add3A_1568 = arith.addf %get3A_1567, %gather3A : vector<16xf32>
        %swap3A = arith.index_cast %scan3A_1550 : i32 to index
        %swap3A_1569 = arith.index_cast %mul3A_1565 : i32 to index
        %swap3A_1570 = tpu.vector_load %arg5[%swap3A, %swap3A_1569] {strides = array<i32>} : memref<8x4096xf32, #tpu.memory_space<vmem>>, vector<16xf32>,
        tpu.vector_store %arg5[%swap3A, %swap3A_1569], %add3A_1568 {strides = array<i32>} : memref<8x4096xf32, #tpu.memory_space<vmem>>, vector<16xf32>,
        %scan3A_1571 = arith.constant 0 : i32
        scf.yield %scan3A_1571 : i32
      }
      %scan3A_1560 = arith.constant 256 : i32
      %scan3A_1561 = arith.constant 0 : i32
      scf.yield %scan3A_1561 : i32
    }
    %scan3A_892 = arith.constant 8 : i32
    %add3A_893 = arith.constant 224 : i32
    %add3A_894 = arith.addi %mul3A_2, %add3A_893 : i32
    %dma_start3A_895 = arith.constant 0 : i32
    %dma_start3A_896 = tpu.memref_slice %arg4[%add3A_894, %dma_start3A_895] : memref<12800x4096xf32, #tpu.memory_space<hbm>> -> memref<8x4096xf32, #tpu.memory_space<hbm>>
    %dma_start3A_897 = arith.constant 0 : i32
    %dma_start3A_898 = tpu.memref_slice %arg4[%add3A_894, %dma_start3A_897] : memref<12800x4096xf32, #tpu.memory_space<hbm>> -> memref<8x4096xf32, #tpu.memory_space<hbm>>
    tpu.enqueue_dma source(%arg5 : memref<8x4096xf32, #tpu.memory_space<vmem>>) target(%dma_start3A_898 : memref<8x4096xf32, #tpu.memory_space<hbm>>) target_semaphore(%arg10 : memref<!tpu.dma_semaphore, #tpu.memory_space<semaphore_mem>>)
    %add3A_899 = arith.constant 224 : i32
    %add3A_900 = arith.addi %mul3A_2, %add3A_899 : i32
    %dma_wait3A_901 = arith.constant 0 : i32
    %dma_wait3A_902 = tpu.memref_slice %arg4[%add3A_900, %dma_wait3A_901] : memref<12800x4096xf32, #tpu.memory_space<hbm>> -> memref<8x4096xf32, #tpu.memory_space<hbm>>
    %dma_wait3A_903 = arith.constant 0 : i32
    %dma_wait3A_904 = tpu.memref_slice %arg4[%add3A_900, %dma_wait3A_903] : memref<12800x4096xf32, #tpu.memory_space<hbm>> -> memref<8x4096xf32, #tpu.memory_space<hbm>>
    tpu.wait_dma2 semaphore(%arg10 : memref<!tpu.dma_semaphore, #tpu.memory_space<semaphore_mem>>) src(%arg5 : memref<8x4096xf32, #tpu.memory_space<vmem>>) dst(%dma_wait3A_904 : memref<8x4096xf32, #tpu.memory_space<hbm>>)
    %add3A_905 = arith.constant 240 : i32
    %add3A_906 = arith.addi %mul3A_2, %add3A_905 : i32
    %dma_start3A_907 = arith.constant 0 : i32
    %dma_start3A_908 = tpu.memref_slice %arg2[%add3A_906, %dma_start3A_907] : memref<12800x4096xf32, #tpu.memory_space<hbm>> -> memref<8x4096xf32, #tpu.memory_space<hbm>>
    %dma_start3A_909 = arith.constant 0 : i32
    %dma_start3A_910 = tpu.memref_slice %arg2[%add3A_906, %dma_start3A_909] : memref<12800x4096xf32, #tpu.memory_space<hbm>> -> memref<8x4096xf32, #tpu.memory_space<hbm>>
    tpu.enqueue_dma source(%dma_start3A_910 : memref<8x4096xf32, #tpu.memory_space<hbm>>) target(%arg5 : memref<8x4096xf32, #tpu.memory_space<vmem>>) target_semaphore(%arg8 : memref<!tpu.dma_semaphore, #tpu.memory_space<semaphore_mem>>)
    %add3A_911 = arith.constant 232 : i32
    %add3A_912 = arith.addi %mul3A_2, %add3A_911 : i32
    %dma_wait3A_913 = arith.constant 0 : i32
    %dma_wait3A_914 = tpu.memref_slice %arg2[%add3A_912, %dma_wait3A_913] : memref<12800x4096xf32, #tpu.memory_space<hbm>> -> memref<8x4096xf32, #tpu.memory_space<hbm>>
    %dma_wait3A_915 = arith.constant 0 : i32
    %dma_wait3A_916 = tpu.memref_slice %arg2[%add3A_912, %dma_wait3A_915] : memref<12800x4096xf32, #tpu.memory_space<hbm>> -> memref<8x4096xf32, #tpu.memory_space<hbm>>
    tpu.wait_dma2 semaphore(%arg9 : memref<!tpu.dma_semaphore, #tpu.memory_space<semaphore_mem>>) src(%dma_wait3A_916 : memref<8x4096xf32, #tpu.memory_space<hbm>>) dst(%arg6 : memref<8x4096xf32, #tpu.memory_space<vmem>>)
    %scan3A_917 = arith.constant 0 : i32
    %scan3A_918 = arith.constant 0 : i32
    %scan3A_919 = arith.constant 8 : i32
    %scan3A_920 = arith.addi %scan3A_918, %scan3A_919 : i32
    %scan3A_921 = arith.constant 1 : i32
    %scan3A_922 = scf.for %scan3A_1550 = %scan3A_918 to %scan3A_920 step %scan3A_921 iter_args(%scan3A_1551 = %scan3A_917) -> (i32)  : i32 {
      %add3A_1552 = arith.constant 232 : i32
      %add3A_1553 = arith.addi %add3A_1552, %scan3A_1550 : i32
      %broadcast_in_dim3A = vector.broadcast %add3A_1553 : i32 to vector<16xi32>
      %gather3A = tpu.vector_load_idx %arg7[%broadcast_in_dim3A] : memref<400xf32, #tpu.memory_space<vmem>>[vector<16xi32>], vector<16xf32>,
      %scan3A_1554 = arith.constant 0 : i32
      %scan3A_1555 = arith.constant 0 : i32
      %scan3A_1556 = arith.constant 256 : i32
      %scan3A_1557 = arith.addi %scan3A_1555, %scan3A_1556 : i32
      %scan3A_1558 = arith.constant 1 : i32
      %scan3A_1559 = scf.for %scan3A_1562 = %scan3A_1555 to %scan3A_1557 step %scan3A_1558 iter_args(%scan3A_1563 = %scan3A_1554) -> (i32)  : i32 {
        %mul3A_1564 = arith.constant 16 : i32
        %mul3A_1565 = arith.muli %scan3A_1562, %mul3A_1564 : i32
        %get3A = arith.index_cast %scan3A_1550 : i32 to index
        %get3A_1566 = arith.index_cast %mul3A_1565 : i32 to index
        %get3A_1567 = tpu.vector_load %arg6[%get3A, %get3A_1566] {strides = array<i32>} : memref<8x4096xf32, #tpu.memory_space<vmem>>, vector<16xf32>,
        %add3A_1568 = arith.addf %get3A_1567, %gather3A : vector<16xf32>
        %swap3A = arith.index_cast %scan3A_1550 : i32 to index
        %swap3A_1569 = arith.index_cast %mul3A_1565 : i32 to index
        %swap3A_1570 = tpu.vector_load %arg6[%swap3A, %swap3A_1569] {strides = array<i32>} : memref<8x4096xf32, #tpu.memory_space<vmem>>, vector<16xf32>,
        tpu.vector_store %arg6[%swap3A, %swap3A_1569], %add3A_1568 {strides = array<i32>} : memref<8x4096xf32, #tpu.memory_space<vmem>>, vector<16xf32>,
        %scan3A_1571 = arith.constant 0 : i32
        scf.yield %scan3A_1571 : i32
      }
      %scan3A_1560 = arith.constant 256 : i32
      %scan3A_1561 = arith.constant 0 : i32
      scf.yield %scan3A_1561 : i32
    }
    %scan3A_923 = arith.constant 8 : i32
    %add3A_924 = arith.constant 232 : i32
    %add3A_925 = arith.addi %mul3A_2, %add3A_924 : i32
    %dma_start3A_926 = arith.constant 0 : i32
    %dma_start3A_927 = tpu.memref_slice %arg4[%add3A_925, %dma_start3A_926] : memref<12800x4096xf32, #tpu.memory_space<hbm>> -> memref<8x4096xf32, #tpu.memory_space<hbm>>
    %dma_start3A_928 = arith.constant 0 : i32
    %dma_start3A_929 = tpu.memref_slice %arg4[%add3A_925, %dma_start3A_928] : memref<12800x4096xf32, #tpu.memory_space<hbm>> -> memref<8x4096xf32, #tpu.memory_space<hbm>>
    tpu.enqueue_dma source(%arg6 : memref<8x4096xf32, #tpu.memory_space<vmem>>) target(%dma_start3A_929 : memref<8x4096xf32, #tpu.memory_space<hbm>>) target_semaphore(%arg11 : memref<!tpu.dma_semaphore, #tpu.memory_space<semaphore_mem>>)
    %add3A_930 = arith.constant 232 : i32
    %add3A_931 = arith.addi %mul3A_2, %add3A_930 : i32
    %dma_wait3A_932 = arith.constant 0 : i32
    %dma_wait3A_933 = tpu.memref_slice %arg4[%add3A_931, %dma_wait3A_932] : memref<12800x4096xf32, #tpu.memory_space<hbm>> -> memref<8x4096xf32, #tpu.memory_space<hbm>>
    %dma_wait3A_934 = arith.constant 0 : i32
    %dma_wait3A_935 = tpu.memref_slice %arg4[%add3A_931, %dma_wait3A_934] : memref<12800x4096xf32, #tpu.memory_space<hbm>> -> memref<8x4096xf32, #tpu.memory_space<hbm>>
    tpu.wait_dma2 semaphore(%arg11 : memref<!tpu.dma_semaphore, #tpu.memory_space<semaphore_mem>>) src(%arg6 : memref<8x4096xf32, #tpu.memory_space<vmem>>) dst(%dma_wait3A_935 : memref<8x4096xf32, #tpu.memory_space<hbm>>)
    %add3A_936 = arith.constant 248 : i32
    %add3A_937 = arith.addi %mul3A_2, %add3A_936 : i32
    %dma_start3A_938 = arith.constant 0 : i32
    %dma_start3A_939 = tpu.memref_slice %arg2[%add3A_937, %dma_start3A_938] : memref<12800x4096xf32, #tpu.memory_space<hbm>> -> memref<8x4096xf32, #tpu.memory_space<hbm>>
    %dma_start3A_940 = arith.constant 0 : i32
    %dma_start3A_941 = tpu.memref_slice %arg2[%add3A_937, %dma_start3A_940] : memref<12800x4096xf32, #tpu.memory_space<hbm>> -> memref<8x4096xf32, #tpu.memory_space<hbm>>
    tpu.enqueue_dma source(%dma_start3A_941 : memref<8x4096xf32, #tpu.memory_space<hbm>>) target(%arg6 : memref<8x4096xf32, #tpu.memory_space<vmem>>) target_semaphore(%arg9 : memref<!tpu.dma_semaphore, #tpu.memory_space<semaphore_mem>>)
    %add3A_942 = arith.constant 240 : i32
    %add3A_943 = arith.addi %mul3A_2, %add3A_942 : i32
    %dma_wait3A_944 = arith.constant 0 : i32
    %dma_wait3A_945 = tpu.memref_slice %arg2[%add3A_943, %dma_wait3A_944] : memref<12800x4096xf32, #tpu.memory_space<hbm>> -> memref<8x4096xf32, #tpu.memory_space<hbm>>
    %dma_wait3A_946 = arith.constant 0 : i32
    %dma_wait3A_947 = tpu.memref_slice %arg2[%add3A_943, %dma_wait3A_946] : memref<12800x4096xf32, #tpu.memory_space<hbm>> -> memref<8x4096xf32, #tpu.memory_space<hbm>>
    tpu.wait_dma2 semaphore(%arg8 : memref<!tpu.dma_semaphore, #tpu.memory_space<semaphore_mem>>) src(%dma_wait3A_947 : memref<8x4096xf32, #tpu.memory_space<hbm>>) dst(%arg5 : memref<8x4096xf32, #tpu.memory_space<vmem>>)
    %scan3A_948 = arith.constant 0 : i32
    %scan3A_949 = arith.constant 0 : i32
    %scan3A_950 = arith.constant 8 : i32
    %scan3A_951 = arith.addi %scan3A_949, %scan3A_950 : i32
    %scan3A_952 = arith.constant 1 : i32
    %scan3A_953 = scf.for %scan3A_1550 = %scan3A_949 to %scan3A_951 step %scan3A_952 iter_args(%scan3A_1551 = %scan3A_948) -> (i32)  : i32 {
      %add3A_1552 = arith.constant 240 : i32
      %add3A_1553 = arith.addi %add3A_1552, %scan3A_1550 : i32
      %broadcast_in_dim3A = vector.broadcast %add3A_1553 : i32 to vector<16xi32>
      %gather3A = tpu.vector_load_idx %arg7[%broadcast_in_dim3A] : memref<400xf32, #tpu.memory_space<vmem>>[vector<16xi32>], vector<16xf32>,
      %scan3A_1554 = arith.constant 0 : i32
      %scan3A_1555 = arith.constant 0 : i32
      %scan3A_1556 = arith.constant 256 : i32
      %scan3A_1557 = arith.addi %scan3A_1555, %scan3A_1556 : i32
      %scan3A_1558 = arith.constant 1 : i32
      %scan3A_1559 = scf.for %scan3A_1562 = %scan3A_1555 to %scan3A_1557 step %scan3A_1558 iter_args(%scan3A_1563 = %scan3A_1554) -> (i32)  : i32 {
        %mul3A_1564 = arith.constant 16 : i32
        %mul3A_1565 = arith.muli %scan3A_1562, %mul3A_1564 : i32
        %get3A = arith.index_cast %scan3A_1550 : i32 to index
        %get3A_1566 = arith.index_cast %mul3A_1565 : i32 to index
        %get3A_1567 = tpu.vector_load %arg5[%get3A, %get3A_1566] {strides = array<i32>} : memref<8x4096xf32, #tpu.memory_space<vmem>>, vector<16xf32>,
        %add3A_1568 = arith.addf %get3A_1567, %gather3A : vector<16xf32>
        %swap3A = arith.index_cast %scan3A_1550 : i32 to index
        %swap3A_1569 = arith.index_cast %mul3A_1565 : i32 to index
        %swap3A_1570 = tpu.vector_load %arg5[%swap3A, %swap3A_1569] {strides = array<i32>} : memref<8x4096xf32, #tpu.memory_space<vmem>>, vector<16xf32>,
        tpu.vector_store %arg5[%swap3A, %swap3A_1569], %add3A_1568 {strides = array<i32>} : memref<8x4096xf32, #tpu.memory_space<vmem>>, vector<16xf32>,
        %scan3A_1571 = arith.constant 0 : i32
        scf.yield %scan3A_1571 : i32
      }
      %scan3A_1560 = arith.constant 256 : i32
      %scan3A_1561 = arith.constant 0 : i32
      scf.yield %scan3A_1561 : i32
    }
    %scan3A_954 = arith.constant 8 : i32
    %add3A_955 = arith.constant 240 : i32
    %add3A_956 = arith.addi %mul3A_2, %add3A_955 : i32
    %dma_start3A_957 = arith.constant 0 : i32
    %dma_start3A_958 = tpu.memref_slice %arg4[%add3A_956, %dma_start3A_957] : memref<12800x4096xf32, #tpu.memory_space<hbm>> -> memref<8x4096xf32, #tpu.memory_space<hbm>>
    %dma_start3A_959 = arith.constant 0 : i32
    %dma_start3A_960 = tpu.memref_slice %arg4[%add3A_956, %dma_start3A_959] : memref<12800x4096xf32, #tpu.memory_space<hbm>> -> memref<8x4096xf32, #tpu.memory_space<hbm>>
    tpu.enqueue_dma source(%arg5 : memref<8x4096xf32, #tpu.memory_space<vmem>>) target(%dma_start3A_960 : memref<8x4096xf32, #tpu.memory_space<hbm>>) target_semaphore(%arg10 : memref<!tpu.dma_semaphore, #tpu.memory_space<semaphore_mem>>)
    %add3A_961 = arith.constant 240 : i32
    %add3A_962 = arith.addi %mul3A_2, %add3A_961 : i32
    %dma_wait3A_963 = arith.constant 0 : i32
    %dma_wait3A_964 = tpu.memref_slice %arg4[%add3A_962, %dma_wait3A_963] : memref<12800x4096xf32, #tpu.memory_space<hbm>> -> memref<8x4096xf32, #tpu.memory_space<hbm>>
    %dma_wait3A_965 = arith.constant 0 : i32
    %dma_wait3A_966 = tpu.memref_slice %arg4[%add3A_962, %dma_wait3A_965] : memref<12800x4096xf32, #tpu.memory_space<hbm>> -> memref<8x4096xf32, #tpu.memory_space<hbm>>
    tpu.wait_dma2 semaphore(%arg10 : memref<!tpu.dma_semaphore, #tpu.memory_space<semaphore_mem>>) src(%arg5 : memref<8x4096xf32, #tpu.memory_space<vmem>>) dst(%dma_wait3A_966 : memref<8x4096xf32, #tpu.memory_space<hbm>>)
    %add3A_967 = arith.constant 256 : i32
    %add3A_968 = arith.addi %mul3A_2, %add3A_967 : i32
    %dma_start3A_969 = arith.constant 0 : i32
    %dma_start3A_970 = tpu.memref_slice %arg2[%add3A_968, %dma_start3A_969] : memref<12800x4096xf32, #tpu.memory_space<hbm>> -> memref<8x4096xf32, #tpu.memory_space<hbm>>
    %dma_start3A_971 = arith.constant 0 : i32
    %dma_start3A_972 = tpu.memref_slice %arg2[%add3A_968, %dma_start3A_971] : memref<12800x4096xf32, #tpu.memory_space<hbm>> -> memref<8x4096xf32, #tpu.memory_space<hbm>>
    tpu.enqueue_dma source(%dma_start3A_972 : memref<8x4096xf32, #tpu.memory_space<hbm>>) target(%arg5 : memref<8x4096xf32, #tpu.memory_space<vmem>>) target_semaphore(%arg8 : memref<!tpu.dma_semaphore, #tpu.memory_space<semaphore_mem>>)
    %add3A_973 = arith.constant 248 : i32
    %add3A_974 = arith.addi %mul3A_2, %add3A_973 : i32
    %dma_wait3A_975 = arith.constant 0 : i32
    %dma_wait3A_976 = tpu.memref_slice %arg2[%add3A_974, %dma_wait3A_975] : memref<12800x4096xf32, #tpu.memory_space<hbm>> -> memref<8x4096xf32, #tpu.memory_space<hbm>>
    %dma_wait3A_977 = arith.constant 0 : i32
    %dma_wait3A_978 = tpu.memref_slice %arg2[%add3A_974, %dma_wait3A_977] : memref<12800x4096xf32, #tpu.memory_space<hbm>> -> memref<8x4096xf32, #tpu.memory_space<hbm>>
    tpu.wait_dma2 semaphore(%arg9 : memref<!tpu.dma_semaphore, #tpu.memory_space<semaphore_mem>>) src(%dma_wait3A_978 : memref<8x4096xf32, #tpu.memory_space<hbm>>) dst(%arg6 : memref<8x4096xf32, #tpu.memory_space<vmem>>)
    %scan3A_979 = arith.constant 0 : i32
    %scan3A_980 = arith.constant 0 : i32
    %scan3A_981 = arith.constant 8 : i32
    %scan3A_982 = arith.addi %scan3A_980, %scan3A_981 : i32
    %scan3A_983 = arith.constant 1 : i32
    %scan3A_984 = scf.for %scan3A_1550 = %scan3A_980 to %scan3A_982 step %scan3A_983 iter_args(%scan3A_1551 = %scan3A_979) -> (i32)  : i32 {
      %add3A_1552 = arith.constant 248 : i32
      %add3A_1553 = arith.addi %add3A_1552, %scan3A_1550 : i32
      %broadcast_in_dim3A = vector.broadcast %add3A_1553 : i32 to vector<16xi32>
      %gather3A = tpu.vector_load_idx %arg7[%broadcast_in_dim3A] : memref<400xf32, #tpu.memory_space<vmem>>[vector<16xi32>], vector<16xf32>,
      %scan3A_1554 = arith.constant 0 : i32
      %scan3A_1555 = arith.constant 0 : i32
      %scan3A_1556 = arith.constant 256 : i32
      %scan3A_1557 = arith.addi %scan3A_1555, %scan3A_1556 : i32
      %scan3A_1558 = arith.constant 1 : i32
      %scan3A_1559 = scf.for %scan3A_1562 = %scan3A_1555 to %scan3A_1557 step %scan3A_1558 iter_args(%scan3A_1563 = %scan3A_1554) -> (i32)  : i32 {
        %mul3A_1564 = arith.constant 16 : i32
        %mul3A_1565 = arith.muli %scan3A_1562, %mul3A_1564 : i32
        %get3A = arith.index_cast %scan3A_1550 : i32 to index
        %get3A_1566 = arith.index_cast %mul3A_1565 : i32 to index
        %get3A_1567 = tpu.vector_load %arg6[%get3A, %get3A_1566] {strides = array<i32>} : memref<8x4096xf32, #tpu.memory_space<vmem>>, vector<16xf32>,
        %add3A_1568 = arith.addf %get3A_1567, %gather3A : vector<16xf32>
        %swap3A = arith.index_cast %scan3A_1550 : i32 to index
        %swap3A_1569 = arith.index_cast %mul3A_1565 : i32 to index
        %swap3A_1570 = tpu.vector_load %arg6[%swap3A, %swap3A_1569] {strides = array<i32>} : memref<8x4096xf32, #tpu.memory_space<vmem>>, vector<16xf32>,
        tpu.vector_store %arg6[%swap3A, %swap3A_1569], %add3A_1568 {strides = array<i32>} : memref<8x4096xf32, #tpu.memory_space<vmem>>, vector<16xf32>,
        %scan3A_1571 = arith.constant 0 : i32
        scf.yield %scan3A_1571 : i32
      }
      %scan3A_1560 = arith.constant 256 : i32
      %scan3A_1561 = arith.constant 0 : i32
      scf.yield %scan3A_1561 : i32
    }
    %scan3A_985 = arith.constant 8 : i32
    %add3A_986 = arith.constant 248 : i32
    %add3A_987 = arith.addi %mul3A_2, %add3A_986 : i32
    %dma_start3A_988 = arith.constant 0 : i32
    %dma_start3A_989 = tpu.memref_slice %arg4[%add3A_987, %dma_start3A_988] : memref<12800x4096xf32, #tpu.memory_space<hbm>> -> memref<8x4096xf32, #tpu.memory_space<hbm>>
    %dma_start3A_990 = arith.constant 0 : i32
    %dma_start3A_991 = tpu.memref_slice %arg4[%add3A_987, %dma_start3A_990] : memref<12800x4096xf32, #tpu.memory_space<hbm>> -> memref<8x4096xf32, #tpu.memory_space<hbm>>
    tpu.enqueue_dma source(%arg6 : memref<8x4096xf32, #tpu.memory_space<vmem>>) target(%dma_start3A_991 : memref<8x4096xf32, #tpu.memory_space<hbm>>) target_semaphore(%arg11 : memref<!tpu.dma_semaphore, #tpu.memory_space<semaphore_mem>>)
    %add3A_992 = arith.constant 248 : i32
    %add3A_993 = arith.addi %mul3A_2, %add3A_992 : i32
    %dma_wait3A_994 = arith.constant 0 : i32
    %dma_wait3A_995 = tpu.memref_slice %arg4[%add3A_993, %dma_wait3A_994] : memref<12800x4096xf32, #tpu.memory_space<hbm>> -> memref<8x4096xf32, #tpu.memory_space<hbm>>
    %dma_wait3A_996 = arith.constant 0 : i32
    %dma_wait3A_997 = tpu.memref_slice %arg4[%add3A_993, %dma_wait3A_996] : memref<12800x4096xf32, #tpu.memory_space<hbm>> -> memref<8x4096xf32, #tpu.memory_space<hbm>>
    tpu.wait_dma2 semaphore(%arg11 : memref<!tpu.dma_semaphore, #tpu.memory_space<semaphore_mem>>) src(%arg6 : memref<8x4096xf32, #tpu.memory_space<vmem>>) dst(%dma_wait3A_997 : memref<8x4096xf32, #tpu.memory_space<hbm>>)
    %add3A_998 = arith.constant 264 : i32
    %add3A_999 = arith.addi %mul3A_2, %add3A_998 : i32
    %dma_start3A_1000 = arith.constant 0 : i32
    %dma_start3A_1001 = tpu.memref_slice %arg2[%add3A_999, %dma_start3A_1000] : memref<12800x4096xf32, #tpu.memory_space<hbm>> -> memref<8x4096xf32, #tpu.memory_space<hbm>>
    %dma_start3A_1002 = arith.constant 0 : i32
    %dma_start3A_1003 = tpu.memref_slice %arg2[%add3A_999, %dma_start3A_1002] : memref<12800x4096xf32, #tpu.memory_space<hbm>> -> memref<8x4096xf32, #tpu.memory_space<hbm>>
    tpu.enqueue_dma source(%dma_start3A_1003 : memref<8x4096xf32, #tpu.memory_space<hbm>>) target(%arg6 : memref<8x4096xf32, #tpu.memory_space<vmem>>) target_semaphore(%arg9 : memref<!tpu.dma_semaphore, #tpu.memory_space<semaphore_mem>>)
    %add3A_1004 = arith.constant 256 : i32
    %add3A_1005 = arith.addi %mul3A_2, %add3A_1004 : i32
    %dma_wait3A_1006 = arith.constant 0 : i32
    %dma_wait3A_1007 = tpu.memref_slice %arg2[%add3A_1005, %dma_wait3A_1006] : memref<12800x4096xf32, #tpu.memory_space<hbm>> -> memref<8x4096xf32, #tpu.memory_space<hbm>>
    %dma_wait3A_1008 = arith.constant 0 : i32
    %dma_wait3A_1009 = tpu.memref_slice %arg2[%add3A_1005, %dma_wait3A_1008] : memref<12800x4096xf32, #tpu.memory_space<hbm>> -> memref<8x4096xf32, #tpu.memory_space<hbm>>
    tpu.wait_dma2 semaphore(%arg8 : memref<!tpu.dma_semaphore, #tpu.memory_space<semaphore_mem>>) src(%dma_wait3A_1009 : memref<8x4096xf32, #tpu.memory_space<hbm>>) dst(%arg5 : memref<8x4096xf32, #tpu.memory_space<vmem>>)
    %scan3A_1010 = arith.constant 0 : i32
    %scan3A_1011 = arith.constant 0 : i32
    %scan3A_1012 = arith.constant 8 : i32
    %scan3A_1013 = arith.addi %scan3A_1011, %scan3A_1012 : i32
    %scan3A_1014 = arith.constant 1 : i32
    %scan3A_1015 = scf.for %scan3A_1550 = %scan3A_1011 to %scan3A_1013 step %scan3A_1014 iter_args(%scan3A_1551 = %scan3A_1010) -> (i32)  : i32 {
      %add3A_1552 = arith.constant 256 : i32
      %add3A_1553 = arith.addi %add3A_1552, %scan3A_1550 : i32
      %broadcast_in_dim3A = vector.broadcast %add3A_1553 : i32 to vector<16xi32>
      %gather3A = tpu.vector_load_idx %arg7[%broadcast_in_dim3A] : memref<400xf32, #tpu.memory_space<vmem>>[vector<16xi32>], vector<16xf32>,
      %scan3A_1554 = arith.constant 0 : i32
      %scan3A_1555 = arith.constant 0 : i32
      %scan3A_1556 = arith.constant 256 : i32
      %scan3A_1557 = arith.addi %scan3A_1555, %scan3A_1556 : i32
      %scan3A_1558 = arith.constant 1 : i32
      %scan3A_1559 = scf.for %scan3A_1562 = %scan3A_1555 to %scan3A_1557 step %scan3A_1558 iter_args(%scan3A_1563 = %scan3A_1554) -> (i32)  : i32 {
        %mul3A_1564 = arith.constant 16 : i32
        %mul3A_1565 = arith.muli %scan3A_1562, %mul3A_1564 : i32
        %get3A = arith.index_cast %scan3A_1550 : i32 to index
        %get3A_1566 = arith.index_cast %mul3A_1565 : i32 to index
        %get3A_1567 = tpu.vector_load %arg5[%get3A, %get3A_1566] {strides = array<i32>} : memref<8x4096xf32, #tpu.memory_space<vmem>>, vector<16xf32>,
        %add3A_1568 = arith.addf %get3A_1567, %gather3A : vector<16xf32>
        %swap3A = arith.index_cast %scan3A_1550 : i32 to index
        %swap3A_1569 = arith.index_cast %mul3A_1565 : i32 to index
        %swap3A_1570 = tpu.vector_load %arg5[%swap3A, %swap3A_1569] {strides = array<i32>} : memref<8x4096xf32, #tpu.memory_space<vmem>>, vector<16xf32>,
        tpu.vector_store %arg5[%swap3A, %swap3A_1569], %add3A_1568 {strides = array<i32>} : memref<8x4096xf32, #tpu.memory_space<vmem>>, vector<16xf32>,
        %scan3A_1571 = arith.constant 0 : i32
        scf.yield %scan3A_1571 : i32
      }
      %scan3A_1560 = arith.constant 256 : i32
      %scan3A_1561 = arith.constant 0 : i32
      scf.yield %scan3A_1561 : i32
    }
    %scan3A_1016 = arith.constant 8 : i32
    %add3A_1017 = arith.constant 256 : i32
    %add3A_1018 = arith.addi %mul3A_2, %add3A_1017 : i32
    %dma_start3A_1019 = arith.constant 0 : i32
    %dma_start3A_1020 = tpu.memref_slice %arg4[%add3A_1018, %dma_start3A_1019] : memref<12800x4096xf32, #tpu.memory_space<hbm>> -> memref<8x4096xf32, #tpu.memory_space<hbm>>
    %dma_start3A_1021 = arith.constant 0 : i32
    %dma_start3A_1022 = tpu.memref_slice %arg4[%add3A_1018, %dma_start3A_1021] : memref<12800x4096xf32, #tpu.memory_space<hbm>> -> memref<8x4096xf32, #tpu.memory_space<hbm>>
    tpu.enqueue_dma source(%arg5 : memref<8x4096xf32, #tpu.memory_space<vmem>>) target(%dma_start3A_1022 : memref<8x4096xf32, #tpu.memory_space<hbm>>) target_semaphore(%arg10 : memref<!tpu.dma_semaphore, #tpu.memory_space<semaphore_mem>>)
    %add3A_1023 = arith.constant 256 : i32
    %add3A_1024 = arith.addi %mul3A_2, %add3A_1023 : i32
    %dma_wait3A_1025 = arith.constant 0 : i32
    %dma_wait3A_1026 = tpu.memref_slice %arg4[%add3A_1024, %dma_wait3A_1025] : memref<12800x4096xf32, #tpu.memory_space<hbm>> -> memref<8x4096xf32, #tpu.memory_space<hbm>>
    %dma_wait3A_1027 = arith.constant 0 : i32
    %dma_wait3A_1028 = tpu.memref_slice %arg4[%add3A_1024, %dma_wait3A_1027] : memref<12800x4096xf32, #tpu.memory_space<hbm>> -> memref<8x4096xf32, #tpu.memory_space<hbm>>
    tpu.wait_dma2 semaphore(%arg10 : memref<!tpu.dma_semaphore, #tpu.memory_space<semaphore_mem>>) src(%arg5 : memref<8x4096xf32, #tpu.memory_space<vmem>>) dst(%dma_wait3A_1028 : memref<8x4096xf32, #tpu.memory_space<hbm>>)
    %add3A_1029 = arith.constant 272 : i32
    %add3A_1030 = arith.addi %mul3A_2, %add3A_1029 : i32
    %dma_start3A_1031 = arith.constant 0 : i32
    %dma_start3A_1032 = tpu.memref_slice %arg2[%add3A_1030, %dma_start3A_1031] : memref<12800x4096xf32, #tpu.memory_space<hbm>> -> memref<8x4096xf32, #tpu.memory_space<hbm>>
    %dma_start3A_1033 = arith.constant 0 : i32
    %dma_start3A_1034 = tpu.memref_slice %arg2[%add3A_1030, %dma_start3A_1033] : memref<12800x4096xf32, #tpu.memory_space<hbm>> -> memref<8x4096xf32, #tpu.memory_space<hbm>>
    tpu.enqueue_dma source(%dma_start3A_1034 : memref<8x4096xf32, #tpu.memory_space<hbm>>) target(%arg5 : memref<8x4096xf32, #tpu.memory_space<vmem>>) target_semaphore(%arg8 : memref<!tpu.dma_semaphore, #tpu.memory_space<semaphore_mem>>)
    %add3A_1035 = arith.constant 264 : i32
    %add3A_1036 = arith.addi %mul3A_2, %add3A_1035 : i32
    %dma_wait3A_1037 = arith.constant 0 : i32
    %dma_wait3A_1038 = tpu.memref_slice %arg2[%add3A_1036, %dma_wait3A_1037] : memref<12800x4096xf32, #tpu.memory_space<hbm>> -> memref<8x4096xf32, #tpu.memory_space<hbm>>
    %dma_wait3A_1039 = arith.constant 0 : i32
    %dma_wait3A_1040 = tpu.memref_slice %arg2[%add3A_1036, %dma_wait3A_1039] : memref<12800x4096xf32, #tpu.memory_space<hbm>> -> memref<8x4096xf32, #tpu.memory_space<hbm>>
    tpu.wait_dma2 semaphore(%arg9 : memref<!tpu.dma_semaphore, #tpu.memory_space<semaphore_mem>>) src(%dma_wait3A_1040 : memref<8x4096xf32, #tpu.memory_space<hbm>>) dst(%arg6 : memref<8x4096xf32, #tpu.memory_space<vmem>>)
    %scan3A_1041 = arith.constant 0 : i32
    %scan3A_1042 = arith.constant 0 : i32
    %scan3A_1043 = arith.constant 8 : i32
    %scan3A_1044 = arith.addi %scan3A_1042, %scan3A_1043 : i32
    %scan3A_1045 = arith.constant 1 : i32
    %scan3A_1046 = scf.for %scan3A_1550 = %scan3A_1042 to %scan3A_1044 step %scan3A_1045 iter_args(%scan3A_1551 = %scan3A_1041) -> (i32)  : i32 {
      %add3A_1552 = arith.constant 264 : i32
      %add3A_1553 = arith.addi %add3A_1552, %scan3A_1550 : i32
      %broadcast_in_dim3A = vector.broadcast %add3A_1553 : i32 to vector<16xi32>
      %gather3A = tpu.vector_load_idx %arg7[%broadcast_in_dim3A] : memref<400xf32, #tpu.memory_space<vmem>>[vector<16xi32>], vector<16xf32>,
      %scan3A_1554 = arith.constant 0 : i32
      %scan3A_1555 = arith.constant 0 : i32
      %scan3A_1556 = arith.constant 256 : i32
      %scan3A_1557 = arith.addi %scan3A_1555, %scan3A_1556 : i32
      %scan3A_1558 = arith.constant 1 : i32
      %scan3A_1559 = scf.for %scan3A_1562 = %scan3A_1555 to %scan3A_1557 step %scan3A_1558 iter_args(%scan3A_1563 = %scan3A_1554) -> (i32)  : i32 {
        %mul3A_1564 = arith.constant 16 : i32
        %mul3A_1565 = arith.muli %scan3A_1562, %mul3A_1564 : i32
        %get3A = arith.index_cast %scan3A_1550 : i32 to index
        %get3A_1566 = arith.index_cast %mul3A_1565 : i32 to index
        %get3A_1567 = tpu.vector_load %arg6[%get3A, %get3A_1566] {strides = array<i32>} : memref<8x4096xf32, #tpu.memory_space<vmem>>, vector<16xf32>,
        %add3A_1568 = arith.addf %get3A_1567, %gather3A : vector<16xf32>
        %swap3A = arith.index_cast %scan3A_1550 : i32 to index
        %swap3A_1569 = arith.index_cast %mul3A_1565 : i32 to index
        %swap3A_1570 = tpu.vector_load %arg6[%swap3A, %swap3A_1569] {strides = array<i32>} : memref<8x4096xf32, #tpu.memory_space<vmem>>, vector<16xf32>,
        tpu.vector_store %arg6[%swap3A, %swap3A_1569], %add3A_1568 {strides = array<i32>} : memref<8x4096xf32, #tpu.memory_space<vmem>>, vector<16xf32>,
        %scan3A_1571 = arith.constant 0 : i32
        scf.yield %scan3A_1571 : i32
      }
      %scan3A_1560 = arith.constant 256 : i32
      %scan3A_1561 = arith.constant 0 : i32
      scf.yield %scan3A_1561 : i32
    }
    %scan3A_1047 = arith.constant 8 : i32
    %add3A_1048 = arith.constant 264 : i32
    %add3A_1049 = arith.addi %mul3A_2, %add3A_1048 : i32
    %dma_start3A_1050 = arith.constant 0 : i32
    %dma_start3A_1051 = tpu.memref_slice %arg4[%add3A_1049, %dma_start3A_1050] : memref<12800x4096xf32, #tpu.memory_space<hbm>> -> memref<8x4096xf32, #tpu.memory_space<hbm>>
    %dma_start3A_1052 = arith.constant 0 : i32
    %dma_start3A_1053 = tpu.memref_slice %arg4[%add3A_1049, %dma_start3A_1052] : memref<12800x4096xf32, #tpu.memory_space<hbm>> -> memref<8x4096xf32, #tpu.memory_space<hbm>>
    tpu.enqueue_dma source(%arg6 : memref<8x4096xf32, #tpu.memory_space<vmem>>) target(%dma_start3A_1053 : memref<8x4096xf32, #tpu.memory_space<hbm>>) target_semaphore(%arg11 : memref<!tpu.dma_semaphore, #tpu.memory_space<semaphore_mem>>)
    %add3A_1054 = arith.constant 264 : i32
    %add3A_1055 = arith.addi %mul3A_2, %add3A_1054 : i32
    %dma_wait3A_1056 = arith.constant 0 : i32
    %dma_wait3A_1057 = tpu.memref_slice %arg4[%add3A_1055, %dma_wait3A_1056] : memref<12800x4096xf32, #tpu.memory_space<hbm>> -> memref<8x4096xf32, #tpu.memory_space<hbm>>
    %dma_wait3A_1058 = arith.constant 0 : i32
    %dma_wait3A_1059 = tpu.memref_slice %arg4[%add3A_1055, %dma_wait3A_1058] : memref<12800x4096xf32, #tpu.memory_space<hbm>> -> memref<8x4096xf32, #tpu.memory_space<hbm>>
    tpu.wait_dma2 semaphore(%arg11 : memref<!tpu.dma_semaphore, #tpu.memory_space<semaphore_mem>>) src(%arg6 : memref<8x4096xf32, #tpu.memory_space<vmem>>) dst(%dma_wait3A_1059 : memref<8x4096xf32, #tpu.memory_space<hbm>>)
    %add3A_1060 = arith.constant 280 : i32
    %add3A_1061 = arith.addi %mul3A_2, %add3A_1060 : i32
    %dma_start3A_1062 = arith.constant 0 : i32
    %dma_start3A_1063 = tpu.memref_slice %arg2[%add3A_1061, %dma_start3A_1062] : memref<12800x4096xf32, #tpu.memory_space<hbm>> -> memref<8x4096xf32, #tpu.memory_space<hbm>>
    %dma_start3A_1064 = arith.constant 0 : i32
    %dma_start3A_1065 = tpu.memref_slice %arg2[%add3A_1061, %dma_start3A_1064] : memref<12800x4096xf32, #tpu.memory_space<hbm>> -> memref<8x4096xf32, #tpu.memory_space<hbm>>
    tpu.enqueue_dma source(%dma_start3A_1065 : memref<8x4096xf32, #tpu.memory_space<hbm>>) target(%arg6 : memref<8x4096xf32, #tpu.memory_space<vmem>>) target_semaphore(%arg9 : memref<!tpu.dma_semaphore, #tpu.memory_space<semaphore_mem>>)
    %add3A_1066 = arith.constant 272 : i32
    %add3A_1067 = arith.addi %mul3A_2, %add3A_1066 : i32
    %dma_wait3A_1068 = arith.constant 0 : i32
    %dma_wait3A_1069 = tpu.memref_slice %arg2[%add3A_1067, %dma_wait3A_1068] : memref<12800x4096xf32, #tpu.memory_space<hbm>> -> memref<8x4096xf32, #tpu.memory_space<hbm>>
    %dma_wait3A_1070 = arith.constant 0 : i32
    %dma_wait3A_1071 = tpu.memref_slice %arg2[%add3A_1067, %dma_wait3A_1070] : memref<12800x4096xf32, #tpu.memory_space<hbm>> -> memref<8x4096xf32, #tpu.memory_space<hbm>>
    tpu.wait_dma2 semaphore(%arg8 : memref<!tpu.dma_semaphore, #tpu.memory_space<semaphore_mem>>) src(%dma_wait3A_1071 : memref<8x4096xf32, #tpu.memory_space<hbm>>) dst(%arg5 : memref<8x4096xf32, #tpu.memory_space<vmem>>)
    %scan3A_1072 = arith.constant 0 : i32
    %scan3A_1073 = arith.constant 0 : i32
    %scan3A_1074 = arith.constant 8 : i32
    %scan3A_1075 = arith.addi %scan3A_1073, %scan3A_1074 : i32
    %scan3A_1076 = arith.constant 1 : i32
    %scan3A_1077 = scf.for %scan3A_1550 = %scan3A_1073 to %scan3A_1075 step %scan3A_1076 iter_args(%scan3A_1551 = %scan3A_1072) -> (i32)  : i32 {
      %add3A_1552 = arith.constant 272 : i32
      %add3A_1553 = arith.addi %add3A_1552, %scan3A_1550 : i32
      %broadcast_in_dim3A = vector.broadcast %add3A_1553 : i32 to vector<16xi32>
      %gather3A = tpu.vector_load_idx %arg7[%broadcast_in_dim3A] : memref<400xf32, #tpu.memory_space<vmem>>[vector<16xi32>], vector<16xf32>,
      %scan3A_1554 = arith.constant 0 : i32
      %scan3A_1555 = arith.constant 0 : i32
      %scan3A_1556 = arith.constant 256 : i32
      %scan3A_1557 = arith.addi %scan3A_1555, %scan3A_1556 : i32
      %scan3A_1558 = arith.constant 1 : i32
      %scan3A_1559 = scf.for %scan3A_1562 = %scan3A_1555 to %scan3A_1557 step %scan3A_1558 iter_args(%scan3A_1563 = %scan3A_1554) -> (i32)  : i32 {
        %mul3A_1564 = arith.constant 16 : i32
        %mul3A_1565 = arith.muli %scan3A_1562, %mul3A_1564 : i32
        %get3A = arith.index_cast %scan3A_1550 : i32 to index
        %get3A_1566 = arith.index_cast %mul3A_1565 : i32 to index
        %get3A_1567 = tpu.vector_load %arg5[%get3A, %get3A_1566] {strides = array<i32>} : memref<8x4096xf32, #tpu.memory_space<vmem>>, vector<16xf32>,
        %add3A_1568 = arith.addf %get3A_1567, %gather3A : vector<16xf32>
        %swap3A = arith.index_cast %scan3A_1550 : i32 to index
        %swap3A_1569 = arith.index_cast %mul3A_1565 : i32 to index
        %swap3A_1570 = tpu.vector_load %arg5[%swap3A, %swap3A_1569] {strides = array<i32>} : memref<8x4096xf32, #tpu.memory_space<vmem>>, vector<16xf32>,
        tpu.vector_store %arg5[%swap3A, %swap3A_1569], %add3A_1568 {strides = array<i32>} : memref<8x4096xf32, #tpu.memory_space<vmem>>, vector<16xf32>,
        %scan3A_1571 = arith.constant 0 : i32
        scf.yield %scan3A_1571 : i32
      }
      %scan3A_1560 = arith.constant 256 : i32
      %scan3A_1561 = arith.constant 0 : i32
      scf.yield %scan3A_1561 : i32
    }
    %scan3A_1078 = arith.constant 8 : i32
    %add3A_1079 = arith.constant 272 : i32
    %add3A_1080 = arith.addi %mul3A_2, %add3A_1079 : i32
    %dma_start3A_1081 = arith.constant 0 : i32
    %dma_start3A_1082 = tpu.memref_slice %arg4[%add3A_1080, %dma_start3A_1081] : memref<12800x4096xf32, #tpu.memory_space<hbm>> -> memref<8x4096xf32, #tpu.memory_space<hbm>>
    %dma_start3A_1083 = arith.constant 0 : i32
    %dma_start3A_1084 = tpu.memref_slice %arg4[%add3A_1080, %dma_start3A_1083] : memref<12800x4096xf32, #tpu.memory_space<hbm>> -> memref<8x4096xf32, #tpu.memory_space<hbm>>
    tpu.enqueue_dma source(%arg5 : memref<8x4096xf32, #tpu.memory_space<vmem>>) target(%dma_start3A_1084 : memref<8x4096xf32, #tpu.memory_space<hbm>>) target_semaphore(%arg10 : memref<!tpu.dma_semaphore, #tpu.memory_space<semaphore_mem>>)
    %add3A_1085 = arith.constant 272 : i32
    %add3A_1086 = arith.addi %mul3A_2, %add3A_1085 : i32
    %dma_wait3A_1087 = arith.constant 0 : i32
    %dma_wait3A_1088 = tpu.memref_slice %arg4[%add3A_1086, %dma_wait3A_1087] : memref<12800x4096xf32, #tpu.memory_space<hbm>> -> memref<8x4096xf32, #tpu.memory_space<hbm>>
    %dma_wait3A_1089 = arith.constant 0 : i32
    %dma_wait3A_1090 = tpu.memref_slice %arg4[%add3A_1086, %dma_wait3A_1089] : memref<12800x4096xf32, #tpu.memory_space<hbm>> -> memref<8x4096xf32, #tpu.memory_space<hbm>>
    tpu.wait_dma2 semaphore(%arg10 : memref<!tpu.dma_semaphore, #tpu.memory_space<semaphore_mem>>) src(%arg5 : memref<8x4096xf32, #tpu.memory_space<vmem>>) dst(%dma_wait3A_1090 : memref<8x4096xf32, #tpu.memory_space<hbm>>)
    %add3A_1091 = arith.constant 288 : i32
    %add3A_1092 = arith.addi %mul3A_2, %add3A_1091 : i32
    %dma_start3A_1093 = arith.constant 0 : i32
    %dma_start3A_1094 = tpu.memref_slice %arg2[%add3A_1092, %dma_start3A_1093] : memref<12800x4096xf32, #tpu.memory_space<hbm>> -> memref<8x4096xf32, #tpu.memory_space<hbm>>
    %dma_start3A_1095 = arith.constant 0 : i32
    %dma_start3A_1096 = tpu.memref_slice %arg2[%add3A_1092, %dma_start3A_1095] : memref<12800x4096xf32, #tpu.memory_space<hbm>> -> memref<8x4096xf32, #tpu.memory_space<hbm>>
    tpu.enqueue_dma source(%dma_start3A_1096 : memref<8x4096xf32, #tpu.memory_space<hbm>>) target(%arg5 : memref<8x4096xf32, #tpu.memory_space<vmem>>) target_semaphore(%arg8 : memref<!tpu.dma_semaphore, #tpu.memory_space<semaphore_mem>>)
    %add3A_1097 = arith.constant 280 : i32
    %add3A_1098 = arith.addi %mul3A_2, %add3A_1097 : i32
    %dma_wait3A_1099 = arith.constant 0 : i32
    %dma_wait3A_1100 = tpu.memref_slice %arg2[%add3A_1098, %dma_wait3A_1099] : memref<12800x4096xf32, #tpu.memory_space<hbm>> -> memref<8x4096xf32, #tpu.memory_space<hbm>>
    %dma_wait3A_1101 = arith.constant 0 : i32
    %dma_wait3A_1102 = tpu.memref_slice %arg2[%add3A_1098, %dma_wait3A_1101] : memref<12800x4096xf32, #tpu.memory_space<hbm>> -> memref<8x4096xf32, #tpu.memory_space<hbm>>
    tpu.wait_dma2 semaphore(%arg9 : memref<!tpu.dma_semaphore, #tpu.memory_space<semaphore_mem>>) src(%dma_wait3A_1102 : memref<8x4096xf32, #tpu.memory_space<hbm>>) dst(%arg6 : memref<8x4096xf32, #tpu.memory_space<vmem>>)
    %scan3A_1103 = arith.constant 0 : i32
    %scan3A_1104 = arith.constant 0 : i32
    %scan3A_1105 = arith.constant 8 : i32
    %scan3A_1106 = arith.addi %scan3A_1104, %scan3A_1105 : i32
    %scan3A_1107 = arith.constant 1 : i32
    %scan3A_1108 = scf.for %scan3A_1550 = %scan3A_1104 to %scan3A_1106 step %scan3A_1107 iter_args(%scan3A_1551 = %scan3A_1103) -> (i32)  : i32 {
      %add3A_1552 = arith.constant 280 : i32
      %add3A_1553 = arith.addi %add3A_1552, %scan3A_1550 : i32
      %broadcast_in_dim3A = vector.broadcast %add3A_1553 : i32 to vector<16xi32>
      %gather3A = tpu.vector_load_idx %arg7[%broadcast_in_dim3A] : memref<400xf32, #tpu.memory_space<vmem>>[vector<16xi32>], vector<16xf32>,
      %scan3A_1554 = arith.constant 0 : i32
      %scan3A_1555 = arith.constant 0 : i32
      %scan3A_1556 = arith.constant 256 : i32
      %scan3A_1557 = arith.addi %scan3A_1555, %scan3A_1556 : i32
      %scan3A_1558 = arith.constant 1 : i32
      %scan3A_1559 = scf.for %scan3A_1562 = %scan3A_1555 to %scan3A_1557 step %scan3A_1558 iter_args(%scan3A_1563 = %scan3A_1554) -> (i32)  : i32 {
        %mul3A_1564 = arith.constant 16 : i32
        %mul3A_1565 = arith.muli %scan3A_1562, %mul3A_1564 : i32
        %get3A = arith.index_cast %scan3A_1550 : i32 to index
        %get3A_1566 = arith.index_cast %mul3A_1565 : i32 to index
        %get3A_1567 = tpu.vector_load %arg6[%get3A, %get3A_1566] {strides = array<i32>} : memref<8x4096xf32, #tpu.memory_space<vmem>>, vector<16xf32>,
        %add3A_1568 = arith.addf %get3A_1567, %gather3A : vector<16xf32>
        %swap3A = arith.index_cast %scan3A_1550 : i32 to index
        %swap3A_1569 = arith.index_cast %mul3A_1565 : i32 to index
        %swap3A_1570 = tpu.vector_load %arg6[%swap3A, %swap3A_1569] {strides = array<i32>} : memref<8x4096xf32, #tpu.memory_space<vmem>>, vector<16xf32>,
        tpu.vector_store %arg6[%swap3A, %swap3A_1569], %add3A_1568 {strides = array<i32>} : memref<8x4096xf32, #tpu.memory_space<vmem>>, vector<16xf32>,
        %scan3A_1571 = arith.constant 0 : i32
        scf.yield %scan3A_1571 : i32
      }
      %scan3A_1560 = arith.constant 256 : i32
      %scan3A_1561 = arith.constant 0 : i32
      scf.yield %scan3A_1561 : i32
    }
    %scan3A_1109 = arith.constant 8 : i32
    %add3A_1110 = arith.constant 280 : i32
    %add3A_1111 = arith.addi %mul3A_2, %add3A_1110 : i32
    %dma_start3A_1112 = arith.constant 0 : i32
    %dma_start3A_1113 = tpu.memref_slice %arg4[%add3A_1111, %dma_start3A_1112] : memref<12800x4096xf32, #tpu.memory_space<hbm>> -> memref<8x4096xf32, #tpu.memory_space<hbm>>
    %dma_start3A_1114 = arith.constant 0 : i32
    %dma_start3A_1115 = tpu.memref_slice %arg4[%add3A_1111, %dma_start3A_1114] : memref<12800x4096xf32, #tpu.memory_space<hbm>> -> memref<8x4096xf32, #tpu.memory_space<hbm>>
    tpu.enqueue_dma source(%arg6 : memref<8x4096xf32, #tpu.memory_space<vmem>>) target(%dma_start3A_1115 : memref<8x4096xf32, #tpu.memory_space<hbm>>) target_semaphore(%arg11 : memref<!tpu.dma_semaphore, #tpu.memory_space<semaphore_mem>>)
    %add3A_1116 = arith.constant 280 : i32
    %add3A_1117 = arith.addi %mul3A_2, %add3A_1116 : i32
    %dma_wait3A_1118 = arith.constant 0 : i32
    %dma_wait3A_1119 = tpu.memref_slice %arg4[%add3A_1117, %dma_wait3A_1118] : memref<12800x4096xf32, #tpu.memory_space<hbm>> -> memref<8x4096xf32, #tpu.memory_space<hbm>>
    %dma_wait3A_1120 = arith.constant 0 : i32
    %dma_wait3A_1121 = tpu.memref_slice %arg4[%add3A_1117, %dma_wait3A_1120] : memref<12800x4096xf32, #tpu.memory_space<hbm>> -> memref<8x4096xf32, #tpu.memory_space<hbm>>
    tpu.wait_dma2 semaphore(%arg11 : memref<!tpu.dma_semaphore, #tpu.memory_space<semaphore_mem>>) src(%arg6 : memref<8x4096xf32, #tpu.memory_space<vmem>>) dst(%dma_wait3A_1121 : memref<8x4096xf32, #tpu.memory_space<hbm>>)
    %add3A_1122 = arith.constant 296 : i32
    %add3A_1123 = arith.addi %mul3A_2, %add3A_1122 : i32
    %dma_start3A_1124 = arith.constant 0 : i32
    %dma_start3A_1125 = tpu.memref_slice %arg2[%add3A_1123, %dma_start3A_1124] : memref<12800x4096xf32, #tpu.memory_space<hbm>> -> memref<8x4096xf32, #tpu.memory_space<hbm>>
    %dma_start3A_1126 = arith.constant 0 : i32
    %dma_start3A_1127 = tpu.memref_slice %arg2[%add3A_1123, %dma_start3A_1126] : memref<12800x4096xf32, #tpu.memory_space<hbm>> -> memref<8x4096xf32, #tpu.memory_space<hbm>>
    tpu.enqueue_dma source(%dma_start3A_1127 : memref<8x4096xf32, #tpu.memory_space<hbm>>) target(%arg6 : memref<8x4096xf32, #tpu.memory_space<vmem>>) target_semaphore(%arg9 : memref<!tpu.dma_semaphore, #tpu.memory_space<semaphore_mem>>)
    %add3A_1128 = arith.constant 288 : i32
    %add3A_1129 = arith.addi %mul3A_2, %add3A_1128 : i32
    %dma_wait3A_1130 = arith.constant 0 : i32
    %dma_wait3A_1131 = tpu.memref_slice %arg2[%add3A_1129, %dma_wait3A_1130] : memref<12800x4096xf32, #tpu.memory_space<hbm>> -> memref<8x4096xf32, #tpu.memory_space<hbm>>
    %dma_wait3A_1132 = arith.constant 0 : i32
    %dma_wait3A_1133 = tpu.memref_slice %arg2[%add3A_1129, %dma_wait3A_1132] : memref<12800x4096xf32, #tpu.memory_space<hbm>> -> memref<8x4096xf32, #tpu.memory_space<hbm>>
    tpu.wait_dma2 semaphore(%arg8 : memref<!tpu.dma_semaphore, #tpu.memory_space<semaphore_mem>>) src(%dma_wait3A_1133 : memref<8x4096xf32, #tpu.memory_space<hbm>>) dst(%arg5 : memref<8x4096xf32, #tpu.memory_space<vmem>>)
    %scan3A_1134 = arith.constant 0 : i32
    %scan3A_1135 = arith.constant 0 : i32
    %scan3A_1136 = arith.constant 8 : i32
    %scan3A_1137 = arith.addi %scan3A_1135, %scan3A_1136 : i32
    %scan3A_1138 = arith.constant 1 : i32
    %scan3A_1139 = scf.for %scan3A_1550 = %scan3A_1135 to %scan3A_1137 step %scan3A_1138 iter_args(%scan3A_1551 = %scan3A_1134) -> (i32)  : i32 {
      %add3A_1552 = arith.constant 288 : i32
      %add3A_1553 = arith.addi %add3A_1552, %scan3A_1550 : i32
      %broadcast_in_dim3A = vector.broadcast %add3A_1553 : i32 to vector<16xi32>
      %gather3A = tpu.vector_load_idx %arg7[%broadcast_in_dim3A] : memref<400xf32, #tpu.memory_space<vmem>>[vector<16xi32>], vector<16xf32>,
      %scan3A_1554 = arith.constant 0 : i32
      %scan3A_1555 = arith.constant 0 : i32
      %scan3A_1556 = arith.constant 256 : i32
      %scan3A_1557 = arith.addi %scan3A_1555, %scan3A_1556 : i32
      %scan3A_1558 = arith.constant 1 : i32
      %scan3A_1559 = scf.for %scan3A_1562 = %scan3A_1555 to %scan3A_1557 step %scan3A_1558 iter_args(%scan3A_1563 = %scan3A_1554) -> (i32)  : i32 {
        %mul3A_1564 = arith.constant 16 : i32
        %mul3A_1565 = arith.muli %scan3A_1562, %mul3A_1564 : i32
        %get3A = arith.index_cast %scan3A_1550 : i32 to index
        %get3A_1566 = arith.index_cast %mul3A_1565 : i32 to index
        %get3A_1567 = tpu.vector_load %arg5[%get3A, %get3A_1566] {strides = array<i32>} : memref<8x4096xf32, #tpu.memory_space<vmem>>, vector<16xf32>,
        %add3A_1568 = arith.addf %get3A_1567, %gather3A : vector<16xf32>
        %swap3A = arith.index_cast %scan3A_1550 : i32 to index
        %swap3A_1569 = arith.index_cast %mul3A_1565 : i32 to index
        %swap3A_1570 = tpu.vector_load %arg5[%swap3A, %swap3A_1569] {strides = array<i32>} : memref<8x4096xf32, #tpu.memory_space<vmem>>, vector<16xf32>,
        tpu.vector_store %arg5[%swap3A, %swap3A_1569], %add3A_1568 {strides = array<i32>} : memref<8x4096xf32, #tpu.memory_space<vmem>>, vector<16xf32>,
        %scan3A_1571 = arith.constant 0 : i32
        scf.yield %scan3A_1571 : i32
      }
      %scan3A_1560 = arith.constant 256 : i32
      %scan3A_1561 = arith.constant 0 : i32
      scf.yield %scan3A_1561 : i32
    }
    %scan3A_1140 = arith.constant 8 : i32
    %add3A_1141 = arith.constant 288 : i32
    %add3A_1142 = arith.addi %mul3A_2, %add3A_1141 : i32
    %dma_start3A_1143 = arith.constant 0 : i32
    %dma_start3A_1144 = tpu.memref_slice %arg4[%add3A_1142, %dma_start3A_1143] : memref<12800x4096xf32, #tpu.memory_space<hbm>> -> memref<8x4096xf32, #tpu.memory_space<hbm>>
    %dma_start3A_1145 = arith.constant 0 : i32
    %dma_start3A_1146 = tpu.memref_slice %arg4[%add3A_1142, %dma_start3A_1145] : memref<12800x4096xf32, #tpu.memory_space<hbm>> -> memref<8x4096xf32, #tpu.memory_space<hbm>>
    tpu.enqueue_dma source(%arg5 : memref<8x4096xf32, #tpu.memory_space<vmem>>) target(%dma_start3A_1146 : memref<8x4096xf32, #tpu.memory_space<hbm>>) target_semaphore(%arg10 : memref<!tpu.dma_semaphore, #tpu.memory_space<semaphore_mem>>)
    %add3A_1147 = arith.constant 288 : i32
    %add3A_1148 = arith.addi %mul3A_2, %add3A_1147 : i32
    %dma_wait3A_1149 = arith.constant 0 : i32
    %dma_wait3A_1150 = tpu.memref_slice %arg4[%add3A_1148, %dma_wait3A_1149] : memref<12800x4096xf32, #tpu.memory_space<hbm>> -> memref<8x4096xf32, #tpu.memory_space<hbm>>
    %dma_wait3A_1151 = arith.constant 0 : i32
    %dma_wait3A_1152 = tpu.memref_slice %arg4[%add3A_1148, %dma_wait3A_1151] : memref<12800x4096xf32, #tpu.memory_space<hbm>> -> memref<8x4096xf32, #tpu.memory_space<hbm>>
    tpu.wait_dma2 semaphore(%arg10 : memref<!tpu.dma_semaphore, #tpu.memory_space<semaphore_mem>>) src(%arg5 : memref<8x4096xf32, #tpu.memory_space<vmem>>) dst(%dma_wait3A_1152 : memref<8x4096xf32, #tpu.memory_space<hbm>>)
    %add3A_1153 = arith.constant 304 : i32
    %add3A_1154 = arith.addi %mul3A_2, %add3A_1153 : i32
    %dma_start3A_1155 = arith.constant 0 : i32
    %dma_start3A_1156 = tpu.memref_slice %arg2[%add3A_1154, %dma_start3A_1155] : memref<12800x4096xf32, #tpu.memory_space<hbm>> -> memref<8x4096xf32, #tpu.memory_space<hbm>>
    %dma_start3A_1157 = arith.constant 0 : i32
    %dma_start3A_1158 = tpu.memref_slice %arg2[%add3A_1154, %dma_start3A_1157] : memref<12800x4096xf32, #tpu.memory_space<hbm>> -> memref<8x4096xf32, #tpu.memory_space<hbm>>
    tpu.enqueue_dma source(%dma_start3A_1158 : memref<8x4096xf32, #tpu.memory_space<hbm>>) target(%arg5 : memref<8x4096xf32, #tpu.memory_space<vmem>>) target_semaphore(%arg8 : memref<!tpu.dma_semaphore, #tpu.memory_space<semaphore_mem>>)
    %add3A_1159 = arith.constant 296 : i32
    %add3A_1160 = arith.addi %mul3A_2, %add3A_1159 : i32
    %dma_wait3A_1161 = arith.constant 0 : i32
    %dma_wait3A_1162 = tpu.memref_slice %arg2[%add3A_1160, %dma_wait3A_1161] : memref<12800x4096xf32, #tpu.memory_space<hbm>> -> memref<8x4096xf32, #tpu.memory_space<hbm>>
    %dma_wait3A_1163 = arith.constant 0 : i32
    %dma_wait3A_1164 = tpu.memref_slice %arg2[%add3A_1160, %dma_wait3A_1163] : memref<12800x4096xf32, #tpu.memory_space<hbm>> -> memref<8x4096xf32, #tpu.memory_space<hbm>>
    tpu.wait_dma2 semaphore(%arg9 : memref<!tpu.dma_semaphore, #tpu.memory_space<semaphore_mem>>) src(%dma_wait3A_1164 : memref<8x4096xf32, #tpu.memory_space<hbm>>) dst(%arg6 : memref<8x4096xf32, #tpu.memory_space<vmem>>)
    %scan3A_1165 = arith.constant 0 : i32
    %scan3A_1166 = arith.constant 0 : i32
    %scan3A_1167 = arith.constant 8 : i32
    %scan3A_1168 = arith.addi %scan3A_1166, %scan3A_1167 : i32
    %scan3A_1169 = arith.constant 1 : i32
    %scan3A_1170 = scf.for %scan3A_1550 = %scan3A_1166 to %scan3A_1168 step %scan3A_1169 iter_args(%scan3A_1551 = %scan3A_1165) -> (i32)  : i32 {
      %add3A_1552 = arith.constant 296 : i32
      %add3A_1553 = arith.addi %add3A_1552, %scan3A_1550 : i32
      %broadcast_in_dim3A = vector.broadcast %add3A_1553 : i32 to vector<16xi32>
      %gather3A = tpu.vector_load_idx %arg7[%broadcast_in_dim3A] : memref<400xf32, #tpu.memory_space<vmem>>[vector<16xi32>], vector<16xf32>,
      %scan3A_1554 = arith.constant 0 : i32
      %scan3A_1555 = arith.constant 0 : i32
      %scan3A_1556 = arith.constant 256 : i32
      %scan3A_1557 = arith.addi %scan3A_1555, %scan3A_1556 : i32
      %scan3A_1558 = arith.constant 1 : i32
      %scan3A_1559 = scf.for %scan3A_1562 = %scan3A_1555 to %scan3A_1557 step %scan3A_1558 iter_args(%scan3A_1563 = %scan3A_1554) -> (i32)  : i32 {
        %mul3A_1564 = arith.constant 16 : i32
        %mul3A_1565 = arith.muli %scan3A_1562, %mul3A_1564 : i32
        %get3A = arith.index_cast %scan3A_1550 : i32 to index
        %get3A_1566 = arith.index_cast %mul3A_1565 : i32 to index
        %get3A_1567 = tpu.vector_load %arg6[%get3A, %get3A_1566] {strides = array<i32>} : memref<8x4096xf32, #tpu.memory_space<vmem>>, vector<16xf32>,
        %add3A_1568 = arith.addf %get3A_1567, %gather3A : vector<16xf32>
        %swap3A = arith.index_cast %scan3A_1550 : i32 to index
        %swap3A_1569 = arith.index_cast %mul3A_1565 : i32 to index
        %swap3A_1570 = tpu.vector_load %arg6[%swap3A, %swap3A_1569] {strides = array<i32>} : memref<8x4096xf32, #tpu.memory_space<vmem>>, vector<16xf32>,
        tpu.vector_store %arg6[%swap3A, %swap3A_1569], %add3A_1568 {strides = array<i32>} : memref<8x4096xf32, #tpu.memory_space<vmem>>, vector<16xf32>,
        %scan3A_1571 = arith.constant 0 : i32
        scf.yield %scan3A_1571 : i32
      }
      %scan3A_1560 = arith.constant 256 : i32
      %scan3A_1561 = arith.constant 0 : i32
      scf.yield %scan3A_1561 : i32
    }
    %scan3A_1171 = arith.constant 8 : i32
    %add3A_1172 = arith.constant 296 : i32
    %add3A_1173 = arith.addi %mul3A_2, %add3A_1172 : i32
    %dma_start3A_1174 = arith.constant 0 : i32
    %dma_start3A_1175 = tpu.memref_slice %arg4[%add3A_1173, %dma_start3A_1174] : memref<12800x4096xf32, #tpu.memory_space<hbm>> -> memref<8x4096xf32, #tpu.memory_space<hbm>>
    %dma_start3A_1176 = arith.constant 0 : i32
    %dma_start3A_1177 = tpu.memref_slice %arg4[%add3A_1173, %dma_start3A_1176] : memref<12800x4096xf32, #tpu.memory_space<hbm>> -> memref<8x4096xf32, #tpu.memory_space<hbm>>
    tpu.enqueue_dma source(%arg6 : memref<8x4096xf32, #tpu.memory_space<vmem>>) target(%dma_start3A_1177 : memref<8x4096xf32, #tpu.memory_space<hbm>>) target_semaphore(%arg11 : memref<!tpu.dma_semaphore, #tpu.memory_space<semaphore_mem>>)
    %add3A_1178 = arith.constant 296 : i32
    %add3A_1179 = arith.addi %mul3A_2, %add3A_1178 : i32
    %dma_wait3A_1180 = arith.constant 0 : i32
    %dma_wait3A_1181 = tpu.memref_slice %arg4[%add3A_1179, %dma_wait3A_1180] : memref<12800x4096xf32, #tpu.memory_space<hbm>> -> memref<8x4096xf32, #tpu.memory_space<hbm>>
    %dma_wait3A_1182 = arith.constant 0 : i32
    %dma_wait3A_1183 = tpu.memref_slice %arg4[%add3A_1179, %dma_wait3A_1182] : memref<12800x4096xf32, #tpu.memory_space<hbm>> -> memref<8x4096xf32, #tpu.memory_space<hbm>>
    tpu.wait_dma2 semaphore(%arg11 : memref<!tpu.dma_semaphore, #tpu.memory_space<semaphore_mem>>) src(%arg6 : memref<8x4096xf32, #tpu.memory_space<vmem>>) dst(%dma_wait3A_1183 : memref<8x4096xf32, #tpu.memory_space<hbm>>)
    %add3A_1184 = arith.constant 312 : i32
    %add3A_1185 = arith.addi %mul3A_2, %add3A_1184 : i32
    %dma_start3A_1186 = arith.constant 0 : i32
    %dma_start3A_1187 = tpu.memref_slice %arg2[%add3A_1185, %dma_start3A_1186] : memref<12800x4096xf32, #tpu.memory_space<hbm>> -> memref<8x4096xf32, #tpu.memory_space<hbm>>
    %dma_start3A_1188 = arith.constant 0 : i32
    %dma_start3A_1189 = tpu.memref_slice %arg2[%add3A_1185, %dma_start3A_1188] : memref<12800x4096xf32, #tpu.memory_space<hbm>> -> memref<8x4096xf32, #tpu.memory_space<hbm>>
    tpu.enqueue_dma source(%dma_start3A_1189 : memref<8x4096xf32, #tpu.memory_space<hbm>>) target(%arg6 : memref<8x4096xf32, #tpu.memory_space<vmem>>) target_semaphore(%arg9 : memref<!tpu.dma_semaphore, #tpu.memory_space<semaphore_mem>>)
    %add3A_1190 = arith.constant 304 : i32
    %add3A_1191 = arith.addi %mul3A_2, %add3A_1190 : i32
    %dma_wait3A_1192 = arith.constant 0 : i32
    %dma_wait3A_1193 = tpu.memref_slice %arg2[%add3A_1191, %dma_wait3A_1192] : memref<12800x4096xf32, #tpu.memory_space<hbm>> -> memref<8x4096xf32, #tpu.memory_space<hbm>>
    %dma_wait3A_1194 = arith.constant 0 : i32
    %dma_wait3A_1195 = tpu.memref_slice %arg2[%add3A_1191, %dma_wait3A_1194] : memref<12800x4096xf32, #tpu.memory_space<hbm>> -> memref<8x4096xf32, #tpu.memory_space<hbm>>
    tpu.wait_dma2 semaphore(%arg8 : memref<!tpu.dma_semaphore, #tpu.memory_space<semaphore_mem>>) src(%dma_wait3A_1195 : memref<8x4096xf32, #tpu.memory_space<hbm>>) dst(%arg5 : memref<8x4096xf32, #tpu.memory_space<vmem>>)
    %scan3A_1196 = arith.constant 0 : i32
    %scan3A_1197 = arith.constant 0 : i32
    %scan3A_1198 = arith.constant 8 : i32
    %scan3A_1199 = arith.addi %scan3A_1197, %scan3A_1198 : i32
    %scan3A_1200 = arith.constant 1 : i32
    %scan3A_1201 = scf.for %scan3A_1550 = %scan3A_1197 to %scan3A_1199 step %scan3A_1200 iter_args(%scan3A_1551 = %scan3A_1196) -> (i32)  : i32 {
      %add3A_1552 = arith.constant 304 : i32
      %add3A_1553 = arith.addi %add3A_1552, %scan3A_1550 : i32
      %broadcast_in_dim3A = vector.broadcast %add3A_1553 : i32 to vector<16xi32>
      %gather3A = tpu.vector_load_idx %arg7[%broadcast_in_dim3A] : memref<400xf32, #tpu.memory_space<vmem>>[vector<16xi32>], vector<16xf32>,
      %scan3A_1554 = arith.constant 0 : i32
      %scan3A_1555 = arith.constant 0 : i32
      %scan3A_1556 = arith.constant 256 : i32
      %scan3A_1557 = arith.addi %scan3A_1555, %scan3A_1556 : i32
      %scan3A_1558 = arith.constant 1 : i32
      %scan3A_1559 = scf.for %scan3A_1562 = %scan3A_1555 to %scan3A_1557 step %scan3A_1558 iter_args(%scan3A_1563 = %scan3A_1554) -> (i32)  : i32 {
        %mul3A_1564 = arith.constant 16 : i32
        %mul3A_1565 = arith.muli %scan3A_1562, %mul3A_1564 : i32
        %get3A = arith.index_cast %scan3A_1550 : i32 to index
        %get3A_1566 = arith.index_cast %mul3A_1565 : i32 to index
        %get3A_1567 = tpu.vector_load %arg5[%get3A, %get3A_1566] {strides = array<i32>} : memref<8x4096xf32, #tpu.memory_space<vmem>>, vector<16xf32>,
        %add3A_1568 = arith.addf %get3A_1567, %gather3A : vector<16xf32>
        %swap3A = arith.index_cast %scan3A_1550 : i32 to index
        %swap3A_1569 = arith.index_cast %mul3A_1565 : i32 to index
        %swap3A_1570 = tpu.vector_load %arg5[%swap3A, %swap3A_1569] {strides = array<i32>} : memref<8x4096xf32, #tpu.memory_space<vmem>>, vector<16xf32>,
        tpu.vector_store %arg5[%swap3A, %swap3A_1569], %add3A_1568 {strides = array<i32>} : memref<8x4096xf32, #tpu.memory_space<vmem>>, vector<16xf32>,
        %scan3A_1571 = arith.constant 0 : i32
        scf.yield %scan3A_1571 : i32
      }
      %scan3A_1560 = arith.constant 256 : i32
      %scan3A_1561 = arith.constant 0 : i32
      scf.yield %scan3A_1561 : i32
    }
    %scan3A_1202 = arith.constant 8 : i32
    %add3A_1203 = arith.constant 304 : i32
    %add3A_1204 = arith.addi %mul3A_2, %add3A_1203 : i32
    %dma_start3A_1205 = arith.constant 0 : i32
    %dma_start3A_1206 = tpu.memref_slice %arg4[%add3A_1204, %dma_start3A_1205] : memref<12800x4096xf32, #tpu.memory_space<hbm>> -> memref<8x4096xf32, #tpu.memory_space<hbm>>
    %dma_start3A_1207 = arith.constant 0 : i32
    %dma_start3A_1208 = tpu.memref_slice %arg4[%add3A_1204, %dma_start3A_1207] : memref<12800x4096xf32, #tpu.memory_space<hbm>> -> memref<8x4096xf32, #tpu.memory_space<hbm>>
    tpu.enqueue_dma source(%arg5 : memref<8x4096xf32, #tpu.memory_space<vmem>>) target(%dma_start3A_1208 : memref<8x4096xf32, #tpu.memory_space<hbm>>) target_semaphore(%arg10 : memref<!tpu.dma_semaphore, #tpu.memory_space<semaphore_mem>>)
    %add3A_1209 = arith.constant 304 : i32
    %add3A_1210 = arith.addi %mul3A_2, %add3A_1209 : i32
    %dma_wait3A_1211 = arith.constant 0 : i32
    %dma_wait3A_1212 = tpu.memref_slice %arg4[%add3A_1210, %dma_wait3A_1211] : memref<12800x4096xf32, #tpu.memory_space<hbm>> -> memref<8x4096xf32, #tpu.memory_space<hbm>>
    %dma_wait3A_1213 = arith.constant 0 : i32
    %dma_wait3A_1214 = tpu.memref_slice %arg4[%add3A_1210, %dma_wait3A_1213] : memref<12800x4096xf32, #tpu.memory_space<hbm>> -> memref<8x4096xf32, #tpu.memory_space<hbm>>
    tpu.wait_dma2 semaphore(%arg10 : memref<!tpu.dma_semaphore, #tpu.memory_space<semaphore_mem>>) src(%arg5 : memref<8x4096xf32, #tpu.memory_space<vmem>>) dst(%dma_wait3A_1214 : memref<8x4096xf32, #tpu.memory_space<hbm>>)
    %add3A_1215 = arith.constant 320 : i32
    %add3A_1216 = arith.addi %mul3A_2, %add3A_1215 : i32
    %dma_start3A_1217 = arith.constant 0 : i32
    %dma_start3A_1218 = tpu.memref_slice %arg2[%add3A_1216, %dma_start3A_1217] : memref<12800x4096xf32, #tpu.memory_space<hbm>> -> memref<8x4096xf32, #tpu.memory_space<hbm>>
    %dma_start3A_1219 = arith.constant 0 : i32
    %dma_start3A_1220 = tpu.memref_slice %arg2[%add3A_1216, %dma_start3A_1219] : memref<12800x4096xf32, #tpu.memory_space<hbm>> -> memref<8x4096xf32, #tpu.memory_space<hbm>>
    tpu.enqueue_dma source(%dma_start3A_1220 : memref<8x4096xf32, #tpu.memory_space<hbm>>) target(%arg5 : memref<8x4096xf32, #tpu.memory_space<vmem>>) target_semaphore(%arg8 : memref<!tpu.dma_semaphore, #tpu.memory_space<semaphore_mem>>)
    %add3A_1221 = arith.constant 312 : i32
    %add3A_1222 = arith.addi %mul3A_2, %add3A_1221 : i32
    %dma_wait3A_1223 = arith.constant 0 : i32
    %dma_wait3A_1224 = tpu.memref_slice %arg2[%add3A_1222, %dma_wait3A_1223] : memref<12800x4096xf32, #tpu.memory_space<hbm>> -> memref<8x4096xf32, #tpu.memory_space<hbm>>
    %dma_wait3A_1225 = arith.constant 0 : i32
    %dma_wait3A_1226 = tpu.memref_slice %arg2[%add3A_1222, %dma_wait3A_1225] : memref<12800x4096xf32, #tpu.memory_space<hbm>> -> memref<8x4096xf32, #tpu.memory_space<hbm>>
    tpu.wait_dma2 semaphore(%arg9 : memref<!tpu.dma_semaphore, #tpu.memory_space<semaphore_mem>>) src(%dma_wait3A_1226 : memref<8x4096xf32, #tpu.memory_space<hbm>>) dst(%arg6 : memref<8x4096xf32, #tpu.memory_space<vmem>>)
    %scan3A_1227 = arith.constant 0 : i32
    %scan3A_1228 = arith.constant 0 : i32
    %scan3A_1229 = arith.constant 8 : i32
    %scan3A_1230 = arith.addi %scan3A_1228, %scan3A_1229 : i32
    %scan3A_1231 = arith.constant 1 : i32
    %scan3A_1232 = scf.for %scan3A_1550 = %scan3A_1228 to %scan3A_1230 step %scan3A_1231 iter_args(%scan3A_1551 = %scan3A_1227) -> (i32)  : i32 {
      %add3A_1552 = arith.constant 312 : i32
      %add3A_1553 = arith.addi %add3A_1552, %scan3A_1550 : i32
      %broadcast_in_dim3A = vector.broadcast %add3A_1553 : i32 to vector<16xi32>
      %gather3A = tpu.vector_load_idx %arg7[%broadcast_in_dim3A] : memref<400xf32, #tpu.memory_space<vmem>>[vector<16xi32>], vector<16xf32>,
      %scan3A_1554 = arith.constant 0 : i32
      %scan3A_1555 = arith.constant 0 : i32
      %scan3A_1556 = arith.constant 256 : i32
      %scan3A_1557 = arith.addi %scan3A_1555, %scan3A_1556 : i32
      %scan3A_1558 = arith.constant 1 : i32
      %scan3A_1559 = scf.for %scan3A_1562 = %scan3A_1555 to %scan3A_1557 step %scan3A_1558 iter_args(%scan3A_1563 = %scan3A_1554) -> (i32)  : i32 {
        %mul3A_1564 = arith.constant 16 : i32
        %mul3A_1565 = arith.muli %scan3A_1562, %mul3A_1564 : i32
        %get3A = arith.index_cast %scan3A_1550 : i32 to index
        %get3A_1566 = arith.index_cast %mul3A_1565 : i32 to index
        %get3A_1567 = tpu.vector_load %arg6[%get3A, %get3A_1566] {strides = array<i32>} : memref<8x4096xf32, #tpu.memory_space<vmem>>, vector<16xf32>,
        %add3A_1568 = arith.addf %get3A_1567, %gather3A : vector<16xf32>
        %swap3A = arith.index_cast %scan3A_1550 : i32 to index
        %swap3A_1569 = arith.index_cast %mul3A_1565 : i32 to index
        %swap3A_1570 = tpu.vector_load %arg6[%swap3A, %swap3A_1569] {strides = array<i32>} : memref<8x4096xf32, #tpu.memory_space<vmem>>, vector<16xf32>,
        tpu.vector_store %arg6[%swap3A, %swap3A_1569], %add3A_1568 {strides = array<i32>} : memref<8x4096xf32, #tpu.memory_space<vmem>>, vector<16xf32>,
        %scan3A_1571 = arith.constant 0 : i32
        scf.yield %scan3A_1571 : i32
      }
      %scan3A_1560 = arith.constant 256 : i32
      %scan3A_1561 = arith.constant 0 : i32
      scf.yield %scan3A_1561 : i32
    }
    %scan3A_1233 = arith.constant 8 : i32
    %add3A_1234 = arith.constant 312 : i32
    %add3A_1235 = arith.addi %mul3A_2, %add3A_1234 : i32
    %dma_start3A_1236 = arith.constant 0 : i32
    %dma_start3A_1237 = tpu.memref_slice %arg4[%add3A_1235, %dma_start3A_1236] : memref<12800x4096xf32, #tpu.memory_space<hbm>> -> memref<8x4096xf32, #tpu.memory_space<hbm>>
    %dma_start3A_1238 = arith.constant 0 : i32
    %dma_start3A_1239 = tpu.memref_slice %arg4[%add3A_1235, %dma_start3A_1238] : memref<12800x4096xf32, #tpu.memory_space<hbm>> -> memref<8x4096xf32, #tpu.memory_space<hbm>>
    tpu.enqueue_dma source(%arg6 : memref<8x4096xf32, #tpu.memory_space<vmem>>) target(%dma_start3A_1239 : memref<8x4096xf32, #tpu.memory_space<hbm>>) target_semaphore(%arg11 : memref<!tpu.dma_semaphore, #tpu.memory_space<semaphore_mem>>)
    %add3A_1240 = arith.constant 312 : i32
    %add3A_1241 = arith.addi %mul3A_2, %add3A_1240 : i32
    %dma_wait3A_1242 = arith.constant 0 : i32
    %dma_wait3A_1243 = tpu.memref_slice %arg4[%add3A_1241, %dma_wait3A_1242] : memref<12800x4096xf32, #tpu.memory_space<hbm>> -> memref<8x4096xf32, #tpu.memory_space<hbm>>
    %dma_wait3A_1244 = arith.constant 0 : i32
    %dma_wait3A_1245 = tpu.memref_slice %arg4[%add3A_1241, %dma_wait3A_1244] : memref<12800x4096xf32, #tpu.memory_space<hbm>> -> memref<8x4096xf32, #tpu.memory_space<hbm>>
    tpu.wait_dma2 semaphore(%arg11 : memref<!tpu.dma_semaphore, #tpu.memory_space<semaphore_mem>>) src(%arg6 : memref<8x4096xf32, #tpu.memory_space<vmem>>) dst(%dma_wait3A_1245 : memref<8x4096xf32, #tpu.memory_space<hbm>>)
    %add3A_1246 = arith.constant 328 : i32
    %add3A_1247 = arith.addi %mul3A_2, %add3A_1246 : i32
    %dma_start3A_1248 = arith.constant 0 : i32
    %dma_start3A_1249 = tpu.memref_slice %arg2[%add3A_1247, %dma_start3A_1248] : memref<12800x4096xf32, #tpu.memory_space<hbm>> -> memref<8x4096xf32, #tpu.memory_space<hbm>>
    %dma_start3A_1250 = arith.constant 0 : i32
    %dma_start3A_1251 = tpu.memref_slice %arg2[%add3A_1247, %dma_start3A_1250] : memref<12800x4096xf32, #tpu.memory_space<hbm>> -> memref<8x4096xf32, #tpu.memory_space<hbm>>
    tpu.enqueue_dma source(%dma_start3A_1251 : memref<8x4096xf32, #tpu.memory_space<hbm>>) target(%arg6 : memref<8x4096xf32, #tpu.memory_space<vmem>>) target_semaphore(%arg9 : memref<!tpu.dma_semaphore, #tpu.memory_space<semaphore_mem>>)
    %add3A_1252 = arith.constant 320 : i32
    %add3A_1253 = arith.addi %mul3A_2, %add3A_1252 : i32
    %dma_wait3A_1254 = arith.constant 0 : i32
    %dma_wait3A_1255 = tpu.memref_slice %arg2[%add3A_1253, %dma_wait3A_1254] : memref<12800x4096xf32, #tpu.memory_space<hbm>> -> memref<8x4096xf32, #tpu.memory_space<hbm>>
    %dma_wait3A_1256 = arith.constant 0 : i32
    %dma_wait3A_1257 = tpu.memref_slice %arg2[%add3A_1253, %dma_wait3A_1256] : memref<12800x4096xf32, #tpu.memory_space<hbm>> -> memref<8x4096xf32, #tpu.memory_space<hbm>>
    tpu.wait_dma2 semaphore(%arg8 : memref<!tpu.dma_semaphore, #tpu.memory_space<semaphore_mem>>) src(%dma_wait3A_1257 : memref<8x4096xf32, #tpu.memory_space<hbm>>) dst(%arg5 : memref<8x4096xf32, #tpu.memory_space<vmem>>)
    %scan3A_1258 = arith.constant 0 : i32
    %scan3A_1259 = arith.constant 0 : i32
    %scan3A_1260 = arith.constant 8 : i32
    %scan3A_1261 = arith.addi %scan3A_1259, %scan3A_1260 : i32
    %scan3A_1262 = arith.constant 1 : i32
    %scan3A_1263 = scf.for %scan3A_1550 = %scan3A_1259 to %scan3A_1261 step %scan3A_1262 iter_args(%scan3A_1551 = %scan3A_1258) -> (i32)  : i32 {
      %add3A_1552 = arith.constant 320 : i32
      %add3A_1553 = arith.addi %add3A_1552, %scan3A_1550 : i32
      %broadcast_in_dim3A = vector.broadcast %add3A_1553 : i32 to vector<16xi32>
      %gather3A = tpu.vector_load_idx %arg7[%broadcast_in_dim3A] : memref<400xf32, #tpu.memory_space<vmem>>[vector<16xi32>], vector<16xf32>,
      %scan3A_1554 = arith.constant 0 : i32
      %scan3A_1555 = arith.constant 0 : i32
      %scan3A_1556 = arith.constant 256 : i32
      %scan3A_1557 = arith.addi %scan3A_1555, %scan3A_1556 : i32
      %scan3A_1558 = arith.constant 1 : i32
      %scan3A_1559 = scf.for %scan3A_1562 = %scan3A_1555 to %scan3A_1557 step %scan3A_1558 iter_args(%scan3A_1563 = %scan3A_1554) -> (i32)  : i32 {
        %mul3A_1564 = arith.constant 16 : i32
        %mul3A_1565 = arith.muli %scan3A_1562, %mul3A_1564 : i32
        %get3A = arith.index_cast %scan3A_1550 : i32 to index
        %get3A_1566 = arith.index_cast %mul3A_1565 : i32 to index
        %get3A_1567 = tpu.vector_load %arg5[%get3A, %get3A_1566] {strides = array<i32>} : memref<8x4096xf32, #tpu.memory_space<vmem>>, vector<16xf32>,
        %add3A_1568 = arith.addf %get3A_1567, %gather3A : vector<16xf32>
        %swap3A = arith.index_cast %scan3A_1550 : i32 to index
        %swap3A_1569 = arith.index_cast %mul3A_1565 : i32 to index
        %swap3A_1570 = tpu.vector_load %arg5[%swap3A, %swap3A_1569] {strides = array<i32>} : memref<8x4096xf32, #tpu.memory_space<vmem>>, vector<16xf32>,
        tpu.vector_store %arg5[%swap3A, %swap3A_1569], %add3A_1568 {strides = array<i32>} : memref<8x4096xf32, #tpu.memory_space<vmem>>, vector<16xf32>,
        %scan3A_1571 = arith.constant 0 : i32
        scf.yield %scan3A_1571 : i32
      }
      %scan3A_1560 = arith.constant 256 : i32
      %scan3A_1561 = arith.constant 0 : i32
      scf.yield %scan3A_1561 : i32
    }
    %scan3A_1264 = arith.constant 8 : i32
    %add3A_1265 = arith.constant 320 : i32
    %add3A_1266 = arith.addi %mul3A_2, %add3A_1265 : i32
    %dma_start3A_1267 = arith.constant 0 : i32
    %dma_start3A_1268 = tpu.memref_slice %arg4[%add3A_1266, %dma_start3A_1267] : memref<12800x4096xf32, #tpu.memory_space<hbm>> -> memref<8x4096xf32, #tpu.memory_space<hbm>>
    %dma_start3A_1269 = arith.constant 0 : i32
    %dma_start3A_1270 = tpu.memref_slice %arg4[%add3A_1266, %dma_start3A_1269] : memref<12800x4096xf32, #tpu.memory_space<hbm>> -> memref<8x4096xf32, #tpu.memory_space<hbm>>
    tpu.enqueue_dma source(%arg5 : memref<8x4096xf32, #tpu.memory_space<vmem>>) target(%dma_start3A_1270 : memref<8x4096xf32, #tpu.memory_space<hbm>>) target_semaphore(%arg10 : memref<!tpu.dma_semaphore, #tpu.memory_space<semaphore_mem>>)
    %add3A_1271 = arith.constant 320 : i32
    %add3A_1272 = arith.addi %mul3A_2, %add3A_1271 : i32
    %dma_wait3A_1273 = arith.constant 0 : i32
    %dma_wait3A_1274 = tpu.memref_slice %arg4[%add3A_1272, %dma_wait3A_1273] : memref<12800x4096xf32, #tpu.memory_space<hbm>> -> memref<8x4096xf32, #tpu.memory_space<hbm>>
    %dma_wait3A_1275 = arith.constant 0 : i32
    %dma_wait3A_1276 = tpu.memref_slice %arg4[%add3A_1272, %dma_wait3A_1275] : memref<12800x4096xf32, #tpu.memory_space<hbm>> -> memref<8x4096xf32, #tpu.memory_space<hbm>>
    tpu.wait_dma2 semaphore(%arg10 : memref<!tpu.dma_semaphore, #tpu.memory_space<semaphore_mem>>) src(%arg5 : memref<8x4096xf32, #tpu.memory_space<vmem>>) dst(%dma_wait3A_1276 : memref<8x4096xf32, #tpu.memory_space<hbm>>)
    %add3A_1277 = arith.constant 336 : i32
    %add3A_1278 = arith.addi %mul3A_2, %add3A_1277 : i32
    %dma_start3A_1279 = arith.constant 0 : i32
    %dma_start3A_1280 = tpu.memref_slice %arg2[%add3A_1278, %dma_start3A_1279] : memref<12800x4096xf32, #tpu.memory_space<hbm>> -> memref<8x4096xf32, #tpu.memory_space<hbm>>
    %dma_start3A_1281 = arith.constant 0 : i32
    %dma_start3A_1282 = tpu.memref_slice %arg2[%add3A_1278, %dma_start3A_1281] : memref<12800x4096xf32, #tpu.memory_space<hbm>> -> memref<8x4096xf32, #tpu.memory_space<hbm>>
    tpu.enqueue_dma source(%dma_start3A_1282 : memref<8x4096xf32, #tpu.memory_space<hbm>>) target(%arg5 : memref<8x4096xf32, #tpu.memory_space<vmem>>) target_semaphore(%arg8 : memref<!tpu.dma_semaphore, #tpu.memory_space<semaphore_mem>>)
    %add3A_1283 = arith.constant 328 : i32
    %add3A_1284 = arith.addi %mul3A_2, %add3A_1283 : i32
    %dma_wait3A_1285 = arith.constant 0 : i32
    %dma_wait3A_1286 = tpu.memref_slice %arg2[%add3A_1284, %dma_wait3A_1285] : memref<12800x4096xf32, #tpu.memory_space<hbm>> -> memref<8x4096xf32, #tpu.memory_space<hbm>>
    %dma_wait3A_1287 = arith.constant 0 : i32
    %dma_wait3A_1288 = tpu.memref_slice %arg2[%add3A_1284, %dma_wait3A_1287] : memref<12800x4096xf32, #tpu.memory_space<hbm>> -> memref<8x4096xf32, #tpu.memory_space<hbm>>
    tpu.wait_dma2 semaphore(%arg9 : memref<!tpu.dma_semaphore, #tpu.memory_space<semaphore_mem>>) src(%dma_wait3A_1288 : memref<8x4096xf32, #tpu.memory_space<hbm>>) dst(%arg6 : memref<8x4096xf32, #tpu.memory_space<vmem>>)
    %scan3A_1289 = arith.constant 0 : i32
    %scan3A_1290 = arith.constant 0 : i32
    %scan3A_1291 = arith.constant 8 : i32
    %scan3A_1292 = arith.addi %scan3A_1290, %scan3A_1291 : i32
    %scan3A_1293 = arith.constant 1 : i32
    %scan3A_1294 = scf.for %scan3A_1550 = %scan3A_1290 to %scan3A_1292 step %scan3A_1293 iter_args(%scan3A_1551 = %scan3A_1289) -> (i32)  : i32 {
      %add3A_1552 = arith.constant 328 : i32
      %add3A_1553 = arith.addi %add3A_1552, %scan3A_1550 : i32
      %broadcast_in_dim3A = vector.broadcast %add3A_1553 : i32 to vector<16xi32>
      %gather3A = tpu.vector_load_idx %arg7[%broadcast_in_dim3A] : memref<400xf32, #tpu.memory_space<vmem>>[vector<16xi32>], vector<16xf32>,
      %scan3A_1554 = arith.constant 0 : i32
      %scan3A_1555 = arith.constant 0 : i32
      %scan3A_1556 = arith.constant 256 : i32
      %scan3A_1557 = arith.addi %scan3A_1555, %scan3A_1556 : i32
      %scan3A_1558 = arith.constant 1 : i32
      %scan3A_1559 = scf.for %scan3A_1562 = %scan3A_1555 to %scan3A_1557 step %scan3A_1558 iter_args(%scan3A_1563 = %scan3A_1554) -> (i32)  : i32 {
        %mul3A_1564 = arith.constant 16 : i32
        %mul3A_1565 = arith.muli %scan3A_1562, %mul3A_1564 : i32
        %get3A = arith.index_cast %scan3A_1550 : i32 to index
        %get3A_1566 = arith.index_cast %mul3A_1565 : i32 to index
        %get3A_1567 = tpu.vector_load %arg6[%get3A, %get3A_1566] {strides = array<i32>} : memref<8x4096xf32, #tpu.memory_space<vmem>>, vector<16xf32>,
        %add3A_1568 = arith.addf %get3A_1567, %gather3A : vector<16xf32>
        %swap3A = arith.index_cast %scan3A_1550 : i32 to index
        %swap3A_1569 = arith.index_cast %mul3A_1565 : i32 to index
        %swap3A_1570 = tpu.vector_load %arg6[%swap3A, %swap3A_1569] {strides = array<i32>} : memref<8x4096xf32, #tpu.memory_space<vmem>>, vector<16xf32>,
        tpu.vector_store %arg6[%swap3A, %swap3A_1569], %add3A_1568 {strides = array<i32>} : memref<8x4096xf32, #tpu.memory_space<vmem>>, vector<16xf32>,
        %scan3A_1571 = arith.constant 0 : i32
        scf.yield %scan3A_1571 : i32
      }
      %scan3A_1560 = arith.constant 256 : i32
      %scan3A_1561 = arith.constant 0 : i32
      scf.yield %scan3A_1561 : i32
    }
    %scan3A_1295 = arith.constant 8 : i32
    %add3A_1296 = arith.constant 328 : i32
    %add3A_1297 = arith.addi %mul3A_2, %add3A_1296 : i32
    %dma_start3A_1298 = arith.constant 0 : i32
    %dma_start3A_1299 = tpu.memref_slice %arg4[%add3A_1297, %dma_start3A_1298] : memref<12800x4096xf32, #tpu.memory_space<hbm>> -> memref<8x4096xf32, #tpu.memory_space<hbm>>
    %dma_start3A_1300 = arith.constant 0 : i32
    %dma_start3A_1301 = tpu.memref_slice %arg4[%add3A_1297, %dma_start3A_1300] : memref<12800x4096xf32, #tpu.memory_space<hbm>> -> memref<8x4096xf32, #tpu.memory_space<hbm>>
    tpu.enqueue_dma source(%arg6 : memref<8x4096xf32, #tpu.memory_space<vmem>>) target(%dma_start3A_1301 : memref<8x4096xf32, #tpu.memory_space<hbm>>) target_semaphore(%arg11 : memref<!tpu.dma_semaphore, #tpu.memory_space<semaphore_mem>>)
    %add3A_1302 = arith.constant 328 : i32
    %add3A_1303 = arith.addi %mul3A_2, %add3A_1302 : i32
    %dma_wait3A_1304 = arith.constant 0 : i32
    %dma_wait3A_1305 = tpu.memref_slice %arg4[%add3A_1303, %dma_wait3A_1304] : memref<12800x4096xf32, #tpu.memory_space<hbm>> -> memref<8x4096xf32, #tpu.memory_space<hbm>>
    %dma_wait3A_1306 = arith.constant 0 : i32
    %dma_wait3A_1307 = tpu.memref_slice %arg4[%add3A_1303, %dma_wait3A_1306] : memref<12800x4096xf32, #tpu.memory_space<hbm>> -> memref<8x4096xf32, #tpu.memory_space<hbm>>
    tpu.wait_dma2 semaphore(%arg11 : memref<!tpu.dma_semaphore, #tpu.memory_space<semaphore_mem>>) src(%arg6 : memref<8x4096xf32, #tpu.memory_space<vmem>>) dst(%dma_wait3A_1307 : memref<8x4096xf32, #tpu.memory_space<hbm>>)
    %add3A_1308 = arith.constant 344 : i32
    %add3A_1309 = arith.addi %mul3A_2, %add3A_1308 : i32
    %dma_start3A_1310 = arith.constant 0 : i32
    %dma_start3A_1311 = tpu.memref_slice %arg2[%add3A_1309, %dma_start3A_1310] : memref<12800x4096xf32, #tpu.memory_space<hbm>> -> memref<8x4096xf32, #tpu.memory_space<hbm>>
    %dma_start3A_1312 = arith.constant 0 : i32
    %dma_start3A_1313 = tpu.memref_slice %arg2[%add3A_1309, %dma_start3A_1312] : memref<12800x4096xf32, #tpu.memory_space<hbm>> -> memref<8x4096xf32, #tpu.memory_space<hbm>>
    tpu.enqueue_dma source(%dma_start3A_1313 : memref<8x4096xf32, #tpu.memory_space<hbm>>) target(%arg6 : memref<8x4096xf32, #tpu.memory_space<vmem>>) target_semaphore(%arg9 : memref<!tpu.dma_semaphore, #tpu.memory_space<semaphore_mem>>)
    %add3A_1314 = arith.constant 336 : i32
    %add3A_1315 = arith.addi %mul3A_2, %add3A_1314 : i32
    %dma_wait3A_1316 = arith.constant 0 : i32
    %dma_wait3A_1317 = tpu.memref_slice %arg2[%add3A_1315, %dma_wait3A_1316] : memref<12800x4096xf32, #tpu.memory_space<hbm>> -> memref<8x4096xf32, #tpu.memory_space<hbm>>
    %dma_wait3A_1318 = arith.constant 0 : i32
    %dma_wait3A_1319 = tpu.memref_slice %arg2[%add3A_1315, %dma_wait3A_1318] : memref<12800x4096xf32, #tpu.memory_space<hbm>> -> memref<8x4096xf32, #tpu.memory_space<hbm>>
    tpu.wait_dma2 semaphore(%arg8 : memref<!tpu.dma_semaphore, #tpu.memory_space<semaphore_mem>>) src(%dma_wait3A_1319 : memref<8x4096xf32, #tpu.memory_space<hbm>>) dst(%arg5 : memref<8x4096xf32, #tpu.memory_space<vmem>>)
    %scan3A_1320 = arith.constant 0 : i32
    %scan3A_1321 = arith.constant 0 : i32
    %scan3A_1322 = arith.constant 8 : i32
    %scan3A_1323 = arith.addi %scan3A_1321, %scan3A_1322 : i32
    %scan3A_1324 = arith.constant 1 : i32
    %scan3A_1325 = scf.for %scan3A_1550 = %scan3A_1321 to %scan3A_1323 step %scan3A_1324 iter_args(%scan3A_1551 = %scan3A_1320) -> (i32)  : i32 {
      %add3A_1552 = arith.constant 336 : i32
      %add3A_1553 = arith.addi %add3A_1552, %scan3A_1550 : i32
      %broadcast_in_dim3A = vector.broadcast %add3A_1553 : i32 to vector<16xi32>
      %gather3A = tpu.vector_load_idx %arg7[%broadcast_in_dim3A] : memref<400xf32, #tpu.memory_space<vmem>>[vector<16xi32>], vector<16xf32>,
      %scan3A_1554 = arith.constant 0 : i32
      %scan3A_1555 = arith.constant 0 : i32
      %scan3A_1556 = arith.constant 256 : i32
      %scan3A_1557 = arith.addi %scan3A_1555, %scan3A_1556 : i32
      %scan3A_1558 = arith.constant 1 : i32
      %scan3A_1559 = scf.for %scan3A_1562 = %scan3A_1555 to %scan3A_1557 step %scan3A_1558 iter_args(%scan3A_1563 = %scan3A_1554) -> (i32)  : i32 {
        %mul3A_1564 = arith.constant 16 : i32
        %mul3A_1565 = arith.muli %scan3A_1562, %mul3A_1564 : i32
        %get3A = arith.index_cast %scan3A_1550 : i32 to index
        %get3A_1566 = arith.index_cast %mul3A_1565 : i32 to index
        %get3A_1567 = tpu.vector_load %arg5[%get3A, %get3A_1566] {strides = array<i32>} : memref<8x4096xf32, #tpu.memory_space<vmem>>, vector<16xf32>,
        %add3A_1568 = arith.addf %get3A_1567, %gather3A : vector<16xf32>
        %swap3A = arith.index_cast %scan3A_1550 : i32 to index
        %swap3A_1569 = arith.index_cast %mul3A_1565 : i32 to index
        %swap3A_1570 = tpu.vector_load %arg5[%swap3A, %swap3A_1569] {strides = array<i32>} : memref<8x4096xf32, #tpu.memory_space<vmem>>, vector<16xf32>,
        tpu.vector_store %arg5[%swap3A, %swap3A_1569], %add3A_1568 {strides = array<i32>} : memref<8x4096xf32, #tpu.memory_space<vmem>>, vector<16xf32>,
        %scan3A_1571 = arith.constant 0 : i32
        scf.yield %scan3A_1571 : i32
      }
      %scan3A_1560 = arith.constant 256 : i32
      %scan3A_1561 = arith.constant 0 : i32
      scf.yield %scan3A_1561 : i32
    }
    %scan3A_1326 = arith.constant 8 : i32
    %add3A_1327 = arith.constant 336 : i32
    %add3A_1328 = arith.addi %mul3A_2, %add3A_1327 : i32
    %dma_start3A_1329 = arith.constant 0 : i32
    %dma_start3A_1330 = tpu.memref_slice %arg4[%add3A_1328, %dma_start3A_1329] : memref<12800x4096xf32, #tpu.memory_space<hbm>> -> memref<8x4096xf32, #tpu.memory_space<hbm>>
    %dma_start3A_1331 = arith.constant 0 : i32
    %dma_start3A_1332 = tpu.memref_slice %arg4[%add3A_1328, %dma_start3A_1331] : memref<12800x4096xf32, #tpu.memory_space<hbm>> -> memref<8x4096xf32, #tpu.memory_space<hbm>>
    tpu.enqueue_dma source(%arg5 : memref<8x4096xf32, #tpu.memory_space<vmem>>) target(%dma_start3A_1332 : memref<8x4096xf32, #tpu.memory_space<hbm>>) target_semaphore(%arg10 : memref<!tpu.dma_semaphore, #tpu.memory_space<semaphore_mem>>)
    %add3A_1333 = arith.constant 336 : i32
    %add3A_1334 = arith.addi %mul3A_2, %add3A_1333 : i32
    %dma_wait3A_1335 = arith.constant 0 : i32
    %dma_wait3A_1336 = tpu.memref_slice %arg4[%add3A_1334, %dma_wait3A_1335] : memref<12800x4096xf32, #tpu.memory_space<hbm>> -> memref<8x4096xf32, #tpu.memory_space<hbm>>
    %dma_wait3A_1337 = arith.constant 0 : i32
    %dma_wait3A_1338 = tpu.memref_slice %arg4[%add3A_1334, %dma_wait3A_1337] : memref<12800x4096xf32, #tpu.memory_space<hbm>> -> memref<8x4096xf32, #tpu.memory_space<hbm>>
    tpu.wait_dma2 semaphore(%arg10 : memref<!tpu.dma_semaphore, #tpu.memory_space<semaphore_mem>>) src(%arg5 : memref<8x4096xf32, #tpu.memory_space<vmem>>) dst(%dma_wait3A_1338 : memref<8x4096xf32, #tpu.memory_space<hbm>>)
    %add3A_1339 = arith.constant 352 : i32
    %add3A_1340 = arith.addi %mul3A_2, %add3A_1339 : i32
    %dma_start3A_1341 = arith.constant 0 : i32
    %dma_start3A_1342 = tpu.memref_slice %arg2[%add3A_1340, %dma_start3A_1341] : memref<12800x4096xf32, #tpu.memory_space<hbm>> -> memref<8x4096xf32, #tpu.memory_space<hbm>>
    %dma_start3A_1343 = arith.constant 0 : i32
    %dma_start3A_1344 = tpu.memref_slice %arg2[%add3A_1340, %dma_start3A_1343] : memref<12800x4096xf32, #tpu.memory_space<hbm>> -> memref<8x4096xf32, #tpu.memory_space<hbm>>
    tpu.enqueue_dma source(%dma_start3A_1344 : memref<8x4096xf32, #tpu.memory_space<hbm>>) target(%arg5 : memref<8x4096xf32, #tpu.memory_space<vmem>>) target_semaphore(%arg8 : memref<!tpu.dma_semaphore, #tpu.memory_space<semaphore_mem>>)
    %add3A_1345 = arith.constant 344 : i32
    %add3A_1346 = arith.addi %mul3A_2, %add3A_1345 : i32
    %dma_wait3A_1347 = arith.constant 0 : i32
    %dma_wait3A_1348 = tpu.memref_slice %arg2[%add3A_1346, %dma_wait3A_1347] : memref<12800x4096xf32, #tpu.memory_space<hbm>> -> memref<8x4096xf32, #tpu.memory_space<hbm>>
    %dma_wait3A_1349 = arith.constant 0 : i32
    %dma_wait3A_1350 = tpu.memref_slice %arg2[%add3A_1346, %dma_wait3A_1349] : memref<12800x4096xf32, #tpu.memory_space<hbm>> -> memref<8x4096xf32, #tpu.memory_space<hbm>>
    tpu.wait_dma2 semaphore(%arg9 : memref<!tpu.dma_semaphore, #tpu.memory_space<semaphore_mem>>) src(%dma_wait3A_1350 : memref<8x4096xf32, #tpu.memory_space<hbm>>) dst(%arg6 : memref<8x4096xf32, #tpu.memory_space<vmem>>)
    %scan3A_1351 = arith.constant 0 : i32
    %scan3A_1352 = arith.constant 0 : i32
    %scan3A_1353 = arith.constant 8 : i32
    %scan3A_1354 = arith.addi %scan3A_1352, %scan3A_1353 : i32
    %scan3A_1355 = arith.constant 1 : i32
    %scan3A_1356 = scf.for %scan3A_1550 = %scan3A_1352 to %scan3A_1354 step %scan3A_1355 iter_args(%scan3A_1551 = %scan3A_1351) -> (i32)  : i32 {
      %add3A_1552 = arith.constant 344 : i32
      %add3A_1553 = arith.addi %add3A_1552, %scan3A_1550 : i32
      %broadcast_in_dim3A = vector.broadcast %add3A_1553 : i32 to vector<16xi32>
      %gather3A = tpu.vector_load_idx %arg7[%broadcast_in_dim3A] : memref<400xf32, #tpu.memory_space<vmem>>[vector<16xi32>], vector<16xf32>,
      %scan3A_1554 = arith.constant 0 : i32
      %scan3A_1555 = arith.constant 0 : i32
      %scan3A_1556 = arith.constant 256 : i32
      %scan3A_1557 = arith.addi %scan3A_1555, %scan3A_1556 : i32
      %scan3A_1558 = arith.constant 1 : i32
      %scan3A_1559 = scf.for %scan3A_1562 = %scan3A_1555 to %scan3A_1557 step %scan3A_1558 iter_args(%scan3A_1563 = %scan3A_1554) -> (i32)  : i32 {
        %mul3A_1564 = arith.constant 16 : i32
        %mul3A_1565 = arith.muli %scan3A_1562, %mul3A_1564 : i32
        %get3A = arith.index_cast %scan3A_1550 : i32 to index
        %get3A_1566 = arith.index_cast %mul3A_1565 : i32 to index
        %get3A_1567 = tpu.vector_load %arg6[%get3A, %get3A_1566] {strides = array<i32>} : memref<8x4096xf32, #tpu.memory_space<vmem>>, vector<16xf32>,
        %add3A_1568 = arith.addf %get3A_1567, %gather3A : vector<16xf32>
        %swap3A = arith.index_cast %scan3A_1550 : i32 to index
        %swap3A_1569 = arith.index_cast %mul3A_1565 : i32 to index
        %swap3A_1570 = tpu.vector_load %arg6[%swap3A, %swap3A_1569] {strides = array<i32>} : memref<8x4096xf32, #tpu.memory_space<vmem>>, vector<16xf32>,
        tpu.vector_store %arg6[%swap3A, %swap3A_1569], %add3A_1568 {strides = array<i32>} : memref<8x4096xf32, #tpu.memory_space<vmem>>, vector<16xf32>,
        %scan3A_1571 = arith.constant 0 : i32
        scf.yield %scan3A_1571 : i32
      }
      %scan3A_1560 = arith.constant 256 : i32
      %scan3A_1561 = arith.constant 0 : i32
      scf.yield %scan3A_1561 : i32
    }
    %scan3A_1357 = arith.constant 8 : i32
    %add3A_1358 = arith.constant 344 : i32
    %add3A_1359 = arith.addi %mul3A_2, %add3A_1358 : i32
    %dma_start3A_1360 = arith.constant 0 : i32
    %dma_start3A_1361 = tpu.memref_slice %arg4[%add3A_1359, %dma_start3A_1360] : memref<12800x4096xf32, #tpu.memory_space<hbm>> -> memref<8x4096xf32, #tpu.memory_space<hbm>>
    %dma_start3A_1362 = arith.constant 0 : i32
    %dma_start3A_1363 = tpu.memref_slice %arg4[%add3A_1359, %dma_start3A_1362] : memref<12800x4096xf32, #tpu.memory_space<hbm>> -> memref<8x4096xf32, #tpu.memory_space<hbm>>
    tpu.enqueue_dma source(%arg6 : memref<8x4096xf32, #tpu.memory_space<vmem>>) target(%dma_start3A_1363 : memref<8x4096xf32, #tpu.memory_space<hbm>>) target_semaphore(%arg11 : memref<!tpu.dma_semaphore, #tpu.memory_space<semaphore_mem>>)
    %add3A_1364 = arith.constant 344 : i32
    %add3A_1365 = arith.addi %mul3A_2, %add3A_1364 : i32
    %dma_wait3A_1366 = arith.constant 0 : i32
    %dma_wait3A_1367 = tpu.memref_slice %arg4[%add3A_1365, %dma_wait3A_1366] : memref<12800x4096xf32, #tpu.memory_space<hbm>> -> memref<8x4096xf32, #tpu.memory_space<hbm>>
    %dma_wait3A_1368 = arith.constant 0 : i32
    %dma_wait3A_1369 = tpu.memref_slice %arg4[%add3A_1365, %dma_wait3A_1368] : memref<12800x4096xf32, #tpu.memory_space<hbm>> -> memref<8x4096xf32, #tpu.memory_space<hbm>>
    tpu.wait_dma2 semaphore(%arg11 : memref<!tpu.dma_semaphore, #tpu.memory_space<semaphore_mem>>) src(%arg6 : memref<8x4096xf32, #tpu.memory_space<vmem>>) dst(%dma_wait3A_1369 : memref<8x4096xf32, #tpu.memory_space<hbm>>)
    %add3A_1370 = arith.constant 360 : i32
    %add3A_1371 = arith.addi %mul3A_2, %add3A_1370 : i32
    %dma_start3A_1372 = arith.constant 0 : i32
    %dma_start3A_1373 = tpu.memref_slice %arg2[%add3A_1371, %dma_start3A_1372] : memref<12800x4096xf32, #tpu.memory_space<hbm>> -> memref<8x4096xf32, #tpu.memory_space<hbm>>
    %dma_start3A_1374 = arith.constant 0 : i32
    %dma_start3A_1375 = tpu.memref_slice %arg2[%add3A_1371, %dma_start3A_1374] : memref<12800x4096xf32, #tpu.memory_space<hbm>> -> memref<8x4096xf32, #tpu.memory_space<hbm>>
    tpu.enqueue_dma source(%dma_start3A_1375 : memref<8x4096xf32, #tpu.memory_space<hbm>>) target(%arg6 : memref<8x4096xf32, #tpu.memory_space<vmem>>) target_semaphore(%arg9 : memref<!tpu.dma_semaphore, #tpu.memory_space<semaphore_mem>>)
    %add3A_1376 = arith.constant 352 : i32
    %add3A_1377 = arith.addi %mul3A_2, %add3A_1376 : i32
    %dma_wait3A_1378 = arith.constant 0 : i32
    %dma_wait3A_1379 = tpu.memref_slice %arg2[%add3A_1377, %dma_wait3A_1378] : memref<12800x4096xf32, #tpu.memory_space<hbm>> -> memref<8x4096xf32, #tpu.memory_space<hbm>>
    %dma_wait3A_1380 = arith.constant 0 : i32
    %dma_wait3A_1381 = tpu.memref_slice %arg2[%add3A_1377, %dma_wait3A_1380] : memref<12800x4096xf32, #tpu.memory_space<hbm>> -> memref<8x4096xf32, #tpu.memory_space<hbm>>
    tpu.wait_dma2 semaphore(%arg8 : memref<!tpu.dma_semaphore, #tpu.memory_space<semaphore_mem>>) src(%dma_wait3A_1381 : memref<8x4096xf32, #tpu.memory_space<hbm>>) dst(%arg5 : memref<8x4096xf32, #tpu.memory_space<vmem>>)
    %scan3A_1382 = arith.constant 0 : i32
    %scan3A_1383 = arith.constant 0 : i32
    %scan3A_1384 = arith.constant 8 : i32
    %scan3A_1385 = arith.addi %scan3A_1383, %scan3A_1384 : i32
    %scan3A_1386 = arith.constant 1 : i32
    %scan3A_1387 = scf.for %scan3A_1550 = %scan3A_1383 to %scan3A_1385 step %scan3A_1386 iter_args(%scan3A_1551 = %scan3A_1382) -> (i32)  : i32 {
      %add3A_1552 = arith.constant 352 : i32
      %add3A_1553 = arith.addi %add3A_1552, %scan3A_1550 : i32
      %broadcast_in_dim3A = vector.broadcast %add3A_1553 : i32 to vector<16xi32>
      %gather3A = tpu.vector_load_idx %arg7[%broadcast_in_dim3A] : memref<400xf32, #tpu.memory_space<vmem>>[vector<16xi32>], vector<16xf32>,
      %scan3A_1554 = arith.constant 0 : i32
      %scan3A_1555 = arith.constant 0 : i32
      %scan3A_1556 = arith.constant 256 : i32
      %scan3A_1557 = arith.addi %scan3A_1555, %scan3A_1556 : i32
      %scan3A_1558 = arith.constant 1 : i32
      %scan3A_1559 = scf.for %scan3A_1562 = %scan3A_1555 to %scan3A_1557 step %scan3A_1558 iter_args(%scan3A_1563 = %scan3A_1554) -> (i32)  : i32 {
        %mul3A_1564 = arith.constant 16 : i32
        %mul3A_1565 = arith.muli %scan3A_1562, %mul3A_1564 : i32
        %get3A = arith.index_cast %scan3A_1550 : i32 to index
        %get3A_1566 = arith.index_cast %mul3A_1565 : i32 to index
        %get3A_1567 = tpu.vector_load %arg5[%get3A, %get3A_1566] {strides = array<i32>} : memref<8x4096xf32, #tpu.memory_space<vmem>>, vector<16xf32>,
        %add3A_1568 = arith.addf %get3A_1567, %gather3A : vector<16xf32>
        %swap3A = arith.index_cast %scan3A_1550 : i32 to index
        %swap3A_1569 = arith.index_cast %mul3A_1565 : i32 to index
        %swap3A_1570 = tpu.vector_load %arg5[%swap3A, %swap3A_1569] {strides = array<i32>} : memref<8x4096xf32, #tpu.memory_space<vmem>>, vector<16xf32>,
        tpu.vector_store %arg5[%swap3A, %swap3A_1569], %add3A_1568 {strides = array<i32>} : memref<8x4096xf32, #tpu.memory_space<vmem>>, vector<16xf32>,
        %scan3A_1571 = arith.constant 0 : i32
        scf.yield %scan3A_1571 : i32
      }
      %scan3A_1560 = arith.constant 256 : i32
      %scan3A_1561 = arith.constant 0 : i32
      scf.yield %scan3A_1561 : i32
    }
    %scan3A_1388 = arith.constant 8 : i32
    %add3A_1389 = arith.constant 352 : i32
    %add3A_1390 = arith.addi %mul3A_2, %add3A_1389 : i32
    %dma_start3A_1391 = arith.constant 0 : i32
    %dma_start3A_1392 = tpu.memref_slice %arg4[%add3A_1390, %dma_start3A_1391] : memref<12800x4096xf32, #tpu.memory_space<hbm>> -> memref<8x4096xf32, #tpu.memory_space<hbm>>
    %dma_start3A_1393 = arith.constant 0 : i32
    %dma_start3A_1394 = tpu.memref_slice %arg4[%add3A_1390, %dma_start3A_1393] : memref<12800x4096xf32, #tpu.memory_space<hbm>> -> memref<8x4096xf32, #tpu.memory_space<hbm>>
    tpu.enqueue_dma source(%arg5 : memref<8x4096xf32, #tpu.memory_space<vmem>>) target(%dma_start3A_1394 : memref<8x4096xf32, #tpu.memory_space<hbm>>) target_semaphore(%arg10 : memref<!tpu.dma_semaphore, #tpu.memory_space<semaphore_mem>>)
    %add3A_1395 = arith.constant 352 : i32
    %add3A_1396 = arith.addi %mul3A_2, %add3A_1395 : i32
    %dma_wait3A_1397 = arith.constant 0 : i32
    %dma_wait3A_1398 = tpu.memref_slice %arg4[%add3A_1396, %dma_wait3A_1397] : memref<12800x4096xf32, #tpu.memory_space<hbm>> -> memref<8x4096xf32, #tpu.memory_space<hbm>>
    %dma_wait3A_1399 = arith.constant 0 : i32
    %dma_wait3A_1400 = tpu.memref_slice %arg4[%add3A_1396, %dma_wait3A_1399] : memref<12800x4096xf32, #tpu.memory_space<hbm>> -> memref<8x4096xf32, #tpu.memory_space<hbm>>
    tpu.wait_dma2 semaphore(%arg10 : memref<!tpu.dma_semaphore, #tpu.memory_space<semaphore_mem>>) src(%arg5 : memref<8x4096xf32, #tpu.memory_space<vmem>>) dst(%dma_wait3A_1400 : memref<8x4096xf32, #tpu.memory_space<hbm>>)
    %add3A_1401 = arith.constant 368 : i32
    %add3A_1402 = arith.addi %mul3A_2, %add3A_1401 : i32
    %dma_start3A_1403 = arith.constant 0 : i32
    %dma_start3A_1404 = tpu.memref_slice %arg2[%add3A_1402, %dma_start3A_1403] : memref<12800x4096xf32, #tpu.memory_space<hbm>> -> memref<8x4096xf32, #tpu.memory_space<hbm>>
    %dma_start3A_1405 = arith.constant 0 : i32
    %dma_start3A_1406 = tpu.memref_slice %arg2[%add3A_1402, %dma_start3A_1405] : memref<12800x4096xf32, #tpu.memory_space<hbm>> -> memref<8x4096xf32, #tpu.memory_space<hbm>>
    tpu.enqueue_dma source(%dma_start3A_1406 : memref<8x4096xf32, #tpu.memory_space<hbm>>) target(%arg5 : memref<8x4096xf32, #tpu.memory_space<vmem>>) target_semaphore(%arg8 : memref<!tpu.dma_semaphore, #tpu.memory_space<semaphore_mem>>)
    %add3A_1407 = arith.constant 360 : i32
    %add3A_1408 = arith.addi %mul3A_2, %add3A_1407 : i32
    %dma_wait3A_1409 = arith.constant 0 : i32
    %dma_wait3A_1410 = tpu.memref_slice %arg2[%add3A_1408, %dma_wait3A_1409] : memref<12800x4096xf32, #tpu.memory_space<hbm>> -> memref<8x4096xf32, #tpu.memory_space<hbm>>
    %dma_wait3A_1411 = arith.constant 0 : i32
    %dma_wait3A_1412 = tpu.memref_slice %arg2[%add3A_1408, %dma_wait3A_1411] : memref<12800x4096xf32, #tpu.memory_space<hbm>> -> memref<8x4096xf32, #tpu.memory_space<hbm>>
    tpu.wait_dma2 semaphore(%arg9 : memref<!tpu.dma_semaphore, #tpu.memory_space<semaphore_mem>>) src(%dma_wait3A_1412 : memref<8x4096xf32, #tpu.memory_space<hbm>>) dst(%arg6 : memref<8x4096xf32, #tpu.memory_space<vmem>>)
    %scan3A_1413 = arith.constant 0 : i32
    %scan3A_1414 = arith.constant 0 : i32
    %scan3A_1415 = arith.constant 8 : i32
    %scan3A_1416 = arith.addi %scan3A_1414, %scan3A_1415 : i32
    %scan3A_1417 = arith.constant 1 : i32
    %scan3A_1418 = scf.for %scan3A_1550 = %scan3A_1414 to %scan3A_1416 step %scan3A_1417 iter_args(%scan3A_1551 = %scan3A_1413) -> (i32)  : i32 {
      %add3A_1552 = arith.constant 360 : i32
      %add3A_1553 = arith.addi %add3A_1552, %scan3A_1550 : i32
      %broadcast_in_dim3A = vector.broadcast %add3A_1553 : i32 to vector<16xi32>
      %gather3A = tpu.vector_load_idx %arg7[%broadcast_in_dim3A] : memref<400xf32, #tpu.memory_space<vmem>>[vector<16xi32>], vector<16xf32>,
      %scan3A_1554 = arith.constant 0 : i32
      %scan3A_1555 = arith.constant 0 : i32
      %scan3A_1556 = arith.constant 256 : i32
      %scan3A_1557 = arith.addi %scan3A_1555, %scan3A_1556 : i32
      %scan3A_1558 = arith.constant 1 : i32
      %scan3A_1559 = scf.for %scan3A_1562 = %scan3A_1555 to %scan3A_1557 step %scan3A_1558 iter_args(%scan3A_1563 = %scan3A_1554) -> (i32)  : i32 {
        %mul3A_1564 = arith.constant 16 : i32
        %mul3A_1565 = arith.muli %scan3A_1562, %mul3A_1564 : i32
        %get3A = arith.index_cast %scan3A_1550 : i32 to index
        %get3A_1566 = arith.index_cast %mul3A_1565 : i32 to index
        %get3A_1567 = tpu.vector_load %arg6[%get3A, %get3A_1566] {strides = array<i32>} : memref<8x4096xf32, #tpu.memory_space<vmem>>, vector<16xf32>,
        %add3A_1568 = arith.addf %get3A_1567, %gather3A : vector<16xf32>
        %swap3A = arith.index_cast %scan3A_1550 : i32 to index
        %swap3A_1569 = arith.index_cast %mul3A_1565 : i32 to index
        %swap3A_1570 = tpu.vector_load %arg6[%swap3A, %swap3A_1569] {strides = array<i32>} : memref<8x4096xf32, #tpu.memory_space<vmem>>, vector<16xf32>,
        tpu.vector_store %arg6[%swap3A, %swap3A_1569], %add3A_1568 {strides = array<i32>} : memref<8x4096xf32, #tpu.memory_space<vmem>>, vector<16xf32>,
        %scan3A_1571 = arith.constant 0 : i32
        scf.yield %scan3A_1571 : i32
      }
      %scan3A_1560 = arith.constant 256 : i32
      %scan3A_1561 = arith.constant 0 : i32
      scf.yield %scan3A_1561 : i32
    }
    %scan3A_1419 = arith.constant 8 : i32
    %add3A_1420 = arith.constant 360 : i32
    %add3A_1421 = arith.addi %mul3A_2, %add3A_1420 : i32
    %dma_start3A_1422 = arith.constant 0 : i32
    %dma_start3A_1423 = tpu.memref_slice %arg4[%add3A_1421, %dma_start3A_1422] : memref<12800x4096xf32, #tpu.memory_space<hbm>> -> memref<8x4096xf32, #tpu.memory_space<hbm>>
    %dma_start3A_1424 = arith.constant 0 : i32
    %dma_start3A_1425 = tpu.memref_slice %arg4[%add3A_1421, %dma_start3A_1424] : memref<12800x4096xf32, #tpu.memory_space<hbm>> -> memref<8x4096xf32, #tpu.memory_space<hbm>>
    tpu.enqueue_dma source(%arg6 : memref<8x4096xf32, #tpu.memory_space<vmem>>) target(%dma_start3A_1425 : memref<8x4096xf32, #tpu.memory_space<hbm>>) target_semaphore(%arg11 : memref<!tpu.dma_semaphore, #tpu.memory_space<semaphore_mem>>)
    %add3A_1426 = arith.constant 360 : i32
    %add3A_1427 = arith.addi %mul3A_2, %add3A_1426 : i32
    %dma_wait3A_1428 = arith.constant 0 : i32
    %dma_wait3A_1429 = tpu.memref_slice %arg4[%add3A_1427, %dma_wait3A_1428] : memref<12800x4096xf32, #tpu.memory_space<hbm>> -> memref<8x4096xf32, #tpu.memory_space<hbm>>
    %dma_wait3A_1430 = arith.constant 0 : i32
    %dma_wait3A_1431 = tpu.memref_slice %arg4[%add3A_1427, %dma_wait3A_1430] : memref<12800x4096xf32, #tpu.memory_space<hbm>> -> memref<8x4096xf32, #tpu.memory_space<hbm>>
    tpu.wait_dma2 semaphore(%arg11 : memref<!tpu.dma_semaphore, #tpu.memory_space<semaphore_mem>>) src(%arg6 : memref<8x4096xf32, #tpu.memory_space<vmem>>) dst(%dma_wait3A_1431 : memref<8x4096xf32, #tpu.memory_space<hbm>>)
    %add3A_1432 = arith.constant 376 : i32
    %add3A_1433 = arith.addi %mul3A_2, %add3A_1432 : i32
    %dma_start3A_1434 = arith.constant 0 : i32
    %dma_start3A_1435 = tpu.memref_slice %arg2[%add3A_1433, %dma_start3A_1434] : memref<12800x4096xf32, #tpu.memory_space<hbm>> -> memref<8x4096xf32, #tpu.memory_space<hbm>>
    %dma_start3A_1436 = arith.constant 0 : i32
    %dma_start3A_1437 = tpu.memref_slice %arg2[%add3A_1433, %dma_start3A_1436] : memref<12800x4096xf32, #tpu.memory_space<hbm>> -> memref<8x4096xf32, #tpu.memory_space<hbm>>
    tpu.enqueue_dma source(%dma_start3A_1437 : memref<8x4096xf32, #tpu.memory_space<hbm>>) target(%arg6 : memref<8x4096xf32, #tpu.memory_space<vmem>>) target_semaphore(%arg9 : memref<!tpu.dma_semaphore, #tpu.memory_space<semaphore_mem>>)
    %add3A_1438 = arith.constant 368 : i32
    %add3A_1439 = arith.addi %mul3A_2, %add3A_1438 : i32
    %dma_wait3A_1440 = arith.constant 0 : i32
    %dma_wait3A_1441 = tpu.memref_slice %arg2[%add3A_1439, %dma_wait3A_1440] : memref<12800x4096xf32, #tpu.memory_space<hbm>> -> memref<8x4096xf32, #tpu.memory_space<hbm>>
    %dma_wait3A_1442 = arith.constant 0 : i32
    %dma_wait3A_1443 = tpu.memref_slice %arg2[%add3A_1439, %dma_wait3A_1442] : memref<12800x4096xf32, #tpu.memory_space<hbm>> -> memref<8x4096xf32, #tpu.memory_space<hbm>>
    tpu.wait_dma2 semaphore(%arg8 : memref<!tpu.dma_semaphore, #tpu.memory_space<semaphore_mem>>) src(%dma_wait3A_1443 : memref<8x4096xf32, #tpu.memory_space<hbm>>) dst(%arg5 : memref<8x4096xf32, #tpu.memory_space<vmem>>)
    %scan3A_1444 = arith.constant 0 : i32
    %scan3A_1445 = arith.constant 0 : i32
    %scan3A_1446 = arith.constant 8 : i32
    %scan3A_1447 = arith.addi %scan3A_1445, %scan3A_1446 : i32
    %scan3A_1448 = arith.constant 1 : i32
    %scan3A_1449 = scf.for %scan3A_1550 = %scan3A_1445 to %scan3A_1447 step %scan3A_1448 iter_args(%scan3A_1551 = %scan3A_1444) -> (i32)  : i32 {
      %add3A_1552 = arith.constant 368 : i32
      %add3A_1553 = arith.addi %add3A_1552, %scan3A_1550 : i32
      %broadcast_in_dim3A = vector.broadcast %add3A_1553 : i32 to vector<16xi32>
      %gather3A = tpu.vector_load_idx %arg7[%broadcast_in_dim3A] : memref<400xf32, #tpu.memory_space<vmem>>[vector<16xi32>], vector<16xf32>,
      %scan3A_1554 = arith.constant 0 : i32
      %scan3A_1555 = arith.constant 0 : i32
      %scan3A_1556 = arith.constant 256 : i32
      %scan3A_1557 = arith.addi %scan3A_1555, %scan3A_1556 : i32
      %scan3A_1558 = arith.constant 1 : i32
      %scan3A_1559 = scf.for %scan3A_1562 = %scan3A_1555 to %scan3A_1557 step %scan3A_1558 iter_args(%scan3A_1563 = %scan3A_1554) -> (i32)  : i32 {
        %mul3A_1564 = arith.constant 16 : i32
        %mul3A_1565 = arith.muli %scan3A_1562, %mul3A_1564 : i32
        %get3A = arith.index_cast %scan3A_1550 : i32 to index
        %get3A_1566 = arith.index_cast %mul3A_1565 : i32 to index
        %get3A_1567 = tpu.vector_load %arg5[%get3A, %get3A_1566] {strides = array<i32>} : memref<8x4096xf32, #tpu.memory_space<vmem>>, vector<16xf32>,
        %add3A_1568 = arith.addf %get3A_1567, %gather3A : vector<16xf32>
        %swap3A = arith.index_cast %scan3A_1550 : i32 to index
        %swap3A_1569 = arith.index_cast %mul3A_1565 : i32 to index
        %swap3A_1570 = tpu.vector_load %arg5[%swap3A, %swap3A_1569] {strides = array<i32>} : memref<8x4096xf32, #tpu.memory_space<vmem>>, vector<16xf32>,
        tpu.vector_store %arg5[%swap3A, %swap3A_1569], %add3A_1568 {strides = array<i32>} : memref<8x4096xf32, #tpu.memory_space<vmem>>, vector<16xf32>,
        %scan3A_1571 = arith.constant 0 : i32
        scf.yield %scan3A_1571 : i32
      }
      %scan3A_1560 = arith.constant 256 : i32
      %scan3A_1561 = arith.constant 0 : i32
      scf.yield %scan3A_1561 : i32
    }
    %scan3A_1450 = arith.constant 8 : i32
    %add3A_1451 = arith.constant 368 : i32
    %add3A_1452 = arith.addi %mul3A_2, %add3A_1451 : i32
    %dma_start3A_1453 = arith.constant 0 : i32
    %dma_start3A_1454 = tpu.memref_slice %arg4[%add3A_1452, %dma_start3A_1453] : memref<12800x4096xf32, #tpu.memory_space<hbm>> -> memref<8x4096xf32, #tpu.memory_space<hbm>>
    %dma_start3A_1455 = arith.constant 0 : i32
    %dma_start3A_1456 = tpu.memref_slice %arg4[%add3A_1452, %dma_start3A_1455] : memref<12800x4096xf32, #tpu.memory_space<hbm>> -> memref<8x4096xf32, #tpu.memory_space<hbm>>
    tpu.enqueue_dma source(%arg5 : memref<8x4096xf32, #tpu.memory_space<vmem>>) target(%dma_start3A_1456 : memref<8x4096xf32, #tpu.memory_space<hbm>>) target_semaphore(%arg10 : memref<!tpu.dma_semaphore, #tpu.memory_space<semaphore_mem>>)
    %add3A_1457 = arith.constant 368 : i32
    %add3A_1458 = arith.addi %mul3A_2, %add3A_1457 : i32
    %dma_wait3A_1459 = arith.constant 0 : i32
    %dma_wait3A_1460 = tpu.memref_slice %arg4[%add3A_1458, %dma_wait3A_1459] : memref<12800x4096xf32, #tpu.memory_space<hbm>> -> memref<8x4096xf32, #tpu.memory_space<hbm>>
    %dma_wait3A_1461 = arith.constant 0 : i32
    %dma_wait3A_1462 = tpu.memref_slice %arg4[%add3A_1458, %dma_wait3A_1461] : memref<12800x4096xf32, #tpu.memory_space<hbm>> -> memref<8x4096xf32, #tpu.memory_space<hbm>>
    tpu.wait_dma2 semaphore(%arg10 : memref<!tpu.dma_semaphore, #tpu.memory_space<semaphore_mem>>) src(%arg5 : memref<8x4096xf32, #tpu.memory_space<vmem>>) dst(%dma_wait3A_1462 : memref<8x4096xf32, #tpu.memory_space<hbm>>)
    %add3A_1463 = arith.constant 384 : i32
    %add3A_1464 = arith.addi %mul3A_2, %add3A_1463 : i32
    %dma_start3A_1465 = arith.constant 0 : i32
    %dma_start3A_1466 = tpu.memref_slice %arg2[%add3A_1464, %dma_start3A_1465] : memref<12800x4096xf32, #tpu.memory_space<hbm>> -> memref<8x4096xf32, #tpu.memory_space<hbm>>
    %dma_start3A_1467 = arith.constant 0 : i32
    %dma_start3A_1468 = tpu.memref_slice %arg2[%add3A_1464, %dma_start3A_1467] : memref<12800x4096xf32, #tpu.memory_space<hbm>> -> memref<8x4096xf32, #tpu.memory_space<hbm>>
    tpu.enqueue_dma source(%dma_start3A_1468 : memref<8x4096xf32, #tpu.memory_space<hbm>>) target(%arg5 : memref<8x4096xf32, #tpu.memory_space<vmem>>) target_semaphore(%arg8 : memref<!tpu.dma_semaphore, #tpu.memory_space<semaphore_mem>>)
    %add3A_1469 = arith.constant 376 : i32
    %add3A_1470 = arith.addi %mul3A_2, %add3A_1469 : i32
    %dma_wait3A_1471 = arith.constant 0 : i32
    %dma_wait3A_1472 = tpu.memref_slice %arg2[%add3A_1470, %dma_wait3A_1471] : memref<12800x4096xf32, #tpu.memory_space<hbm>> -> memref<8x4096xf32, #tpu.memory_space<hbm>>
    %dma_wait3A_1473 = arith.constant 0 : i32
    %dma_wait3A_1474 = tpu.memref_slice %arg2[%add3A_1470, %dma_wait3A_1473] : memref<12800x4096xf32, #tpu.memory_space<hbm>> -> memref<8x4096xf32, #tpu.memory_space<hbm>>
    tpu.wait_dma2 semaphore(%arg9 : memref<!tpu.dma_semaphore, #tpu.memory_space<semaphore_mem>>) src(%dma_wait3A_1474 : memref<8x4096xf32, #tpu.memory_space<hbm>>) dst(%arg6 : memref<8x4096xf32, #tpu.memory_space<vmem>>)
    %scan3A_1475 = arith.constant 0 : i32
    %scan3A_1476 = arith.constant 0 : i32
    %scan3A_1477 = arith.constant 8 : i32
    %scan3A_1478 = arith.addi %scan3A_1476, %scan3A_1477 : i32
    %scan3A_1479 = arith.constant 1 : i32
    %scan3A_1480 = scf.for %scan3A_1550 = %scan3A_1476 to %scan3A_1478 step %scan3A_1479 iter_args(%scan3A_1551 = %scan3A_1475) -> (i32)  : i32 {
      %add3A_1552 = arith.constant 376 : i32
      %add3A_1553 = arith.addi %add3A_1552, %scan3A_1550 : i32
      %broadcast_in_dim3A = vector.broadcast %add3A_1553 : i32 to vector<16xi32>
      %gather3A = tpu.vector_load_idx %arg7[%broadcast_in_dim3A] : memref<400xf32, #tpu.memory_space<vmem>>[vector<16xi32>], vector<16xf32>,
      %scan3A_1554 = arith.constant 0 : i32
      %scan3A_1555 = arith.constant 0 : i32
      %scan3A_1556 = arith.constant 256 : i32
      %scan3A_1557 = arith.addi %scan3A_1555, %scan3A_1556 : i32
      %scan3A_1558 = arith.constant 1 : i32
      %scan3A_1559 = scf.for %scan3A_1562 = %scan3A_1555 to %scan3A_1557 step %scan3A_1558 iter_args(%scan3A_1563 = %scan3A_1554) -> (i32)  : i32 {
        %mul3A_1564 = arith.constant 16 : i32
        %mul3A_1565 = arith.muli %scan3A_1562, %mul3A_1564 : i32
        %get3A = arith.index_cast %scan3A_1550 : i32 to index
        %get3A_1566 = arith.index_cast %mul3A_1565 : i32 to index
        %get3A_1567 = tpu.vector_load %arg6[%get3A, %get3A_1566] {strides = array<i32>} : memref<8x4096xf32, #tpu.memory_space<vmem>>, vector<16xf32>,
        %add3A_1568 = arith.addf %get3A_1567, %gather3A : vector<16xf32>
        %swap3A = arith.index_cast %scan3A_1550 : i32 to index
        %swap3A_1569 = arith.index_cast %mul3A_1565 : i32 to index
        %swap3A_1570 = tpu.vector_load %arg6[%swap3A, %swap3A_1569] {strides = array<i32>} : memref<8x4096xf32, #tpu.memory_space<vmem>>, vector<16xf32>,
        tpu.vector_store %arg6[%swap3A, %swap3A_1569], %add3A_1568 {strides = array<i32>} : memref<8x4096xf32, #tpu.memory_space<vmem>>, vector<16xf32>,
        %scan3A_1571 = arith.constant 0 : i32
        scf.yield %scan3A_1571 : i32
      }
      %scan3A_1560 = arith.constant 256 : i32
      %scan3A_1561 = arith.constant 0 : i32
      scf.yield %scan3A_1561 : i32
    }
    %scan3A_1481 = arith.constant 8 : i32
    %add3A_1482 = arith.constant 376 : i32
    %add3A_1483 = arith.addi %mul3A_2, %add3A_1482 : i32
    %dma_start3A_1484 = arith.constant 0 : i32
    %dma_start3A_1485 = tpu.memref_slice %arg4[%add3A_1483, %dma_start3A_1484] : memref<12800x4096xf32, #tpu.memory_space<hbm>> -> memref<8x4096xf32, #tpu.memory_space<hbm>>
    %dma_start3A_1486 = arith.constant 0 : i32
    %dma_start3A_1487 = tpu.memref_slice %arg4[%add3A_1483, %dma_start3A_1486] : memref<12800x4096xf32, #tpu.memory_space<hbm>> -> memref<8x4096xf32, #tpu.memory_space<hbm>>
    tpu.enqueue_dma source(%arg6 : memref<8x4096xf32, #tpu.memory_space<vmem>>) target(%dma_start3A_1487 : memref<8x4096xf32, #tpu.memory_space<hbm>>) target_semaphore(%arg11 : memref<!tpu.dma_semaphore, #tpu.memory_space<semaphore_mem>>)
    %add3A_1488 = arith.constant 376 : i32
    %add3A_1489 = arith.addi %mul3A_2, %add3A_1488 : i32
    %dma_wait3A_1490 = arith.constant 0 : i32
    %dma_wait3A_1491 = tpu.memref_slice %arg4[%add3A_1489, %dma_wait3A_1490] : memref<12800x4096xf32, #tpu.memory_space<hbm>> -> memref<8x4096xf32, #tpu.memory_space<hbm>>
    %dma_wait3A_1492 = arith.constant 0 : i32
    %dma_wait3A_1493 = tpu.memref_slice %arg4[%add3A_1489, %dma_wait3A_1492] : memref<12800x4096xf32, #tpu.memory_space<hbm>> -> memref<8x4096xf32, #tpu.memory_space<hbm>>
    tpu.wait_dma2 semaphore(%arg11 : memref<!tpu.dma_semaphore, #tpu.memory_space<semaphore_mem>>) src(%arg6 : memref<8x4096xf32, #tpu.memory_space<vmem>>) dst(%dma_wait3A_1493 : memref<8x4096xf32, #tpu.memory_space<hbm>>)
    %add3A_1494 = arith.constant 392 : i32
    %add3A_1495 = arith.addi %mul3A_2, %add3A_1494 : i32
    %dma_start3A_1496 = arith.constant 0 : i32
    %dma_start3A_1497 = tpu.memref_slice %arg2[%add3A_1495, %dma_start3A_1496] : memref<12800x4096xf32, #tpu.memory_space<hbm>> -> memref<8x4096xf32, #tpu.memory_space<hbm>>
    %dma_start3A_1498 = arith.constant 0 : i32
    %dma_start3A_1499 = tpu.memref_slice %arg2[%add3A_1495, %dma_start3A_1498] : memref<12800x4096xf32, #tpu.memory_space<hbm>> -> memref<8x4096xf32, #tpu.memory_space<hbm>>
    tpu.enqueue_dma source(%dma_start3A_1499 : memref<8x4096xf32, #tpu.memory_space<hbm>>) target(%arg6 : memref<8x4096xf32, #tpu.memory_space<vmem>>) target_semaphore(%arg9 : memref<!tpu.dma_semaphore, #tpu.memory_space<semaphore_mem>>)
    %add3A_1500 = arith.constant 384 : i32
    %add3A_1501 = arith.addi %mul3A_2, %add3A_1500 : i32
    %dma_wait3A_1502 = arith.constant 0 : i32
    %dma_wait3A_1503 = tpu.memref_slice %arg2[%add3A_1501, %dma_wait3A_1502] : memref<12800x4096xf32, #tpu.memory_space<hbm>> -> memref<8x4096xf32, #tpu.memory_space<hbm>>
    %dma_wait3A_1504 = arith.constant 0 : i32
    %dma_wait3A_1505 = tpu.memref_slice %arg2[%add3A_1501, %dma_wait3A_1504] : memref<12800x4096xf32, #tpu.memory_space<hbm>> -> memref<8x4096xf32, #tpu.memory_space<hbm>>
    tpu.wait_dma2 semaphore(%arg8 : memref<!tpu.dma_semaphore, #tpu.memory_space<semaphore_mem>>) src(%dma_wait3A_1505 : memref<8x4096xf32, #tpu.memory_space<hbm>>) dst(%arg5 : memref<8x4096xf32, #tpu.memory_space<vmem>>)
    %scan3A_1506 = arith.constant 0 : i32
    %scan3A_1507 = arith.constant 0 : i32
    %scan3A_1508 = arith.constant 8 : i32
    %scan3A_1509 = arith.addi %scan3A_1507, %scan3A_1508 : i32
    %scan3A_1510 = arith.constant 1 : i32
    %scan3A_1511 = scf.for %scan3A_1550 = %scan3A_1507 to %scan3A_1509 step %scan3A_1510 iter_args(%scan3A_1551 = %scan3A_1506) -> (i32)  : i32 {
      %add3A_1552 = arith.constant 384 : i32
      %add3A_1553 = arith.addi %add3A_1552, %scan3A_1550 : i32
      %broadcast_in_dim3A = vector.broadcast %add3A_1553 : i32 to vector<16xi32>
      %gather3A = tpu.vector_load_idx %arg7[%broadcast_in_dim3A] : memref<400xf32, #tpu.memory_space<vmem>>[vector<16xi32>], vector<16xf32>,
      %scan3A_1554 = arith.constant 0 : i32
      %scan3A_1555 = arith.constant 0 : i32
      %scan3A_1556 = arith.constant 256 : i32
      %scan3A_1557 = arith.addi %scan3A_1555, %scan3A_1556 : i32
      %scan3A_1558 = arith.constant 1 : i32
      %scan3A_1559 = scf.for %scan3A_1562 = %scan3A_1555 to %scan3A_1557 step %scan3A_1558 iter_args(%scan3A_1563 = %scan3A_1554) -> (i32)  : i32 {
        %mul3A_1564 = arith.constant 16 : i32
        %mul3A_1565 = arith.muli %scan3A_1562, %mul3A_1564 : i32
        %get3A = arith.index_cast %scan3A_1550 : i32 to index
        %get3A_1566 = arith.index_cast %mul3A_1565 : i32 to index
        %get3A_1567 = tpu.vector_load %arg5[%get3A, %get3A_1566] {strides = array<i32>} : memref<8x4096xf32, #tpu.memory_space<vmem>>, vector<16xf32>,
        %add3A_1568 = arith.addf %get3A_1567, %gather3A : vector<16xf32>
        %swap3A = arith.index_cast %scan3A_1550 : i32 to index
        %swap3A_1569 = arith.index_cast %mul3A_1565 : i32 to index
        %swap3A_1570 = tpu.vector_load %arg5[%swap3A, %swap3A_1569] {strides = array<i32>} : memref<8x4096xf32, #tpu.memory_space<vmem>>, vector<16xf32>,
        tpu.vector_store %arg5[%swap3A, %swap3A_1569], %add3A_1568 {strides = array<i32>} : memref<8x4096xf32, #tpu.memory_space<vmem>>, vector<16xf32>,
        %scan3A_1571 = arith.constant 0 : i32
        scf.yield %scan3A_1571 : i32
      }
      %scan3A_1560 = arith.constant 256 : i32
      %scan3A_1561 = arith.constant 0 : i32
      scf.yield %scan3A_1561 : i32
    }
    %scan3A_1512 = arith.constant 8 : i32
    %add3A_1513 = arith.constant 384 : i32
    %add3A_1514 = arith.addi %mul3A_2, %add3A_1513 : i32
    %dma_start3A_1515 = arith.constant 0 : i32
    %dma_start3A_1516 = tpu.memref_slice %arg4[%add3A_1514, %dma_start3A_1515] : memref<12800x4096xf32, #tpu.memory_space<hbm>> -> memref<8x4096xf32, #tpu.memory_space<hbm>>
    %dma_start3A_1517 = arith.constant 0 : i32
    %dma_start3A_1518 = tpu.memref_slice %arg4[%add3A_1514, %dma_start3A_1517] : memref<12800x4096xf32, #tpu.memory_space<hbm>> -> memref<8x4096xf32, #tpu.memory_space<hbm>>
    tpu.enqueue_dma source(%arg5 : memref<8x4096xf32, #tpu.memory_space<vmem>>) target(%dma_start3A_1518 : memref<8x4096xf32, #tpu.memory_space<hbm>>) target_semaphore(%arg10 : memref<!tpu.dma_semaphore, #tpu.memory_space<semaphore_mem>>)
    %add3A_1519 = arith.constant 392 : i32
    %add3A_1520 = arith.addi %mul3A_2, %add3A_1519 : i32
    %dma_wait3A_1521 = arith.constant 0 : i32
    %dma_wait3A_1522 = tpu.memref_slice %arg2[%add3A_1520, %dma_wait3A_1521] : memref<12800x4096xf32, #tpu.memory_space<hbm>> -> memref<8x4096xf32, #tpu.memory_space<hbm>>
    %dma_wait3A_1523 = arith.constant 0 : i32
    %dma_wait3A_1524 = tpu.memref_slice %arg2[%add3A_1520, %dma_wait3A_1523] : memref<12800x4096xf32, #tpu.memory_space<hbm>> -> memref<8x4096xf32, #tpu.memory_space<hbm>>
    tpu.wait_dma2 semaphore(%arg9 : memref<!tpu.dma_semaphore, #tpu.memory_space<semaphore_mem>>) src(%dma_wait3A_1524 : memref<8x4096xf32, #tpu.memory_space<hbm>>) dst(%arg6 : memref<8x4096xf32, #tpu.memory_space<vmem>>)
    %scan3A_1525 = arith.constant 0 : i32
    %scan3A_1526 = arith.constant 0 : i32
    %scan3A_1527 = arith.constant 8 : i32
    %scan3A_1528 = arith.addi %scan3A_1526, %scan3A_1527 : i32
    %scan3A_1529 = arith.constant 1 : i32
    %scan3A_1530 = scf.for %scan3A_1550 = %scan3A_1526 to %scan3A_1528 step %scan3A_1529 iter_args(%scan3A_1551 = %scan3A_1525) -> (i32)  : i32 {
      %add3A_1552 = arith.constant 392 : i32
      %add3A_1553 = arith.addi %add3A_1552, %scan3A_1550 : i32
      %broadcast_in_dim3A = vector.broadcast %add3A_1553 : i32 to vector<16xi32>
      %gather3A = tpu.vector_load_idx %arg7[%broadcast_in_dim3A] : memref<400xf32, #tpu.memory_space<vmem>>[vector<16xi32>], vector<16xf32>,
      %scan3A_1554 = arith.constant 0 : i32
      %scan3A_1555 = arith.constant 0 : i32
      %scan3A_1556 = arith.constant 256 : i32
      %scan3A_1557 = arith.addi %scan3A_1555, %scan3A_1556 : i32
      %scan3A_1558 = arith.constant 1 : i32
      %scan3A_1559 = scf.for %scan3A_1562 = %scan3A_1555 to %scan3A_1557 step %scan3A_1558 iter_args(%scan3A_1563 = %scan3A_1554) -> (i32)  : i32 {
        %mul3A_1564 = arith.constant 16 : i32
        %mul3A_1565 = arith.muli %scan3A_1562, %mul3A_1564 : i32
        %get3A = arith.index_cast %scan3A_1550 : i32 to index
        %get3A_1566 = arith.index_cast %mul3A_1565 : i32 to index
        %get3A_1567 = tpu.vector_load %arg6[%get3A, %get3A_1566] {strides = array<i32>} : memref<8x4096xf32, #tpu.memory_space<vmem>>, vector<16xf32>,
        %add3A_1568 = arith.addf %get3A_1567, %gather3A : vector<16xf32>
        %swap3A = arith.index_cast %scan3A_1550 : i32 to index
        %swap3A_1569 = arith.index_cast %mul3A_1565 : i32 to index
        %swap3A_1570 = tpu.vector_load %arg6[%swap3A, %swap3A_1569] {strides = array<i32>} : memref<8x4096xf32, #tpu.memory_space<vmem>>, vector<16xf32>,
        tpu.vector_store %arg6[%swap3A, %swap3A_1569], %add3A_1568 {strides = array<i32>} : memref<8x4096xf32, #tpu.memory_space<vmem>>, vector<16xf32>,
        %scan3A_1571 = arith.constant 0 : i32
        scf.yield %scan3A_1571 : i32
      }
      %scan3A_1560 = arith.constant 256 : i32
      %scan3A_1561 = arith.constant 0 : i32
      scf.yield %scan3A_1561 : i32
    }
    %scan3A_1531 = arith.constant 8 : i32
    %add3A_1532 = arith.constant 392 : i32
    %add3A_1533 = arith.addi %mul3A_2, %add3A_1532 : i32
    %dma_start3A_1534 = arith.constant 0 : i32
    %dma_start3A_1535 = tpu.memref_slice %arg4[%add3A_1533, %dma_start3A_1534] : memref<12800x4096xf32, #tpu.memory_space<hbm>> -> memref<8x4096xf32, #tpu.memory_space<hbm>>
    %dma_start3A_1536 = arith.constant 0 : i32
    %dma_start3A_1537 = tpu.memref_slice %arg4[%add3A_1533, %dma_start3A_1536] : memref<12800x4096xf32, #tpu.memory_space<hbm>> -> memref<8x4096xf32, #tpu.memory_space<hbm>>
    tpu.enqueue_dma source(%arg6 : memref<8x4096xf32, #tpu.memory_space<vmem>>) target(%dma_start3A_1537 : memref<8x4096xf32, #tpu.memory_space<hbm>>) target_semaphore(%arg11 : memref<!tpu.dma_semaphore, #tpu.memory_space<semaphore_mem>>)
    %add3A_1538 = arith.constant 384 : i32
    %add3A_1539 = arith.addi %mul3A_2, %add3A_1538 : i32
    %dma_wait3A_1540 = arith.constant 0 : i32
    %dma_wait3A_1541 = tpu.memref_slice %arg4[%add3A_1539, %dma_wait3A_1540] : memref<12800x4096xf32, #tpu.memory_space<hbm>> -> memref<8x4096xf32, #tpu.memory_space<hbm>>
    %dma_wait3A_1542 = arith.constant 0 : i32
    %dma_wait3A_1543 = tpu.memref_slice %arg4[%add3A_1539, %dma_wait3A_1542] : memref<12800x4096xf32, #tpu.memory_space<hbm>> -> memref<8x4096xf32, #tpu.memory_space<hbm>>
    tpu.wait_dma2 semaphore(%arg10 : memref<!tpu.dma_semaphore, #tpu.memory_space<semaphore_mem>>) src(%arg5 : memref<8x4096xf32, #tpu.memory_space<vmem>>) dst(%dma_wait3A_1543 : memref<8x4096xf32, #tpu.memory_space<hbm>>)
    %add3A_1544 = arith.constant 392 : i32
    %add3A_1545 = arith.addi %mul3A_2, %add3A_1544 : i32
    %dma_wait3A_1546 = arith.constant 0 : i32
    %dma_wait3A_1547 = tpu.memref_slice %arg4[%add3A_1545, %dma_wait3A_1546] : memref<12800x4096xf32, #tpu.memory_space<hbm>> -> memref<8x4096xf32, #tpu.memory_space<hbm>>
    %dma_wait3A_1548 = arith.constant 0 : i32
    %dma_wait3A_1549 = tpu.memref_slice %arg4[%add3A_1545, %dma_wait3A_1548] : memref<12800x4096xf32, #tpu.memory_space<hbm>> -> memref<8x4096xf32, #tpu.memory_space<hbm>>
    tpu.wait_dma2 semaphore(%arg11 : memref<!tpu.dma_semaphore, #tpu.memory_space<semaphore_mem>>) src(%arg6 : memref<8x4096xf32, #tpu.memory_space<vmem>>) dst(%dma_wait3A_1549 : memref<8x4096xf32, #tpu.memory_space<hbm>>)
    return
  }
}

</mosaic_0001>

<sc_bundles>
// kernel: kernel.3.cloned.1.call-start
scs
__scs_entry_jumppad:
0x0: {  	(pc) =	sbr.rel $0x88, $3  }
0x1: {  	(tag) =	ssettag $0x0;
	lr =	simm.s32 $0x1  }
0x2: {  	[smem:$0x3F9F] =	sst lr;
	_ =	strace $0xD0000000  }
0x3: {  	_ = 	snop  }
0x4: {  	_ = 	snop  }
0x5: {  	_ = 	snop  }
0x6: {  	_ = 	snop  }
0x7: {  	_ = 	snop  }
__scs_overlays_trampoline_lowered:
0x8: {  	[smem:$0x3FAE] =	sst s0  }
0x9: {  	[smem:$0x3FAF] =	sst s1  }
0xa: {  	[smem:$0x3FB0] =	sst s2  }
0xb: {  	[smem:$0x3FB1] =	sst s3  }
0xc: {  	[smem:$0x3FB2] =	sst s4  }
0xd: {  	[smem:$0x3FB3] =	sst s5  }
0xe: {  	[smem:$0x3FB4] =	sst s6  }
0xf: {  	[smem:$0x3FB5] =	sst s7  }
0x10: {  	[smem:$0x3FB6] =	sst s8  }
0x11: {  	[smem:$0x3FB7] =	sst s9;
	s0 =	simm.s32 @!p0 $0x0  }
0x12: {  	s1 =	sld [smem:$0x3F9D];
	s0 =	simm.s32 @p0 $0x1  }
0x13: {  	[smem:$0x3FB8] =	sst s0;
	s0 =	simm.s32 @!p1 $0x0  }
0x14: {  	s2 =	sld [smem:$0x3F9C];
	s0 =	simm.s32 @p1 $0x1  }
0x15: {  	[smem:$0x3FB9] =	sst s0;
	s0 =	simm.s32 @!p2 $0x0  }
0x16: {  	s3 =	sld [smem:$0x3FDB];
	s0 =	simm.s32 @p2 $0x1  }
0x17: {  	s4 =	simm.s32 $0x1BF5;
	[smem:$0x3FBB] =	sst s0  }
0x18: {  	s0 =	sld [smem:$0x3F9E];
	_ =	swait.ge [sflag:s4], $0x0  }
0x19: {  	s7 =	sld [smem:$0x3F9F]  }
0x1a: {  	s8 =	sadd.s32 $0xFFFFE003, lr  }
0x1b: {  	s9 =	sadd.s32 $0xFFFFFEF7, lr;
	s5 =	simm.s32 $0xFFFFFFFF;
	p2 =	slt.u32 s8, $0xFFFFF086  }
0x1c: {  	p1 =	slt.u32 s9, $0xF7A;
	s5 =	simm.s32 @!p2 $0x0  }
0x1d: {  	s5 =	simm.s32 @p1 $0x1;
	p0 =	seq.s32 s7, s2  }
0x1e: {  	s7 =	smul.u32 @!p0 $0xF7A, s2;
	p2 =	seq.s32 @!p0 s5, $0x0  }
0x1f: {  	s9 =	smul.u32 $0xF7A, s1;
	s8 =	simm.s32 @!p0 $0x1BF5;
	p2 =	por !p2, p0  }
0x20: {  	[sflag:s8] =	ssyncset.s32 @!p0 $0xFFFFF086;
	s6 =	sadd.s32 @!p0 s3, s7;
	s7 =	simm.s32 @!p0 $0x108  }
0x21: {  	s3 =	sadd.s32 s3, s9;
	s6 =	sadd.s32 @!p0 $0x88, s6;
	s7 =	simm.s32 @p2 $0x1082  }
0x22: {  	[simem:s7], [sflag:s8] =	dma.local @!p0 [hbm:s6], $0xF7A  }
0x23: {  	s9 =	sor.u32 $0xD0000000, s2;
	s6 =	simm.s32 $0x108;
	_ =	swait.ge @!p0 [sflag:s8], $0x0  }
0x24: {  	s3 =	sadd.s32 $0x88, s3;
	s6 =	simm.s32 @!p1 $0x1082;
	[sflag:s4] =	ssyncset.s32 $0xFFFFF086  }
0x25: {  	[simem:s6], [sflag:s4] =	dma.local [hbm:s3], $0xF7A  }
0x26: {  	[smem:$0x3F9F] =	sst s1;
	(tag) =	ssettag s2;
	_ =	strace s9  }
0x27: {  	s1 =	sld [smem:$0x3FAF]  }
0x28: {  	s2 =	sld [smem:$0x3FB0]  }
0x29: {  	s4 =	sld [smem:$0x3FB2]  }
0x2a: {  	p0 =	seq.s32 s5, $0x0;
	s5 =	sld [smem:$0x3FB3]  }
0x2b: {  	s6 =	sld [smem:$0x3FB4]  }
0x2c: {  	s7 =	sld [smem:$0x3FB5]  }
0x2d: {  	s3 =	simm.s32 $0x108;
	s8 =	sld [smem:$0x3FB6]  }
0x2e: {  	s3 =	simm.s32 @!p0 $0x1082;
	s9 =	sld [smem:$0x3FB7]  }
0x2f: {  	lr =	sadd.s32 s0, s3;
	s0 =	sld [smem:$0x3FAE]  }
0x30: {  	s3 =	sld [smem:$0x3FB1]  }
0x31: {  	[smem:$0x3FBA] =	sst s10  }
0x32: {  	s10 =	sld [smem:$0x3FB8];
	_ =	sdelay $0x3  }
0x33: {  	p0 =	seq.s32 s10, $0x1;
	s10 =	sld [smem:$0x3FBA];
	_ =	sdelay $0x3  }
0x34: {  	[smem:$0x3FBA] =	sst s10  }
0x35: {  	s10 =	sld [smem:$0x3FB9];
	_ =	sdelay $0x3  }
0x36: {  	p1 =	seq.s32 s10, $0x1;
	s10 =	sld [smem:$0x3FBA];
	_ =	sdelay $0x3  }
0x37: {  	[smem:$0x3FBA] =	sst s10  }
0x38: {  	s10 =	sld [smem:$0x3FBB]  }
0x39: {  	_ = 	snop;
	(pc) =	sbr.ind lr, $3  }
0x3a: {  	_ = 	snop  }
0x3b: {  	_ = 	snop  }
0x3c: {  	p2 =	seq.s32 s10, $0x1;
	s10 =	sld [smem:$0x3FBA]  }
0x3d: {  	_ =	shalt  }
0x3e: {  	_ =	shalt  }
0x3f: {  	_ =	shalt  }
0x40: {  	_ =	shalt  }
0x41: {  	_ =	shalt  }
0x42: {  	_ =	shalt  }
0x43: {  	_ =	shalt  }
0x44: {  	_ =	shalt  }
0x45: {  	_ =	shalt  }
0x46: {  	_ =	shalt  }
0x47: {  	_ =	shalt  }
0x48: {  	_ =	shalt  }
0x49: {  	_ =	shalt  }
0x4a: {  	_ =	shalt  }
0x4b: {  	_ =	shalt  }
0x4c: {  	_ =	shalt  }
0x4d: {  	_ =	shalt  }
0x4e: {  	_ =	shalt  }
0x4f: {  	_ =	shalt  }
0x50: {  	_ =	shalt  }
0x51: {  	_ =	shalt  }
0x52: {  	_ =	shalt  }
0x53: {  	_ =	shalt  }
0x54: {  	_ =	shalt  }
0x55: {  	_ =	shalt  }
0x56: {  	_ =	shalt  }
0x57: {  	_ =	shalt  }
0x58: {  	_ =	shalt  }
0x59: {  	_ =	shalt  }
0x5a: {  	_ =	shalt  }
0x5b: {  	_ =	shalt  }
0x5c: {  	_ =	shalt  }
0x5d: {  	_ =	shalt  }
0x5e: {  	_ =	shalt  }
0x5f: {  	_ =	shalt  }
0x60: {  	_ =	shalt  }
0x61: {  	_ =	shalt  }
0x62: {  	_ =	shalt  }
0x63: {  	_ =	shalt  }
0x64: {  	_ =	shalt  }
0x65: {  	_ =	shalt  }
0x66: {  	_ =	shalt  }
0x67: {  	_ =	shalt  }
0x68: {  	_ =	shalt  }
0x69: {  	_ =	shalt  }
0x6a: {  	_ =	shalt  }
0x6b: {  	_ =	shalt  }
0x6c: {  	_ =	shalt  }
0x6d: {  	_ =	shalt  }
0x6e: {  	_ =	shalt  }
0x6f: {  	_ =	shalt  }
0x70: {  	_ =	shalt  }
0x71: {  	_ =	shalt  }
0x72: {  	_ =	shalt  }
0x73: {  	_ =	shalt  }
0x74: {  	_ =	shalt  }
0x75: {  	_ =	shalt  }
0x76: {  	_ =	shalt  }
0x77: {  	_ =	shalt  }
0x78: {  	_ =	shalt  }
0x79: {  	_ =	shalt  }
0x7a: {  	_ =	shalt  }
0x7b: {  	_ =	shalt  }
0x7c: {  	_ =	shalt  }
0x7d: {  	_ =	shalt  }
0x7e: {  	_ =	shalt  }
0x7f: {  	_ =	shalt  }
0x80: {  	_ =	shalt  }
0x81: {  	_ =	shalt  }
0x82: {  	_ =	shalt  }
0x83: {  	_ =	shalt  }
0x84: {  	_ =	shalt  }
0x85: {  	_ =	shalt  }
0x86: {  	_ =	shalt  }
0x87: {  	_ =	shalt  }
.Lfunc_end0:
.L_simem_size_0:
called_computation_lowered:
.L_overlay_start_0:
0x88: {  	s2 =	sld [smem:$0x3FD9]  }
0x89: {  	s3 =	sld [smem:$0x3FFE];
	_ =	sdelay $0x1  }
0x8a: {  	s1 =	srdreg.scid  }
0x8b: {  	s0 =	sand.u32 $0x1, s1  }
0x8c: {  	s17 =	sshll.u32 s0, $0xA;
	s2 =	sadd.s32 s3, s2  }
0x8d: {  	s2 =	sadd.s32 s2, s17  }
0x8e: {  	[smem:$0x3FC6] =	sst s2  }
0x8f: {  	_ = 	snop  }
0x90: {  	s2 =	sld [smem:$0x3FC9]  }
0x91: {  	s18 =	sld [smem:$0x3FD0];
	(tm) =	ssettm $0x1  }
0x92: {  	s4 =	sld [smem:$0x3FFB];
	_ =	sdelay $0x3  }
0x93: {  	_ =	strace s4  }
0x94: {  	s4 =	sld [smem:$0x3FFC];
	_ =	sdelay $0x3  }
0x95: {  	_ =	strace s4  }
0x96: {  	s4 =	sld [smem:$0x3FFD];
	_ =	sdelay $0x3  }
0x97: {  	_ =	strace s4  }
0x98: {  	_ =	strace $0x8FFFFFFF  }
0x99: {  	s19 =	sld [smem:$0x3FDB];
	_ =	sdelay $0x1  }
0x9a: {  	s5 =	simm.s32 $_scs_section_size  }
0x9b: {  	s6 =	simm.s32 $_size__tile_overlayer_lowered;
	s7 =	simm.s32 $_tile_overlayer_lowered  }
0x9c: {  	s22 =	simm.s32 $0x1BFF;
	s21 =	sshll.u32 s7, $0x1;
	s4 =	sadd.s32 s5, s19  }
0x9d: {  	s8 =	simm.s32 $0x0;
	s20 =	sshll.u32 s6, $0x1;
	s6 =	sadd.s32 s21, s4  }
0x9e: {  	[timem:s8], [sflag:s22] =	dma.local [hbm:s6], s20  }
0x9f: {  	_ =	swait.ge [sflag:s22], s20  }
0xa0: {  	s5 =	ssub.s32 $0x0, s20;
	[sflag:s22] =	ssyncset.done $0x0  }
0xa1: {  	[sflag:s22] =	ssyncadd.s32 s5;
	_ =	sdelay $0x1  }
0xa2: {  	s23 =	simm.s32 $0x1B8B  }
0xa3: {  	_ =	swait.ge [sflag:s23], $0x1  }
0xa4: {  	[sflag:s23] =	ssyncset.done $0x0  }
0xa5: {  	s25 =	simm.s32 $0x1B8E;
	s24 =	sld [smem:$0x3FFE];
	[sflag:s23] =	ssyncadd.s32 $0xFFFFFFFF  }
0xa6: {  	s26 =	simm.s32 $execute0_lowered;
	[smem:$0x3FD2] =	sst s25  }
0xa7: {  	s6 =	sshll.u32 s26, $0x1;
	_ =	strace $0x80000046;
	[dreg:$0x1] =	wrdreg $0xFFFFFFFF  }
0xa8: {  	s28 =	simm.s32 $_size_execute0_lowered;
	s4 =	sadd.s32 s4, s6;
	[dreg:$0x0] =	wrdreg $0x0  }
0xa9: {  	s6 =	sshll.u32 s28, $0x1;
	[dreg:$0x2] =	wrdreg s4  }
0xaa: {  	[dreg:$0x3] =	wrdreg s6  }
0xab: {  	[dreg:$0x4] =	wrdreg $0xC0  }
0xac: {  	_ =	task [dreg:s8], $0x5FFFF  }
0xad: {  	[dreg:$0x1] =	wrdreg $0xFFFFFFFF  }
0xae: {  	[dreg:$0x0] =	wrdreg $0x60  }
0xaf: {  	[dreg:$0x2] =	wrdreg s2  }
0xb0: {  	[dreg:$0x3] =	wrdreg s24  }
0xb1: {  	[dreg:$0x4] =	wrdreg s18  }
0xb2: {  	[dreg:$0x5] =	wrdreg $0x9  }
0xb3: {  	_ =	task.clear_ibuf [dreg:s8], $0x6FFFF;
	_ =	strace $0x90000046  }
0xb4: {  	s29 =	simm.s32 $0x9;
	_ =	strace $0x80000048  }
0xb5: {  	_ =	swait.ge [sflag:s29], $0x1  }
0xb6: {  	[sflag:s29] =	ssyncadd.s32 $0xFFFFFFFF  }
0xb7: {  	_ =	strace $0x90000048  }
0xb8: {  	_ =	sfence  }
0xb9: {  	s30 =	sld [smem:$0x0];
	_ =	sdelay $0x2  }
0xba: {  	s31 =	sshll.u32 s1, $0xD;
	s1 =	sshrl.u32 s1, $0x2  }
0xbb: {  	s3 =	sand.u32 $0x4000, s31;
	s1 =	sadd.s32 s1, s30  }
0xbc: {  	s0 =	sor.u32 s3, s0;
	s1 =	sshll.u32 s1, $0x11  }
0xbd: {  	s0 =	sor.u32 s1, s0  }
0xbe: {  	s0 =	sadd.s32 $0x8F2B, s0  }
0xbf: {  	[sflag:s0] =	ssyncadd.remote.s32 $0x1  }
0xc0: {  	_ =	sfence.sel $0xFFFF  }
0xc1: {  	[dreg:$0x0] =	wrdreg $0xFFFFFFFF;
	(pc) =	sbr.abs _section_cstart, $3  }
0xc2: {  	[dreg:$0x1] =	wrdreg $0xFFFFFFFF  }
0xc3: {  	_ =	task.clear_ibuf [dreg:s8], $0x2FFFF;
	_ =	strace $0x9FFFFFFF  }
0xc4: {  	(tm) =	ssettm $0x7FFFFFFF  }
0xc5: {  	_ =	shalt  }
tec
execute0_lowered:
.L_overlay_start_1:
0x0: {  	(tag) =	ssettag $0x1  }
0x1: {  	s0 =	srdreg.scid;
	s1 =	stileid.u32  }
0x2: {  	s9 =	rddreg [dreg:$0x0];
	s0 =	sand.u32 $0x1, s0;
	s1 =	sshll.u32 s1, $0x1  }
0x3: {  	s3 =	rddreg [dreg:$0x1];
	s2 =	sor.u32 s0, s1  }
0x4: {  	s11 =	rddreg [dreg:$0x2];
	s4 =	smul.u32 $0x32, s2  }
0x5: {  	s0 =	ssub.s32 $0x2, s0;
	s1 =	simm.s32 $0x0;
	s5 =	smul.u32 $0x32000, s2  }
0x6: {  	s6 =	sshrl.u32 s0, $0x1;
	s2 =	smul.u32 $0x190000, s2;
	[smem:$0x7FF] =	sst s1  }
0x7: {  	s13 =	ssub.s32 s0, s6;
	s12 =	sadd.s32 s4, s3;
	s28 =	sadd.s32 s9, s5  }
0x8: {  	s29 =	sor.u32 $0x1000, s5;
	s3 =	sadd.s32 s11, s5;
	[dreg:$0x4] =	wrdreg s28  }
0x9: {  	s8 =	sshrl.u32 s2, $0x3;
	s30 =	sadd.s32 s9, s29;
	[dreg:$0x6] =	wrdreg s3  }
0xa: {  	s4 =	sadd.s32 $0x2000, s8;
	s0 =	sadd.s32 s11, s29;
	[dreg:$0x5] =	wrdreg s30  }
0xb: {  	s6 =	sadd.s32 $0x3000, s8;
	s5 =	sadd.s32 s9, s4;
	[dreg:$0x8] =	wrdreg s0  }
0xc: {  	s7 =	sadd.s32 s9, s6;
	[dreg:$0x7] =	wrdreg s5  }
0xd: {  	s10 =	sadd.s32 $0x4000, s8;
	s2 =	sadd.s32 s11, s4;
	[dreg:$0x9] =	wrdreg s7  }
0xe: {  	s14 =	sadd.s32 s9, s10;
	[dreg:$0xa] =	wrdreg s2  }
0xf: {  	s15 =	sadd.s32 $0x5000, s8;
	s0 =	sadd.s32 s11, s6;
	[dreg:$0xb] =	wrdreg s14  }
0x10: {  	s17 =	sadd.s32 $0x6000, s8;
	s16 =	sadd.s32 s9, s15;
	[dreg:$0xc] =	wrdreg s0  }
0x11: {  	s19 =	sadd.s32 $0x7000, s8;
	s18 =	sadd.s32 s9, s17;
	[dreg:$0xd] =	wrdreg s16  }
0x12: {  	s21 =	sadd.s32 $0x8000, s8;
	s20 =	sadd.s32 s9, s19;
	[dreg:$0xf] =	wrdreg s18  }
0x13: {  	s23 =	sadd.s32 $0x9000, s8;
	s22 =	sadd.s32 s9, s21;
	[dreg:$0x11] =	wrdreg s20  }
0x14: {  	s25 =	sadd.s32 $0xA000, s8;
	s24 =	sadd.s32 s9, s23;
	[dreg:$0x13] =	wrdreg s22  }
0x15: {  	s28 =	sadd.s32 $0xB000, s8;
	s26 =	sadd.s32 s9, s25;
	[dreg:$0x16] =	wrdreg s24  }
0x16: {  	s29 =	sadd.s32 s9, s28;
	[dreg:$0x18] =	wrdreg s26  }
0x17: {  	s2 =	sadd.s32 s11, s10;
	[dreg:$0x1a] =	wrdreg s29  }
0x18: {  	s30 =	sadd.s32 $0xC000, s8;
	s0 =	sadd.s32 s11, s15;
	[dreg:$0xe] =	wrdreg s2  }
0x19: {  	s4 =	sadd.s32 $0xD000, s8;
	s3 =	sadd.s32 s9, s30;
	[dreg:$0x10] =	wrdreg s0  }
0x1a: {  	s6 =	sadd.s32 $0xE000, s8;
	s5 =	sadd.s32 s9, s4;
	[dreg:$0x1c] =	wrdreg s3  }
0x1b: {  	s7 =	sadd.s32 s9, s6;
	[dreg:$0x1e] =	wrdreg s5  }
0x1c: {  	s2 =	sadd.s32 s11, s17;
	[smem:$0x7C2] =	sst s7  }
0x1d: {  	s10 =	sadd.s32 $0xF000, s8;
	s0 =	sadd.s32 s11, s19;
	[dreg:$0x12] =	wrdreg s2  }
0x1e: {  	s15 =	sadd.s32 $0x10000, s8;
	s14 =	sadd.s32 s9, s10;
	[dreg:$0x14] =	wrdreg s0  }
0x1f: {  	s16 =	sadd.s32 s9, s15;
	[smem:$0x7C4] =	sst s14  }
0x20: {  	s2 =	sadd.s32 s11, s21;
	[smem:$0x7C6] =	sst s16  }
0x21: {  	s17 =	sadd.s32 $0x11000, s8;
	s0 =	sadd.s32 s11, s23;
	[dreg:$0x15] =	wrdreg s2  }
0x22: {  	s19 =	sadd.s32 $0x12000, s8;
	s18 =	sadd.s32 s9, s17;
	[dreg:$0x17] =	wrdreg s0  }
0x23: {  	s20 =	sadd.s32 s9, s19;
	[smem:$0x7C8] =	sst s18  }
0x24: {  	s2 =	sadd.s32 s11, s25;
	[smem:$0x7CA] =	sst s20  }
0x25: {  	s21 =	sadd.s32 $0x13000, s8;
	s0 =	sadd.s32 s11, s28;
	[dreg:$0x19] =	wrdreg s2  }
0x26: {  	s23 =	sadd.s32 $0x14000, s8;
	s22 =	sadd.s32 s9, s21;
	[dreg:$0x1b] =	wrdreg s0  }
0x27: {  	s24 =	sadd.s32 s9, s23;
	[smem:$0x7CC] =	sst s22  }
0x28: {  	s2 =	sadd.s32 s11, s30;
	[smem:$0x7CE] =	sst s24  }
0x29: {  	s25 =	sadd.s32 $0x15000, s8;
	s0 =	sadd.s32 s11, s4;
	[dreg:$0x1d] =	wrdreg s2  }
0x2a: {  	s28 =	sadd.s32 $0x16000, s8;
	s26 =	sadd.s32 s9, s25;
	[dreg:$0x1f] =	wrdreg s0  }
0x2b: {  	s29 =	sadd.s32 s9, s28;
	[smem:$0x7D0] =	sst s26  }
0x2c: {  	s2 =	sadd.s32 s11, s6;
	[smem:$0x7D2] =	sst s29  }
0x2d: {  	s30 =	sadd.s32 $0x17000, s8;
	s0 =	sadd.s32 s11, s10;
	[smem:$0x7C3] =	sst s2  }
0x2e: {  	s4 =	sadd.s32 $0x18000, s8;
	s3 =	sadd.s32 s9, s30;
	[smem:$0x7C5] =	sst s0  }
0x2f: {  	s5 =	sadd.s32 s9, s4;
	[smem:$0x7D4] =	sst s3  }
0x30: {  	s2 =	sadd.s32 s11, s15;
	[smem:$0x7D6] =	sst s5  }
0x31: {  	s6 =	sadd.s32 $0x19000, s8;
	s0 =	sadd.s32 s11, s17;
	[smem:$0x7C7] =	sst s2  }
0x32: {  	s10 =	sadd.s32 $0x1A000, s8;
	s7 =	sadd.s32 s9, s6;
	[smem:$0x7C9] =	sst s0  }
0x33: {  	s14 =	sadd.s32 s9, s10;
	[smem:$0x7D8] =	sst s7  }
0x34: {  	s2 =	sadd.s32 s11, s19;
	[smem:$0x7DA] =	sst s14  }
0x35: {  	s15 =	sadd.s32 $0x1B000, s8;
	s0 =	sadd.s32 s11, s21;
	[smem:$0x7CB] =	sst s2  }
0x36: {  	s17 =	sadd.s32 $0x1C000, s8;
	s16 =	sadd.s32 s9, s15;
	[smem:$0x7CD] =	sst s0  }
0x37: {  	s18 =	sadd.s32 s9, s17;
	[smem:$0x7DC] =	sst s16  }
0x38: {  	s2 =	sadd.s32 s11, s23;
	[smem:$0x7DE] =	sst s18  }
0x39: {  	s19 =	sadd.s32 $0x1D000, s8;
	s0 =	sadd.s32 s11, s25;
	[smem:$0x7CF] =	sst s2  }
0x3a: {  	s21 =	sadd.s32 $0x1E000, s8;
	s20 =	sadd.s32 s9, s19;
	[smem:$0x7D1] =	sst s0  }
0x3b: {  	s22 =	sadd.s32 s9, s21;
	[smem:$0x7E0] =	sst s20  }
0x3c: {  	s2 =	sadd.s32 s11, s28;
	[smem:$0x7E2] =	sst s22  }
0x3d: {  	s23 =	sadd.s32 $0x1F000, s8;
	s0 =	sadd.s32 s11, s30;
	[smem:$0x7D3] =	sst s2  }
0x3e: {  	s25 =	sadd.s32 $0x20000, s8;
	s24 =	sadd.s32 s9, s23;
	[smem:$0x7D5] =	sst s0  }
0x3f: {  	s13 =	smax.u32 s13, $0x1;
	s26 =	sadd.s32 s9, s25;
	[smem:$0x7E4] =	sst s24  }
0x40: {  	s12 =	sadd.s32 $0x400, s12;
	s2 =	sadd.s32 s11, s4;
	[smem:$0x7E6] =	sst s26  }
0x41: {  	s28 =	sadd.s32 $0x21000, s8;
	s0 =	sadd.s32 s11, s6;
	[smem:$0x7D7] =	sst s2  }
0x42: {  	s30 =	sadd.s32 $0x22000, s8;
	s29 =	sadd.s32 s9, s28;
	[smem:$0x7D9] =	sst s0  }
0x43: {  	s3 =	sadd.s32 s9, s30;
	s4 =	sadd.s32 $0x23000, s8;
	[smem:$0x7E8] =	sst s29  }
0x44: {  	s6 =	sadd.s32 $0x24000, s8;
	s2 =	sadd.s32 s11, s10;
	[smem:$0x7EA] =	sst s3  }
0x45: {  	s0 =	sadd.s32 s11, s15;
	s5 =	sadd.s32 s9, s4;
	[smem:$0x7DB] =	sst s2  }
0x46: {  	s7 =	sadd.s32 s9, s6;
	s10 =	sadd.s32 $0x25000, s8;
	[smem:$0x7DD] =	sst s0  }
0x47: {  	s15 =	sadd.s32 $0x26000, s8;
	s29 =	sadd.s32 $0x2D000, s8;
	[smem:$0x7EC] =	sst s5  }
0x48: {  	s2 =	sadd.s32 s11, s17;
	s0 =	sadd.s32 s11, s19;
	[smem:$0x7EE] =	sst s7  }
0x49: {  	s14 =	sadd.s32 s9, s10;
	s16 =	sadd.s32 s9, s15;
	[smem:$0x7DF] =	sst s2  }
0x4a: {  	s17 =	sadd.s32 $0x27000, s8;
	s19 =	sadd.s32 $0x28000, s8;
	[smem:$0x7E1] =	sst s0  }
0x4b: {  	s3 =	sadd.s32 s11, s29;
	s7 =	sadd.s32 $0x2F000, s8;
	[smem:$0x7F0] =	sst s14  }
0x4c: {  	s2 =	sadd.s32 s11, s21;
	s0 =	sadd.s32 s11, s23;
	[smem:$0x7F2] =	sst s16  }
0x4d: {  	s18 =	sadd.s32 s9, s17;
	s20 =	sadd.s32 s9, s19;
	[smem:$0x7E3] =	sst s2  }
0x4e: {  	s21 =	sadd.s32 $0x29000, s8;
	s23 =	sadd.s32 $0x2A000, s8;
	[smem:$0x7E5] =	sst s0  }
0x4f: {  	s14 =	sadd.s32 $0x31000, s8;
	s16 =	simm.s32 $0x8000;
	[smem:$0x7F4] =	sst s18  }
0x50: {  	s2 =	sadd.s32 s11, s25;
	s0 =	sadd.s32 s11, s28;
	[smem:$0x7F6] =	sst s20  }
0x51: {  	s22 =	sadd.s32 s9, s21;
	s24 =	sadd.s32 s9, s23;
	[smem:$0x7E7] =	sst s2  }
0x52: {  	s25 =	sadd.s32 $0x2B000, s8;
	s28 =	sadd.s32 $0x2C000, s8;
	[smem:$0x7E9] =	sst s0  }
0x53: {  	s18 =	simm.s32 $0x3;
	s20 =	simm.s32 $0x4;
	[smem:$0x7F8] =	sst s22  }
0x54: {  	s2 =	sadd.s32 s11, s30;
	s0 =	sadd.s32 s11, s4;
	[smem:$0x7FA] =	sst s24  }
0x55: {  	s26 =	sadd.s32 s9, s25;
	s31 =	sadd.s32 s9, s28;
	[smem:$0x7EB] =	sst s2  }
0x56: {  	s30 =	sadd.s32 $0x2E000, s8;
	[smem:$0x7ED] =	sst s0;
	s2 =	sadd.s32 s11, s6  }
0x57: {  	s0 =	sadd.s32 s11, s10;
	[smem:$0x7FC] =	sst s26;
	s4 =	sadd.s32 s9, s30  }
0x58: {  	s5 =	sadd.s32 s11, s30;
	s6 =	sadd.s32 s9, s7;
	[smem:$0x7EF] =	sst s2  }
0x59: {  	s10 =	sadd.s32 $0x30000, s8;
	[smem:$0x7F1] =	sst s0;
	s2 =	sadd.s32 s11, s15  }
0x5a: {  	s7 =	sadd.s32 s11, s7;
	s0 =	sadd.s32 s11, s17;
	[smem:$0x7F3] =	sst s2  }
0x5b: {  	s8 =	sadd.s32 s9, s10;
	[smem:$0x7F5] =	sst s0;
	s2 =	sadd.s32 s11, s19  }
0x5c: {  	s10 =	sadd.s32 s11, s10;
	s0 =	sadd.s32 s11, s21;
	[smem:$0x7F7] =	sst s2  }
0x5d: {  	s15 =	simm.s32 $0x5;
	[smem:$0x7F9] =	sst s0;
	s2 =	sadd.s32 s11, s23  }
0x5e: {  	s17 =	simm.s32 $0x1;
	s0 =	sadd.s32 s11, s25;
	[smem:$0x7FB] =	sst s2  }
0x5f: {  	s19 =	simm.s32 $0x2;
	s21 =	simm.s32 $0x0;
	[smem:$0x7FD] =	sst s0  }
0x60: {  	s0 =	sadd.s32 s11, s28;
	s2 =	sadd.s32 s9, s29;
	s9 =	sadd.s32 s9, s14  }
0x61: {  	s11 =	sadd.s32 s11, s14;
	s14 =	simm.s32 $0x10000;
	_ =	strace $0x80000047  }
.LBB2_1:
0x62: {  	[tilespmem:s14], [sflag:$0x5] =	stream.linear.gather [hbm4b:s12+s1], $0x190, $0x38;
	[tilespmem:$0x10200] =	vst v63  }
0x63: {  	_ =	swait.ge [sflag:s15], $0x190  }
0x64: {  	[sflag:s15] =	ssyncset.done $0x0  }
0x65: {  	s22 =	rddreg [dreg:$0x4];
	[sflag:s15] =	ssyncadd.s32 $0xFFFFFE70  }
0x66: {  	[tilespmem:s1], [sflag:$0x1] =	stream.linear.gather [hbm4b:s22+s1], $0x8000, $0x38;
	[tilespmem:$0x10200] =	vst v63  }
0x67: {  	s30 =	rddreg [dreg:$0x5]  }
0x68: {  	[tilespmem:s16], [sflag:$0x2] =	stream.linear.gather [hbm4b:s30+s1], $0x8000, $0x38;
	[tilespmem:$0x10200] =	vst v63  }
0x69: {  	_ =	swait.ge [sflag:s17], $0x8000  }
0x6a: {  	[sflag:s17] =	ssyncset.done $0x0  }
0x6b: {  	s22 =	simm.s32 $0x0;
	[sflag:s17] =	ssyncadd.s32 $0xFFFF8000  }
.LBB2_2:
0x6c: {  	v0 =	vmov s22;
	s23 =	sshll.u32 s22, $0x7;
	s24 =	simm.s32 $0x0  }
0x6d: {  	s23 =	sand.u32 $0x3FFFFF80, s23;
	s25 =	sand.u32 $0x7C00, s24  }
0x6e: {  	s24 =	sand.u32 $0x70, s24;
	s25 =	sadd.s32 s25, s23  }
0x6f: {  	s24 =	sadd.s32 s24, s25  }
0x70: {  	v1 =	vld [tilespmem:s24+$0x0]  }
0x71: {  	v0 =	vld.idx.msk [tilespmem:v0+s14+$0x0], $0xffff;
	_ =	sdelay $0x3  }
0x72: {  	s25 =	simm.s32 $0x80  }
0x73: {  	s28 =	simm.s32 $0x10;
	s26 =	simm.s32 $0x20;
	s29 =	sand.u32 $0x7C00, s25;
	v1 =	vadd.f32 v1, v0  }
.LBB2_3:
0x74: {  	p0 =	sne.s32 s26, $0xFF0;
	s28 =	sand.u32 $0x70, s28;
	s29 =	sadd.s32 s29, s23  }
0x75: {  	[tilespmem:s24+$0x0] =	vst v1;
	s24 =	sadd.s32 s28, s29;
	s28 =	smov.u32 s26  }
0x76: {  	v1 =	vld [tilespmem:s24+$0x0]  }
.Ltmp0:
0x77: {  	(pc) =	sbr.rel @p0 .LBB2_3-.Ltmp0, $3  }
0x78: {  	_ =	sdelay $0x1  }
0x79: {  	s25 =	sadd.s32 $0x80, s25  }
0x7a: {  	s29 =	sand.u32 $0x7C00, s25;
	s26 =	sadd.s32 $0x10, s26;
	v1 =	vadd.f32 v1, v0  }
0x7b: {  	s25 =	sand.u32 $0x70, s28;
	s23 =	sadd.s32 s29, s23  }
0x7c: {  	s23 =	sadd.s32 s25, s23;
	[tilespmem:s24+$0x0] =	vst v1  }
0x7d: {  	v1 =	vld [tilespmem:s23+$0x0]  }
0x7e: {  	s22 =	sadd.s32 $0x1, s22  }
0x7f: {  	p0 =	sne.s32 s22, $0x8  }
.Ltmp1:
0x80: {  	_ = 	snop;
	(pc) =	sbr.rel @p0 .LBB2_2-.Ltmp1, $3  }
0x81: {  	_ = 	snop  }
0x82: {  	v0 =	vadd.f32 v1, v0;
	_ =	sdelay $0x1  }
0x83: {  	[tilespmem:s23+$0x0] =	vst v0  }
0x84: {  	s22 =	simm.s32 $0x0;
	s23 =	rddreg [dreg:$0x6]  }
0x85: {  	[hbm4b:s23+s22] =	stream.linear.scatter [tilespmem:s22], [sflag:$0x3], $0x8000, $0x38;
	[tilespmem:$0x10200] =	vst v63  }
0x86: {  	_ =	swait.ge [sflag:s18], $0x8000  }
0x87: {  	[sflag:s18] =	ssyncset.done $0x0  }
0x88: {  	s30 =	rddreg [dreg:$0x7];
	[sflag:s18] =	ssyncadd.s32 $0xFFFF8000  }
0x89: {  	[tilespmem:s22], [sflag:$0x1] =	stream.linear.gather [hbm4b:s30+s22], $0x8000, $0x38;
	[tilespmem:$0x10200] =	vst v63  }
0x8a: {  	_ =	swait.ge [sflag:s19], $0x8000  }
0x8b: {  	[sflag:s19] =	ssyncset.done $0x0  }
0x8c: {  	s23 =	simm.s32 $0x0;
	[sflag:s19] =	ssyncadd.s32 $0xFFFF8000  }
.LBB2_6:
0x8d: {  	s24 =	sor.u32 $0x8, s23;
	s26 =	sshll.u32 s23, $0x7  }
0x8e: {  	v0 =	vmov s24;
	s24 =	sand.u32 $0x3FFFFF80, s26  }
0x8f: {  	s25 =	sand.u32 $0x7C00, s22;
	s24 =	sadd.s32 $0x8000, s24  }
0x90: {  	s26 =	sand.u32 $0x70, s22;
	s25 =	sadd.s32 s25, s24  }
0x91: {  	s25 =	sadd.s32 s26, s25  }
0x92: {  	v1 =	vld [tilespmem:s25+$0x0]  }
0x93: {  	v0 =	vld.idx.msk [tilespmem:v0+s14+$0x0], $0xffff;
	_ =	sdelay $0x3  }
0x94: {  	s26 =	simm.s32 $0x80  }
0x95: {  	s29 =	simm.s32 $0x10;
	s28 =	simm.s32 $0x20;
	s30 =	sand.u32 $0x7C00, s26;
	v1 =	vadd.f32 v1, v0  }
.LBB2_7:
0x96: {  	p0 =	sne.s32 s28, $0xFF0;
	s29 =	sand.u32 $0x70, s29;
	s30 =	sadd.s32 s30, s24  }
0x97: {  	[tilespmem:s25+$0x0] =	vst v1;
	s25 =	sadd.s32 s29, s30;
	s29 =	smov.u32 s28  }
0x98: {  	v1 =	vld [tilespmem:s25+$0x0]  }
.Ltmp2:
0x99: {  	(pc) =	sbr.rel @p0 .LBB2_7-.Ltmp2, $3  }
0x9a: {  	_ =	sdelay $0x1  }
0x9b: {  	s26 =	sadd.s32 $0x80, s26  }
0x9c: {  	s30 =	sand.u32 $0x7C00, s26;
	s28 =	sadd.s32 $0x10, s28;
	v1 =	vadd.f32 v1, v0  }
0x9d: {  	s26 =	sand.u32 $0x70, s29;
	s24 =	sadd.s32 s30, s24  }
0x9e: {  	s24 =	sadd.s32 s26, s24;
	[tilespmem:s25+$0x0] =	vst v1  }
0x9f: {  	v1 =	vld [tilespmem:s24+$0x0]  }
0xa0: {  	s23 =	sadd.s32 $0x1, s23  }
0xa1: {  	p0 =	sne.s32 s23, $0x8  }
.Ltmp3:
0xa2: {  	_ = 	snop;
	(pc) =	sbr.rel @p0 .LBB2_6-.Ltmp3, $3  }
0xa3: {  	_ = 	snop  }
0xa4: {  	v0 =	vadd.f32 v1, v0;
	_ =	sdelay $0x1  }
0xa5: {  	[tilespmem:s24+$0x0] =	vst v0  }
0xa6: {  	s22 =	simm.s32 $0x0;
	s23 =	rddreg [dreg:$0x8]  }
0xa7: {  	[hbm4b:s23+s22] =	stream.linear.scatter [tilespmem:s16], [sflag:$0x4], $0x8000, $0x38;
	[tilespmem:$0x10200] =	vst v63  }
0xa8: {  	_ =	swait.ge [sflag:s20], $0x8000  }
0xa9: {  	[sflag:s20] =	ssyncset.done $0x0  }
0xaa: {  	s30 =	rddreg [dreg:$0x9];
	[sflag:s20] =	ssyncadd.s32 $0xFFFF8000  }
0xab: {  	[tilespmem:s16], [sflag:$0x2] =	stream.linear.gather [hbm4b:s30+s22], $0x8000, $0x38;
	[tilespmem:$0x10200] =	vst v63  }
0xac: {  	_ =	swait.ge [sflag:s17], $0x8000  }
0xad: {  	[sflag:s17] =	ssyncset.done $0x0  }
0xae: {  	s23 =	simm.s32 $0x0;
	[sflag:s17] =	ssyncadd.s32 $0xFFFF8000  }
.LBB2_10:
0xaf: {  	s24 =	sor.u32 $0x10, s23  }
0xb0: {  	s26 =	sshll.u32 s23, $0x7;
	v0 =	vmov s24  }
0xb1: {  	s25 =	sand.u32 $0x7C00, s22;
	s24 =	sand.u32 $0x3FFFFF80, s26  }
0xb2: {  	s26 =	sand.u32 $0x70, s22;
	s25 =	sadd.s32 s25, s24  }
0xb3: {  	s25 =	sadd.s32 s26, s25  }
0xb4: {  	v1 =	vld [tilespmem:s25+$0x0]  }
0xb5: {  	v0 =	vld.idx.msk [tilespmem:v0+s14+$0x0], $0xffff;
	_ =	sdelay $0x3  }
0xb6: {  	s26 =	simm.s32 $0x80  }
0xb7: {  	s29 =	simm.s32 $0x10;
	s28 =	simm.s32 $0x20;
	s30 =	sand.u32 $0x7C00, s26;
	v1 =	vadd.f32 v1, v0  }
.LBB2_11:
0xb8: {  	p0 =	sne.s32 s28, $0xFF0;
	s29 =	sand.u32 $0x70, s29;
	s30 =	sadd.s32 s30, s24  }
0xb9: {  	[tilespmem:s25+$0x0] =	vst v1;
	s25 =	sadd.s32 s29, s30;
	s29 =	smov.u32 s28  }
0xba: {  	v1 =	vld [tilespmem:s25+$0x0]  }
.Ltmp4:
0xbb: {  	(pc) =	sbr.rel @p0 .LBB2_11-.Ltmp4, $3  }
0xbc: {  	_ =	sdelay $0x1  }
0xbd: {  	s26 =	sadd.s32 $0x80, s26  }
0xbe: {  	s30 =	sand.u32 $0x7C00, s26;
	s28 =	sadd.s32 $0x10, s28;
	v1 =	vadd.f32 v1, v0  }
0xbf: {  	s26 =	sand.u32 $0x70, s29;
	s24 =	sadd.s32 s30, s24  }
0xc0: {  	s24 =	sadd.s32 s26, s24;
	[tilespmem:s25+$0x0] =	vst v1  }
0xc1: {  	v1 =	vld [tilespmem:s24+$0x0]  }
0xc2: {  	s23 =	sadd.s32 $0x1, s23  }
0xc3: {  	p0 =	sne.s32 s23, $0x8  }
.Ltmp5:
0xc4: {  	_ = 	snop;
	(pc) =	sbr.rel @p0 .LBB2_10-.Ltmp5, $3  }
0xc5: {  	_ = 	snop  }
0xc6: {  	v0 =	vadd.f32 v1, v0;
	_ =	sdelay $0x1  }
0xc7: {  	[tilespmem:s24+$0x0] =	vst v0  }
0xc8: {  	s22 =	simm.s32 $0x0;
	s23 =	rddreg [dreg:$0xa]  }
0xc9: {  	[hbm4b:s23+s22] =	stream.linear.scatter [tilespmem:s22], [sflag:$0x3], $0x8000, $0x38;
	[tilespmem:$0x10200] =	vst v63  }
0xca: {  	_ =	swait.ge [sflag:s18], $0x8000  }
0xcb: {  	[sflag:s18] =	ssyncset.done $0x0  }
0xcc: {  	s30 =	rddreg [dreg:$0xb];
	[sflag:s18] =	ssyncadd.s32 $0xFFFF8000  }
0xcd: {  	[tilespmem:s22], [sflag:$0x1] =	stream.linear.gather [hbm4b:s30+s22], $0x8000, $0x38;
	[tilespmem:$0x10200] =	vst v63  }
0xce: {  	_ =	swait.ge [sflag:s19], $0x8000  }
0xcf: {  	[sflag:s19] =	ssyncset.done $0x0  }
0xd0: {  	s23 =	simm.s32 $0x0;
	[sflag:s19] =	ssyncadd.s32 $0xFFFF8000  }
.LBB2_14:
0xd1: {  	s24 =	sor.u32 $0x18, s23;
	s26 =	sshll.u32 s23, $0x7  }
0xd2: {  	v0 =	vmov s24;
	s24 =	sand.u32 $0x3FFFFF80, s26  }
0xd3: {  	s25 =	sand.u32 $0x7C00, s22;
	s24 =	sadd.s32 $0x8000, s24  }
0xd4: {  	s26 =	sand.u32 $0x70, s22;
	s25 =	sadd.s32 s25, s24  }
0xd5: {  	s25 =	sadd.s32 s26, s25  }
0xd6: {  	v1 =	vld [tilespmem:s25+$0x0]  }
0xd7: {  	v0 =	vld.idx.msk [tilespmem:v0+s14+$0x0], $0xffff;
	_ =	sdelay $0x3  }
0xd8: {  	s26 =	simm.s32 $0x80  }
0xd9: {  	s29 =	simm.s32 $0x10;
	s28 =	simm.s32 $0x20;
	s30 =	sand.u32 $0x7C00, s26;
	v1 =	vadd.f32 v1, v0  }
.LBB2_15:
0xda: {  	p0 =	sne.s32 s28, $0xFF0;
	s29 =	sand.u32 $0x70, s29;
	s30 =	sadd.s32 s30, s24  }
0xdb: {  	[tilespmem:s25+$0x0] =	vst v1;
	s25 =	sadd.s32 s29, s30;
	s29 =	smov.u32 s28  }
0xdc: {  	v1 =	vld [tilespmem:s25+$0x0]  }
.Ltmp6:
0xdd: {  	(pc) =	sbr.rel @p0 .LBB2_15-.Ltmp6, $3  }
0xde: {  	_ =	sdelay $0x1  }
0xdf: {  	s26 =	sadd.s32 $0x80, s26  }
0xe0: {  	s30 =	sand.u32 $0x7C00, s26;
	s28 =	sadd.s32 $0x10, s28;
	v1 =	vadd.f32 v1, v0  }
0xe1: {  	s26 =	sand.u32 $0x70, s29;
	s24 =	sadd.s32 s30, s24  }
0xe2: {  	s24 =	sadd.s32 s26, s24;
	[tilespmem:s25+$0x0] =	vst v1  }
0xe3: {  	v1 =	vld [tilespmem:s24+$0x0]  }
0xe4: {  	s23 =	sadd.s32 $0x1, s23  }
0xe5: {  	p0 =	sne.s32 s23, $0x8  }
.Ltmp7:
0xe6: {  	_ = 	snop;
	(pc) =	sbr.rel @p0 .LBB2_14-.Ltmp7, $3  }
0xe7: {  	_ = 	snop  }
0xe8: {  	v0 =	vadd.f32 v1, v0;
	_ =	sdelay $0x1  }
0xe9: {  	[tilespmem:s24+$0x0] =	vst v0  }
0xea: {  	s22 =	simm.s32 $0x0;
	s23 =	rddreg [dreg:$0xc]  }
0xeb: {  	[hbm4b:s23+s22] =	stream.linear.scatter [tilespmem:s16], [sflag:$0x4], $0x8000, $0x38;
	[tilespmem:$0x10200] =	vst v63  }
0xec: {  	_ =	swait.ge [sflag:s20], $0x8000  }
0xed: {  	[sflag:s20] =	ssyncset.done $0x0  }
0xee: {  	s30 =	rddreg [dreg:$0xd];
	[sflag:s20] =	ssyncadd.s32 $0xFFFF8000  }
0xef: {  	[tilespmem:s16], [sflag:$0x2] =	stream.linear.gather [hbm4b:s30+s22], $0x8000, $0x38;
	[tilespmem:$0x10200] =	vst v63  }
0xf0: {  	_ =	swait.ge [sflag:s17], $0x8000  }
0xf1: {  	[sflag:s17] =	ssyncset.done $0x0  }
0xf2: {  	s23 =	simm.s32 $0x0;
	[sflag:s17] =	ssyncadd.s32 $0xFFFF8000  }
.LBB2_18:
0xf3: {  	s24 =	sor.u32 $0x20, s23  }
0xf4: {  	s26 =	sshll.u32 s23, $0x7;
	v0 =	vmov s24  }
0xf5: {  	s25 =	sand.u32 $0x7C00, s22;
	s24 =	sand.u32 $0x3FFFFF80, s26  }
0xf6: {  	s26 =	sand.u32 $0x70, s22;
	s25 =	sadd.s32 s25, s24  }
0xf7: {  	s25 =	sadd.s32 s26, s25  }
0xf8: {  	v1 =	vld [tilespmem:s25+$0x0]  }
0xf9: {  	v0 =	vld.idx.msk [tilespmem:v0+s14+$0x0], $0xffff;
	_ =	sdelay $0x3  }
0xfa: {  	s26 =	simm.s32 $0x80  }
0xfb: {  	s29 =	simm.s32 $0x10;
	s28 =	simm.s32 $0x20;
	s30 =	sand.u32 $0x7C00, s26;
	v1 =	vadd.f32 v1, v0  }
.LBB2_19:
0xfc: {  	p0 =	sne.s32 s28, $0xFF0;
	s29 =	sand.u32 $0x70, s29;
	s30 =	sadd.s32 s30, s24  }
0xfd: {  	[tilespmem:s25+$0x0] =	vst v1;
	s25 =	sadd.s32 s29, s30;
	s29 =	smov.u32 s28  }
0xfe: {  	v1 =	vld [tilespmem:s25+$0x0]  }
.Ltmp8:
0xff: {  	(pc) =	sbr.rel @p0 .LBB2_19-.Ltmp8, $3  }
0x100: {  	_ =	sdelay $0x1  }
0x101: {  	s26 =	sadd.s32 $0x80, s26  }
0x102: {  	s30 =	sand.u32 $0x7C00, s26;
	s28 =	sadd.s32 $0x10, s28;
	v1 =	vadd.f32 v1, v0  }
0x103: {  	s26 =	sand.u32 $0x70, s29;
	s24 =	sadd.s32 s30, s24  }
0x104: {  	s24 =	sadd.s32 s26, s24;
	[tilespmem:s25+$0x0] =	vst v1  }
0x105: {  	v1 =	vld [tilespmem:s24+$0x0]  }
0x106: {  	s23 =	sadd.s32 $0x1, s23  }
0x107: {  	p0 =	sne.s32 s23, $0x8  }
.Ltmp9:
0x108: {  	_ = 	snop;
	(pc) =	sbr.rel @p0 .LBB2_18-.Ltmp9, $3  }
0x109: {  	_ = 	snop  }
0x10a: {  	v0 =	vadd.f32 v1, v0;
	_ =	sdelay $0x1  }
0x10b: {  	[tilespmem:s24+$0x0] =	vst v0  }
0x10c: {  	s22 =	simm.s32 $0x0;
	s23 =	rddreg [dreg:$0xe]  }
0x10d: {  	[hbm4b:s23+s22] =	stream.linear.scatter [tilespmem:s22], [sflag:$0x3], $0x8000, $0x38;
	[tilespmem:$0x10200] =	vst v63  }
0x10e: {  	_ =	swait.ge [sflag:s18], $0x8000  }
0x10f: {  	[sflag:s18] =	ssyncset.done $0x0  }
0x110: {  	s30 =	rddreg [dreg:$0xf];
	[sflag:s18] =	ssyncadd.s32 $0xFFFF8000  }
0x111: {  	[tilespmem:s22], [sflag:$0x1] =	stream.linear.gather [hbm4b:s30+s22], $0x8000, $0x38;
	[tilespmem:$0x10200] =	vst v63  }
0x112: {  	_ =	swait.ge [sflag:s19], $0x8000  }
0x113: {  	[sflag:s19] =	ssyncset.done $0x0  }
0x114: {  	s23 =	simm.s32 $0x0;
	[sflag:s19] =	ssyncadd.s32 $0xFFFF8000  }
.LBB2_22:
0x115: {  	s24 =	sor.u32 $0x28, s23;
	s26 =	sshll.u32 s23, $0x7  }
0x116: {  	v0 =	vmov s24;
	s24 =	sand.u32 $0x3FFFFF80, s26  }
0x117: {  	s25 =	sand.u32 $0x7C00, s22;
	s24 =	sadd.s32 $0x8000, s24  }
0x118: {  	s26 =	sand.u32 $0x70, s22;
	s25 =	sadd.s32 s25, s24  }
0x119: {  	s25 =	sadd.s32 s26, s25  }
0x11a: {  	v1 =	vld [tilespmem:s25+$0x0]  }
0x11b: {  	v0 =	vld.idx.msk [tilespmem:v0+s14+$0x0], $0xffff;
	_ =	sdelay $0x3  }
0x11c: {  	s26 =	simm.s32 $0x80  }
0x11d: {  	s29 =	simm.s32 $0x10;
	s28 =	simm.s32 $0x20;
	s30 =	sand.u32 $0x7C00, s26;
	v1 =	vadd.f32 v1, v0  }
.LBB2_23:
0x11e: {  	p0 =	sne.s32 s28, $0xFF0;
	s29 =	sand.u32 $0x70, s29;
	s30 =	sadd.s32 s30, s24  }
0x11f: {  	[tilespmem:s25+$0x0] =	vst v1;
	s25 =	sadd.s32 s29, s30;
	s29 =	smov.u32 s28  }
0x120: {  	v1 =	vld [tilespmem:s25+$0x0]  }
.Ltmp10:
0x121: {  	(pc) =	sbr.rel @p0 .LBB2_23-.Ltmp10, $3  }
0x122: {  	_ =	sdelay $0x1  }
0x123: {  	s26 =	sadd.s32 $0x80, s26  }
0x124: {  	s30 =	sand.u32 $0x7C00, s26;
	s28 =	sadd.s32 $0x10, s28;
	v1 =	vadd.f32 v1, v0  }
0x125: {  	s26 =	sand.u32 $0x70, s29;
	s24 =	sadd.s32 s30, s24  }
0x126: {  	s24 =	sadd.s32 s26, s24;
	[tilespmem:s25+$0x0] =	vst v1  }
0x127: {  	v1 =	vld [tilespmem:s24+$0x0]  }
0x128: {  	s23 =	sadd.s32 $0x1, s23  }
0x129: {  	p0 =	sne.s32 s23, $0x8  }
.Ltmp11:
0x12a: {  	_ = 	snop;
	(pc) =	sbr.rel @p0 .LBB2_22-.Ltmp11, $3  }
0x12b: {  	_ = 	snop  }
0x12c: {  	v0 =	vadd.f32 v1, v0;
	_ =	sdelay $0x1  }
0x12d: {  	[tilespmem:s24+$0x0] =	vst v0  }
0x12e: {  	s22 =	simm.s32 $0x0;
	s23 =	rddreg [dreg:$0x10]  }
0x12f: {  	[hbm4b:s23+s22] =	stream.linear.scatter [tilespmem:s16], [sflag:$0x4], $0x8000, $0x38;
	[tilespmem:$0x10200] =	vst v63  }
0x130: {  	_ =	swait.ge [sflag:s20], $0x8000  }
0x131: {  	[sflag:s20] =	ssyncset.done $0x0  }
0x132: {  	s30 =	rddreg [dreg:$0x11];
	[sflag:s20] =	ssyncadd.s32 $0xFFFF8000  }
0x133: {  	[tilespmem:s16], [sflag:$0x2] =	stream.linear.gather [hbm4b:s30+s22], $0x8000, $0x38;
	[tilespmem:$0x10200] =	vst v63  }
0x134: {  	_ =	swait.ge [sflag:s17], $0x8000  }
0x135: {  	[sflag:s17] =	ssyncset.done $0x0  }
0x136: {  	s23 =	simm.s32 $0x0;
	[sflag:s17] =	ssyncadd.s32 $0xFFFF8000  }
.LBB2_26:
0x137: {  	s24 =	sor.u32 $0x30, s23  }
0x138: {  	s26 =	sshll.u32 s23, $0x7;
	v0 =	vmov s24  }
0x139: {  	s25 =	sand.u32 $0x7C00, s22;
	s24 =	sand.u32 $0x3FFFFF80, s26  }
0x13a: {  	s26 =	sand.u32 $0x70, s22;
	s25 =	sadd.s32 s25, s24  }
0x13b: {  	s25 =	sadd.s32 s26, s25  }
0x13c: {  	v1 =	vld [tilespmem:s25+$0x0]  }
0x13d: {  	v0 =	vld.idx.msk [tilespmem:v0+s14+$0x0], $0xffff;
	_ =	sdelay $0x3  }
0x13e: {  	s26 =	simm.s32 $0x80  }
0x13f: {  	s29 =	simm.s32 $0x10;
	s28 =	simm.s32 $0x20;
	s30 =	sand.u32 $0x7C00, s26;
	v1 =	vadd.f32 v1, v0  }
.LBB2_27:
0x140: {  	p0 =	sne.s32 s28, $0xFF0;
	s29 =	sand.u32 $0x70, s29;
	s30 =	sadd.s32 s30, s24  }
0x141: {  	[tilespmem:s25+$0x0] =	vst v1;
	s25 =	sadd.s32 s29, s30;
	s29 =	smov.u32 s28  }
0x142: {  	v1 =	vld [tilespmem:s25+$0x0]  }
.Ltmp12:
0x143: {  	(pc) =	sbr.rel @p0 .LBB2_27-.Ltmp12, $3  }
0x144: {  	_ =	sdelay $0x1  }
0x145: {  	s26 =	sadd.s32 $0x80, s26  }
0x146: {  	s30 =	sand.u32 $0x7C00, s26;
	s28 =	sadd.s32 $0x10, s28;
	v1 =	vadd.f32 v1, v0  }
0x147: {  	s26 =	sand.u32 $0x70, s29;
	s24 =	sadd.s32 s30, s24  }
0x148: {  	s24 =	sadd.s32 s26, s24;
	[tilespmem:s25+$0x0] =	vst v1  }
0x149: {  	v1 =	vld [tilespmem:s24+$0x0]  }
0x14a: {  	s23 =	sadd.s32 $0x1, s23  }
0x14b: {  	p0 =	sne.s32 s23, $0x8  }
.Ltmp13:
0x14c: {  	_ = 	snop;
	(pc) =	sbr.rel @p0 .LBB2_26-.Ltmp13, $3  }
0x14d: {  	_ = 	snop  }
0x14e: {  	v0 =	vadd.f32 v1, v0;
	_ =	sdelay $0x1  }
0x14f: {  	[tilespmem:s24+$0x0] =	vst v0  }
0x150: {  	s22 =	simm.s32 $0x0;
	s23 =	rddreg [dreg:$0x12]  }
0x151: {  	[hbm4b:s23+s22] =	stream.linear.scatter [tilespmem:s22], [sflag:$0x3], $0x8000, $0x38;
	[tilespmem:$0x10200] =	vst v63  }
0x152: {  	_ =	swait.ge [sflag:s18], $0x8000  }
0x153: {  	[sflag:s18] =	ssyncset.done $0x0  }
0x154: {  	s30 =	rddreg [dreg:$0x13];
	[sflag:s18] =	ssyncadd.s32 $0xFFFF8000  }
0x155: {  	[tilespmem:s22], [sflag:$0x1] =	stream.linear.gather [hbm4b:s30+s22], $0x8000, $0x38;
	[tilespmem:$0x10200] =	vst v63  }
0x156: {  	_ =	swait.ge [sflag:s19], $0x8000  }
0x157: {  	[sflag:s19] =	ssyncset.done $0x0  }
0x158: {  	s23 =	simm.s32 $0x0;
	[sflag:s19] =	ssyncadd.s32 $0xFFFF8000  }
.LBB2_30:
0x159: {  	s24 =	sor.u32 $0x38, s23;
	s26 =	sshll.u32 s23, $0x7  }
0x15a: {  	v0 =	vmov s24;
	s24 =	sand.u32 $0x3FFFFF80, s26  }
0x15b: {  	s25 =	sand.u32 $0x7C00, s22;
	s24 =	sadd.s32 $0x8000, s24  }
0x15c: {  	s26 =	sand.u32 $0x70, s22;
	s25 =	sadd.s32 s25, s24  }
0x15d: {  	s25 =	sadd.s32 s26, s25  }
0x15e: {  	v1 =	vld [tilespmem:s25+$0x0]  }
0x15f: {  	v0 =	vld.idx.msk [tilespmem:v0+s14+$0x0], $0xffff;
	_ =	sdelay $0x3  }
0x160: {  	s26 =	simm.s32 $0x80  }
0x161: {  	s29 =	simm.s32 $0x10;
	s28 =	simm.s32 $0x20;
	s30 =	sand.u32 $0x7C00, s26;
	v1 =	vadd.f32 v1, v0  }
.LBB2_31:
0x162: {  	p0 =	sne.s32 s28, $0xFF0;
	s29 =	sand.u32 $0x70, s29;
	s30 =	sadd.s32 s30, s24  }
0x163: {  	[tilespmem:s25+$0x0] =	vst v1;
	s25 =	sadd.s32 s29, s30;
	s29 =	smov.u32 s28  }
0x164: {  	v1 =	vld [tilespmem:s25+$0x0]  }
.Ltmp14:
0x165: {  	(pc) =	sbr.rel @p0 .LBB2_31-.Ltmp14, $3  }
0x166: {  	_ =	sdelay $0x1  }
0x167: {  	s26 =	sadd.s32 $0x80, s26  }
0x168: {  	s30 =	sand.u32 $0x7C00, s26;
	s28 =	sadd.s32 $0x10, s28;
	v1 =	vadd.f32 v1, v0  }
0x169: {  	s26 =	sand.u32 $0x70, s29;
	s24 =	sadd.s32 s30, s24  }
0x16a: {  	s24 =	sadd.s32 s26, s24;
	[tilespmem:s25+$0x0] =	vst v1  }
0x16b: {  	v1 =	vld [tilespmem:s24+$0x0]  }
0x16c: {  	s23 =	sadd.s32 $0x1, s23  }
0x16d: {  	p0 =	sne.s32 s23, $0x8  }
.Ltmp15:
0x16e: {  	_ = 	snop;
	(pc) =	sbr.rel @p0 .LBB2_30-.Ltmp15, $3  }
0x16f: {  	_ = 	snop  }
0x170: {  	v0 =	vadd.f32 v1, v0;
	_ =	sdelay $0x1  }
0x171: {  	[tilespmem:s24+$0x0] =	vst v0  }
0x172: {  	s22 =	simm.s32 $0x0;
	s23 =	rddreg [dreg:$0x14]  }
0x173: {  	[hbm4b:s23+s22] =	stream.linear.scatter [tilespmem:s16], [sflag:$0x4], $0x8000, $0x38;
	[tilespmem:$0x10200] =	vst v63  }
0x174: {  	_ =	swait.ge [sflag:s20], $0x8000  }
0x175: {  	[sflag:s20] =	ssyncset.done $0x0  }
0x176: {  	s30 =	rddreg [dreg:$0x16];
	[sflag:s20] =	ssyncadd.s32 $0xFFFF8000  }
0x177: {  	[tilespmem:s16], [sflag:$0x2] =	stream.linear.gather [hbm4b:s30+s22], $0x8000, $0x38;
	[tilespmem:$0x10200] =	vst v63  }
0x178: {  	_ =	swait.ge [sflag:s17], $0x8000  }
0x179: {  	[sflag:s17] =	ssyncset.done $0x0  }
0x17a: {  	s23 =	simm.s32 $0x0;
	[sflag:s17] =	ssyncadd.s32 $0xFFFF8000  }
.LBB2_34:
0x17b: {  	s24 =	sor.u32 $0x40, s23  }
0x17c: {  	s26 =	sshll.u32 s23, $0x7;
	v0 =	vmov s24  }
0x17d: {  	s25 =	sand.u32 $0x7C00, s22;
	s24 =	sand.u32 $0x3FFFFF80, s26  }
0x17e: {  	s26 =	sand.u32 $0x70, s22;
	s25 =	sadd.s32 s25, s24  }
0x17f: {  	s25 =	sadd.s32 s26, s25  }
0x180: {  	v1 =	vld [tilespmem:s25+$0x0]  }
0x181: {  	v0 =	vld.idx.msk [tilespmem:v0+s14+$0x0], $0xffff;
	_ =	sdelay $0x3  }
0x182: {  	s26 =	simm.s32 $0x80  }
0x183: {  	s29 =	simm.s32 $0x10;
	s28 =	simm.s32 $0x20;
	s30 =	sand.u32 $0x7C00, s26;
	v1 =	vadd.f32 v1, v0  }
.LBB2_35:
0x184: {  	p0 =	sne.s32 s28, $0xFF0;
	s29 =	sand.u32 $0x70, s29;
	s30 =	sadd.s32 s30, s24  }
0x185: {  	[tilespmem:s25+$0x0] =	vst v1;
	s25 =	sadd.s32 s29, s30;
	s29 =	smov.u32 s28  }
0x186: {  	v1 =	vld [tilespmem:s25+$0x0]  }
.Ltmp16:
0x187: {  	(pc) =	sbr.rel @p0 .LBB2_35-.Ltmp16, $3  }
0x188: {  	_ =	sdelay $0x1  }
0x189: {  	s26 =	sadd.s32 $0x80, s26  }
0x18a: {  	s30 =	sand.u32 $0x7C00, s26;
	s28 =	sadd.s32 $0x10, s28;
	v1 =	vadd.f32 v1, v0  }
0x18b: {  	s26 =	sand.u32 $0x70, s29;
	s24 =	sadd.s32 s30, s24  }
0x18c: {  	s24 =	sadd.s32 s26, s24;
	[tilespmem:s25+$0x0] =	vst v1  }
0x18d: {  	v1 =	vld [tilespmem:s24+$0x0]  }
0x18e: {  	s23 =	sadd.s32 $0x1, s23  }
0x18f: {  	p0 =	sne.s32 s23, $0x8  }
.Ltmp17:
0x190: {  	_ = 	snop;
	(pc) =	sbr.rel @p0 .LBB2_34-.Ltmp17, $3  }
0x191: {  	_ = 	snop  }
0x192: {  	v0 =	vadd.f32 v1, v0;
	_ =	sdelay $0x1  }
0x193: {  	[tilespmem:s24+$0x0] =	vst v0  }
0x194: {  	s22 =	simm.s32 $0x0;
	s23 =	rddreg [dreg:$0x15]  }
0x195: {  	[hbm4b:s23+s22] =	stream.linear.scatter [tilespmem:s22], [sflag:$0x3], $0x8000, $0x38;
	[tilespmem:$0x10200] =	vst v63  }
0x196: {  	_ =	swait.ge [sflag:s18], $0x8000  }
0x197: {  	[sflag:s18] =	ssyncset.done $0x0  }
0x198: {  	s30 =	rddreg [dreg:$0x18];
	[sflag:s18] =	ssyncadd.s32 $0xFFFF8000  }
0x199: {  	[tilespmem:s22], [sflag:$0x1] =	stream.linear.gather [hbm4b:s30+s22], $0x8000, $0x38;
	[tilespmem:$0x10200] =	vst v63  }
0x19a: {  	_ =	swait.ge [sflag:s19], $0x8000  }
0x19b: {  	[sflag:s19] =	ssyncset.done $0x0  }
0x19c: {  	s23 =	simm.s32 $0x0;
	[sflag:s19] =	ssyncadd.s32 $0xFFFF8000  }
.LBB2_38:
0x19d: {  	s24 =	sor.u32 $0x48, s23;
	s26 =	sshll.u32 s23, $0x7  }
0x19e: {  	v0 =	vmov s24;
	s24 =	sand.u32 $0x3FFFFF80, s26  }
0x19f: {  	s25 =	sand.u32 $0x7C00, s22;
	s24 =	sadd.s32 $0x8000, s24  }
0x1a0: {  	s26 =	sand.u32 $0x70, s22;
	s25 =	sadd.s32 s25, s24  }
0x1a1: {  	s25 =	sadd.s32 s26, s25  }
0x1a2: {  	v1 =	vld [tilespmem:s25+$0x0]  }
0x1a3: {  	v0 =	vld.idx.msk [tilespmem:v0+s14+$0x0], $0xffff;
	_ =	sdelay $0x3  }
0x1a4: {  	s26 =	simm.s32 $0x80  }
0x1a5: {  	s29 =	simm.s32 $0x10;
	s28 =	simm.s32 $0x20;
	s30 =	sand.u32 $0x7C00, s26;
	v1 =	vadd.f32 v1, v0  }
.LBB2_39:
0x1a6: {  	p0 =	sne.s32 s28, $0xFF0;
	s29 =	sand.u32 $0x70, s29;
	s30 =	sadd.s32 s30, s24  }
0x1a7: {  	[tilespmem:s25+$0x0] =	vst v1;
	s25 =	sadd.s32 s29, s30;
	s29 =	smov.u32 s28  }
0x1a8: {  	v1 =	vld [tilespmem:s25+$0x0]  }
.Ltmp18:
0x1a9: {  	(pc) =	sbr.rel @p0 .LBB2_39-.Ltmp18, $3  }
0x1aa: {  	_ =	sdelay $0x1  }
0x1ab: {  	s26 =	sadd.s32 $0x80, s26  }
0x1ac: {  	s30 =	sand.u32 $0x7C00, s26;
	s28 =	sadd.s32 $0x10, s28;
	v1 =	vadd.f32 v1, v0  }
0x1ad: {  	s26 =	sand.u32 $0x70, s29;
	s24 =	sadd.s32 s30, s24  }
0x1ae: {  	s24 =	sadd.s32 s26, s24;
	[tilespmem:s25+$0x0] =	vst v1  }
0x1af: {  	v1 =	vld [tilespmem:s24+$0x0]  }
0x1b0: {  	s23 =	sadd.s32 $0x1, s23  }
0x1b1: {  	p0 =	sne.s32 s23, $0x8  }
.Ltmp19:
0x1b2: {  	_ = 	snop;
	(pc) =	sbr.rel @p0 .LBB2_38-.Ltmp19, $3  }
0x1b3: {  	_ = 	snop  }
0x1b4: {  	v0 =	vadd.f32 v1, v0;
	_ =	sdelay $0x1  }
0x1b5: {  	[tilespmem:s24+$0x0] =	vst v0  }
0x1b6: {  	s22 =	simm.s32 $0x0;
	s23 =	rddreg [dreg:$0x17]  }
0x1b7: {  	[hbm4b:s23+s22] =	stream.linear.scatter [tilespmem:s16], [sflag:$0x4], $0x8000, $0x38;
	[tilespmem:$0x10200] =	vst v63  }
0x1b8: {  	_ =	swait.ge [sflag:s20], $0x8000  }
0x1b9: {  	[sflag:s20] =	ssyncset.done $0x0  }
0x1ba: {  	s30 =	rddreg [dreg:$0x1a];
	[sflag:s20] =	ssyncadd.s32 $0xFFFF8000  }
0x1bb: {  	[tilespmem:s16], [sflag:$0x2] =	stream.linear.gather [hbm4b:s30+s22], $0x8000, $0x38;
	[tilespmem:$0x10200] =	vst v63  }
0x1bc: {  	_ =	swait.ge [sflag:s17], $0x8000  }
0x1bd: {  	[sflag:s17] =	ssyncset.done $0x0  }
0x1be: {  	s23 =	simm.s32 $0x0;
	[sflag:s17] =	ssyncadd.s32 $0xFFFF8000  }
.LBB2_42:
0x1bf: {  	s24 =	sor.u32 $0x50, s23  }
0x1c0: {  	s26 =	sshll.u32 s23, $0x7;
	v0 =	vmov s24  }
0x1c1: {  	s25 =	sand.u32 $0x7C00, s22;
	s24 =	sand.u32 $0x3FFFFF80, s26  }
0x1c2: {  	s26 =	sand.u32 $0x70, s22;
	s25 =	sadd.s32 s25, s24  }
0x1c3: {  	s25 =	sadd.s32 s26, s25  }
0x1c4: {  	v1 =	vld [tilespmem:s25+$0x0]  }
0x1c5: {  	v0 =	vld.idx.msk [tilespmem:v0+s14+$0x0], $0xffff;
	_ =	sdelay $0x3  }
0x1c6: {  	s26 =	simm.s32 $0x80  }
0x1c7: {  	s29 =	simm.s32 $0x10;
	s28 =	simm.s32 $0x20;
	s30 =	sand.u32 $0x7C00, s26;
	v1 =	vadd.f32 v1, v0  }
.LBB2_43:
0x1c8: {  	p0 =	sne.s32 s28, $0xFF0;
	s29 =	sand.u32 $0x70, s29;
	s30 =	sadd.s32 s30, s24  }
0x1c9: {  	[tilespmem:s25+$0x0] =	vst v1;
	s25 =	sadd.s32 s29, s30;
	s29 =	smov.u32 s28  }
0x1ca: {  	v1 =	vld [tilespmem:s25+$0x0]  }
.Ltmp20:
0x1cb: {  	(pc) =	sbr.rel @p0 .LBB2_43-.Ltmp20, $3  }
0x1cc: {  	_ =	sdelay $0x1  }
0x1cd: {  	s26 =	sadd.s32 $0x80, s26  }
0x1ce: {  	s30 =	sand.u32 $0x7C00, s26;
	s28 =	sadd.s32 $0x10, s28;
	v1 =	vadd.f32 v1, v0  }
0x1cf: {  	s26 =	sand.u32 $0x70, s29;
	s24 =	sadd.s32 s30, s24  }
0x1d0: {  	s24 =	sadd.s32 s26, s24;
	[tilespmem:s25+$0x0] =	vst v1  }
0x1d1: {  	v1 =	vld [tilespmem:s24+$0x0]  }
0x1d2: {  	s23 =	sadd.s32 $0x1, s23  }
0x1d3: {  	p0 =	sne.s32 s23, $0x8  }
.Ltmp21:
0x1d4: {  	_ = 	snop;
	(pc) =	sbr.rel @p0 .LBB2_42-.Ltmp21, $3  }
0x1d5: {  	_ = 	snop  }
0x1d6: {  	v0 =	vadd.f32 v1, v0;
	_ =	sdelay $0x1  }
0x1d7: {  	[tilespmem:s24+$0x0] =	vst v0  }
0x1d8: {  	s22 =	simm.s32 $0x0;
	s23 =	rddreg [dreg:$0x19]  }
0x1d9: {  	[hbm4b:s23+s22] =	stream.linear.scatter [tilespmem:s22], [sflag:$0x3], $0x8000, $0x38;
	[tilespmem:$0x10200] =	vst v63  }
0x1da: {  	_ =	swait.ge [sflag:s18], $0x8000  }
0x1db: {  	[sflag:s18] =	ssyncset.done $0x0  }
0x1dc: {  	s30 =	rddreg [dreg:$0x1c];
	[sflag:s18] =	ssyncadd.s32 $0xFFFF8000  }
0x1dd: {  	[tilespmem:s22], [sflag:$0x1] =	stream.linear.gather [hbm4b:s30+s22], $0x8000, $0x38;
	[tilespmem:$0x10200] =	vst v63  }
0x1de: {  	_ =	swait.ge [sflag:s19], $0x8000  }
0x1df: {  	[sflag:s19] =	ssyncset.done $0x0  }
0x1e0: {  	s23 =	simm.s32 $0x0;
	[sflag:s19] =	ssyncadd.s32 $0xFFFF8000  }
.LBB2_46:
0x1e1: {  	s24 =	sor.u32 $0x58, s23;
	s26 =	sshll.u32 s23, $0x7  }
0x1e2: {  	v0 =	vmov s24;
	s24 =	sand.u32 $0x3FFFFF80, s26  }
0x1e3: {  	s25 =	sand.u32 $0x7C00, s22;
	s24 =	sadd.s32 $0x8000, s24  }
0x1e4: {  	s26 =	sand.u32 $0x70, s22;
	s25 =	sadd.s32 s25, s24  }
0x1e5: {  	s25 =	sadd.s32 s26, s25  }
0x1e6: {  	v1 =	vld [tilespmem:s25+$0x0]  }
0x1e7: {  	v0 =	vld.idx.msk [tilespmem:v0+s14+$0x0], $0xffff;
	_ =	sdelay $0x3  }
0x1e8: {  	s26 =	simm.s32 $0x80  }
0x1e9: {  	s29 =	simm.s32 $0x10;
	s28 =	simm.s32 $0x20;
	s30 =	sand.u32 $0x7C00, s26;
	v1 =	vadd.f32 v1, v0  }
.LBB2_47:
0x1ea: {  	p0 =	sne.s32 s28, $0xFF0;
	s29 =	sand.u32 $0x70, s29;
	s30 =	sadd.s32 s30, s24  }
0x1eb: {  	[tilespmem:s25+$0x0] =	vst v1;
	s25 =	sadd.s32 s29, s30;
	s29 =	smov.u32 s28  }
0x1ec: {  	v1 =	vld [tilespmem:s25+$0x0]  }
.Ltmp22:
0x1ed: {  	(pc) =	sbr.rel @p0 .LBB2_47-.Ltmp22, $3  }
0x1ee: {  	_ =	sdelay $0x1  }
0x1ef: {  	s26 =	sadd.s32 $0x80, s26  }
0x1f0: {  	s30 =	sand.u32 $0x7C00, s26;
	s28 =	sadd.s32 $0x10, s28;
	v1 =	vadd.f32 v1, v0  }
0x1f1: {  	s26 =	sand.u32 $0x70, s29;
	s24 =	sadd.s32 s30, s24  }
0x1f2: {  	s24 =	sadd.s32 s26, s24;
	[tilespmem:s25+$0x0] =	vst v1  }
0x1f3: {  	v1 =	vld [tilespmem:s24+$0x0]  }
0x1f4: {  	s23 =	sadd.s32 $0x1, s23  }
0x1f5: {  	p0 =	sne.s32 s23, $0x8  }
.Ltmp23:
0x1f6: {  	_ = 	snop;
	(pc) =	sbr.rel @p0 .LBB2_46-.Ltmp23, $3  }
0x1f7: {  	_ = 	snop  }
0x1f8: {  	v0 =	vadd.f32 v1, v0;
	_ =	sdelay $0x1  }
0x1f9: {  	[tilespmem:s24+$0x0] =	vst v0  }
0x1fa: {  	s22 =	simm.s32 $0x0;
	s23 =	rddreg [dreg:$0x1b]  }
0x1fb: {  	[hbm4b:s23+s22] =	stream.linear.scatter [tilespmem:s16], [sflag:$0x4], $0x8000, $0x38;
	[tilespmem:$0x10200] =	vst v63  }
0x1fc: {  	_ =	swait.ge [sflag:s20], $0x8000  }
0x1fd: {  	[sflag:s20] =	ssyncset.done $0x0  }
0x1fe: {  	s30 =	rddreg [dreg:$0x1e];
	[sflag:s20] =	ssyncadd.s32 $0xFFFF8000  }
0x1ff: {  	[tilespmem:s16], [sflag:$0x2] =	stream.linear.gather [hbm4b:s30+s22], $0x8000, $0x38;
	[tilespmem:$0x10200] =	vst v63  }
0x200: {  	_ =	swait.ge [sflag:s17], $0x8000  }
0x201: {  	[sflag:s17] =	ssyncset.done $0x0  }
0x202: {  	s23 =	simm.s32 $0x0;
	[sflag:s17] =	ssyncadd.s32 $0xFFFF8000  }
.LBB2_50:
0x203: {  	s24 =	sor.u32 $0x60, s23  }
0x204: {  	s26 =	sshll.u32 s23, $0x7;
	v0 =	vmov s24  }
0x205: {  	s25 =	sand.u32 $0x7C00, s22;
	s24 =	sand.u32 $0x3FFFFF80, s26  }
0x206: {  	s26 =	sand.u32 $0x70, s22;
	s25 =	sadd.s32 s25, s24  }
0x207: {  	s25 =	sadd.s32 s26, s25  }
0x208: {  	v1 =	vld [tilespmem:s25+$0x0]  }
0x209: {  	v0 =	vld.idx.msk [tilespmem:v0+s14+$0x0], $0xffff;
	_ =	sdelay $0x3  }
0x20a: {  	s26 =	simm.s32 $0x80  }
0x20b: {  	s29 =	simm.s32 $0x10;
	s28 =	simm.s32 $0x20;
	s30 =	sand.u32 $0x7C00, s26;
	v1 =	vadd.f32 v1, v0  }
.LBB2_51:
0x20c: {  	p0 =	sne.s32 s28, $0xFF0;
	s29 =	sand.u32 $0x70, s29;
	s30 =	sadd.s32 s30, s24  }
0x20d: {  	[tilespmem:s25+$0x0] =	vst v1;
	s25 =	sadd.s32 s29, s30;
	s29 =	smov.u32 s28  }
0x20e: {  	v1 =	vld [tilespmem:s25+$0x0]  }
.Ltmp24:
0x20f: {  	(pc) =	sbr.rel @p0 .LBB2_51-.Ltmp24, $3  }
0x210: {  	_ =	sdelay $0x1  }
0x211: {  	s26 =	sadd.s32 $0x80, s26  }
0x212: {  	s30 =	sand.u32 $0x7C00, s26;
	s28 =	sadd.s32 $0x10, s28;
	v1 =	vadd.f32 v1, v0  }
0x213: {  	s26 =	sand.u32 $0x70, s29;
	s24 =	sadd.s32 s30, s24  }
0x214: {  	s24 =	sadd.s32 s26, s24;
	[tilespmem:s25+$0x0] =	vst v1  }
0x215: {  	v1 =	vld [tilespmem:s24+$0x0]  }
0x216: {  	s23 =	sadd.s32 $0x1, s23  }
0x217: {  	p0 =	sne.s32 s23, $0x8  }
.Ltmp25:
0x218: {  	_ = 	snop;
	(pc) =	sbr.rel @p0 .LBB2_50-.Ltmp25, $3  }
0x219: {  	_ = 	snop  }
0x21a: {  	v0 =	vadd.f32 v1, v0;
	_ =	sdelay $0x1  }
0x21b: {  	[tilespmem:s24+$0x0] =	vst v0  }
0x21c: {  	s22 =	simm.s32 $0x0;
	s23 =	rddreg [dreg:$0x1d]  }
0x21d: {  	[hbm4b:s23+s22] =	stream.linear.scatter [tilespmem:s22], [sflag:$0x3], $0x8000, $0x38;
	[tilespmem:$0x10200] =	vst v63  }
0x21e: {  	_ =	swait.ge [sflag:s18], $0x8000  }
0x21f: {  	s30 =	sld [smem:$0x7C2]  }
0x220: {  	[sflag:s18] =	ssyncset.done $0x0  }
0x221: {  	[sflag:s18] =	ssyncadd.s32 $0xFFFF8000  }
0x222: {  	[tilespmem:s22], [sflag:$0x1] =	stream.linear.gather [hbm4b:s30+s22], $0x8000, $0x38;
	[tilespmem:$0x10200] =	vst v63  }
0x223: {  	_ =	swait.ge [sflag:s19], $0x8000  }
0x224: {  	[sflag:s19] =	ssyncset.done $0x0  }
0x225: {  	s23 =	simm.s32 $0x0;
	[sflag:s19] =	ssyncadd.s32 $0xFFFF8000  }
.LBB2_54:
0x226: {  	s24 =	sor.u32 $0x68, s23;
	s26 =	sshll.u32 s23, $0x7  }
0x227: {  	v0 =	vmov s24;
	s24 =	sand.u32 $0x3FFFFF80, s26  }
0x228: {  	s25 =	sand.u32 $0x7C00, s22;
	s24 =	sadd.s32 $0x8000, s24  }
0x229: {  	s26 =	sand.u32 $0x70, s22;
	s25 =	sadd.s32 s25, s24  }
0x22a: {  	s25 =	sadd.s32 s26, s25  }
0x22b: {  	v1 =	vld [tilespmem:s25+$0x0]  }
0x22c: {  	v0 =	vld.idx.msk [tilespmem:v0+s14+$0x0], $0xffff;
	_ =	sdelay $0x3  }
0x22d: {  	s26 =	simm.s32 $0x80  }
0x22e: {  	s29 =	simm.s32 $0x10;
	s28 =	simm.s32 $0x20;
	s30 =	sand.u32 $0x7C00, s26;
	v1 =	vadd.f32 v1, v0  }
.LBB2_55:
0x22f: {  	p0 =	sne.s32 s28, $0xFF0;
	s29 =	sand.u32 $0x70, s29;
	s30 =	sadd.s32 s30, s24  }
0x230: {  	[tilespmem:s25+$0x0] =	vst v1;
	s25 =	sadd.s32 s29, s30;
	s29 =	smov.u32 s28  }
0x231: {  	v1 =	vld [tilespmem:s25+$0x0]  }
.Ltmp26:
0x232: {  	(pc) =	sbr.rel @p0 .LBB2_55-.Ltmp26, $3  }
0x233: {  	_ =	sdelay $0x1  }
0x234: {  	s26 =	sadd.s32 $0x80, s26  }
0x235: {  	s30 =	sand.u32 $0x7C00, s26;
	s28 =	sadd.s32 $0x10, s28;
	v1 =	vadd.f32 v1, v0  }
0x236: {  	s26 =	sand.u32 $0x70, s29;
	s24 =	sadd.s32 s30, s24  }
0x237: {  	s24 =	sadd.s32 s26, s24;
	[tilespmem:s25+$0x0] =	vst v1  }
0x238: {  	v1 =	vld [tilespmem:s24+$0x0]  }
0x239: {  	s23 =	sadd.s32 $0x1, s23  }
0x23a: {  	p0 =	sne.s32 s23, $0x8  }
.Ltmp27:
0x23b: {  	_ = 	snop;
	(pc) =	sbr.rel @p0 .LBB2_54-.Ltmp27, $3  }
0x23c: {  	_ = 	snop  }
0x23d: {  	v0 =	vadd.f32 v1, v0;
	_ =	sdelay $0x1  }
0x23e: {  	[tilespmem:s24+$0x0] =	vst v0  }
0x23f: {  	s22 =	simm.s32 $0x0;
	s23 =	rddreg [dreg:$0x1f]  }
0x240: {  	[hbm4b:s23+s22] =	stream.linear.scatter [tilespmem:s16], [sflag:$0x4], $0x8000, $0x38;
	[tilespmem:$0x10200] =	vst v63  }
0x241: {  	_ =	swait.ge [sflag:s20], $0x8000  }
0x242: {  	s30 =	sld [smem:$0x7C4]  }
0x243: {  	[sflag:s20] =	ssyncset.done $0x0  }
0x244: {  	[sflag:s20] =	ssyncadd.s32 $0xFFFF8000  }
0x245: {  	[tilespmem:s16], [sflag:$0x2] =	stream.linear.gather [hbm4b:s30+s22], $0x8000, $0x38;
	[tilespmem:$0x10200] =	vst v63  }
0x246: {  	_ =	swait.ge [sflag:s17], $0x8000  }
0x247: {  	[sflag:s17] =	ssyncset.done $0x0  }
0x248: {  	s23 =	simm.s32 $0x0;
	[sflag:s17] =	ssyncadd.s32 $0xFFFF8000  }
.LBB2_58:
0x249: {  	s24 =	sor.u32 $0x70, s23  }
0x24a: {  	s26 =	sshll.u32 s23, $0x7;
	v0 =	vmov s24  }
0x24b: {  	s25 =	sand.u32 $0x7C00, s22;
	s24 =	sand.u32 $0x3FFFFF80, s26  }
0x24c: {  	s26 =	sand.u32 $0x70, s22;
	s25 =	sadd.s32 s25, s24  }
0x24d: {  	s25 =	sadd.s32 s26, s25  }
0x24e: {  	v1 =	vld [tilespmem:s25+$0x0]  }
0x24f: {  	v0 =	vld.idx.msk [tilespmem:v0+s14+$0x0], $0xffff;
	_ =	sdelay $0x3  }
0x250: {  	s26 =	simm.s32 $0x80  }
0x251: {  	s29 =	simm.s32 $0x10;
	s28 =	simm.s32 $0x20;
	s30 =	sand.u32 $0x7C00, s26;
	v1 =	vadd.f32 v1, v0  }
.LBB2_59:
0x252: {  	p0 =	sne.s32 s28, $0xFF0;
	s29 =	sand.u32 $0x70, s29;
	s30 =	sadd.s32 s30, s24  }
0x253: {  	[tilespmem:s25+$0x0] =	vst v1;
	s25 =	sadd.s32 s29, s30;
	s29 =	smov.u32 s28  }
0x254: {  	v1 =	vld [tilespmem:s25+$0x0]  }
.Ltmp28:
0x255: {  	(pc) =	sbr.rel @p0 .LBB2_59-.Ltmp28, $3  }
0x256: {  	_ =	sdelay $0x1  }
0x257: {  	s26 =	sadd.s32 $0x80, s26  }
0x258: {  	s30 =	sand.u32 $0x7C00, s26;
	s28 =	sadd.s32 $0x10, s28;
	v1 =	vadd.f32 v1, v0  }
0x259: {  	s26 =	sand.u32 $0x70, s29;
	s24 =	sadd.s32 s30, s24  }
0x25a: {  	s24 =	sadd.s32 s26, s24;
	[tilespmem:s25+$0x0] =	vst v1  }
0x25b: {  	v1 =	vld [tilespmem:s24+$0x0]  }
0x25c: {  	s23 =	sadd.s32 $0x1, s23  }
0x25d: {  	p0 =	sne.s32 s23, $0x8  }
.Ltmp29:
0x25e: {  	_ = 	snop;
	(pc) =	sbr.rel @p0 .LBB2_58-.Ltmp29, $3  }
0x25f: {  	_ = 	snop  }
0x260: {  	v0 =	vadd.f32 v1, v0;
	_ =	sdelay $0x1  }
0x261: {  	[tilespmem:s24+$0x0] =	vst v0  }
0x262: {  	s23 =	sld [smem:$0x7C3];
	_ =	sdelay $0x1  }
0x263: {  	s22 =	simm.s32 $0x0  }
0x264: {  	[hbm4b:s23+s22] =	stream.linear.scatter [tilespmem:s22], [sflag:$0x3], $0x8000, $0x38;
	[tilespmem:$0x10200] =	vst v63  }
0x265: {  	_ =	swait.ge [sflag:s18], $0x8000  }
0x266: {  	s30 =	sld [smem:$0x7C6]  }
0x267: {  	[sflag:s18] =	ssyncset.done $0x0  }
0x268: {  	[sflag:s18] =	ssyncadd.s32 $0xFFFF8000  }
0x269: {  	[tilespmem:s22], [sflag:$0x1] =	stream.linear.gather [hbm4b:s30+s22], $0x8000, $0x38;
	[tilespmem:$0x10200] =	vst v63  }
0x26a: {  	_ =	swait.ge [sflag:s19], $0x8000  }
0x26b: {  	[sflag:s19] =	ssyncset.done $0x0  }
0x26c: {  	s23 =	simm.s32 $0x0;
	[sflag:s19] =	ssyncadd.s32 $0xFFFF8000  }
.LBB2_62:
0x26d: {  	s24 =	sor.u32 $0x78, s23;
	s26 =	sshll.u32 s23, $0x7  }
0x26e: {  	v0 =	vmov s24;
	s24 =	sand.u32 $0x3FFFFF80, s26  }
0x26f: {  	s25 =	sand.u32 $0x7C00, s22;
	s24 =	sadd.s32 $0x8000, s24  }
0x270: {  	s26 =	sand.u32 $0x70, s22;
	s25 =	sadd.s32 s25, s24  }
0x271: {  	s25 =	sadd.s32 s26, s25  }
0x272: {  	v1 =	vld [tilespmem:s25+$0x0]  }
0x273: {  	v0 =	vld.idx.msk [tilespmem:v0+s14+$0x0], $0xffff;
	_ =	sdelay $0x3  }
0x274: {  	s26 =	simm.s32 $0x80  }
0x275: {  	s29 =	simm.s32 $0x10;
	s28 =	simm.s32 $0x20;
	s30 =	sand.u32 $0x7C00, s26;
	v1 =	vadd.f32 v1, v0  }
.LBB2_63:
0x276: {  	p0 =	sne.s32 s28, $0xFF0;
	s29 =	sand.u32 $0x70, s29;
	s30 =	sadd.s32 s30, s24  }
0x277: {  	[tilespmem:s25+$0x0] =	vst v1;
	s25 =	sadd.s32 s29, s30;
	s29 =	smov.u32 s28  }
0x278: {  	v1 =	vld [tilespmem:s25+$0x0]  }
.Ltmp30:
0x279: {  	(pc) =	sbr.rel @p0 .LBB2_63-.Ltmp30, $3  }
0x27a: {  	_ =	sdelay $0x1  }
0x27b: {  	s26 =	sadd.s32 $0x80, s26  }
0x27c: {  	s30 =	sand.u32 $0x7C00, s26;
	s28 =	sadd.s32 $0x10, s28;
	v1 =	vadd.f32 v1, v0  }
0x27d: {  	s26 =	sand.u32 $0x70, s29;
	s24 =	sadd.s32 s30, s24  }
0x27e: {  	s24 =	sadd.s32 s26, s24;
	[tilespmem:s25+$0x0] =	vst v1  }
0x27f: {  	v1 =	vld [tilespmem:s24+$0x0]  }
0x280: {  	s23 =	sadd.s32 $0x1, s23  }
0x281: {  	p0 =	sne.s32 s23, $0x8  }
.Ltmp31:
0x282: {  	_ = 	snop;
	(pc) =	sbr.rel @p0 .LBB2_62-.Ltmp31, $3  }
0x283: {  	_ = 	snop  }
0x284: {  	v0 =	vadd.f32 v1, v0;
	_ =	sdelay $0x1  }
0x285: {  	[tilespmem:s24+$0x0] =	vst v0  }
0x286: {  	s23 =	sld [smem:$0x7C5];
	_ =	sdelay $0x1  }
0x287: {  	s22 =	simm.s32 $0x0  }
0x288: {  	[hbm4b:s23+s22] =	stream.linear.scatter [tilespmem:s16], [sflag:$0x4], $0x8000, $0x38;
	[tilespmem:$0x10200] =	vst v63  }
0x289: {  	_ =	swait.ge [sflag:s20], $0x8000  }
0x28a: {  	s30 =	sld [smem:$0x7C8]  }
0x28b: {  	[sflag:s20] =	ssyncset.done $0x0  }
0x28c: {  	[sflag:s20] =	ssyncadd.s32 $0xFFFF8000  }
0x28d: {  	[tilespmem:s16], [sflag:$0x2] =	stream.linear.gather [hbm4b:s30+s22], $0x8000, $0x38;
	[tilespmem:$0x10200] =	vst v63  }
0x28e: {  	_ =	swait.ge [sflag:s17], $0x8000  }
0x28f: {  	[sflag:s17] =	ssyncset.done $0x0  }
0x290: {  	s23 =	simm.s32 $0x0;
	[sflag:s17] =	ssyncadd.s32 $0xFFFF8000  }
.LBB2_66:
0x291: {  	s24 =	sor.u32 $0x80, s23  }
0x292: {  	s26 =	sshll.u32 s23, $0x7;
	v0 =	vmov s24  }
0x293: {  	s25 =	sand.u32 $0x7C00, s22;
	s24 =	sand.u32 $0x3FFFFF80, s26  }
0x294: {  	s26 =	sand.u32 $0x70, s22;
	s25 =	sadd.s32 s25, s24  }
0x295: {  	s25 =	sadd.s32 s26, s25  }
0x296: {  	v1 =	vld [tilespmem:s25+$0x0]  }
0x297: {  	v0 =	vld.idx.msk [tilespmem:v0+s14+$0x0], $0xffff;
	_ =	sdelay $0x3  }
0x298: {  	s26 =	simm.s32 $0x80  }
0x299: {  	s29 =	simm.s32 $0x10;
	s28 =	simm.s32 $0x20;
	s30 =	sand.u32 $0x7C00, s26;
	v1 =	vadd.f32 v1, v0  }
.LBB2_67:
0x29a: {  	p0 =	sne.s32 s28, $0xFF0;
	s29 =	sand.u32 $0x70, s29;
	s30 =	sadd.s32 s30, s24  }
0x29b: {  	[tilespmem:s25+$0x0] =	vst v1;
	s25 =	sadd.s32 s29, s30;
	s29 =	smov.u32 s28  }
0x29c: {  	v1 =	vld [tilespmem:s25+$0x0]  }
.Ltmp32:
0x29d: {  	(pc) =	sbr.rel @p0 .LBB2_67-.Ltmp32, $3  }
0x29e: {  	_ =	sdelay $0x1  }
0x29f: {  	s26 =	sadd.s32 $0x80, s26  }
0x2a0: {  	s30 =	sand.u32 $0x7C00, s26;
	s28 =	sadd.s32 $0x10, s28;
	v1 =	vadd.f32 v1, v0  }
0x2a1: {  	s26 =	sand.u32 $0x70, s29;
	s24 =	sadd.s32 s30, s24  }
0x2a2: {  	s24 =	sadd.s32 s26, s24;
	[tilespmem:s25+$0x0] =	vst v1  }
0x2a3: {  	v1 =	vld [tilespmem:s24+$0x0]  }
0x2a4: {  	s23 =	sadd.s32 $0x1, s23  }
0x2a5: {  	p0 =	sne.s32 s23, $0x8  }
.Ltmp33:
0x2a6: {  	_ = 	snop;
	(pc) =	sbr.rel @p0 .LBB2_66-.Ltmp33, $3  }
0x2a7: {  	_ = 	snop  }
0x2a8: {  	v0 =	vadd.f32 v1, v0;
	_ =	sdelay $0x1  }
0x2a9: {  	[tilespmem:s24+$0x0] =	vst v0  }
0x2aa: {  	s23 =	sld [smem:$0x7C7];
	_ =	sdelay $0x1  }
0x2ab: {  	s22 =	simm.s32 $0x0  }
0x2ac: {  	[hbm4b:s23+s22] =	stream.linear.scatter [tilespmem:s22], [sflag:$0x3], $0x8000, $0x38;
	[tilespmem:$0x10200] =	vst v63  }
0x2ad: {  	_ =	swait.ge [sflag:s18], $0x8000  }
0x2ae: {  	s30 =	sld [smem:$0x7CA]  }
0x2af: {  	[sflag:s18] =	ssyncset.done $0x0  }
0x2b0: {  	[sflag:s18] =	ssyncadd.s32 $0xFFFF8000  }
0x2b1: {  	[tilespmem:s22], [sflag:$0x1] =	stream.linear.gather [hbm4b:s30+s22], $0x8000, $0x38;
	[tilespmem:$0x10200] =	vst v63  }
0x2b2: {  	_ =	swait.ge [sflag:s19], $0x8000  }
0x2b3: {  	[sflag:s19] =	ssyncset.done $0x0  }
0x2b4: {  	s23 =	simm.s32 $0x0;
	[sflag:s19] =	ssyncadd.s32 $0xFFFF8000  }
.LBB2_70:
0x2b5: {  	s24 =	sor.u32 $0x88, s23;
	s26 =	sshll.u32 s23, $0x7  }
0x2b6: {  	v0 =	vmov s24;
	s24 =	sand.u32 $0x3FFFFF80, s26  }
0x2b7: {  	s25 =	sand.u32 $0x7C00, s22;
	s24 =	sadd.s32 $0x8000, s24  }
0x2b8: {  	s26 =	sand.u32 $0x70, s22;
	s25 =	sadd.s32 s25, s24  }
0x2b9: {  	s25 =	sadd.s32 s26, s25  }
0x2ba: {  	v1 =	vld [tilespmem:s25+$0x0]  }
0x2bb: {  	v0 =	vld.idx.msk [tilespmem:v0+s14+$0x0], $0xffff;
	_ =	sdelay $0x3  }
0x2bc: {  	s26 =	simm.s32 $0x80  }
0x2bd: {  	s29 =	simm.s32 $0x10;
	s28 =	simm.s32 $0x20;
	s30 =	sand.u32 $0x7C00, s26;
	v1 =	vadd.f32 v1, v0  }
.LBB2_71:
0x2be: {  	p0 =	sne.s32 s28, $0xFF0;
	s29 =	sand.u32 $0x70, s29;
	s30 =	sadd.s32 s30, s24  }
0x2bf: {  	[tilespmem:s25+$0x0] =	vst v1;
	s25 =	sadd.s32 s29, s30;
	s29 =	smov.u32 s28  }
0x2c0: {  	v1 =	vld [tilespmem:s25+$0x0]  }
.Ltmp34:
0x2c1: {  	(pc) =	sbr.rel @p0 .LBB2_71-.Ltmp34, $3  }
0x2c2: {  	_ =	sdelay $0x1  }
0x2c3: {  	s26 =	sadd.s32 $0x80, s26  }
0x2c4: {  	s30 =	sand.u32 $0x7C00, s26;
	s28 =	sadd.s32 $0x10, s28;
	v1 =	vadd.f32 v1, v0  }
0x2c5: {  	s26 =	sand.u32 $0x70, s29;
	s24 =	sadd.s32 s30, s24  }
0x2c6: {  	s24 =	sadd.s32 s26, s24;
	[tilespmem:s25+$0x0] =	vst v1  }
0x2c7: {  	v1 =	vld [tilespmem:s24+$0x0]  }
0x2c8: {  	s23 =	sadd.s32 $0x1, s23  }
0x2c9: {  	p0 =	sne.s32 s23, $0x8  }
.Ltmp35:
0x2ca: {  	_ = 	snop;
	(pc) =	sbr.rel @p0 .LBB2_70-.Ltmp35, $3  }
0x2cb: {  	_ = 	snop  }
0x2cc: {  	v0 =	vadd.f32 v1, v0;
	_ =	sdelay $0x1  }
0x2cd: {  	[tilespmem:s24+$0x0] =	vst v0  }
0x2ce: {  	s23 =	sld [smem:$0x7C9];
	_ =	sdelay $0x1  }
0x2cf: {  	s22 =	simm.s32 $0x0  }
0x2d0: {  	[hbm4b:s23+s22] =	stream.linear.scatter [tilespmem:s16], [sflag:$0x4], $0x8000, $0x38;
	[tilespmem:$0x10200] =	vst v63  }
0x2d1: {  	_ =	swait.ge [sflag:s20], $0x8000  }
0x2d2: {  	s30 =	sld [smem:$0x7CC]  }
0x2d3: {  	[sflag:s20] =	ssyncset.done $0x0  }
0x2d4: {  	[sflag:s20] =	ssyncadd.s32 $0xFFFF8000  }
0x2d5: {  	[tilespmem:s16], [sflag:$0x2] =	stream.linear.gather [hbm4b:s30+s22], $0x8000, $0x38;
	[tilespmem:$0x10200] =	vst v63  }
0x2d6: {  	_ =	swait.ge [sflag:s17], $0x8000  }
0x2d7: {  	[sflag:s17] =	ssyncset.done $0x0  }
0x2d8: {  	s23 =	simm.s32 $0x0;
	[sflag:s17] =	ssyncadd.s32 $0xFFFF8000  }
.LBB2_74:
0x2d9: {  	s24 =	sor.u32 $0x90, s23  }
0x2da: {  	s26 =	sshll.u32 s23, $0x7;
	v0 =	vmov s24  }
0x2db: {  	s25 =	sand.u32 $0x7C00, s22;
	s24 =	sand.u32 $0x3FFFFF80, s26  }
0x2dc: {  	s26 =	sand.u32 $0x70, s22;
	s25 =	sadd.s32 s25, s24  }
0x2dd: {  	s25 =	sadd.s32 s26, s25  }
0x2de: {  	v1 =	vld [tilespmem:s25+$0x0]  }
0x2df: {  	v0 =	vld.idx.msk [tilespmem:v0+s14+$0x0], $0xffff;
	_ =	sdelay $0x3  }
0x2e0: {  	s26 =	simm.s32 $0x80  }
0x2e1: {  	s29 =	simm.s32 $0x10;
	s28 =	simm.s32 $0x20;
	s30 =	sand.u32 $0x7C00, s26;
	v1 =	vadd.f32 v1, v0  }
.LBB2_75:
0x2e2: {  	p0 =	sne.s32 s28, $0xFF0;
	s29 =	sand.u32 $0x70, s29;
	s30 =	sadd.s32 s30, s24  }
0x2e3: {  	[tilespmem:s25+$0x0] =	vst v1;
	s25 =	sadd.s32 s29, s30;
	s29 =	smov.u32 s28  }
0x2e4: {  	v1 =	vld [tilespmem:s25+$0x0]  }
.Ltmp36:
0x2e5: {  	(pc) =	sbr.rel @p0 .LBB2_75-.Ltmp36, $3  }
0x2e6: {  	_ =	sdelay $0x1  }
0x2e7: {  	s26 =	sadd.s32 $0x80, s26  }
0x2e8: {  	s30 =	sand.u32 $0x7C00, s26;
	s28 =	sadd.s32 $0x10, s28;
	v1 =	vadd.f32 v1, v0  }
0x2e9: {  	s26 =	sand.u32 $0x70, s29;
	s24 =	sadd.s32 s30, s24  }
0x2ea: {  	s24 =	sadd.s32 s26, s24;
	[tilespmem:s25+$0x0] =	vst v1  }
0x2eb: {  	v1 =	vld [tilespmem:s24+$0x0]  }
0x2ec: {  	s23 =	sadd.s32 $0x1, s23  }
0x2ed: {  	p0 =	sne.s32 s23, $0x8  }
.Ltmp37:
0x2ee: {  	_ = 	snop;
	(pc) =	sbr.rel @p0 .LBB2_74-.Ltmp37, $3  }
0x2ef: {  	_ = 	snop  }
0x2f0: {  	v0 =	vadd.f32 v1, v0;
	_ =	sdelay $0x1  }
0x2f1: {  	[tilespmem:s24+$0x0] =	vst v0  }
0x2f2: {  	s23 =	sld [smem:$0x7CB];
	_ =	sdelay $0x1  }
0x2f3: {  	s22 =	simm.s32 $0x0  }
0x2f4: {  	[hbm4b:s23+s22] =	stream.linear.scatter [tilespmem:s22], [sflag:$0x3], $0x8000, $0x38;
	[tilespmem:$0x10200] =	vst v63  }
0x2f5: {  	_ =	swait.ge [sflag:s18], $0x8000  }
0x2f6: {  	s30 =	sld [smem:$0x7CE]  }
0x2f7: {  	[sflag:s18] =	ssyncset.done $0x0  }
0x2f8: {  	[sflag:s18] =	ssyncadd.s32 $0xFFFF8000  }
0x2f9: {  	[tilespmem:s22], [sflag:$0x1] =	stream.linear.gather [hbm4b:s30+s22], $0x8000, $0x38;
	[tilespmem:$0x10200] =	vst v63  }
0x2fa: {  	_ =	swait.ge [sflag:s19], $0x8000  }
0x2fb: {  	[sflag:s19] =	ssyncset.done $0x0  }
0x2fc: {  	s23 =	simm.s32 $0x0;
	[sflag:s19] =	ssyncadd.s32 $0xFFFF8000  }
.LBB2_78:
0x2fd: {  	s24 =	sor.u32 $0x98, s23;
	s26 =	sshll.u32 s23, $0x7  }
0x2fe: {  	v0 =	vmov s24;
	s24 =	sand.u32 $0x3FFFFF80, s26  }
0x2ff: {  	s25 =	sand.u32 $0x7C00, s22;
	s24 =	sadd.s32 $0x8000, s24  }
0x300: {  	s26 =	sand.u32 $0x70, s22;
	s25 =	sadd.s32 s25, s24  }
0x301: {  	s25 =	sadd.s32 s26, s25  }
0x302: {  	v1 =	vld [tilespmem:s25+$0x0]  }
0x303: {  	v0 =	vld.idx.msk [tilespmem:v0+s14+$0x0], $0xffff;
	_ =	sdelay $0x3  }
0x304: {  	s26 =	simm.s32 $0x80  }
0x305: {  	s29 =	simm.s32 $0x10;
	s28 =	simm.s32 $0x20;
	s30 =	sand.u32 $0x7C00, s26;
	v1 =	vadd.f32 v1, v0  }
.LBB2_79:
0x306: {  	p0 =	sne.s32 s28, $0xFF0;
	s29 =	sand.u32 $0x70, s29;
	s30 =	sadd.s32 s30, s24  }
0x307: {  	[tilespmem:s25+$0x0] =	vst v1;
	s25 =	sadd.s32 s29, s30;
	s29 =	smov.u32 s28  }
0x308: {  	v1 =	vld [tilespmem:s25+$0x0]  }
.Ltmp38:
0x309: {  	(pc) =	sbr.rel @p0 .LBB2_79-.Ltmp38, $3  }
0x30a: {  	_ =	sdelay $0x1  }
0x30b: {  	s26 =	sadd.s32 $0x80, s26  }
0x30c: {  	s30 =	sand.u32 $0x7C00, s26;
	s28 =	sadd.s32 $0x10, s28;
	v1 =	vadd.f32 v1, v0  }
0x30d: {  	s26 =	sand.u32 $0x70, s29;
	s24 =	sadd.s32 s30, s24  }
0x30e: {  	s24 =	sadd.s32 s26, s24;
	[tilespmem:s25+$0x0] =	vst v1  }
0x30f: {  	v1 =	vld [tilespmem:s24+$0x0]  }
0x310: {  	s23 =	sadd.s32 $0x1, s23  }
0x311: {  	p0 =	sne.s32 s23, $0x8  }
.Ltmp39:
0x312: {  	_ = 	snop;
	(pc) =	sbr.rel @p0 .LBB2_78-.Ltmp39, $3  }
0x313: {  	_ = 	snop  }
0x314: {  	v0 =	vadd.f32 v1, v0;
	_ =	sdelay $0x1  }
0x315: {  	[tilespmem:s24+$0x0] =	vst v0  }
0x316: {  	s23 =	sld [smem:$0x7CD];
	_ =	sdelay $0x1  }
0x317: {  	s22 =	simm.s32 $0x0  }
0x318: {  	[hbm4b:s23+s22] =	stream.linear.scatter [tilespmem:s16], [sflag:$0x4], $0x8000, $0x38;
	[tilespmem:$0x10200] =	vst v63  }
0x319: {  	_ =	swait.ge [sflag:s20], $0x8000  }
0x31a: {  	s30 =	sld [smem:$0x7D0]  }
0x31b: {  	[sflag:s20] =	ssyncset.done $0x0  }
0x31c: {  	[sflag:s20] =	ssyncadd.s32 $0xFFFF8000  }
0x31d: {  	[tilespmem:s16], [sflag:$0x2] =	stream.linear.gather [hbm4b:s30+s22], $0x8000, $0x38;
	[tilespmem:$0x10200] =	vst v63  }
0x31e: {  	_ =	swait.ge [sflag:s17], $0x8000  }
0x31f: {  	[sflag:s17] =	ssyncset.done $0x0  }
0x320: {  	s23 =	simm.s32 $0x0;
	[sflag:s17] =	ssyncadd.s32 $0xFFFF8000  }
.LBB2_82:
0x321: {  	s24 =	sor.u32 $0xA0, s23  }
0x322: {  	s26 =	sshll.u32 s23, $0x7;
	v0 =	vmov s24  }
0x323: {  	s25 =	sand.u32 $0x7C00, s22;
	s24 =	sand.u32 $0x3FFFFF80, s26  }
0x324: {  	s26 =	sand.u32 $0x70, s22;
	s25 =	sadd.s32 s25, s24  }
0x325: {  	s25 =	sadd.s32 s26, s25  }
0x326: {  	v1 =	vld [tilespmem:s25+$0x0]  }
0x327: {  	v0 =	vld.idx.msk [tilespmem:v0+s14+$0x0], $0xffff;
	_ =	sdelay $0x3  }
0x328: {  	s26 =	simm.s32 $0x80  }
0x329: {  	s29 =	simm.s32 $0x10;
	s28 =	simm.s32 $0x20;
	s30 =	sand.u32 $0x7C00, s26;
	v1 =	vadd.f32 v1, v0  }
.LBB2_83:
0x32a: {  	p0 =	sne.s32 s28, $0xFF0;
	s29 =	sand.u32 $0x70, s29;
	s30 =	sadd.s32 s30, s24  }
0x32b: {  	[tilespmem:s25+$0x0] =	vst v1;
	s25 =	sadd.s32 s29, s30;
	s29 =	smov.u32 s28  }
0x32c: {  	v1 =	vld [tilespmem:s25+$0x0]  }
.Ltmp40:
0x32d: {  	(pc) =	sbr.rel @p0 .LBB2_83-.Ltmp40, $3  }
0x32e: {  	_ =	sdelay $0x1  }
0x32f: {  	s26 =	sadd.s32 $0x80, s26  }
0x330: {  	s30 =	sand.u32 $0x7C00, s26;
	s28 =	sadd.s32 $0x10, s28;
	v1 =	vadd.f32 v1, v0  }
0x331: {  	s26 =	sand.u32 $0x70, s29;
	s24 =	sadd.s32 s30, s24  }
0x332: {  	s24 =	sadd.s32 s26, s24;
	[tilespmem:s25+$0x0] =	vst v1  }
0x333: {  	v1 =	vld [tilespmem:s24+$0x0]  }
0x334: {  	s23 =	sadd.s32 $0x1, s23  }
0x335: {  	p0 =	sne.s32 s23, $0x8  }
.Ltmp41:
0x336: {  	_ = 	snop;
	(pc) =	sbr.rel @p0 .LBB2_82-.Ltmp41, $3  }
0x337: {  	_ = 	snop  }
0x338: {  	v0 =	vadd.f32 v1, v0;
	_ =	sdelay $0x1  }
0x339: {  	[tilespmem:s24+$0x0] =	vst v0  }
0x33a: {  	s23 =	sld [smem:$0x7CF];
	_ =	sdelay $0x1  }
0x33b: {  	s22 =	simm.s32 $0x0  }
0x33c: {  	[hbm4b:s23+s22] =	stream.linear.scatter [tilespmem:s22], [sflag:$0x3], $0x8000, $0x38;
	[tilespmem:$0x10200] =	vst v63  }
0x33d: {  	_ =	swait.ge [sflag:s18], $0x8000  }
0x33e: {  	s30 =	sld [smem:$0x7D2]  }
0x33f: {  	[sflag:s18] =	ssyncset.done $0x0  }
0x340: {  	[sflag:s18] =	ssyncadd.s32 $0xFFFF8000  }
0x341: {  	[tilespmem:s22], [sflag:$0x1] =	stream.linear.gather [hbm4b:s30+s22], $0x8000, $0x38;
	[tilespmem:$0x10200] =	vst v63  }
0x342: {  	_ =	swait.ge [sflag:s19], $0x8000  }
0x343: {  	[sflag:s19] =	ssyncset.done $0x0  }
0x344: {  	s23 =	simm.s32 $0x0;
	[sflag:s19] =	ssyncadd.s32 $0xFFFF8000  }
.LBB2_86:
0x345: {  	s24 =	sor.u32 $0xA8, s23;
	s26 =	sshll.u32 s23, $0x7  }
0x346: {  	v0 =	vmov s24;
	s24 =	sand.u32 $0x3FFFFF80, s26  }
0x347: {  	s25 =	sand.u32 $0x7C00, s22;
	s24 =	sadd.s32 $0x8000, s24  }
0x348: {  	s26 =	sand.u32 $0x70, s22;
	s25 =	sadd.s32 s25, s24  }
0x349: {  	s25 =	sadd.s32 s26, s25  }
0x34a: {  	v1 =	vld [tilespmem:s25+$0x0]  }
0x34b: {  	v0 =	vld.idx.msk [tilespmem:v0+s14+$0x0], $0xffff;
	_ =	sdelay $0x3  }
0x34c: {  	s26 =	simm.s32 $0x80  }
0x34d: {  	s29 =	simm.s32 $0x10;
	s28 =	simm.s32 $0x20;
	s30 =	sand.u32 $0x7C00, s26;
	v1 =	vadd.f32 v1, v0  }
.LBB2_87:
0x34e: {  	p0 =	sne.s32 s28, $0xFF0;
	s29 =	sand.u32 $0x70, s29;
	s30 =	sadd.s32 s30, s24  }
0x34f: {  	[tilespmem:s25+$0x0] =	vst v1;
	s25 =	sadd.s32 s29, s30;
	s29 =	smov.u32 s28  }
0x350: {  	v1 =	vld [tilespmem:s25+$0x0]  }
.Ltmp42:
0x351: {  	(pc) =	sbr.rel @p0 .LBB2_87-.Ltmp42, $3  }
0x352: {  	_ =	sdelay $0x1  }
0x353: {  	s26 =	sadd.s32 $0x80, s26  }
0x354: {  	s30 =	sand.u32 $0x7C00, s26;
	s28 =	sadd.s32 $0x10, s28;
	v1 =	vadd.f32 v1, v0  }
0x355: {  	s26 =	sand.u32 $0x70, s29;
	s24 =	sadd.s32 s30, s24  }
0x356: {  	s24 =	sadd.s32 s26, s24;
	[tilespmem:s25+$0x0] =	vst v1  }
0x357: {  	v1 =	vld [tilespmem:s24+$0x0]  }
0x358: {  	s23 =	sadd.s32 $0x1, s23  }
0x359: {  	p0 =	sne.s32 s23, $0x8  }
.Ltmp43:
0x35a: {  	_ = 	snop;
	(pc) =	sbr.rel @p0 .LBB2_86-.Ltmp43, $3  }
0x35b: {  	_ = 	snop  }
0x35c: {  	v0 =	vadd.f32 v1, v0;
	_ =	sdelay $0x1  }
0x35d: {  	[tilespmem:s24+$0x0] =	vst v0  }
0x35e: {  	s23 =	sld [smem:$0x7D1];
	_ =	sdelay $0x1  }
0x35f: {  	s22 =	simm.s32 $0x0  }
0x360: {  	[hbm4b:s23+s22] =	stream.linear.scatter [tilespmem:s16], [sflag:$0x4], $0x8000, $0x38;
	[tilespmem:$0x10200] =	vst v63  }
0x361: {  	_ =	swait.ge [sflag:s20], $0x8000  }
0x362: {  	s30 =	sld [smem:$0x7D4]  }
0x363: {  	[sflag:s20] =	ssyncset.done $0x0  }
0x364: {  	[sflag:s20] =	ssyncadd.s32 $0xFFFF8000  }
0x365: {  	[tilespmem:s16], [sflag:$0x2] =	stream.linear.gather [hbm4b:s30+s22], $0x8000, $0x38;
	[tilespmem:$0x10200] =	vst v63  }
0x366: {  	_ =	swait.ge [sflag:s17], $0x8000  }
0x367: {  	[sflag:s17] =	ssyncset.done $0x0  }
0x368: {  	s23 =	simm.s32 $0x0;
	[sflag:s17] =	ssyncadd.s32 $0xFFFF8000  }
.LBB2_90:
0x369: {  	s24 =	sor.u32 $0xB0, s23  }
0x36a: {  	s26 =	sshll.u32 s23, $0x7;
	v0 =	vmov s24  }
0x36b: {  	s25 =	sand.u32 $0x7C00, s22;
	s24 =	sand.u32 $0x3FFFFF80, s26  }
0x36c: {  	s26 =	sand.u32 $0x70, s22;
	s25 =	sadd.s32 s25, s24  }
0x36d: {  	s25 =	sadd.s32 s26, s25  }
0x36e: {  	v1 =	vld [tilespmem:s25+$0x0]  }
0x36f: {  	v0 =	vld.idx.msk [tilespmem:v0+s14+$0x0], $0xffff;
	_ =	sdelay $0x3  }
0x370: {  	s26 =	simm.s32 $0x80  }
0x371: {  	s29 =	simm.s32 $0x10;
	s28 =	simm.s32 $0x20;
	s30 =	sand.u32 $0x7C00, s26;
	v1 =	vadd.f32 v1, v0  }
.LBB2_91:
0x372: {  	p0 =	sne.s32 s28, $0xFF0;
	s29 =	sand.u32 $0x70, s29;
	s30 =	sadd.s32 s30, s24  }
0x373: {  	[tilespmem:s25+$0x0] =	vst v1;
	s25 =	sadd.s32 s29, s30;
	s29 =	smov.u32 s28  }
0x374: {  	v1 =	vld [tilespmem:s25+$0x0]  }
.Ltmp44:
0x375: {  	(pc) =	sbr.rel @p0 .LBB2_91-.Ltmp44, $3  }
0x376: {  	_ =	sdelay $0x1  }
0x377: {  	s26 =	sadd.s32 $0x80, s26  }
0x378: {  	s30 =	sand.u32 $0x7C00, s26;
	s28 =	sadd.s32 $0x10, s28;
	v1 =	vadd.f32 v1, v0  }
0x379: {  	s26 =	sand.u32 $0x70, s29;
	s24 =	sadd.s32 s30, s24  }
0x37a: {  	s24 =	sadd.s32 s26, s24;
	[tilespmem:s25+$0x0] =	vst v1  }
0x37b: {  	v1 =	vld [tilespmem:s24+$0x0]  }
0x37c: {  	s23 =	sadd.s32 $0x1, s23  }
0x37d: {  	p0 =	sne.s32 s23, $0x8  }
.Ltmp45:
0x37e: {  	_ = 	snop;
	(pc) =	sbr.rel @p0 .LBB2_90-.Ltmp45, $3  }
0x37f: {  	_ = 	snop  }
0x380: {  	v0 =	vadd.f32 v1, v0;
	_ =	sdelay $0x1  }
0x381: {  	[tilespmem:s24+$0x0] =	vst v0  }
0x382: {  	s23 =	sld [smem:$0x7D3];
	_ =	sdelay $0x1  }
0x383: {  	s22 =	simm.s32 $0x0  }
0x384: {  	[hbm4b:s23+s22] =	stream.linear.scatter [tilespmem:s22], [sflag:$0x3], $0x8000, $0x38;
	[tilespmem:$0x10200] =	vst v63  }
0x385: {  	_ =	swait.ge [sflag:s18], $0x8000  }
0x386: {  	s30 =	sld [smem:$0x7D6]  }
0x387: {  	[sflag:s18] =	ssyncset.done $0x0  }
0x388: {  	[sflag:s18] =	ssyncadd.s32 $0xFFFF8000  }
0x389: {  	[tilespmem:s22], [sflag:$0x1] =	stream.linear.gather [hbm4b:s30+s22], $0x8000, $0x38;
	[tilespmem:$0x10200] =	vst v63  }
0x38a: {  	_ =	swait.ge [sflag:s19], $0x8000  }
0x38b: {  	[sflag:s19] =	ssyncset.done $0x0  }
0x38c: {  	s23 =	simm.s32 $0x0;
	[sflag:s19] =	ssyncadd.s32 $0xFFFF8000  }
.LBB2_94:
0x38d: {  	s24 =	sor.u32 $0xB8, s23;
	s26 =	sshll.u32 s23, $0x7  }
0x38e: {  	v0 =	vmov s24;
	s24 =	sand.u32 $0x3FFFFF80, s26  }
0x38f: {  	s25 =	sand.u32 $0x7C00, s22;
	s24 =	sadd.s32 $0x8000, s24  }
0x390: {  	s26 =	sand.u32 $0x70, s22;
	s25 =	sadd.s32 s25, s24  }
0x391: {  	s25 =	sadd.s32 s26, s25  }
0x392: {  	v1 =	vld [tilespmem:s25+$0x0]  }
0x393: {  	v0 =	vld.idx.msk [tilespmem:v0+s14+$0x0], $0xffff;
	_ =	sdelay $0x3  }
0x394: {  	s26 =	simm.s32 $0x80  }
0x395: {  	s29 =	simm.s32 $0x10;
	s28 =	simm.s32 $0x20;
	s30 =	sand.u32 $0x7C00, s26;
	v1 =	vadd.f32 v1, v0  }
.LBB2_95:
0x396: {  	p0 =	sne.s32 s28, $0xFF0;
	s29 =	sand.u32 $0x70, s29;
	s30 =	sadd.s32 s30, s24  }
0x397: {  	[tilespmem:s25+$0x0] =	vst v1;
	s25 =	sadd.s32 s29, s30;
	s29 =	smov.u32 s28  }
0x398: {  	v1 =	vld [tilespmem:s25+$0x0]  }
.Ltmp46:
0x399: {  	(pc) =	sbr.rel @p0 .LBB2_95-.Ltmp46, $3  }
0x39a: {  	_ =	sdelay $0x1  }
0x39b: {  	s26 =	sadd.s32 $0x80, s26  }
0x39c: {  	s30 =	sand.u32 $0x7C00, s26;
	s28 =	sadd.s32 $0x10, s28;
	v1 =	vadd.f32 v1, v0  }
0x39d: {  	s26 =	sand.u32 $0x70, s29;
	s24 =	sadd.s32 s30, s24  }
0x39e: {  	s24 =	sadd.s32 s26, s24;
	[tilespmem:s25+$0x0] =	vst v1  }
0x39f: {  	v1 =	vld [tilespmem:s24+$0x0]  }
0x3a0: {  	s23 =	sadd.s32 $0x1, s23  }
0x3a1: {  	p0 =	sne.s32 s23, $0x8  }
.Ltmp47:
0x3a2: {  	_ = 	snop;
	(pc) =	sbr.rel @p0 .LBB2_94-.Ltmp47, $3  }
0x3a3: {  	_ = 	snop  }
0x3a4: {  	v0 =	vadd.f32 v1, v0;
	_ =	sdelay $0x1  }
0x3a5: {  	[tilespmem:s24+$0x0] =	vst v0  }
0x3a6: {  	s23 =	sld [smem:$0x7D5];
	_ =	sdelay $0x1  }
0x3a7: {  	s22 =	simm.s32 $0x0  }
0x3a8: {  	[hbm4b:s23+s22] =	stream.linear.scatter [tilespmem:s16], [sflag:$0x4], $0x8000, $0x38;
	[tilespmem:$0x10200] =	vst v63  }
0x3a9: {  	_ =	swait.ge [sflag:s20], $0x8000  }
0x3aa: {  	s30 =	sld [smem:$0x7D8]  }
0x3ab: {  	[sflag:s20] =	ssyncset.done $0x0  }
0x3ac: {  	[sflag:s20] =	ssyncadd.s32 $0xFFFF8000  }
0x3ad: {  	[tilespmem:s16], [sflag:$0x2] =	stream.linear.gather [hbm4b:s30+s22], $0x8000, $0x38;
	[tilespmem:$0x10200] =	vst v63  }
0x3ae: {  	_ =	swait.ge [sflag:s17], $0x8000  }
0x3af: {  	[sflag:s17] =	ssyncset.done $0x0  }
0x3b0: {  	s23 =	simm.s32 $0x0;
	[sflag:s17] =	ssyncadd.s32 $0xFFFF8000  }
.LBB2_98:
0x3b1: {  	s24 =	sor.u32 $0xC0, s23  }
0x3b2: {  	s26 =	sshll.u32 s23, $0x7;
	v0 =	vmov s24  }
0x3b3: {  	s25 =	sand.u32 $0x7C00, s22;
	s24 =	sand.u32 $0x3FFFFF80, s26  }
0x3b4: {  	s26 =	sand.u32 $0x70, s22;
	s25 =	sadd.s32 s25, s24  }
0x3b5: {  	s25 =	sadd.s32 s26, s25  }
0x3b6: {  	v1 =	vld [tilespmem:s25+$0x0]  }
0x3b7: {  	v0 =	vld.idx.msk [tilespmem:v0+s14+$0x0], $0xffff;
	_ =	sdelay $0x3  }
0x3b8: {  	s26 =	simm.s32 $0x80  }
0x3b9: {  	s29 =	simm.s32 $0x10;
	s28 =	simm.s32 $0x20;
	s30 =	sand.u32 $0x7C00, s26;
	v1 =	vadd.f32 v1, v0  }
.LBB2_99:
0x3ba: {  	p0 =	sne.s32 s28, $0xFF0;
	s29 =	sand.u32 $0x70, s29;
	s30 =	sadd.s32 s30, s24  }
0x3bb: {  	[tilespmem:s25+$0x0] =	vst v1;
	s25 =	sadd.s32 s29, s30;
	s29 =	smov.u32 s28  }
0x3bc: {  	v1 =	vld [tilespmem:s25+$0x0]  }
.Ltmp48:
0x3bd: {  	(pc) =	sbr.rel @p0 .LBB2_99-.Ltmp48, $3  }
0x3be: {  	_ =	sdelay $0x1  }
0x3bf: {  	s26 =	sadd.s32 $0x80, s26  }
0x3c0: {  	s30 =	sand.u32 $0x7C00, s26;
	s28 =	sadd.s32 $0x10, s28;
	v1 =	vadd.f32 v1, v0  }
0x3c1: {  	s26 =	sand.u32 $0x70, s29;
	s24 =	sadd.s32 s30, s24  }
0x3c2: {  	s24 =	sadd.s32 s26, s24;
	[tilespmem:s25+$0x0] =	vst v1  }
0x3c3: {  	v1 =	vld [tilespmem:s24+$0x0]  }
0x3c4: {  	s23 =	sadd.s32 $0x1, s23  }
0x3c5: {  	p0 =	sne.s32 s23, $0x8  }
.Ltmp49:
0x3c6: {  	_ = 	snop;
	(pc) =	sbr.rel @p0 .LBB2_98-.Ltmp49, $3  }
0x3c7: {  	_ = 	snop  }
0x3c8: {  	v0 =	vadd.f32 v1, v0;
	_ =	sdelay $0x1  }
0x3c9: {  	[tilespmem:s24+$0x0] =	vst v0  }
0x3ca: {  	s23 =	sld [smem:$0x7D7];
	_ =	sdelay $0x1  }
0x3cb: {  	s22 =	simm.s32 $0x0  }
0x3cc: {  	[hbm4b:s23+s22] =	stream.linear.scatter [tilespmem:s22], [sflag:$0x3], $0x8000, $0x38;
	[tilespmem:$0x10200] =	vst v63  }
0x3cd: {  	_ =	swait.ge [sflag:s18], $0x8000  }
0x3ce: {  	s30 =	sld [smem:$0x7DA]  }
0x3cf: {  	[sflag:s18] =	ssyncset.done $0x0  }
0x3d0: {  	[sflag:s18] =	ssyncadd.s32 $0xFFFF8000  }
0x3d1: {  	[tilespmem:s22], [sflag:$0x1] =	stream.linear.gather [hbm4b:s30+s22], $0x8000, $0x38;
	[tilespmem:$0x10200] =	vst v63  }
0x3d2: {  	_ =	swait.ge [sflag:s19], $0x8000  }
0x3d3: {  	[sflag:s19] =	ssyncset.done $0x0  }
0x3d4: {  	s23 =	simm.s32 $0x0;
	[sflag:s19] =	ssyncadd.s32 $0xFFFF8000  }
.LBB2_102:
0x3d5: {  	s24 =	sor.u32 $0xC8, s23;
	s26 =	sshll.u32 s23, $0x7  }
0x3d6: {  	v0 =	vmov s24;
	s24 =	sand.u32 $0x3FFFFF80, s26  }
0x3d7: {  	s25 =	sand.u32 $0x7C00, s22;
	s24 =	sadd.s32 $0x8000, s24  }
0x3d8: {  	s26 =	sand.u32 $0x70, s22;
	s25 =	sadd.s32 s25, s24  }
0x3d9: {  	s25 =	sadd.s32 s26, s25  }
0x3da: {  	v1 =	vld [tilespmem:s25+$0x0]  }
0x3db: {  	v0 =	vld.idx.msk [tilespmem:v0+s14+$0x0], $0xffff;
	_ =	sdelay $0x3  }
0x3dc: {  	s26 =	simm.s32 $0x80  }
0x3dd: {  	s29 =	simm.s32 $0x10;
	s28 =	simm.s32 $0x20;
	s30 =	sand.u32 $0x7C00, s26;
	v1 =	vadd.f32 v1, v0  }
.LBB2_103:
0x3de: {  	p0 =	sne.s32 s28, $0xFF0;
	s29 =	sand.u32 $0x70, s29;
	s30 =	sadd.s32 s30, s24  }
0x3df: {  	[tilespmem:s25+$0x0] =	vst v1;
	s25 =	sadd.s32 s29, s30;
	s29 =	smov.u32 s28  }
0x3e0: {  	v1 =	vld [tilespmem:s25+$0x0]  }
.Ltmp50:
0x3e1: {  	(pc) =	sbr.rel @p0 .LBB2_103-.Ltmp50, $3  }
0x3e2: {  	_ =	sdelay $0x1  }
0x3e3: {  	s26 =	sadd.s32 $0x80, s26  }
0x3e4: {  	s30 =	sand.u32 $0x7C00, s26;
	s28 =	sadd.s32 $0x10, s28;
	v1 =	vadd.f32 v1, v0  }
0x3e5: {  	s26 =	sand.u32 $0x70, s29;
	s24 =	sadd.s32 s30, s24  }
0x3e6: {  	s24 =	sadd.s32 s26, s24;
	[tilespmem:s25+$0x0] =	vst v1  }
0x3e7: {  	v1 =	vld [tilespmem:s24+$0x0]  }
0x3e8: {  	s23 =	sadd.s32 $0x1, s23  }
0x3e9: {  	p0 =	sne.s32 s23, $0x8  }
.Ltmp51:
0x3ea: {  	_ = 	snop;
	(pc) =	sbr.rel @p0 .LBB2_102-.Ltmp51, $3  }
0x3eb: {  	_ = 	snop  }
0x3ec: {  	v0 =	vadd.f32 v1, v0;
	_ =	sdelay $0x1  }
0x3ed: {  	[tilespmem:s24+$0x0] =	vst v0  }
0x3ee: {  	s23 =	sld [smem:$0x7D9];
	_ =	sdelay $0x1  }
0x3ef: {  	s22 =	simm.s32 $0x0  }
0x3f0: {  	[hbm4b:s23+s22] =	stream.linear.scatter [tilespmem:s16], [sflag:$0x4], $0x8000, $0x38;
	[tilespmem:$0x10200] =	vst v63  }
0x3f1: {  	_ =	swait.ge [sflag:s20], $0x8000  }
0x3f2: {  	s30 =	sld [smem:$0x7DC]  }
0x3f3: {  	[sflag:s20] =	ssyncset.done $0x0  }
0x3f4: {  	[sflag:s20] =	ssyncadd.s32 $0xFFFF8000  }
0x3f5: {  	[tilespmem:s16], [sflag:$0x2] =	stream.linear.gather [hbm4b:s30+s22], $0x8000, $0x38;
	[tilespmem:$0x10200] =	vst v63  }
0x3f6: {  	_ =	swait.ge [sflag:s17], $0x8000  }
0x3f7: {  	[sflag:s17] =	ssyncset.done $0x0  }
0x3f8: {  	s23 =	simm.s32 $0x0;
	[sflag:s17] =	ssyncadd.s32 $0xFFFF8000  }
.LBB2_106:
0x3f9: {  	s24 =	sor.u32 $0xD0, s23  }
0x3fa: {  	s26 =	sshll.u32 s23, $0x7;
	v0 =	vmov s24  }
0x3fb: {  	s25 =	sand.u32 $0x7C00, s22;
	s24 =	sand.u32 $0x3FFFFF80, s26  }
0x3fc: {  	s26 =	sand.u32 $0x70, s22;
	s25 =	sadd.s32 s25, s24  }
0x3fd: {  	s25 =	sadd.s32 s26, s25  }
0x3fe: {  	v1 =	vld [tilespmem:s25+$0x0]  }
0x3ff: {  	v0 =	vld.idx.msk [tilespmem:v0+s14+$0x0], $0xffff;
	_ =	sdelay $0x3  }
0x400: {  	s26 =	simm.s32 $0x80  }
0x401: {  	s29 =	simm.s32 $0x10;
	s28 =	simm.s32 $0x20;
	s30 =	sand.u32 $0x7C00, s26;
	v1 =	vadd.f32 v1, v0  }
.LBB2_107:
0x402: {  	p0 =	sne.s32 s28, $0xFF0;
	s29 =	sand.u32 $0x70, s29;
	s30 =	sadd.s32 s30, s24  }
0x403: {  	[tilespmem:s25+$0x0] =	vst v1;
	s25 =	sadd.s32 s29, s30;
	s29 =	smov.u32 s28  }
0x404: {  	v1 =	vld [tilespmem:s25+$0x0]  }
.Ltmp52:
0x405: {  	(pc) =	sbr.rel @p0 .LBB2_107-.Ltmp52, $3  }
0x406: {  	_ =	sdelay $0x1  }
0x407: {  	s26 =	sadd.s32 $0x80, s26  }
0x408: {  	s30 =	sand.u32 $0x7C00, s26;
	s28 =	sadd.s32 $0x10, s28;
	v1 =	vadd.f32 v1, v0  }
0x409: {  	s26 =	sand.u32 $0x70, s29;
	s24 =	sadd.s32 s30, s24  }
0x40a: {  	s24 =	sadd.s32 s26, s24;
	[tilespmem:s25+$0x0] =	vst v1  }
0x40b: {  	v1 =	vld [tilespmem:s24+$0x0]  }
0x40c: {  	s23 =	sadd.s32 $0x1, s23  }
0x40d: {  	p0 =	sne.s32 s23, $0x8  }
.Ltmp53:
0x40e: {  	_ = 	snop;
	(pc) =	sbr.rel @p0 .LBB2_106-.Ltmp53, $3  }
0x40f: {  	_ = 	snop  }
0x410: {  	v0 =	vadd.f32 v1, v0;
	_ =	sdelay $0x1  }
0x411: {  	[tilespmem:s24+$0x0] =	vst v0  }
0x412: {  	s23 =	sld [smem:$0x7DB];
	_ =	sdelay $0x1  }
0x413: {  	s22 =	simm.s32 $0x0  }
0x414: {  	[hbm4b:s23+s22] =	stream.linear.scatter [tilespmem:s22], [sflag:$0x3], $0x8000, $0x38;
	[tilespmem:$0x10200] =	vst v63  }
0x415: {  	_ =	swait.ge [sflag:s18], $0x8000  }
0x416: {  	s30 =	sld [smem:$0x7DE]  }
0x417: {  	[sflag:s18] =	ssyncset.done $0x0  }
0x418: {  	[sflag:s18] =	ssyncadd.s32 $0xFFFF8000  }
0x419: {  	[tilespmem:s22], [sflag:$0x1] =	stream.linear.gather [hbm4b:s30+s22], $0x8000, $0x38;
	[tilespmem:$0x10200] =	vst v63  }
0x41a: {  	_ =	swait.ge [sflag:s19], $0x8000  }
0x41b: {  	[sflag:s19] =	ssyncset.done $0x0  }
0x41c: {  	s23 =	simm.s32 $0x0;
	[sflag:s19] =	ssyncadd.s32 $0xFFFF8000  }
.LBB2_110:
0x41d: {  	s24 =	sor.u32 $0xD8, s23;
	s26 =	sshll.u32 s23, $0x7  }
0x41e: {  	v0 =	vmov s24;
	s24 =	sand.u32 $0x3FFFFF80, s26  }
0x41f: {  	s25 =	sand.u32 $0x7C00, s22;
	s24 =	sadd.s32 $0x8000, s24  }
0x420: {  	s26 =	sand.u32 $0x70, s22;
	s25 =	sadd.s32 s25, s24  }
0x421: {  	s25 =	sadd.s32 s26, s25  }
0x422: {  	v1 =	vld [tilespmem:s25+$0x0]  }
0x423: {  	v0 =	vld.idx.msk [tilespmem:v0+s14+$0x0], $0xffff;
	_ =	sdelay $0x3  }
0x424: {  	s26 =	simm.s32 $0x80  }
0x425: {  	s29 =	simm.s32 $0x10;
	s28 =	simm.s32 $0x20;
	s30 =	sand.u32 $0x7C00, s26;
	v1 =	vadd.f32 v1, v0  }
.LBB2_111:
0x426: {  	p0 =	sne.s32 s28, $0xFF0;
	s29 =	sand.u32 $0x70, s29;
	s30 =	sadd.s32 s30, s24  }
0x427: {  	[tilespmem:s25+$0x0] =	vst v1;
	s25 =	sadd.s32 s29, s30;
	s29 =	smov.u32 s28  }
0x428: {  	v1 =	vld [tilespmem:s25+$0x0]  }
.Ltmp54:
0x429: {  	(pc) =	sbr.rel @p0 .LBB2_111-.Ltmp54, $3  }
0x42a: {  	_ =	sdelay $0x1  }
0x42b: {  	s26 =	sadd.s32 $0x80, s26  }
0x42c: {  	s30 =	sand.u32 $0x7C00, s26;
	s28 =	sadd.s32 $0x10, s28;
	v1 =	vadd.f32 v1, v0  }
0x42d: {  	s26 =	sand.u32 $0x70, s29;
	s24 =	sadd.s32 s30, s24  }
0x42e: {  	s24 =	sadd.s32 s26, s24;
	[tilespmem:s25+$0x0] =	vst v1  }
0x42f: {  	v1 =	vld [tilespmem:s24+$0x0]  }
0x430: {  	s23 =	sadd.s32 $0x1, s23  }
0x431: {  	p0 =	sne.s32 s23, $0x8  }
.Ltmp55:
0x432: {  	_ = 	snop;
	(pc) =	sbr.rel @p0 .LBB2_110-.Ltmp55, $3  }
0x433: {  	_ = 	snop  }
0x434: {  	v0 =	vadd.f32 v1, v0;
	_ =	sdelay $0x1  }
0x435: {  	[tilespmem:s24+$0x0] =	vst v0  }
0x436: {  	s23 =	sld [smem:$0x7DD];
	_ =	sdelay $0x1  }
0x437: {  	s22 =	simm.s32 $0x0  }
0x438: {  	[hbm4b:s23+s22] =	stream.linear.scatter [tilespmem:s16], [sflag:$0x4], $0x8000, $0x38;
	[tilespmem:$0x10200] =	vst v63  }
0x439: {  	_ =	swait.ge [sflag:s20], $0x8000  }
0x43a: {  	s30 =	sld [smem:$0x7E0]  }
0x43b: {  	[sflag:s20] =	ssyncset.done $0x0  }
0x43c: {  	[sflag:s20] =	ssyncadd.s32 $0xFFFF8000  }
0x43d: {  	[tilespmem:s16], [sflag:$0x2] =	stream.linear.gather [hbm4b:s30+s22], $0x8000, $0x38;
	[tilespmem:$0x10200] =	vst v63  }
0x43e: {  	_ =	swait.ge [sflag:s17], $0x8000  }
0x43f: {  	[sflag:s17] =	ssyncset.done $0x0  }
0x440: {  	s23 =	simm.s32 $0x0;
	[sflag:s17] =	ssyncadd.s32 $0xFFFF8000  }
.LBB2_114:
0x441: {  	s24 =	sor.u32 $0xE0, s23  }
0x442: {  	s26 =	sshll.u32 s23, $0x7;
	v0 =	vmov s24  }
0x443: {  	s25 =	sand.u32 $0x7C00, s22;
	s24 =	sand.u32 $0x3FFFFF80, s26  }
0x444: {  	s26 =	sand.u32 $0x70, s22;
	s25 =	sadd.s32 s25, s24  }
0x445: {  	s25 =	sadd.s32 s26, s25  }
0x446: {  	v1 =	vld [tilespmem:s25+$0x0]  }
0x447: {  	v0 =	vld.idx.msk [tilespmem:v0+s14+$0x0], $0xffff;
	_ =	sdelay $0x3  }
0x448: {  	s26 =	simm.s32 $0x80  }
0x449: {  	s29 =	simm.s32 $0x10;
	s28 =	simm.s32 $0x20;
	s30 =	sand.u32 $0x7C00, s26;
	v1 =	vadd.f32 v1, v0  }
.LBB2_115:
0x44a: {  	p0 =	sne.s32 s28, $0xFF0;
	s29 =	sand.u32 $0x70, s29;
	s30 =	sadd.s32 s30, s24  }
0x44b: {  	[tilespmem:s25+$0x0] =	vst v1;
	s25 =	sadd.s32 s29, s30;
	s29 =	smov.u32 s28  }
0x44c: {  	v1 =	vld [tilespmem:s25+$0x0]  }
.Ltmp56:
0x44d: {  	(pc) =	sbr.rel @p0 .LBB2_115-.Ltmp56, $3  }
0x44e: {  	_ =	sdelay $0x1  }
0x44f: {  	s26 =	sadd.s32 $0x80, s26  }
0x450: {  	s30 =	sand.u32 $0x7C00, s26;
	s28 =	sadd.s32 $0x10, s28;
	v1 =	vadd.f32 v1, v0  }
0x451: {  	s26 =	sand.u32 $0x70, s29;
	s24 =	sadd.s32 s30, s24  }
0x452: {  	s24 =	sadd.s32 s26, s24;
	[tilespmem:s25+$0x0] =	vst v1  }
0x453: {  	v1 =	vld [tilespmem:s24+$0x0]  }
0x454: {  	s23 =	sadd.s32 $0x1, s23  }
0x455: {  	p0 =	sne.s32 s23, $0x8  }
.Ltmp57:
0x456: {  	_ = 	snop;
	(pc) =	sbr.rel @p0 .LBB2_114-.Ltmp57, $3  }
0x457: {  	_ = 	snop  }
0x458: {  	v0 =	vadd.f32 v1, v0;
	_ =	sdelay $0x1  }
0x459: {  	[tilespmem:s24+$0x0] =	vst v0  }
0x45a: {  	s23 =	sld [smem:$0x7DF];
	_ =	sdelay $0x1  }
0x45b: {  	s22 =	simm.s32 $0x0  }
0x45c: {  	[hbm4b:s23+s22] =	stream.linear.scatter [tilespmem:s22], [sflag:$0x3], $0x8000, $0x38;
	[tilespmem:$0x10200] =	vst v63  }
0x45d: {  	_ =	swait.ge [sflag:s18], $0x8000  }
0x45e: {  	s30 =	sld [smem:$0x7E2]  }
0x45f: {  	[sflag:s18] =	ssyncset.done $0x0  }
0x460: {  	[sflag:s18] =	ssyncadd.s32 $0xFFFF8000  }
0x461: {  	[tilespmem:s22], [sflag:$0x1] =	stream.linear.gather [hbm4b:s30+s22], $0x8000, $0x38;
	[tilespmem:$0x10200] =	vst v63  }
0x462: {  	_ =	swait.ge [sflag:s19], $0x8000  }
0x463: {  	[sflag:s19] =	ssyncset.done $0x0  }
0x464: {  	s23 =	simm.s32 $0x0;
	[sflag:s19] =	ssyncadd.s32 $0xFFFF8000  }
.LBB2_118:
0x465: {  	s24 =	sor.u32 $0xE8, s23;
	s26 =	sshll.u32 s23, $0x7  }
0x466: {  	v0 =	vmov s24;
	s24 =	sand.u32 $0x3FFFFF80, s26  }
0x467: {  	s25 =	sand.u32 $0x7C00, s22;
	s24 =	sadd.s32 $0x8000, s24  }
0x468: {  	s26 =	sand.u32 $0x70, s22;
	s25 =	sadd.s32 s25, s24  }
0x469: {  	s25 =	sadd.s32 s26, s25  }
0x46a: {  	v1 =	vld [tilespmem:s25+$0x0]  }
0x46b: {  	v0 =	vld.idx.msk [tilespmem:v0+s14+$0x0], $0xffff;
	_ =	sdelay $0x3  }
0x46c: {  	s26 =	simm.s32 $0x80  }
0x46d: {  	s29 =	simm.s32 $0x10;
	s28 =	simm.s32 $0x20;
	s30 =	sand.u32 $0x7C00, s26;
	v1 =	vadd.f32 v1, v0  }
.LBB2_119:
0x46e: {  	p0 =	sne.s32 s28, $0xFF0;
	s29 =	sand.u32 $0x70, s29;
	s30 =	sadd.s32 s30, s24  }
0x46f: {  	[tilespmem:s25+$0x0] =	vst v1;
	s25 =	sadd.s32 s29, s30;
	s29 =	smov.u32 s28  }
0x470: {  	v1 =	vld [tilespmem:s25+$0x0]  }
.Ltmp58:
0x471: {  	(pc) =	sbr.rel @p0 .LBB2_119-.Ltmp58, $3  }
0x472: {  	_ =	sdelay $0x1  }
0x473: {  	s26 =	sadd.s32 $0x80, s26  }
0x474: {  	s30 =	sand.u32 $0x7C00, s26;
	s28 =	sadd.s32 $0x10, s28;
	v1 =	vadd.f32 v1, v0  }
0x475: {  	s26 =	sand.u32 $0x70, s29;
	s24 =	sadd.s32 s30, s24  }
0x476: {  	s24 =	sadd.s32 s26, s24;
	[tilespmem:s25+$0x0] =	vst v1  }
0x477: {  	v1 =	vld [tilespmem:s24+$0x0]  }
0x478: {  	s23 =	sadd.s32 $0x1, s23  }
0x479: {  	p0 =	sne.s32 s23, $0x8  }
.Ltmp59:
0x47a: {  	_ = 	snop;
	(pc) =	sbr.rel @p0 .LBB2_118-.Ltmp59, $3  }
0x47b: {  	_ = 	snop  }
0x47c: {  	v0 =	vadd.f32 v1, v0;
	_ =	sdelay $0x1  }
0x47d: {  	[tilespmem:s24+$0x0] =	vst v0  }
0x47e: {  	s23 =	sld [smem:$0x7E1];
	_ =	sdelay $0x1  }
0x47f: {  	s22 =	simm.s32 $0x0  }
0x480: {  	[hbm4b:s23+s22] =	stream.linear.scatter [tilespmem:s16], [sflag:$0x4], $0x8000, $0x38;
	[tilespmem:$0x10200] =	vst v63  }
0x481: {  	_ =	swait.ge [sflag:s20], $0x8000  }
0x482: {  	s30 =	sld [smem:$0x7E4]  }
0x483: {  	[sflag:s20] =	ssyncset.done $0x0  }
0x484: {  	[sflag:s20] =	ssyncadd.s32 $0xFFFF8000  }
0x485: {  	[tilespmem:s16], [sflag:$0x2] =	stream.linear.gather [hbm4b:s30+s22], $0x8000, $0x38;
	[tilespmem:$0x10200] =	vst v63  }
0x486: {  	_ =	swait.ge [sflag:s17], $0x8000  }
0x487: {  	[sflag:s17] =	ssyncset.done $0x0  }
0x488: {  	s23 =	simm.s32 $0x0;
	[sflag:s17] =	ssyncadd.s32 $0xFFFF8000  }
.LBB2_122:
0x489: {  	s24 =	sor.u32 $0xF0, s23  }
0x48a: {  	s26 =	sshll.u32 s23, $0x7;
	v0 =	vmov s24  }
0x48b: {  	s25 =	sand.u32 $0x7C00, s22;
	s24 =	sand.u32 $0x3FFFFF80, s26  }
0x48c: {  	s26 =	sand.u32 $0x70, s22;
	s25 =	sadd.s32 s25, s24  }
0x48d: {  	s25 =	sadd.s32 s26, s25  }
0x48e: {  	v1 =	vld [tilespmem:s25+$0x0]  }
0x48f: {  	v0 =	vld.idx.msk [tilespmem:v0+s14+$0x0], $0xffff;
	_ =	sdelay $0x3  }
0x490: {  	s26 =	simm.s32 $0x80  }
0x491: {  	s29 =	simm.s32 $0x10;
	s28 =	simm.s32 $0x20;
	s30 =	sand.u32 $0x7C00, s26;
	v1 =	vadd.f32 v1, v0  }
.LBB2_123:
0x492: {  	p0 =	sne.s32 s28, $0xFF0;
	s29 =	sand.u32 $0x70, s29;
	s30 =	sadd.s32 s30, s24  }
0x493: {  	[tilespmem:s25+$0x0] =	vst v1;
	s25 =	sadd.s32 s29, s30;
	s29 =	smov.u32 s28  }
0x494: {  	v1 =	vld [tilespmem:s25+$0x0]  }
.Ltmp60:
0x495: {  	(pc) =	sbr.rel @p0 .LBB2_123-.Ltmp60, $3  }
0x496: {  	_ =	sdelay $0x1  }
0x497: {  	s26 =	sadd.s32 $0x80, s26  }
0x498: {  	s30 =	sand.u32 $0x7C00, s26;
	s28 =	sadd.s32 $0x10, s28;
	v1 =	vadd.f32 v1, v0  }
0x499: {  	s26 =	sand.u32 $0x70, s29;
	s24 =	sadd.s32 s30, s24  }
0x49a: {  	s24 =	sadd.s32 s26, s24;
	[tilespmem:s25+$0x0] =	vst v1  }
0x49b: {  	v1 =	vld [tilespmem:s24+$0x0]  }
0x49c: {  	s23 =	sadd.s32 $0x1, s23  }
0x49d: {  	p0 =	sne.s32 s23, $0x8  }
.Ltmp61:
0x49e: {  	_ = 	snop;
	(pc) =	sbr.rel @p0 .LBB2_122-.Ltmp61, $3  }
0x49f: {  	_ = 	snop  }
0x4a0: {  	v0 =	vadd.f32 v1, v0;
	_ =	sdelay $0x1  }
0x4a1: {  	[tilespmem:s24+$0x0] =	vst v0  }
0x4a2: {  	s23 =	sld [smem:$0x7E3];
	_ =	sdelay $0x1  }
0x4a3: {  	s22 =	simm.s32 $0x0  }
0x4a4: {  	[hbm4b:s23+s22] =	stream.linear.scatter [tilespmem:s22], [sflag:$0x3], $0x8000, $0x38;
	[tilespmem:$0x10200] =	vst v63  }
0x4a5: {  	_ =	swait.ge [sflag:s18], $0x8000  }
0x4a6: {  	s30 =	sld [smem:$0x7E6]  }
0x4a7: {  	[sflag:s18] =	ssyncset.done $0x0  }
0x4a8: {  	[sflag:s18] =	ssyncadd.s32 $0xFFFF8000  }
0x4a9: {  	[tilespmem:s22], [sflag:$0x1] =	stream.linear.gather [hbm4b:s30+s22], $0x8000, $0x38;
	[tilespmem:$0x10200] =	vst v63  }
0x4aa: {  	_ =	swait.ge [sflag:s19], $0x8000  }
0x4ab: {  	[sflag:s19] =	ssyncset.done $0x0  }
0x4ac: {  	s23 =	simm.s32 $0x0;
	[sflag:s19] =	ssyncadd.s32 $0xFFFF8000  }
.LBB2_126:
0x4ad: {  	s24 =	sor.u32 $0xF8, s23;
	s26 =	sshll.u32 s23, $0x7  }
0x4ae: {  	v0 =	vmov s24;
	s24 =	sand.u32 $0x3FFFFF80, s26  }
0x4af: {  	s25 =	sand.u32 $0x7C00, s22;
	s24 =	sadd.s32 $0x8000, s24  }
0x4b0: {  	s26 =	sand.u32 $0x70, s22;
	s25 =	sadd.s32 s25, s24  }
0x4b1: {  	s25 =	sadd.s32 s26, s25  }
0x4b2: {  	v1 =	vld [tilespmem:s25+$0x0]  }
0x4b3: {  	v0 =	vld.idx.msk [tilespmem:v0+s14+$0x0], $0xffff;
	_ =	sdelay $0x3  }
0x4b4: {  	s26 =	simm.s32 $0x80  }
0x4b5: {  	s29 =	simm.s32 $0x10;
	s28 =	simm.s32 $0x20;
	s30 =	sand.u32 $0x7C00, s26;
	v1 =	vadd.f32 v1, v0  }
.LBB2_127:
0x4b6: {  	p0 =	sne.s32 s28, $0xFF0;
	s29 =	sand.u32 $0x70, s29;
	s30 =	sadd.s32 s30, s24  }
0x4b7: {  	[tilespmem:s25+$0x0] =	vst v1;
	s25 =	sadd.s32 s29, s30;
	s29 =	smov.u32 s28  }
0x4b8: {  	v1 =	vld [tilespmem:s25+$0x0]  }
.Ltmp62:
0x4b9: {  	(pc) =	sbr.rel @p0 .LBB2_127-.Ltmp62, $3  }
0x4ba: {  	_ =	sdelay $0x1  }
0x4bb: {  	s26 =	sadd.s32 $0x80, s26  }
0x4bc: {  	s30 =	sand.u32 $0x7C00, s26;
	s28 =	sadd.s32 $0x10, s28;
	v1 =	vadd.f32 v1, v0  }
0x4bd: {  	s26 =	sand.u32 $0x70, s29;
	s24 =	sadd.s32 s30, s24  }
0x4be: {  	s24 =	sadd.s32 s26, s24;
	[tilespmem:s25+$0x0] =	vst v1  }
0x4bf: {  	v1 =	vld [tilespmem:s24+$0x0]  }
0x4c0: {  	s23 =	sadd.s32 $0x1, s23  }
0x4c1: {  	p0 =	sne.s32 s23, $0x8  }
.Ltmp63:
0x4c2: {  	_ = 	snop;
	(pc) =	sbr.rel @p0 .LBB2_126-.Ltmp63, $3  }
0x4c3: {  	_ = 	snop  }
0x4c4: {  	v0 =	vadd.f32 v1, v0;
	_ =	sdelay $0x1  }
0x4c5: {  	[tilespmem:s24+$0x0] =	vst v0  }
0x4c6: {  	s23 =	sld [smem:$0x7E5];
	_ =	sdelay $0x1  }
0x4c7: {  	s22 =	simm.s32 $0x0  }
0x4c8: {  	[hbm4b:s23+s22] =	stream.linear.scatter [tilespmem:s16], [sflag:$0x4], $0x8000, $0x38;
	[tilespmem:$0x10200] =	vst v63  }
0x4c9: {  	_ =	swait.ge [sflag:s20], $0x8000  }
0x4ca: {  	s30 =	sld [smem:$0x7E8]  }
0x4cb: {  	[sflag:s20] =	ssyncset.done $0x0  }
0x4cc: {  	[sflag:s20] =	ssyncadd.s32 $0xFFFF8000  }
0x4cd: {  	[tilespmem:s16], [sflag:$0x2] =	stream.linear.gather [hbm4b:s30+s22], $0x8000, $0x38;
	[tilespmem:$0x10200] =	vst v63  }
0x4ce: {  	_ =	swait.ge [sflag:s17], $0x8000  }
0x4cf: {  	[sflag:s17] =	ssyncset.done $0x0  }
0x4d0: {  	s23 =	simm.s32 $0x0;
	[sflag:s17] =	ssyncadd.s32 $0xFFFF8000  }
.LBB2_130:
0x4d1: {  	s24 =	sor.u32 $0x100, s23  }
0x4d2: {  	s26 =	sshll.u32 s23, $0x7;
	v0 =	vmov s24  }
0x4d3: {  	s25 =	sand.u32 $0x7C00, s22;
	s24 =	sand.u32 $0x3FFFFF80, s26  }
0x4d4: {  	s26 =	sand.u32 $0x70, s22;
	s25 =	sadd.s32 s25, s24  }
0x4d5: {  	s25 =	sadd.s32 s26, s25  }
0x4d6: {  	v1 =	vld [tilespmem:s25+$0x0]  }
0x4d7: {  	v0 =	vld.idx.msk [tilespmem:v0+s14+$0x0], $0xffff;
	_ =	sdelay $0x3  }
0x4d8: {  	s26 =	simm.s32 $0x80  }
0x4d9: {  	s29 =	simm.s32 $0x10;
	s28 =	simm.s32 $0x20;
	s30 =	sand.u32 $0x7C00, s26;
	v1 =	vadd.f32 v1, v0  }
.LBB2_131:
0x4da: {  	p0 =	sne.s32 s28, $0xFF0;
	s29 =	sand.u32 $0x70, s29;
	s30 =	sadd.s32 s30, s24  }
0x4db: {  	[tilespmem:s25+$0x0] =	vst v1;
	s25 =	sadd.s32 s29, s30;
	s29 =	smov.u32 s28  }
0x4dc: {  	v1 =	vld [tilespmem:s25+$0x0]  }
.Ltmp64:
0x4dd: {  	(pc) =	sbr.rel @p0 .LBB2_131-.Ltmp64, $3  }
0x4de: {  	_ =	sdelay $0x1  }
0x4df: {  	s26 =	sadd.s32 $0x80, s26  }
0x4e0: {  	s30 =	sand.u32 $0x7C00, s26;
	s28 =	sadd.s32 $0x10, s28;
	v1 =	vadd.f32 v1, v0  }
0x4e1: {  	s26 =	sand.u32 $0x70, s29;
	s24 =	sadd.s32 s30, s24  }
0x4e2: {  	s24 =	sadd.s32 s26, s24;
	[tilespmem:s25+$0x0] =	vst v1  }
0x4e3: {  	v1 =	vld [tilespmem:s24+$0x0]  }
0x4e4: {  	s23 =	sadd.s32 $0x1, s23  }
0x4e5: {  	p0 =	sne.s32 s23, $0x8  }
.Ltmp65:
0x4e6: {  	_ = 	snop;
	(pc) =	sbr.rel @p0 .LBB2_130-.Ltmp65, $3  }
0x4e7: {  	_ = 	snop  }
0x4e8: {  	v0 =	vadd.f32 v1, v0;
	_ =	sdelay $0x1  }
0x4e9: {  	[tilespmem:s24+$0x0] =	vst v0  }
0x4ea: {  	s23 =	sld [smem:$0x7E7];
	_ =	sdelay $0x1  }
0x4eb: {  	s22 =	simm.s32 $0x0  }
0x4ec: {  	[hbm4b:s23+s22] =	stream.linear.scatter [tilespmem:s22], [sflag:$0x3], $0x8000, $0x38;
	[tilespmem:$0x10200] =	vst v63  }
0x4ed: {  	_ =	swait.ge [sflag:s18], $0x8000  }
0x4ee: {  	s30 =	sld [smem:$0x7EA]  }
0x4ef: {  	[sflag:s18] =	ssyncset.done $0x0  }
0x4f0: {  	[sflag:s18] =	ssyncadd.s32 $0xFFFF8000  }
0x4f1: {  	[tilespmem:s22], [sflag:$0x1] =	stream.linear.gather [hbm4b:s30+s22], $0x8000, $0x38;
	[tilespmem:$0x10200] =	vst v63  }
0x4f2: {  	_ =	swait.ge [sflag:s19], $0x8000  }
0x4f3: {  	[sflag:s19] =	ssyncset.done $0x0  }
0x4f4: {  	s23 =	simm.s32 $0x0;
	[sflag:s19] =	ssyncadd.s32 $0xFFFF8000  }
.LBB2_134:
0x4f5: {  	s24 =	sor.u32 $0x108, s23;
	s26 =	sshll.u32 s23, $0x7  }
0x4f6: {  	v0 =	vmov s24;
	s24 =	sand.u32 $0x3FFFFF80, s26  }
0x4f7: {  	s25 =	sand.u32 $0x7C00, s22;
	s24 =	sadd.s32 $0x8000, s24  }
0x4f8: {  	s26 =	sand.u32 $0x70, s22;
	s25 =	sadd.s32 s25, s24  }
0x4f9: {  	s25 =	sadd.s32 s26, s25  }
0x4fa: {  	v1 =	vld [tilespmem:s25+$0x0]  }
0x4fb: {  	v0 =	vld.idx.msk [tilespmem:v0+s14+$0x0], $0xffff;
	_ =	sdelay $0x3  }
0x4fc: {  	s26 =	simm.s32 $0x80  }
0x4fd: {  	s29 =	simm.s32 $0x10;
	s28 =	simm.s32 $0x20;
	s30 =	sand.u32 $0x7C00, s26;
	v1 =	vadd.f32 v1, v0  }
.LBB2_135:
0x4fe: {  	p0 =	sne.s32 s28, $0xFF0;
	s29 =	sand.u32 $0x70, s29;
	s30 =	sadd.s32 s30, s24  }
0x4ff: {  	[tilespmem:s25+$0x0] =	vst v1;
	s25 =	sadd.s32 s29, s30;
	s29 =	smov.u32 s28  }
0x500: {  	v1 =	vld [tilespmem:s25+$0x0]  }
.Ltmp66:
0x501: {  	(pc) =	sbr.rel @p0 .LBB2_135-.Ltmp66, $3  }
0x502: {  	_ =	sdelay $0x1  }
0x503: {  	s26 =	sadd.s32 $0x80, s26  }
0x504: {  	s30 =	sand.u32 $0x7C00, s26;
	s28 =	sadd.s32 $0x10, s28;
	v1 =	vadd.f32 v1, v0  }
0x505: {  	s26 =	sand.u32 $0x70, s29;
	s24 =	sadd.s32 s30, s24  }
0x506: {  	s24 =	sadd.s32 s26, s24;
	[tilespmem:s25+$0x0] =	vst v1  }
0x507: {  	v1 =	vld [tilespmem:s24+$0x0]  }
0x508: {  	s23 =	sadd.s32 $0x1, s23  }
0x509: {  	p0 =	sne.s32 s23, $0x8  }
.Ltmp67:
0x50a: {  	_ = 	snop;
	(pc) =	sbr.rel @p0 .LBB2_134-.Ltmp67, $3  }
0x50b: {  	_ = 	snop  }
0x50c: {  	v0 =	vadd.f32 v1, v0;
	_ =	sdelay $0x1  }
0x50d: {  	[tilespmem:s24+$0x0] =	vst v0  }
0x50e: {  	s23 =	sld [smem:$0x7E9];
	_ =	sdelay $0x1  }
0x50f: {  	s22 =	simm.s32 $0x0  }
0x510: {  	[hbm4b:s23+s22] =	stream.linear.scatter [tilespmem:s16], [sflag:$0x4], $0x8000, $0x38;
	[tilespmem:$0x10200] =	vst v63  }
0x511: {  	_ =	swait.ge [sflag:s20], $0x8000  }
0x512: {  	s30 =	sld [smem:$0x7EC]  }
0x513: {  	[sflag:s20] =	ssyncset.done $0x0  }
0x514: {  	[sflag:s20] =	ssyncadd.s32 $0xFFFF8000  }
0x515: {  	[tilespmem:s16], [sflag:$0x2] =	stream.linear.gather [hbm4b:s30+s22], $0x8000, $0x38;
	[tilespmem:$0x10200] =	vst v63  }
0x516: {  	_ =	swait.ge [sflag:s17], $0x8000  }
0x517: {  	[sflag:s17] =	ssyncset.done $0x0  }
0x518: {  	s23 =	simm.s32 $0x0;
	[sflag:s17] =	ssyncadd.s32 $0xFFFF8000  }
.LBB2_138:
0x519: {  	s24 =	sor.u32 $0x110, s23  }
0x51a: {  	s26 =	sshll.u32 s23, $0x7;
	v0 =	vmov s24  }
0x51b: {  	s25 =	sand.u32 $0x7C00, s22;
	s24 =	sand.u32 $0x3FFFFF80, s26  }
0x51c: {  	s26 =	sand.u32 $0x70, s22;
	s25 =	sadd.s32 s25, s24  }
0x51d: {  	s25 =	sadd.s32 s26, s25  }
0x51e: {  	v1 =	vld [tilespmem:s25+$0x0]  }
0x51f: {  	v0 =	vld.idx.msk [tilespmem:v0+s14+$0x0], $0xffff;
	_ =	sdelay $0x3  }
0x520: {  	s26 =	simm.s32 $0x80  }
0x521: {  	s29 =	simm.s32 $0x10;
	s28 =	simm.s32 $0x20;
	s30 =	sand.u32 $0x7C00, s26;
	v1 =	vadd.f32 v1, v0  }
.LBB2_139:
0x522: {  	p0 =	sne.s32 s28, $0xFF0;
	s29 =	sand.u32 $0x70, s29;
	s30 =	sadd.s32 s30, s24  }
0x523: {  	[tilespmem:s25+$0x0] =	vst v1;
	s25 =	sadd.s32 s29, s30;
	s29 =	smov.u32 s28  }
0x524: {  	v1 =	vld [tilespmem:s25+$0x0]  }
.Ltmp68:
0x525: {  	(pc) =	sbr.rel @p0 .LBB2_139-.Ltmp68, $3  }
0x526: {  	_ =	sdelay $0x1  }
0x527: {  	s26 =	sadd.s32 $0x80, s26  }
0x528: {  	s30 =	sand.u32 $0x7C00, s26;
	s28 =	sadd.s32 $0x10, s28;
	v1 =	vadd.f32 v1, v0  }
0x529: {  	s26 =	sand.u32 $0x70, s29;
	s24 =	sadd.s32 s30, s24  }
0x52a: {  	s24 =	sadd.s32 s26, s24;
	[tilespmem:s25+$0x0] =	vst v1  }
0x52b: {  	v1 =	vld [tilespmem:s24+$0x0]  }
0x52c: {  	s23 =	sadd.s32 $0x1, s23  }
0x52d: {  	p0 =	sne.s32 s23, $0x8  }
.Ltmp69:
0x52e: {  	_ = 	snop;
	(pc) =	sbr.rel @p0 .LBB2_138-.Ltmp69, $3  }
0x52f: {  	_ = 	snop  }
0x530: {  	v0 =	vadd.f32 v1, v0;
	_ =	sdelay $0x1  }
0x531: {  	[tilespmem:s24+$0x0] =	vst v0  }
0x532: {  	s23 =	sld [smem:$0x7EB];
	_ =	sdelay $0x1  }
0x533: {  	s22 =	simm.s32 $0x0  }
0x534: {  	[hbm4b:s23+s22] =	stream.linear.scatter [tilespmem:s22], [sflag:$0x3], $0x8000, $0x38;
	[tilespmem:$0x10200] =	vst v63  }
0x535: {  	_ =	swait.ge [sflag:s18], $0x8000  }
0x536: {  	s30 =	sld [smem:$0x7EE]  }
0x537: {  	[sflag:s18] =	ssyncset.done $0x0  }
0x538: {  	[sflag:s18] =	ssyncadd.s32 $0xFFFF8000  }
0x539: {  	[tilespmem:s22], [sflag:$0x1] =	stream.linear.gather [hbm4b:s30+s22], $0x8000, $0x38;
	[tilespmem:$0x10200] =	vst v63  }
0x53a: {  	_ =	swait.ge [sflag:s19], $0x8000  }
0x53b: {  	[sflag:s19] =	ssyncset.done $0x0  }
0x53c: {  	s23 =	simm.s32 $0x0;
	[sflag:s19] =	ssyncadd.s32 $0xFFFF8000  }
.LBB2_142:
0x53d: {  	s24 =	sor.u32 $0x118, s23;
	s26 =	sshll.u32 s23, $0x7  }
0x53e: {  	v0 =	vmov s24;
	s24 =	sand.u32 $0x3FFFFF80, s26  }
0x53f: {  	s25 =	sand.u32 $0x7C00, s22;
	s24 =	sadd.s32 $0x8000, s24  }
0x540: {  	s26 =	sand.u32 $0x70, s22;
	s25 =	sadd.s32 s25, s24  }
0x541: {  	s25 =	sadd.s32 s26, s25  }
0x542: {  	v1 =	vld [tilespmem:s25+$0x0]  }
0x543: {  	v0 =	vld.idx.msk [tilespmem:v0+s14+$0x0], $0xffff;
	_ =	sdelay $0x3  }
0x544: {  	s26 =	simm.s32 $0x80  }
0x545: {  	s29 =	simm.s32 $0x10;
	s28 =	simm.s32 $0x20;
	s30 =	sand.u32 $0x7C00, s26;
	v1 =	vadd.f32 v1, v0  }
.LBB2_143:
0x546: {  	p0 =	sne.s32 s28, $0xFF0;
	s29 =	sand.u32 $0x70, s29;
	s30 =	sadd.s32 s30, s24  }
0x547: {  	[tilespmem:s25+$0x0] =	vst v1;
	s25 =	sadd.s32 s29, s30;
	s29 =	smov.u32 s28  }
0x548: {  	v1 =	vld [tilespmem:s25+$0x0]  }
.Ltmp70:
0x549: {  	(pc) =	sbr.rel @p0 .LBB2_143-.Ltmp70, $3  }
0x54a: {  	_ =	sdelay $0x1  }
0x54b: {  	s26 =	sadd.s32 $0x80, s26  }
0x54c: {  	s30 =	sand.u32 $0x7C00, s26;
	s28 =	sadd.s32 $0x10, s28;
	v1 =	vadd.f32 v1, v0  }
0x54d: {  	s26 =	sand.u32 $0x70, s29;
	s24 =	sadd.s32 s30, s24  }
0x54e: {  	s24 =	sadd.s32 s26, s24;
	[tilespmem:s25+$0x0] =	vst v1  }
0x54f: {  	v1 =	vld [tilespmem:s24+$0x0]  }
0x550: {  	s23 =	sadd.s32 $0x1, s23  }
0x551: {  	p0 =	sne.s32 s23, $0x8  }
.Ltmp71:
0x552: {  	_ = 	snop;
	(pc) =	sbr.rel @p0 .LBB2_142-.Ltmp71, $3  }
0x553: {  	_ = 	snop  }
0x554: {  	v0 =	vadd.f32 v1, v0;
	_ =	sdelay $0x1  }
0x555: {  	[tilespmem:s24+$0x0] =	vst v0  }
0x556: {  	s23 =	sld [smem:$0x7ED];
	_ =	sdelay $0x1  }
0x557: {  	s22 =	simm.s32 $0x0  }
0x558: {  	[hbm4b:s23+s22] =	stream.linear.scatter [tilespmem:s16], [sflag:$0x4], $0x8000, $0x38;
	[tilespmem:$0x10200] =	vst v63  }
0x559: {  	_ =	swait.ge [sflag:s20], $0x8000  }
0x55a: {  	s30 =	sld [smem:$0x7F0]  }
0x55b: {  	[sflag:s20] =	ssyncset.done $0x0  }
0x55c: {  	[sflag:s20] =	ssyncadd.s32 $0xFFFF8000  }
0x55d: {  	[tilespmem:s16], [sflag:$0x2] =	stream.linear.gather [hbm4b:s30+s22], $0x8000, $0x38;
	[tilespmem:$0x10200] =	vst v63  }
0x55e: {  	_ =	swait.ge [sflag:s17], $0x8000  }
0x55f: {  	[sflag:s17] =	ssyncset.done $0x0  }
0x560: {  	s23 =	simm.s32 $0x0;
	[sflag:s17] =	ssyncadd.s32 $0xFFFF8000  }
.LBB2_146:
0x561: {  	s24 =	sor.u32 $0x120, s23  }
0x562: {  	s26 =	sshll.u32 s23, $0x7;
	v0 =	vmov s24  }
0x563: {  	s25 =	sand.u32 $0x7C00, s22;
	s24 =	sand.u32 $0x3FFFFF80, s26  }
0x564: {  	s26 =	sand.u32 $0x70, s22;
	s25 =	sadd.s32 s25, s24  }
0x565: {  	s25 =	sadd.s32 s26, s25  }
0x566: {  	v1 =	vld [tilespmem:s25+$0x0]  }
0x567: {  	v0 =	vld.idx.msk [tilespmem:v0+s14+$0x0], $0xffff;
	_ =	sdelay $0x3  }
0x568: {  	s26 =	simm.s32 $0x80  }
0x569: {  	s29 =	simm.s32 $0x10;
	s28 =	simm.s32 $0x20;
	s30 =	sand.u32 $0x7C00, s26;
	v1 =	vadd.f32 v1, v0  }
.LBB2_147:
0x56a: {  	p0 =	sne.s32 s28, $0xFF0;
	s29 =	sand.u32 $0x70, s29;
	s30 =	sadd.s32 s30, s24  }
0x56b: {  	[tilespmem:s25+$0x0] =	vst v1;
	s25 =	sadd.s32 s29, s30;
	s29 =	smov.u32 s28  }
0x56c: {  	v1 =	vld [tilespmem:s25+$0x0]  }
.Ltmp72:
0x56d: {  	(pc) =	sbr.rel @p0 .LBB2_147-.Ltmp72, $3  }
0x56e: {  	_ =	sdelay $0x1  }
0x56f: {  	s26 =	sadd.s32 $0x80, s26  }
0x570: {  	s30 =	sand.u32 $0x7C00, s26;
	s28 =	sadd.s32 $0x10, s28;
	v1 =	vadd.f32 v1, v0  }
0x571: {  	s26 =	sand.u32 $0x70, s29;
	s24 =	sadd.s32 s30, s24  }
0x572: {  	s24 =	sadd.s32 s26, s24;
	[tilespmem:s25+$0x0] =	vst v1  }
0x573: {  	v1 =	vld [tilespmem:s24+$0x0]  }
0x574: {  	s23 =	sadd.s32 $0x1, s23  }
0x575: {  	p0 =	sne.s32 s23, $0x8  }
.Ltmp73:
0x576: {  	_ = 	snop;
	(pc) =	sbr.rel @p0 .LBB2_146-.Ltmp73, $3  }
0x577: {  	_ = 	snop  }
0x578: {  	v0 =	vadd.f32 v1, v0;
	_ =	sdelay $0x1  }
0x579: {  	[tilespmem:s24+$0x0] =	vst v0  }
0x57a: {  	s23 =	sld [smem:$0x7EF];
	_ =	sdelay $0x1  }
0x57b: {  	s22 =	simm.s32 $0x0  }
0x57c: {  	[hbm4b:s23+s22] =	stream.linear.scatter [tilespmem:s22], [sflag:$0x3], $0x8000, $0x38;
	[tilespmem:$0x10200] =	vst v63  }
0x57d: {  	_ =	swait.ge [sflag:s18], $0x8000  }
0x57e: {  	s30 =	sld [smem:$0x7F2]  }
0x57f: {  	[sflag:s18] =	ssyncset.done $0x0  }
0x580: {  	[sflag:s18] =	ssyncadd.s32 $0xFFFF8000  }
0x581: {  	[tilespmem:s22], [sflag:$0x1] =	stream.linear.gather [hbm4b:s30+s22], $0x8000, $0x38;
	[tilespmem:$0x10200] =	vst v63  }
0x582: {  	_ =	swait.ge [sflag:s19], $0x8000  }
0x583: {  	[sflag:s19] =	ssyncset.done $0x0  }
0x584: {  	s23 =	simm.s32 $0x0;
	[sflag:s19] =	ssyncadd.s32 $0xFFFF8000  }
.LBB2_150:
0x585: {  	s24 =	sor.u32 $0x128, s23;
	s26 =	sshll.u32 s23, $0x7  }
0x586: {  	v0 =	vmov s24;
	s24 =	sand.u32 $0x3FFFFF80, s26  }
0x587: {  	s25 =	sand.u32 $0x7C00, s22;
	s24 =	sadd.s32 $0x8000, s24  }
0x588: {  	s26 =	sand.u32 $0x70, s22;
	s25 =	sadd.s32 s25, s24  }
0x589: {  	s25 =	sadd.s32 s26, s25  }
0x58a: {  	v1 =	vld [tilespmem:s25+$0x0]  }
0x58b: {  	v0 =	vld.idx.msk [tilespmem:v0+s14+$0x0], $0xffff;
	_ =	sdelay $0x3  }
0x58c: {  	s26 =	simm.s32 $0x80  }
0x58d: {  	s29 =	simm.s32 $0x10;
	s28 =	simm.s32 $0x20;
	s30 =	sand.u32 $0x7C00, s26;
	v1 =	vadd.f32 v1, v0  }
.LBB2_151:
0x58e: {  	p0 =	sne.s32 s28, $0xFF0;
	s29 =	sand.u32 $0x70, s29;
	s30 =	sadd.s32 s30, s24  }
0x58f: {  	[tilespmem:s25+$0x0] =	vst v1;
	s25 =	sadd.s32 s29, s30;
	s29 =	smov.u32 s28  }
0x590: {  	v1 =	vld [tilespmem:s25+$0x0]  }
.Ltmp74:
0x591: {  	(pc) =	sbr.rel @p0 .LBB2_151-.Ltmp74, $3  }
0x592: {  	_ =	sdelay $0x1  }
0x593: {  	s26 =	sadd.s32 $0x80, s26  }
0x594: {  	s30 =	sand.u32 $0x7C00, s26;
	s28 =	sadd.s32 $0x10, s28;
	v1 =	vadd.f32 v1, v0  }
0x595: {  	s26 =	sand.u32 $0x70, s29;
	s24 =	sadd.s32 s30, s24  }
0x596: {  	s24 =	sadd.s32 s26, s24;
	[tilespmem:s25+$0x0] =	vst v1  }
0x597: {  	v1 =	vld [tilespmem:s24+$0x0]  }
0x598: {  	s23 =	sadd.s32 $0x1, s23  }
0x599: {  	p0 =	sne.s32 s23, $0x8  }
.Ltmp75:
0x59a: {  	_ = 	snop;
	(pc) =	sbr.rel @p0 .LBB2_150-.Ltmp75, $3  }
0x59b: {  	_ = 	snop  }
0x59c: {  	v0 =	vadd.f32 v1, v0;
	_ =	sdelay $0x1  }
0x59d: {  	[tilespmem:s24+$0x0] =	vst v0  }
0x59e: {  	s23 =	sld [smem:$0x7F1];
	_ =	sdelay $0x1  }
0x59f: {  	s22 =	simm.s32 $0x0  }
0x5a0: {  	[hbm4b:s23+s22] =	stream.linear.scatter [tilespmem:s16], [sflag:$0x4], $0x8000, $0x38;
	[tilespmem:$0x10200] =	vst v63  }
0x5a1: {  	_ =	swait.ge [sflag:s20], $0x8000  }
0x5a2: {  	s30 =	sld [smem:$0x7F4]  }
0x5a3: {  	[sflag:s20] =	ssyncset.done $0x0  }
0x5a4: {  	[sflag:s20] =	ssyncadd.s32 $0xFFFF8000  }
0x5a5: {  	[tilespmem:s16], [sflag:$0x2] =	stream.linear.gather [hbm4b:s30+s22], $0x8000, $0x38;
	[tilespmem:$0x10200] =	vst v63  }
0x5a6: {  	_ =	swait.ge [sflag:s17], $0x8000  }
0x5a7: {  	[sflag:s17] =	ssyncset.done $0x0  }
0x5a8: {  	s23 =	simm.s32 $0x0;
	[sflag:s17] =	ssyncadd.s32 $0xFFFF8000  }
.LBB2_154:
0x5a9: {  	s24 =	sor.u32 $0x130, s23  }
0x5aa: {  	s26 =	sshll.u32 s23, $0x7;
	v0 =	vmov s24  }
0x5ab: {  	s25 =	sand.u32 $0x7C00, s22;
	s24 =	sand.u32 $0x3FFFFF80, s26  }
0x5ac: {  	s26 =	sand.u32 $0x70, s22;
	s25 =	sadd.s32 s25, s24  }
0x5ad: {  	s25 =	sadd.s32 s26, s25  }
0x5ae: {  	v1 =	vld [tilespmem:s25+$0x0]  }
0x5af: {  	v0 =	vld.idx.msk [tilespmem:v0+s14+$0x0], $0xffff;
	_ =	sdelay $0x3  }
0x5b0: {  	s26 =	simm.s32 $0x80  }
0x5b1: {  	s29 =	simm.s32 $0x10;
	s28 =	simm.s32 $0x20;
	s30 =	sand.u32 $0x7C00, s26;
	v1 =	vadd.f32 v1, v0  }
.LBB2_155:
0x5b2: {  	p0 =	sne.s32 s28, $0xFF0;
	s29 =	sand.u32 $0x70, s29;
	s30 =	sadd.s32 s30, s24  }
0x5b3: {  	[tilespmem:s25+$0x0] =	vst v1;
	s25 =	sadd.s32 s29, s30;
	s29 =	smov.u32 s28  }
0x5b4: {  	v1 =	vld [tilespmem:s25+$0x0]  }
.Ltmp76:
0x5b5: {  	(pc) =	sbr.rel @p0 .LBB2_155-.Ltmp76, $3  }
0x5b6: {  	_ =	sdelay $0x1  }
0x5b7: {  	s26 =	sadd.s32 $0x80, s26  }
0x5b8: {  	s30 =	sand.u32 $0x7C00, s26;
	s28 =	sadd.s32 $0x10, s28;
	v1 =	vadd.f32 v1, v0  }
0x5b9: {  	s26 =	sand.u32 $0x70, s29;
	s24 =	sadd.s32 s30, s24  }
0x5ba: {  	s24 =	sadd.s32 s26, s24;
	[tilespmem:s25+$0x0] =	vst v1  }
0x5bb: {  	v1 =	vld [tilespmem:s24+$0x0]  }
0x5bc: {  	s23 =	sadd.s32 $0x1, s23  }
0x5bd: {  	p0 =	sne.s32 s23, $0x8  }
.Ltmp77:
0x5be: {  	_ = 	snop;
	(pc) =	sbr.rel @p0 .LBB2_154-.Ltmp77, $3  }
0x5bf: {  	_ = 	snop  }
0x5c0: {  	v0 =	vadd.f32 v1, v0;
	_ =	sdelay $0x1  }
0x5c1: {  	[tilespmem:s24+$0x0] =	vst v0  }
0x5c2: {  	s23 =	sld [smem:$0x7F3];
	_ =	sdelay $0x1  }
0x5c3: {  	s22 =	simm.s32 $0x0  }
0x5c4: {  	[hbm4b:s23+s22] =	stream.linear.scatter [tilespmem:s22], [sflag:$0x3], $0x8000, $0x38;
	[tilespmem:$0x10200] =	vst v63  }
0x5c5: {  	_ =	swait.ge [sflag:s18], $0x8000  }
0x5c6: {  	s30 =	sld [smem:$0x7F6]  }
0x5c7: {  	[sflag:s18] =	ssyncset.done $0x0  }
0x5c8: {  	[sflag:s18] =	ssyncadd.s32 $0xFFFF8000  }
0x5c9: {  	[tilespmem:s22], [sflag:$0x1] =	stream.linear.gather [hbm4b:s30+s22], $0x8000, $0x38;
	[tilespmem:$0x10200] =	vst v63  }
0x5ca: {  	_ =	swait.ge [sflag:s19], $0x8000  }
0x5cb: {  	[sflag:s19] =	ssyncset.done $0x0  }
0x5cc: {  	s23 =	simm.s32 $0x0;
	[sflag:s19] =	ssyncadd.s32 $0xFFFF8000  }
.LBB2_158:
0x5cd: {  	s24 =	sor.u32 $0x138, s23;
	s26 =	sshll.u32 s23, $0x7  }
0x5ce: {  	v0 =	vmov s24;
	s24 =	sand.u32 $0x3FFFFF80, s26  }
0x5cf: {  	s25 =	sand.u32 $0x7C00, s22;
	s24 =	sadd.s32 $0x8000, s24  }
0x5d0: {  	s26 =	sand.u32 $0x70, s22;
	s25 =	sadd.s32 s25, s24  }
0x5d1: {  	s25 =	sadd.s32 s26, s25  }
0x5d2: {  	v1 =	vld [tilespmem:s25+$0x0]  }
0x5d3: {  	v0 =	vld.idx.msk [tilespmem:v0+s14+$0x0], $0xffff;
	_ =	sdelay $0x3  }
0x5d4: {  	s26 =	simm.s32 $0x80  }
0x5d5: {  	s29 =	simm.s32 $0x10;
	s28 =	simm.s32 $0x20;
	s30 =	sand.u32 $0x7C00, s26;
	v1 =	vadd.f32 v1, v0  }
.LBB2_159:
0x5d6: {  	p0 =	sne.s32 s28, $0xFF0;
	s29 =	sand.u32 $0x70, s29;
	s30 =	sadd.s32 s30, s24  }
0x5d7: {  	[tilespmem:s25+$0x0] =	vst v1;
	s25 =	sadd.s32 s29, s30;
	s29 =	smov.u32 s28  }
0x5d8: {  	v1 =	vld [tilespmem:s25+$0x0]  }
.Ltmp78:
0x5d9: {  	(pc) =	sbr.rel @p0 .LBB2_159-.Ltmp78, $3  }
0x5da: {  	_ =	sdelay $0x1  }
0x5db: {  	s26 =	sadd.s32 $0x80, s26  }
0x5dc: {  	s30 =	sand.u32 $0x7C00, s26;
	s28 =	sadd.s32 $0x10, s28;
	v1 =	vadd.f32 v1, v0  }
0x5dd: {  	s26 =	sand.u32 $0x70, s29;
	s24 =	sadd.s32 s30, s24  }
0x5de: {  	s24 =	sadd.s32 s26, s24;
	[tilespmem:s25+$0x0] =	vst v1  }
0x5df: {  	v1 =	vld [tilespmem:s24+$0x0]  }
0x5e0: {  	s23 =	sadd.s32 $0x1, s23  }
0x5e1: {  	p0 =	sne.s32 s23, $0x8  }
.Ltmp79:
0x5e2: {  	_ = 	snop;
	(pc) =	sbr.rel @p0 .LBB2_158-.Ltmp79, $3  }
0x5e3: {  	_ = 	snop  }
0x5e4: {  	v0 =	vadd.f32 v1, v0;
	_ =	sdelay $0x1  }
0x5e5: {  	[tilespmem:s24+$0x0] =	vst v0  }
0x5e6: {  	s23 =	sld [smem:$0x7F5];
	_ =	sdelay $0x1  }
0x5e7: {  	s22 =	simm.s32 $0x0  }
0x5e8: {  	[hbm4b:s23+s22] =	stream.linear.scatter [tilespmem:s16], [sflag:$0x4], $0x8000, $0x38;
	[tilespmem:$0x10200] =	vst v63  }
0x5e9: {  	_ =	swait.ge [sflag:s20], $0x8000  }
0x5ea: {  	s30 =	sld [smem:$0x7F8]  }
0x5eb: {  	[sflag:s20] =	ssyncset.done $0x0  }
0x5ec: {  	[sflag:s20] =	ssyncadd.s32 $0xFFFF8000  }
0x5ed: {  	[tilespmem:s16], [sflag:$0x2] =	stream.linear.gather [hbm4b:s30+s22], $0x8000, $0x38;
	[tilespmem:$0x10200] =	vst v63  }
0x5ee: {  	_ =	swait.ge [sflag:s17], $0x8000  }
0x5ef: {  	[sflag:s17] =	ssyncset.done $0x0  }
0x5f0: {  	s23 =	simm.s32 $0x0;
	[sflag:s17] =	ssyncadd.s32 $0xFFFF8000  }
.LBB2_162:
0x5f1: {  	s24 =	sor.u32 $0x140, s23  }
0x5f2: {  	s26 =	sshll.u32 s23, $0x7;
	v0 =	vmov s24  }
0x5f3: {  	s25 =	sand.u32 $0x7C00, s22;
	s24 =	sand.u32 $0x3FFFFF80, s26  }
0x5f4: {  	s26 =	sand.u32 $0x70, s22;
	s25 =	sadd.s32 s25, s24  }
0x5f5: {  	s25 =	sadd.s32 s26, s25  }
0x5f6: {  	v1 =	vld [tilespmem:s25+$0x0]  }
0x5f7: {  	v0 =	vld.idx.msk [tilespmem:v0+s14+$0x0], $0xffff;
	_ =	sdelay $0x3  }
0x5f8: {  	s26 =	simm.s32 $0x80  }
0x5f9: {  	s29 =	simm.s32 $0x10;
	s28 =	simm.s32 $0x20;
	s30 =	sand.u32 $0x7C00, s26;
	v1 =	vadd.f32 v1, v0  }
.LBB2_163:
0x5fa: {  	p0 =	sne.s32 s28, $0xFF0;
	s29 =	sand.u32 $0x70, s29;
	s30 =	sadd.s32 s30, s24  }
0x5fb: {  	[tilespmem:s25+$0x0] =	vst v1;
	s25 =	sadd.s32 s29, s30;
	s29 =	smov.u32 s28  }
0x5fc: {  	v1 =	vld [tilespmem:s25+$0x0]  }
.Ltmp80:
0x5fd: {  	(pc) =	sbr.rel @p0 .LBB2_163-.Ltmp80, $3  }
0x5fe: {  	_ =	sdelay $0x1  }
0x5ff: {  	s26 =	sadd.s32 $0x80, s26  }
0x600: {  	s30 =	sand.u32 $0x7C00, s26;
	s28 =	sadd.s32 $0x10, s28;
	v1 =	vadd.f32 v1, v0  }
0x601: {  	s26 =	sand.u32 $0x70, s29;
	s24 =	sadd.s32 s30, s24  }
0x602: {  	s24 =	sadd.s32 s26, s24;
	[tilespmem:s25+$0x0] =	vst v1  }
0x603: {  	v1 =	vld [tilespmem:s24+$0x0]  }
0x604: {  	s23 =	sadd.s32 $0x1, s23  }
0x605: {  	p0 =	sne.s32 s23, $0x8  }
.Ltmp81:
0x606: {  	_ = 	snop;
	(pc) =	sbr.rel @p0 .LBB2_162-.Ltmp81, $3  }
0x607: {  	_ = 	snop  }
0x608: {  	v0 =	vadd.f32 v1, v0;
	_ =	sdelay $0x1  }
0x609: {  	[tilespmem:s24+$0x0] =	vst v0  }
0x60a: {  	s23 =	sld [smem:$0x7F7];
	_ =	sdelay $0x1  }
0x60b: {  	s22 =	simm.s32 $0x0  }
0x60c: {  	[hbm4b:s23+s22] =	stream.linear.scatter [tilespmem:s22], [sflag:$0x3], $0x8000, $0x38;
	[tilespmem:$0x10200] =	vst v63  }
0x60d: {  	_ =	swait.ge [sflag:s18], $0x8000  }
0x60e: {  	s30 =	sld [smem:$0x7FA]  }
0x60f: {  	[sflag:s18] =	ssyncset.done $0x0  }
0x610: {  	[sflag:s18] =	ssyncadd.s32 $0xFFFF8000  }
0x611: {  	[tilespmem:s22], [sflag:$0x1] =	stream.linear.gather [hbm4b:s30+s22], $0x8000, $0x38;
	[tilespmem:$0x10200] =	vst v63  }
0x612: {  	_ =	swait.ge [sflag:s19], $0x8000  }
0x613: {  	[sflag:s19] =	ssyncset.done $0x0  }
0x614: {  	s23 =	simm.s32 $0x0;
	[sflag:s19] =	ssyncadd.s32 $0xFFFF8000  }
.LBB2_166:
0x615: {  	s24 =	sor.u32 $0x148, s23;
	s26 =	sshll.u32 s23, $0x7  }
0x616: {  	v0 =	vmov s24;
	s24 =	sand.u32 $0x3FFFFF80, s26  }
0x617: {  	s25 =	sand.u32 $0x7C00, s22;
	s24 =	sadd.s32 $0x8000, s24  }
0x618: {  	s26 =	sand.u32 $0x70, s22;
	s25 =	sadd.s32 s25, s24  }
0x619: {  	s25 =	sadd.s32 s26, s25  }
0x61a: {  	v1 =	vld [tilespmem:s25+$0x0]  }
0x61b: {  	v0 =	vld.idx.msk [tilespmem:v0+s14+$0x0], $0xffff;
	_ =	sdelay $0x3  }
0x61c: {  	s26 =	simm.s32 $0x80  }
0x61d: {  	s29 =	simm.s32 $0x10;
	s28 =	simm.s32 $0x20;
	s30 =	sand.u32 $0x7C00, s26;
	v1 =	vadd.f32 v1, v0  }
.LBB2_167:
0x61e: {  	p0 =	sne.s32 s28, $0xFF0;
	s29 =	sand.u32 $0x70, s29;
	s30 =	sadd.s32 s30, s24  }
0x61f: {  	[tilespmem:s25+$0x0] =	vst v1;
	s25 =	sadd.s32 s29, s30;
	s29 =	smov.u32 s28  }
0x620: {  	v1 =	vld [tilespmem:s25+$0x0]  }
.Ltmp82:
0x621: {  	(pc) =	sbr.rel @p0 .LBB2_167-.Ltmp82, $3  }
0x622: {  	_ =	sdelay $0x1  }
0x623: {  	s26 =	sadd.s32 $0x80, s26  }
0x624: {  	s30 =	sand.u32 $0x7C00, s26;
	s28 =	sadd.s32 $0x10, s28;
	v1 =	vadd.f32 v1, v0  }
0x625: {  	s26 =	sand.u32 $0x70, s29;
	s24 =	sadd.s32 s30, s24  }
0x626: {  	s24 =	sadd.s32 s26, s24;
	[tilespmem:s25+$0x0] =	vst v1  }
0x627: {  	v1 =	vld [tilespmem:s24+$0x0]  }
0x628: {  	s23 =	sadd.s32 $0x1, s23  }
0x629: {  	p0 =	sne.s32 s23, $0x8  }
.Ltmp83:
0x62a: {  	_ = 	snop;
	(pc) =	sbr.rel @p0 .LBB2_166-.Ltmp83, $3  }
0x62b: {  	_ = 	snop  }
0x62c: {  	v0 =	vadd.f32 v1, v0;
	_ =	sdelay $0x1  }
0x62d: {  	[tilespmem:s24+$0x0] =	vst v0  }
0x62e: {  	s23 =	sld [smem:$0x7F9];
	_ =	sdelay $0x1  }
0x62f: {  	s22 =	simm.s32 $0x0  }
0x630: {  	[hbm4b:s23+s22] =	stream.linear.scatter [tilespmem:s16], [sflag:$0x4], $0x8000, $0x38;
	[tilespmem:$0x10200] =	vst v63  }
0x631: {  	_ =	swait.ge [sflag:s20], $0x8000  }
0x632: {  	s30 =	sld [smem:$0x7FC]  }
0x633: {  	[sflag:s20] =	ssyncset.done $0x0  }
0x634: {  	[sflag:s20] =	ssyncadd.s32 $0xFFFF8000  }
0x635: {  	[tilespmem:s16], [sflag:$0x2] =	stream.linear.gather [hbm4b:s30+s22], $0x8000, $0x38;
	[tilespmem:$0x10200] =	vst v63  }
0x636: {  	_ =	swait.ge [sflag:s17], $0x8000  }
0x637: {  	[sflag:s17] =	ssyncset.done $0x0  }
0x638: {  	s23 =	simm.s32 $0x0;
	[sflag:s17] =	ssyncadd.s32 $0xFFFF8000  }
.LBB2_170:
0x639: {  	s24 =	sor.u32 $0x150, s23  }
0x63a: {  	s26 =	sshll.u32 s23, $0x7;
	v0 =	vmov s24  }
0x63b: {  	s25 =	sand.u32 $0x7C00, s22;
	s24 =	sand.u32 $0x3FFFFF80, s26  }
0x63c: {  	s26 =	sand.u32 $0x70, s22;
	s25 =	sadd.s32 s25, s24  }
0x63d: {  	s25 =	sadd.s32 s26, s25  }
0x63e: {  	v1 =	vld [tilespmem:s25+$0x0]  }
0x63f: {  	v0 =	vld.idx.msk [tilespmem:v0+s14+$0x0], $0xffff;
	_ =	sdelay $0x3  }
0x640: {  	s26 =	simm.s32 $0x80  }
0x641: {  	s29 =	simm.s32 $0x10;
	s28 =	simm.s32 $0x20;
	s30 =	sand.u32 $0x7C00, s26;
	v1 =	vadd.f32 v1, v0  }
.LBB2_171:
0x642: {  	p0 =	sne.s32 s28, $0xFF0;
	s29 =	sand.u32 $0x70, s29;
	s30 =	sadd.s32 s30, s24  }
0x643: {  	[tilespmem:s25+$0x0] =	vst v1;
	s25 =	sadd.s32 s29, s30;
	s29 =	smov.u32 s28  }
0x644: {  	v1 =	vld [tilespmem:s25+$0x0]  }
.Ltmp84:
0x645: {  	(pc) =	sbr.rel @p0 .LBB2_171-.Ltmp84, $3  }
0x646: {  	_ =	sdelay $0x1  }
0x647: {  	s26 =	sadd.s32 $0x80, s26  }
0x648: {  	s30 =	sand.u32 $0x7C00, s26;
	s28 =	sadd.s32 $0x10, s28;
	v1 =	vadd.f32 v1, v0  }
0x649: {  	s26 =	sand.u32 $0x70, s29;
	s24 =	sadd.s32 s30, s24  }
0x64a: {  	s24 =	sadd.s32 s26, s24;
	[tilespmem:s25+$0x0] =	vst v1  }
0x64b: {  	v1 =	vld [tilespmem:s24+$0x0]  }
0x64c: {  	s23 =	sadd.s32 $0x1, s23  }
0x64d: {  	p0 =	sne.s32 s23, $0x8  }
.Ltmp85:
0x64e: {  	_ = 	snop;
	(pc) =	sbr.rel @p0 .LBB2_170-.Ltmp85, $3  }
0x64f: {  	_ = 	snop  }
0x650: {  	v0 =	vadd.f32 v1, v0;
	_ =	sdelay $0x1  }
0x651: {  	[tilespmem:s24+$0x0] =	vst v0  }
0x652: {  	s23 =	sld [smem:$0x7FB];
	_ =	sdelay $0x1  }
0x653: {  	s22 =	simm.s32 $0x0  }
0x654: {  	[hbm4b:s23+s22] =	stream.linear.scatter [tilespmem:s22], [sflag:$0x3], $0x8000, $0x38;
	[tilespmem:$0x10200] =	vst v63  }
0x655: {  	_ =	swait.ge [sflag:s18], $0x8000  }
0x656: {  	[sflag:s18] =	ssyncset.done $0x0  }
0x657: {  	[sflag:s18] =	ssyncadd.s32 $0xFFFF8000  }
0x658: {  	[tilespmem:s22], [sflag:$0x1] =	stream.linear.gather [hbm4b:s31+s22], $0x8000, $0x38;
	[tilespmem:$0x10200] =	vst v63  }
0x659: {  	_ =	swait.ge [sflag:s19], $0x8000  }
0x65a: {  	[sflag:s19] =	ssyncset.done $0x0  }
0x65b: {  	s23 =	simm.s32 $0x0;
	[sflag:s19] =	ssyncadd.s32 $0xFFFF8000  }
.LBB2_174:
0x65c: {  	s24 =	sor.u32 $0x158, s23;
	s26 =	sshll.u32 s23, $0x7  }
0x65d: {  	v0 =	vmov s24;
	s24 =	sand.u32 $0x3FFFFF80, s26  }
0x65e: {  	s25 =	sand.u32 $0x7C00, s22;
	s24 =	sadd.s32 $0x8000, s24  }
0x65f: {  	s26 =	sand.u32 $0x70, s22;
	s25 =	sadd.s32 s25, s24  }
0x660: {  	s25 =	sadd.s32 s26, s25  }
0x661: {  	v1 =	vld [tilespmem:s25+$0x0]  }
0x662: {  	v0 =	vld.idx.msk [tilespmem:v0+s14+$0x0], $0xffff;
	_ =	sdelay $0x3  }
0x663: {  	s26 =	simm.s32 $0x80  }
0x664: {  	s29 =	simm.s32 $0x10;
	s28 =	simm.s32 $0x20;
	s30 =	sand.u32 $0x7C00, s26;
	v1 =	vadd.f32 v1, v0  }
.LBB2_175:
0x665: {  	p0 =	sne.s32 s28, $0xFF0;
	s29 =	sand.u32 $0x70, s29;
	s30 =	sadd.s32 s30, s24  }
0x666: {  	[tilespmem:s25+$0x0] =	vst v1;
	s25 =	sadd.s32 s29, s30;
	s29 =	smov.u32 s28  }
0x667: {  	v1 =	vld [tilespmem:s25+$0x0]  }
.Ltmp86:
0x668: {  	(pc) =	sbr.rel @p0 .LBB2_175-.Ltmp86, $3  }
0x669: {  	_ =	sdelay $0x1  }
0x66a: {  	s26 =	sadd.s32 $0x80, s26  }
0x66b: {  	s30 =	sand.u32 $0x7C00, s26;
	s28 =	sadd.s32 $0x10, s28;
	v1 =	vadd.f32 v1, v0  }
0x66c: {  	s26 =	sand.u32 $0x70, s29;
	s24 =	sadd.s32 s30, s24  }
0x66d: {  	s24 =	sadd.s32 s26, s24;
	[tilespmem:s25+$0x0] =	vst v1  }
0x66e: {  	v1 =	vld [tilespmem:s24+$0x0]  }
0x66f: {  	s23 =	sadd.s32 $0x1, s23  }
0x670: {  	p0 =	sne.s32 s23, $0x8  }
.Ltmp87:
0x671: {  	_ = 	snop;
	(pc) =	sbr.rel @p0 .LBB2_174-.Ltmp87, $3  }
0x672: {  	_ = 	snop  }
0x673: {  	v0 =	vadd.f32 v1, v0;
	_ =	sdelay $0x1  }
0x674: {  	[tilespmem:s24+$0x0] =	vst v0  }
0x675: {  	s23 =	sld [smem:$0x7FD];
	_ =	sdelay $0x1  }
0x676: {  	s22 =	simm.s32 $0x0  }
0x677: {  	[hbm4b:s23+s22] =	stream.linear.scatter [tilespmem:s16], [sflag:$0x4], $0x8000, $0x38;
	[tilespmem:$0x10200] =	vst v63  }
0x678: {  	_ =	swait.ge [sflag:s20], $0x8000  }
0x679: {  	[sflag:s20] =	ssyncset.done $0x0  }
0x67a: {  	[sflag:s20] =	ssyncadd.s32 $0xFFFF8000  }
0x67b: {  	[tilespmem:s16], [sflag:$0x2] =	stream.linear.gather [hbm4b:s2+s22], $0x8000, $0x38;
	[tilespmem:$0x10200] =	vst v63  }
0x67c: {  	_ =	swait.ge [sflag:s17], $0x8000  }
0x67d: {  	[sflag:s17] =	ssyncset.done $0x0  }
0x67e: {  	s23 =	simm.s32 $0x0;
	[sflag:s17] =	ssyncadd.s32 $0xFFFF8000  }
.LBB2_178:
0x67f: {  	s24 =	sor.u32 $0x160, s23  }
0x680: {  	s26 =	sshll.u32 s23, $0x7;
	v0 =	vmov s24  }
0x681: {  	s25 =	sand.u32 $0x7C00, s22;
	s24 =	sand.u32 $0x3FFFFF80, s26  }
0x682: {  	s26 =	sand.u32 $0x70, s22;
	s25 =	sadd.s32 s25, s24  }
0x683: {  	s25 =	sadd.s32 s26, s25  }
0x684: {  	v1 =	vld [tilespmem:s25+$0x0]  }
0x685: {  	v0 =	vld.idx.msk [tilespmem:v0+s14+$0x0], $0xffff;
	_ =	sdelay $0x3  }
0x686: {  	s26 =	simm.s32 $0x80  }
0x687: {  	s29 =	simm.s32 $0x10;
	s28 =	simm.s32 $0x20;
	s30 =	sand.u32 $0x7C00, s26;
	v1 =	vadd.f32 v1, v0  }
.LBB2_179:
0x688: {  	p0 =	sne.s32 s28, $0xFF0;
	s29 =	sand.u32 $0x70, s29;
	s30 =	sadd.s32 s30, s24  }
0x689: {  	[tilespmem:s25+$0x0] =	vst v1;
	s25 =	sadd.s32 s29, s30;
	s29 =	smov.u32 s28  }
0x68a: {  	v1 =	vld [tilespmem:s25+$0x0]  }
.Ltmp88:
0x68b: {  	(pc) =	sbr.rel @p0 .LBB2_179-.Ltmp88, $3  }
0x68c: {  	_ =	sdelay $0x1  }
0x68d: {  	s26 =	sadd.s32 $0x80, s26  }
0x68e: {  	s30 =	sand.u32 $0x7C00, s26;
	s28 =	sadd.s32 $0x10, s28;
	v1 =	vadd.f32 v1, v0  }
0x68f: {  	s26 =	sand.u32 $0x70, s29;
	s24 =	sadd.s32 s30, s24  }
0x690: {  	s24 =	sadd.s32 s26, s24;
	[tilespmem:s25+$0x0] =	vst v1  }
0x691: {  	v1 =	vld [tilespmem:s24+$0x0]  }
0x692: {  	s23 =	sadd.s32 $0x1, s23  }
0x693: {  	p0 =	sne.s32 s23, $0x8  }
.Ltmp89:
0x694: {  	_ = 	snop;
	(pc) =	sbr.rel @p0 .LBB2_178-.Ltmp89, $3  }
0x695: {  	_ = 	snop  }
0x696: {  	v0 =	vadd.f32 v1, v0;
	_ =	sdelay $0x1  }
0x697: {  	[tilespmem:s24+$0x0] =	vst v0  }
0x698: {  	s22 =	simm.s32 $0x0  }
0x699: {  	[hbm4b:s0+s22] =	stream.linear.scatter [tilespmem:s22], [sflag:$0x3], $0x8000, $0x38;
	[tilespmem:$0x10200] =	vst v63  }
0x69a: {  	_ =	swait.ge [sflag:s18], $0x8000  }
0x69b: {  	[sflag:s18] =	ssyncset.done $0x0  }
0x69c: {  	[sflag:s18] =	ssyncadd.s32 $0xFFFF8000  }
0x69d: {  	[tilespmem:s22], [sflag:$0x1] =	stream.linear.gather [hbm4b:s4+s22], $0x8000, $0x38;
	[tilespmem:$0x10200] =	vst v63  }
0x69e: {  	_ =	swait.ge [sflag:s19], $0x8000  }
0x69f: {  	[sflag:s19] =	ssyncset.done $0x0  }
0x6a0: {  	s23 =	simm.s32 $0x0;
	[sflag:s19] =	ssyncadd.s32 $0xFFFF8000  }
.LBB2_182:
0x6a1: {  	s24 =	sor.u32 $0x168, s23;
	s26 =	sshll.u32 s23, $0x7  }
0x6a2: {  	v0 =	vmov s24;
	s24 =	sand.u32 $0x3FFFFF80, s26  }
0x6a3: {  	s25 =	sand.u32 $0x7C00, s22;
	s24 =	sadd.s32 $0x8000, s24  }
0x6a4: {  	s26 =	sand.u32 $0x70, s22;
	s25 =	sadd.s32 s25, s24  }
0x6a5: {  	s25 =	sadd.s32 s26, s25  }
0x6a6: {  	v1 =	vld [tilespmem:s25+$0x0]  }
0x6a7: {  	v0 =	vld.idx.msk [tilespmem:v0+s14+$0x0], $0xffff;
	_ =	sdelay $0x3  }
0x6a8: {  	s26 =	simm.s32 $0x80  }
0x6a9: {  	s29 =	simm.s32 $0x10;
	s28 =	simm.s32 $0x20;
	s30 =	sand.u32 $0x7C00, s26;
	v1 =	vadd.f32 v1, v0  }
.LBB2_183:
0x6aa: {  	p0 =	sne.s32 s28, $0xFF0;
	s29 =	sand.u32 $0x70, s29;
	s30 =	sadd.s32 s30, s24  }
0x6ab: {  	[tilespmem:s25+$0x0] =	vst v1;
	s25 =	sadd.s32 s29, s30;
	s29 =	smov.u32 s28  }
0x6ac: {  	v1 =	vld [tilespmem:s25+$0x0]  }
.Ltmp90:
0x6ad: {  	(pc) =	sbr.rel @p0 .LBB2_183-.Ltmp90, $3  }
0x6ae: {  	_ =	sdelay $0x1  }
0x6af: {  	s26 =	sadd.s32 $0x80, s26  }
0x6b0: {  	s30 =	sand.u32 $0x7C00, s26;
	s28 =	sadd.s32 $0x10, s28;
	v1 =	vadd.f32 v1, v0  }
0x6b1: {  	s26 =	sand.u32 $0x70, s29;
	s24 =	sadd.s32 s30, s24  }
0x6b2: {  	s24 =	sadd.s32 s26, s24;
	[tilespmem:s25+$0x0] =	vst v1  }
0x6b3: {  	v1 =	vld [tilespmem:s24+$0x0]  }
0x6b4: {  	s23 =	sadd.s32 $0x1, s23  }
0x6b5: {  	p0 =	sne.s32 s23, $0x8  }
.Ltmp91:
0x6b6: {  	_ = 	snop;
	(pc) =	sbr.rel @p0 .LBB2_182-.Ltmp91, $3  }
0x6b7: {  	_ = 	snop  }
0x6b8: {  	v0 =	vadd.f32 v1, v0;
	_ =	sdelay $0x1  }
0x6b9: {  	[tilespmem:s24+$0x0] =	vst v0  }
0x6ba: {  	s22 =	simm.s32 $0x0  }
0x6bb: {  	[hbm4b:s3+s22] =	stream.linear.scatter [tilespmem:s16], [sflag:$0x4], $0x8000, $0x38;
	[tilespmem:$0x10200] =	vst v63  }
0x6bc: {  	_ =	swait.ge [sflag:s20], $0x8000  }
0x6bd: {  	[sflag:s20] =	ssyncset.done $0x0  }
0x6be: {  	[sflag:s20] =	ssyncadd.s32 $0xFFFF8000  }
0x6bf: {  	[tilespmem:s16], [sflag:$0x2] =	stream.linear.gather [hbm4b:s6+s22], $0x8000, $0x38;
	[tilespmem:$0x10200] =	vst v63  }
0x6c0: {  	_ =	swait.ge [sflag:s17], $0x8000  }
0x6c1: {  	[sflag:s17] =	ssyncset.done $0x0  }
0x6c2: {  	s23 =	simm.s32 $0x0;
	[sflag:s17] =	ssyncadd.s32 $0xFFFF8000  }
.LBB2_186:
0x6c3: {  	s24 =	sor.u32 $0x170, s23  }
0x6c4: {  	s26 =	sshll.u32 s23, $0x7;
	v0 =	vmov s24  }
0x6c5: {  	s25 =	sand.u32 $0x7C00, s22;
	s24 =	sand.u32 $0x3FFFFF80, s26  }
0x6c6: {  	s26 =	sand.u32 $0x70, s22;
	s25 =	sadd.s32 s25, s24  }
0x6c7: {  	s25 =	sadd.s32 s26, s25  }
0x6c8: {  	v1 =	vld [tilespmem:s25+$0x0]  }
0x6c9: {  	v0 =	vld.idx.msk [tilespmem:v0+s14+$0x0], $0xffff;
	_ =	sdelay $0x3  }
0x6ca: {  	s26 =	simm.s32 $0x80  }
0x6cb: {  	s29 =	simm.s32 $0x10;
	s28 =	simm.s32 $0x20;
	s30 =	sand.u32 $0x7C00, s26;
	v1 =	vadd.f32 v1, v0  }
.LBB2_187:
0x6cc: {  	p0 =	sne.s32 s28, $0xFF0;
	s29 =	sand.u32 $0x70, s29;
	s30 =	sadd.s32 s30, s24  }
0x6cd: {  	[tilespmem:s25+$0x0] =	vst v1;
	s25 =	sadd.s32 s29, s30;
	s29 =	smov.u32 s28  }
0x6ce: {  	v1 =	vld [tilespmem:s25+$0x0]  }
.Ltmp92:
0x6cf: {  	(pc) =	sbr.rel @p0 .LBB2_187-.Ltmp92, $3  }
0x6d0: {  	_ =	sdelay $0x1  }
0x6d1: {  	s26 =	sadd.s32 $0x80, s26  }
0x6d2: {  	s30 =	sand.u32 $0x7C00, s26;
	s28 =	sadd.s32 $0x10, s28;
	v1 =	vadd.f32 v1, v0  }
0x6d3: {  	s26 =	sand.u32 $0x70, s29;
	s24 =	sadd.s32 s30, s24  }
0x6d4: {  	s24 =	sadd.s32 s26, s24;
	[tilespmem:s25+$0x0] =	vst v1  }
0x6d5: {  	v1 =	vld [tilespmem:s24+$0x0]  }
0x6d6: {  	s23 =	sadd.s32 $0x1, s23  }
0x6d7: {  	p0 =	sne.s32 s23, $0x8  }
.Ltmp93:
0x6d8: {  	_ = 	snop;
	(pc) =	sbr.rel @p0 .LBB2_186-.Ltmp93, $3  }
0x6d9: {  	_ = 	snop  }
0x6da: {  	v0 =	vadd.f32 v1, v0;
	_ =	sdelay $0x1  }
0x6db: {  	[tilespmem:s24+$0x0] =	vst v0  }
0x6dc: {  	s22 =	simm.s32 $0x0  }
0x6dd: {  	[hbm4b:s5+s22] =	stream.linear.scatter [tilespmem:s22], [sflag:$0x3], $0x8000, $0x38;
	[tilespmem:$0x10200] =	vst v63  }
0x6de: {  	_ =	swait.ge [sflag:s18], $0x8000  }
0x6df: {  	[sflag:s18] =	ssyncset.done $0x0  }
0x6e0: {  	[sflag:s18] =	ssyncadd.s32 $0xFFFF8000  }
0x6e1: {  	[tilespmem:s22], [sflag:$0x1] =	stream.linear.gather [hbm4b:s8+s22], $0x8000, $0x38;
	[tilespmem:$0x10200] =	vst v63  }
0x6e2: {  	_ =	swait.ge [sflag:s19], $0x8000  }
0x6e3: {  	[sflag:s19] =	ssyncset.done $0x0  }
0x6e4: {  	s23 =	simm.s32 $0x0;
	[sflag:s19] =	ssyncadd.s32 $0xFFFF8000  }
.LBB2_190:
0x6e5: {  	s24 =	sor.u32 $0x178, s23;
	s26 =	sshll.u32 s23, $0x7  }
0x6e6: {  	v0 =	vmov s24;
	s24 =	sand.u32 $0x3FFFFF80, s26  }
0x6e7: {  	s25 =	sand.u32 $0x7C00, s22;
	s24 =	sadd.s32 $0x8000, s24  }
0x6e8: {  	s26 =	sand.u32 $0x70, s22;
	s25 =	sadd.s32 s25, s24  }
0x6e9: {  	s25 =	sadd.s32 s26, s25  }
0x6ea: {  	v1 =	vld [tilespmem:s25+$0x0]  }
0x6eb: {  	v0 =	vld.idx.msk [tilespmem:v0+s14+$0x0], $0xffff;
	_ =	sdelay $0x3  }
0x6ec: {  	s26 =	simm.s32 $0x80  }
0x6ed: {  	s29 =	simm.s32 $0x10;
	s28 =	simm.s32 $0x20;
	s30 =	sand.u32 $0x7C00, s26;
	v1 =	vadd.f32 v1, v0  }
.LBB2_191:
0x6ee: {  	p0 =	sne.s32 s28, $0xFF0;
	s29 =	sand.u32 $0x70, s29;
	s30 =	sadd.s32 s30, s24  }
0x6ef: {  	[tilespmem:s25+$0x0] =	vst v1;
	s25 =	sadd.s32 s29, s30;
	s29 =	smov.u32 s28  }
0x6f0: {  	v1 =	vld [tilespmem:s25+$0x0]  }
.Ltmp94:
0x6f1: {  	(pc) =	sbr.rel @p0 .LBB2_191-.Ltmp94, $3  }
0x6f2: {  	_ =	sdelay $0x1  }
0x6f3: {  	s26 =	sadd.s32 $0x80, s26  }
0x6f4: {  	s30 =	sand.u32 $0x7C00, s26;
	s28 =	sadd.s32 $0x10, s28;
	v1 =	vadd.f32 v1, v0  }
0x6f5: {  	s26 =	sand.u32 $0x70, s29;
	s24 =	sadd.s32 s30, s24  }
0x6f6: {  	s24 =	sadd.s32 s26, s24;
	[tilespmem:s25+$0x0] =	vst v1  }
0x6f7: {  	v1 =	vld [tilespmem:s24+$0x0]  }
0x6f8: {  	s23 =	sadd.s32 $0x1, s23  }
0x6f9: {  	p0 =	sne.s32 s23, $0x8  }
.Ltmp95:
0x6fa: {  	_ = 	snop;
	(pc) =	sbr.rel @p0 .LBB2_190-.Ltmp95, $3  }
0x6fb: {  	_ = 	snop  }
0x6fc: {  	v0 =	vadd.f32 v1, v0;
	_ =	sdelay $0x1  }
0x6fd: {  	[tilespmem:s24+$0x0] =	vst v0  }
0x6fe: {  	s22 =	simm.s32 $0x0  }
0x6ff: {  	[hbm4b:s7+s22] =	stream.linear.scatter [tilespmem:s16], [sflag:$0x4], $0x8000, $0x38;
	[tilespmem:$0x10200] =	vst v63  }
0x700: {  	_ =	swait.ge [sflag:s20], $0x8000  }
0x701: {  	[sflag:s20] =	ssyncset.done $0x0  }
0x702: {  	[sflag:s20] =	ssyncadd.s32 $0xFFFF8000  }
0x703: {  	[tilespmem:s16], [sflag:$0x2] =	stream.linear.gather [hbm4b:s9+s22], $0x8000, $0x38;
	[tilespmem:$0x10200] =	vst v63  }
0x704: {  	_ =	swait.ge [sflag:s17], $0x8000  }
0x705: {  	[sflag:s17] =	ssyncset.done $0x0  }
0x706: {  	s23 =	simm.s32 $0x0;
	[sflag:s17] =	ssyncadd.s32 $0xFFFF8000  }
.LBB2_194:
0x707: {  	s24 =	sor.u32 $0x180, s23  }
0x708: {  	s26 =	sshll.u32 s23, $0x7;
	v0 =	vmov s24  }
0x709: {  	s25 =	sand.u32 $0x7C00, s22;
	s24 =	sand.u32 $0x3FFFFF80, s26  }
0x70a: {  	s26 =	sand.u32 $0x70, s22;
	s25 =	sadd.s32 s25, s24  }
0x70b: {  	s25 =	sadd.s32 s26, s25  }
0x70c: {  	v1 =	vld [tilespmem:s25+$0x0]  }
0x70d: {  	v0 =	vld.idx.msk [tilespmem:v0+s14+$0x0], $0xffff;
	_ =	sdelay $0x3  }
0x70e: {  	s26 =	simm.s32 $0x80  }
0x70f: {  	s29 =	simm.s32 $0x10;
	s28 =	simm.s32 $0x20;
	s30 =	sand.u32 $0x7C00, s26;
	v1 =	vadd.f32 v1, v0  }
.LBB2_195:
0x710: {  	p0 =	sne.s32 s28, $0xFF0;
	s29 =	sand.u32 $0x70, s29;
	s30 =	sadd.s32 s30, s24  }
0x711: {  	[tilespmem:s25+$0x0] =	vst v1;
	s25 =	sadd.s32 s29, s30;
	s29 =	smov.u32 s28  }
0x712: {  	v1 =	vld [tilespmem:s25+$0x0]  }
.Ltmp96:
0x713: {  	(pc) =	sbr.rel @p0 .LBB2_195-.Ltmp96, $3  }
0x714: {  	_ =	sdelay $0x1  }
0x715: {  	s26 =	sadd.s32 $0x80, s26  }
0x716: {  	s30 =	sand.u32 $0x7C00, s26;
	s28 =	sadd.s32 $0x10, s28;
	v1 =	vadd.f32 v1, v0  }
0x717: {  	s26 =	sand.u32 $0x70, s29;
	s24 =	sadd.s32 s30, s24  }
0x718: {  	s24 =	sadd.s32 s26, s24;
	[tilespmem:s25+$0x0] =	vst v1  }
0x719: {  	v1 =	vld [tilespmem:s24+$0x0]  }
0x71a: {  	s23 =	sadd.s32 $0x1, s23  }
0x71b: {  	p0 =	sne.s32 s23, $0x8  }
.Ltmp97:
0x71c: {  	_ = 	snop;
	(pc) =	sbr.rel @p0 .LBB2_194-.Ltmp97, $3  }
0x71d: {  	_ = 	snop  }
0x71e: {  	v0 =	vadd.f32 v1, v0;
	_ =	sdelay $0x1  }
0x71f: {  	[tilespmem:s24+$0x0] =	vst v0  }
0x720: {  	s22 =	simm.s32 $0x0  }
0x721: {  	[hbm4b:s10+s22] =	stream.linear.scatter [tilespmem:s22], [sflag:$0x3], $0x8000, $0x38;
	[tilespmem:$0x10200] =	vst v63  }
0x722: {  	_ =	swait.ge [sflag:s19], $0x8000  }
0x723: {  	[sflag:s19] =	ssyncset.done $0x0  }
0x724: {  	s23 =	simm.s32 $0x0;
	[sflag:s19] =	ssyncadd.s32 $0xFFFF8000  }
.LBB2_198:
0x725: {  	s24 =	sor.u32 $0x188, s23;
	s26 =	sshll.u32 s23, $0x7  }
0x726: {  	v0 =	vmov s24;
	s24 =	sand.u32 $0x3FFFFF80, s26  }
0x727: {  	s25 =	sand.u32 $0x7C00, s22;
	s24 =	sadd.s32 $0x8000, s24  }
0x728: {  	s26 =	sand.u32 $0x70, s22;
	s25 =	sadd.s32 s25, s24  }
0x729: {  	s25 =	sadd.s32 s26, s25  }
0x72a: {  	v1 =	vld [tilespmem:s25+$0x0]  }
0x72b: {  	v0 =	vld.idx.msk [tilespmem:v0+s14+$0x0], $0xffff;
	_ =	sdelay $0x3  }
0x72c: {  	s26 =	simm.s32 $0x80  }
0x72d: {  	s29 =	simm.s32 $0x10;
	s28 =	simm.s32 $0x20;
	s30 =	sand.u32 $0x7C00, s26;
	v1 =	vadd.f32 v1, v0  }
.LBB2_199:
0x72e: {  	p0 =	sne.s32 s28, $0xFF0;
	s29 =	sand.u32 $0x70, s29;
	s30 =	sadd.s32 s30, s24  }
0x72f: {  	[tilespmem:s25+$0x0] =	vst v1;
	s25 =	sadd.s32 s29, s30;
	s29 =	smov.u32 s28  }
0x730: {  	v1 =	vld [tilespmem:s25+$0x0]  }
.Ltmp98:
0x731: {  	(pc) =	sbr.rel @p0 .LBB2_199-.Ltmp98, $3  }
0x732: {  	_ =	sdelay $0x1  }
0x733: {  	s26 =	sadd.s32 $0x80, s26  }
0x734: {  	s30 =	sand.u32 $0x7C00, s26;
	s28 =	sadd.s32 $0x10, s28;
	v1 =	vadd.f32 v1, v0  }
0x735: {  	s26 =	sand.u32 $0x70, s29;
	s24 =	sadd.s32 s30, s24  }
0x736: {  	s24 =	sadd.s32 s26, s24;
	[tilespmem:s25+$0x0] =	vst v1  }
0x737: {  	v1 =	vld [tilespmem:s24+$0x0]  }
0x738: {  	s23 =	sadd.s32 $0x1, s23  }
0x739: {  	p0 =	sne.s32 s23, $0x8  }
.Ltmp99:
0x73a: {  	_ = 	snop;
	(pc) =	sbr.rel @p0 .LBB2_198-.Ltmp99, $3  }
0x73b: {  	_ = 	snop  }
0x73c: {  	v0 =	vadd.f32 v1, v0;
	_ =	sdelay $0x1  }
0x73d: {  	[tilespmem:s24+$0x0] =	vst v0  }
0x73e: {  	[hbm4b:s11+s1] =	stream.linear.scatter [tilespmem:s16], [sflag:$0x4], $0x8000, $0x38;
	[tilespmem:$0x10200] =	vst v63  }
0x73f: {  	s21 =	sadd.s32 $0x1, s21  }
0x740: {  	_ =	swait.ge [sflag:s18], $0x8000;
	p0 =	sne.s32 s21, s13  }
.Ltmp100:
0x741: {  	[sflag:s18] =	ssyncset.done $0x0;
	(pc) =	sbr.rel @p0 .LBB2_1-.Ltmp100, $4  }
0x742: {  	[sflag:s18] =	ssyncadd.s32 $0xFFFF8000  }
0x743: {  	_ =	swait.ge [sflag:s20], $0x8000  }
0x744: {  	[sflag:s20] =	ssyncset.done $0x0  }
0x745: {  	[sflag:s20] =	ssyncadd.s32 $0xFFFF8000  }
0x746: {  	_ =	sfence.sel $0x180000  }
0x747: {  	[bflag:$0x0] =	sbarrier.arrive $0xFFFF  }
0x748: {  	_ =	strace $0x90000047  }
0x749: {  	s0 =	stileid.u32;
	[bflag:$0x2] =	sbarrier.arrive $0xFFFF  }
0x74a: {  	p0 =	sne.s32 s0, $0x0;
	s0 =	rddreg [dreg:$0x3]  }
0x74b: {  	s0 =	sadd.s32 @!p0 $0x100000, s0  }
0x74c: {  	[sflag:s0] =	ssyncadd.tile.s32 @!p0 $0x1;
	_ =	shalt  }
.Lfunc_end2:
_tile_overlayer_lowered:
.L_overlay_start_2:
0x74d: {  	(tag) =	ssettag $0x2  }
0x74e: {  	s0 =	rddreg [dreg:$0x0];
	s2 =	stileid.u32  }
0x74f: {  	s1 =	rddreg [dreg:$0x1];
	p0 =	sne.s32 s2, $0x0  }
0x750: {  	s3 =	rddreg [dreg:$0x2];
	[bflag:$0x3] =	sbarrier.arrive $0xFFFF;
	s2 =	simm.s32 @!p0 $0x1C05  }
0x751: {  	[timem:s3], [sflag:s2] =	dma.local @!p0 [hbm:s0], s1  }
0x752: {  	s0 =	simm.s32 @!p0 $0x5  }
0x753: {  	_ =	swait.ge @!p0 [sflag:s0], s1  }
0x754: {  	s1 =	ssub.s32 @!p0 $0x0, s1;
	[sflag:s0] =	ssyncset.done @!p0 $0x0  }
0x755: {  	[sflag:s0] =	ssyncadd.s32 @!p0 s1  }
0x756: {  	[bflag:$0x3] =	sbarrier.arrive $0xFFFF  }
0x757: {  	_ =	shalt  }

</sc_bundles>
